<compile_context>
chip_gen: v7x
topology: tpu7x:2x2x1
jax: 0.10.2.dev20260603
libtpu: 0.0.44.dev20260713+nightly
codegen_flags: <defaults>
</compile_context>

<pallas_src>
import jax
import jax.numpy as jnp
from jax import lax
from jax.experimental import pallas as pl
from jax.experimental.pallas import tpu as pltpu
from jax.experimental.pallas import tpu_sc as plsc

N = 10000
E = 320000
D_IN = 128
D_HID = 128
D_OUT = 47
D_OUT_PAD = 48
D_AUG = 144

NC = 2
NS = 16
NW = NC * NS
EPW = E // NW
C = 80
G = EPW // C
G2 = 25
G1 = G // G2
RPT = 624
TAIL = N - NS * RPT

_mesh = plsc.VectorSubcoreMesh(
    core_axis_name="c", subcore_axis_name="s", num_cores=NC, num_subcores=NS)


def _make_sc_agg(d, C, G1, G2, pad_rows=0, R=2, K=1, split_out=False,
                 dtype=jnp.float32):
  NA = N + pad_rows
  W = R - K
  scratch = [
      pltpu.VMEM((G2, C), jnp.int32),
      pltpu.VMEM((G2, C), jnp.int32),
      pltpu.VMEM((R, C, d), dtype),
      pltpu.SemaphoreType.DMA,
      pltpu.SemaphoreType.DMA,
      pltpu.VMEM_SHARED((NA, d), dtype),
  ]

  def body(table, src3, dst3, *rest):
    if split_out:
      accf_out, accd_out, src_v, dst_v, rows_v, sem_g, sem_s, acc_s = rest
    else:
      acc_out, src_v, dst_v, rows_v, sem_g, sem_s, acc_s = rest
    c = lax.axis_index("c")
    s = lax.axis_index("s")
    wid = s * NC + c
    base = s * RPT

    if dtype == jnp.float32:
      def initrow(i, carry):
        for k in range(d // 16):
          rows_v[0, i, pl.ds(k * 16, 16)] = jnp.zeros((16,), dtype)
        return carry
      lax.fori_loop(0, C, initrow, 0)
    else:
      def initrow(i, carry):
        for k in range(d // 16):
          rows_v[0, pl.ds(2 * i, 2), pl.ds(k * 16, 16)] = jnp.zeros(
              (2, 16), dtype)
        return carry
      lax.fori_loop(0, C // 2, initrow, 0)

    zsrc = rows_v.at[0]
    for k in range(RPT // C):
      pltpu.sync_copy(zsrc, acc_s.at[pl.ds(base + k * C, C)])
    if RPT % C:
      pltpu.sync_copy(zsrc.at[pl.ds(0, RPT % C)],
                      acc_s.at[pl.ds(base + (RPT // C) * C, RPT % C)])

    @pl.when(s == NS - 1)
    def _zero_tail():
      pltpu.sync_copy(zsrc.at[pl.ds(0, TAIL)],
                      acc_s.at[pl.ds(NS * RPT, TAIL)])
    plsc.subcore_barrier()

    def outer(o, carry):
      pltpu.sync_copy(src3.at[wid, o], src_v)
      pltpu.sync_copy(dst3.at[wid, o], dst_v)
      for k in range(K):
        pltpu.async_copy(table.at[src_v.at[k]], rows_v.at[k], sem_g)

      def step(j, carry2):
        p = lax.rem(j, R)
        pltpu.make_async_copy(table.at[src_v.at[j]], rows_v.at[p],
                              sem_g).wait()

        @pl.when(j >= W)
        def _drain_old_scatter():
          pltpu.make_async_copy(rows_v.at[p], acc_s.at[dst_v.at[j]],
                                sem_s).wait()

        @pl.when(j < G2 - K)
        def _issue_next_gather():
          pltpu.async_copy(table.at[src_v.at[lax.rem(j + K, G2)]],
                           rows_v.at[lax.rem(j + K, R)], sem_g)

        pltpu.async_copy(rows_v.at[p], acc_s.at[dst_v.at[j]], sem_s,
                         add=True)
        return carry2
      lax.fori_loop(0, G2, step, carry)
      for _ in range(W):
        pltpu.make_async_copy(rows_v.at[0], acc_s.at[dst_v.at[0]],
                              sem_s).wait()
      return carry
    lax.fori_loop(0, G1, outer, 0)
    plsc.subcore_barrier()

    if split_out:
      df = d - 16
      pltpu.sync_copy(acc_s.at[pl.ds(base, RPT), pl.ds(0, df)],
                      accf_out.at[c, pl.ds(base, RPT)])
      pltpu.sync_copy(acc_s.at[pl.ds(base, RPT), pl.ds(df, 16)],
                      accd_out.at[c, pl.ds(base, RPT)])

      @pl.when(s == NS - 1)
      def _write_tail_split():
        pltpu.sync_copy(acc_s.at[pl.ds(NS * RPT, TAIL), pl.ds(0, df)],
                        accf_out.at[c, pl.ds(NS * RPT, TAIL)])
        pltpu.sync_copy(acc_s.at[pl.ds(NS * RPT, TAIL), pl.ds(df, 16)],
                        accd_out.at[c, pl.ds(NS * RPT, TAIL)])
    else:
      pltpu.sync_copy(acc_s.at[pl.ds(base, RPT)],
                      acc_out.at[c, pl.ds(base, RPT)])

      @pl.when(s == NS - 1)
      def _write_tail():
        pltpu.sync_copy(acc_s.at[pl.ds(NS * RPT, TAIL)],
                        acc_out.at[c, pl.ds(NS * RPT, TAIL)])

  params = None
  if d % 128 != 0 or dtype != jnp.float32:
    params = pltpu.CompilerParams(use_tc_tiling_on_sc=False)
  if split_out:
    out_type = (jax.ShapeDtypeStruct((NC, N, d - 16), dtype),
                jax.ShapeDtypeStruct((NC, N, 16), dtype))
  else:
    out_type = (jax.ShapeDtypeStruct((NC, N, d), dtype),)
  return pl.kernel(body, out_type=out_type, mesh=_mesh,
                   scratch_types=tuple(scratch), compiler_params=params)


_sc_agg144 = _make_sc_agg(D_AUG, C, G1, G2, R=7, K=5, split_out=True,
                          dtype=jnp.bfloat16)
_sc_agg = _make_sc_agg(D_HID, C, G1, G2, R=7, K=5, dtype=jnp.bfloat16)
_sc_agg48 = _make_sc_agg(D_OUT_PAD, C, G1, G2, R=8, K=6,
                         dtype=jnp.bfloat16)

_RB = 1000


def _tc1_body(x_ref, acc_ref, dacc_ref, ws_ref, wn_ref, b_ref, h_ref,
              rcp_ref):
  deg = (dacc_ref[0, :, 0:1].astype(jnp.float32)
         + dacc_ref[1, :, 0:1].astype(jnp.float32))
  rcp = 1.0 / jnp.maximum(deg, 1.0)
  agg = (acc_ref[0].astype(jnp.float32)
         + acc_ref[1].astype(jnp.float32)) * rcp
  h = (jnp.dot(x_ref[...], ws_ref[...], preferred_element_type=jnp.float32)
       + jnp.dot(agg, wn_ref[...], preferred_element_type=jnp.float32)
       + b_ref[...])
  h_ref[...] = jnp.maximum(h, 0.0).astype(jnp.bfloat16)
  rcp_ref[...] = jnp.broadcast_to(rcp, (_RB, 16))


def _tc2_body(h_ref, acc_ref, rcp_ref, ws_ref, wn_ref, b_ref,
              ws3_ref, wn3_ref, b3_ref, p2_ref, s3_ref):
  rcp = rcp_ref[:, 0:1]
  agg = (acc_ref[0].astype(jnp.float32)
         + acc_ref[1].astype(jnp.float32)) * rcp
  h2 = (jnp.dot(h_ref[...], ws_ref[...], preferred_element_type=jnp.float32)
        + jnp.dot(agg, wn_ref[...], preferred_element_type=jnp.float32)
        + b_ref[...])
  h2 = jnp.maximum(h2, 0.0)
  p2_ref[...] = jnp.dot(
      h2, wn3_ref[...],
      preferred_element_type=jnp.float32).astype(jnp.bfloat16)
  s3_ref[...] = (jnp.dot(h2, ws3_ref[...], preferred_element_type=jnp.float32)
                 + b3_ref[...])


def _tc3_body(s3_ref, acc_ref, rcp_ref, o_ref):
  rcp = rcp_ref[:, 0:1]
  res = s3_ref[...] + (acc_ref[0].astype(jnp.float32)
                       + acc_ref[1].astype(jnp.float32)) * rcp
  o_ref[...] = res[:, :D_OUT]


def _row_spec(d):
  return pl.BlockSpec((_RB, d), lambda i: (i, 0))


def _acc_spec(d):
  return pl.BlockSpec((NC, _RB, d), lambda i: (0, i, 0))


def _full_spec(r, c):
  return pl.BlockSpec((r, c), lambda i: (0, 0))


_GRID = (N // _RB,)

_tc1 = pl.pallas_call(
    _tc1_body,
    grid=_GRID,
    in_specs=[_row_spec(D_IN), _acc_spec(D_HID), _acc_spec(16),
              _full_spec(D_IN, D_HID), _full_spec(D_IN, D_HID),
              _full_spec(1, D_HID)],
    out_specs=[_row_spec(D_HID), _row_spec(16)],
    out_shape=[jax.ShapeDtypeStruct((N, D_HID), jnp.bfloat16),
               jax.ShapeDtypeStruct((N, 16), jnp.float32)],
)

_tc2 = pl.pallas_call(
    _tc2_body,
    grid=_GRID,
    in_specs=[_row_spec(D_HID), _acc_spec(D_HID), _row_spec(16),
              _full_spec(D_HID, D_HID), _full_spec(D_HID, D_HID),
              _full_spec(1, D_HID),
              _full_spec(D_HID, D_OUT_PAD), _full_spec(D_HID, D_OUT_PAD),
              _full_spec(1, D_OUT_PAD)],
    out_specs=[_row_spec(D_OUT_PAD), _row_spec(D_OUT_PAD)],
    out_shape=[jax.ShapeDtypeStruct((N, D_OUT_PAD), jnp.bfloat16),
               jax.ShapeDtypeStruct((N, D_OUT_PAD), jnp.float32)],
)

_tc3 = pl.pallas_call(
    _tc3_body,
    grid=_GRID,
    in_specs=[_row_spec(D_OUT_PAD), _acc_spec(D_OUT_PAD), _row_spec(16)],
    out_specs=_row_spec(D_OUT),
    out_shape=jax.ShapeDtypeStruct((N, D_OUT), jnp.float32),
)


def kernel(x, edge_index, Ws1, Wn1, b1, Ws2, Wn2, b2, Ws3, Wn3, b3):
  src3 = edge_index[0].reshape(NW, G1, G2, C)
  dst3 = edge_index[1].reshape(NW, G1, G2, C)

  t1 = jnp.concatenate(
      [x.astype(jnp.bfloat16),
       jnp.ones((N, D_AUG - D_HID), jnp.bfloat16)], axis=1)
  acc1, dacc1 = _sc_agg144(t1, src3, dst3)
  h1, rcp = _tc1(x, acc1, dacc1, Ws1, Wn1, b1.reshape(1, -1))

  (acc2,) = _sc_agg(h1, src3, dst3)
  ws3p = jnp.pad(Ws3, ((0, 0), (0, D_OUT_PAD - D_OUT)))
  wn3p = jnp.pad(Wn3, ((0, 0), (0, D_OUT_PAD - D_OUT)))
  b3p = jnp.pad(b3, (0, D_OUT_PAD - D_OUT)).reshape(1, -1)
  p2, s3 = _tc2(h1, acc2, rcp, Ws2, Wn2, b2.reshape(1, -1), ws3p, wn3p, b3p)

  (acc3,) = _sc_agg48(p2, src3, dst3)
  out = _tc3(s3, acc3, rcp)
  return out

# --- scband reference (transcript-rebuilt; emitter-appended) ---
"""Pipeline reference for scband-sage-62646392979926 (READ-ONLY COPY).

The authoritative reference and input builder live on the scoring server;
editing this copy changes nothing except your own understanding.
"""

import jax, jax.numpy as jnp
import numpy as np

N = 10000
E = 320000
D_IN = 128
D_HID = 128
D_OUT = 47


def setup_inputs(seed: int = 0) -> dict:
    key = jax.random.key(seed)
    ks = jax.random.split(key, 12)
    x = jax.random.normal(ks[0], (N, D_IN), dtype=jnp.float32)
    edge_index = jax.random.randint(ks[1], (2, E), 0, N, dtype=jnp.int32)
    s_in = 1.0 / np.sqrt(D_IN)
    s_hid = 1.0 / np.sqrt(D_HID)
    Ws1 = jax.random.normal(ks[2], (D_IN, D_HID), dtype=jnp.float32) * s_in
    Wn1 = jax.random.normal(ks[3], (D_IN, D_HID), dtype=jnp.float32) * s_in
    b1 = jnp.zeros((D_HID,), dtype=jnp.float32)
    Ws2 = jax.random.normal(ks[4], (D_HID, D_HID), dtype=jnp.float32) * s_hid
    Wn2 = jax.random.normal(ks[5], (D_HID, D_HID), dtype=jnp.float32) * s_hid
    b2 = jnp.zeros((D_HID,), dtype=jnp.float32)
    Ws3 = jax.random.normal(ks[6], (D_HID, D_OUT), dtype=jnp.float32) * s_hid
    Wn3 = jax.random.normal(ks[7], (D_HID, D_OUT), dtype=jnp.float32) * s_hid
    b3 = jnp.zeros((D_OUT,), dtype=jnp.float32)
    return {"x": x, "edge_index": edge_index,
            "Ws1": Ws1, "Wn1": Wn1, "b1": b1,
            "Ws2": Ws2, "Wn2": Wn2, "b2": b2,
            "Ws3": Ws3, "Wn3": Wn3, "b3": b3}


def _sage_conv_mean(h, src, dst, Ws, Wn, b):
    # DGL SAGEConv with 'mean' aggregator:
    # rst = fc_self(h_dst) + fc_neigh(mean_{u in N(v)} h_src[u]) + bias
    msg = jnp.take(h, src, axis=0)                      # gather over edges
    agg = jax.ops.segment_sum(msg, dst, num_segments=N) # scatter-add by dst
    deg = jax.ops.segment_sum(jnp.ones((msg.shape[0], 1), dtype=h.dtype), dst, num_segments=N)
    agg = agg / jnp.maximum(deg, 1.0)
    return h @ Ws + agg @ Wn + b


def reference(x, edge_index, Ws1, Wn1, b1, Ws2, Wn2, b2, Ws3, Wn3, b3):
    src = edge_index[0]
    dst = edge_index[1]
    h = _sage_conv_mean(x, src, dst, Ws1, Wn1, b1)
    h = jax.nn.relu(h)  # dropout is identity in eval mode
    h = _sage_conv_mean(h, src, dst, Ws2, Wn2, b2)
    h = jax.nn.relu(h)
    h = _sage_conv_mean(h, src, dst, Ws3, Wn3, b3)
    return h

if __name__ == "__main__":
    import jax
    _d = setup_inputs()
    print(jax.jit(kernel)(*tuple(_d.values())))

</pallas_src>

<mosaic_0001>
#map = affine_map<(d0, d1) -> (0, 0)>
#map1 = affine_map<(d0, d1) -> (0, 0, 0, 0)>
#map2 = affine_map<(d0, d1) -> (0, 0, 0)>
module attributes {stable_mosaic.version = 14 : i64} {
  func.func @body(%arg0: i32, %arg1: i32, %arg2: memref<10000x128xbf16, #tpu.memory_space<hbm>>, %arg3: memref<32x5x25x80xi32, #tpu.memory_space<hbm>>, %arg4: memref<32x5x25x80xi32, #tpu.memory_space<hbm>>, %arg5: memref<2x10000x128xbf16, #tpu.memory_space<hbm>>, %arg6: memref<25x80xi32, #tpu.memory_space<vmem>>, %arg7: memref<25x80xi32, #tpu.memory_space<vmem>>, %arg8: memref<7x80x128xbf16, #tpu.memory_space<vmem>>, %arg9: memref<!tpu.dma_semaphore, #tpu.memory_space<semaphore_mem>>, %arg10: memref<!tpu.dma_semaphore, #tpu.memory_space<semaphore_mem>>, %arg11: memref<10000x128xbf16, #tpu.memory_space<vmem_shared>>) attributes {dimension_semantics = [#tpu.dimension_semantics<core_parallel>, #tpu.dimension_semantics<subcore_parallel>], iteration_bounds = array<i64: 2, 16>, scalar_prefetch = 0 : i64, scratch_operands = 6 : i64, tpu.core_type = #tpu.core_type<sc_vector_subcore>, window_params = [{transform_indices = #map}, {transform_indices = #map1}, {transform_indices = #map1}, {transform_indices = #map2}]} {
    %mul3A = arith.constant 2 : i32
    %mul3A_0 = arith.muli %arg1, %mul3A : i32
    %add3A = arith.addi %mul3A_0, %arg0 : i32
    %mul3A_1 = arith.constant 624 : i32
    %mul3A_2 = arith.muli %arg1, %mul3A_1 : i32
    %scan3A = arith.constant 0 : i32
    %scan3A_3 = arith.constant 0 : i32
    %scan3A_4 = arith.constant 40 : i32
    %scan3A_5 = arith.addi %scan3A_3, %scan3A_4 : i32
    %scan3A_6 = arith.constant 1 : i32
    scf.for %scan3A_46 = %scan3A_3 to %scan3A_5 step %scan3A_6  : i32 {
      %broadcast_in_dim3A = arith.constant 0.000000e+00 : bf16
      %broadcast_in_dim3A_47 = vector.broadcast %broadcast_in_dim3A : bf16 to vector<2x16xbf16>
      %mul3A_48 = arith.constant 2 : i32
      %mul3A_49 = arith.muli %mul3A_48, %scan3A_46 : i32
      %swap3A = arith.constant 0 : i32
      %swap3A_50 = arith.index_cast %swap3A : i32 to index
      %swap3A_51 = arith.index_cast %mul3A_49 : i32 to index
      %swap3A_52 = arith.constant 0 : index
      %swap3A_53 = tpu.vector_load %arg8[%swap3A_50, %swap3A_51, %swap3A_52] {strides = array<i32>} : memref<7x80x128xbf16, #tpu.memory_space<vmem>>, vector<1x2x16xbf16>,
      %swap3A_54 = vector.shape_cast %swap3A_53 : vector<1x2x16xbf16> to vector<2x16xbf16>
      %swap3A_55 = vector.shape_cast %broadcast_in_dim3A_47 : vector<2x16xbf16> to vector<1x2x16xbf16>
      tpu.vector_store %arg8[%swap3A_50, %swap3A_51, %swap3A_52], %swap3A_55 {strides = array<i32>} : memref<7x80x128xbf16, #tpu.memory_space<vmem>>, vector<1x2x16xbf16>,
      %broadcast_in_dim3A_56 = arith.constant 0.000000e+00 : bf16
      %broadcast_in_dim3A_57 = vector.broadcast %broadcast_in_dim3A_56 : bf16 to vector<2x16xbf16>
      %mul3A_58 = arith.constant 2 : i32
      %mul3A_59 = arith.muli %mul3A_58, %scan3A_46 : i32
      %swap3A_60 = arith.constant 0 : i32
      %swap3A_61 = arith.index_cast %swap3A_60 : i32 to index
      %swap3A_62 = arith.index_cast %mul3A_59 : i32 to index
      %swap3A_63 = arith.constant 16 : index
      %swap3A_64 = tpu.vector_load %arg8[%swap3A_61, %swap3A_62, %swap3A_63] {strides = array<i32>} : memref<7x80x128xbf16, #tpu.memory_space<vmem>>, vector<1x2x16xbf16>,
      %swap3A_65 = vector.shape_cast %swap3A_64 : vector<1x2x16xbf16> to vector<2x16xbf16>
      %swap3A_66 = vector.shape_cast %broadcast_in_dim3A_57 : vector<2x16xbf16> to vector<1x2x16xbf16>
      tpu.vector_store %arg8[%swap3A_61, %swap3A_62, %swap3A_63], %swap3A_66 {strides = array<i32>} : memref<7x80x128xbf16, #tpu.memory_space<vmem>>, vector<1x2x16xbf16>,
      %broadcast_in_dim3A_67 = arith.constant 0.000000e+00 : bf16
      %broadcast_in_dim3A_68 = vector.broadcast %broadcast_in_dim3A_67 : bf16 to vector<2x16xbf16>
      %mul3A_69 = arith.constant 2 : i32
      %mul3A_70 = arith.muli %mul3A_69, %scan3A_46 : i32
      %swap3A_71 = arith.constant 0 : i32
      %swap3A_72 = arith.index_cast %swap3A_71 : i32 to index
      %swap3A_73 = arith.index_cast %mul3A_70 : i32 to index
      %swap3A_74 = arith.constant 32 : index
      %swap3A_75 = tpu.vector_load %arg8[%swap3A_72, %swap3A_73, %swap3A_74] {strides = array<i32>} : memref<7x80x128xbf16, #tpu.memory_space<vmem>>, vector<1x2x16xbf16>,
      %swap3A_76 = vector.shape_cast %swap3A_75 : vector<1x2x16xbf16> to vector<2x16xbf16>
      %swap3A_77 = vector.shape_cast %broadcast_in_dim3A_68 : vector<2x16xbf16> to vector<1x2x16xbf16>
      tpu.vector_store %arg8[%swap3A_72, %swap3A_73, %swap3A_74], %swap3A_77 {strides = array<i32>} : memref<7x80x128xbf16, #tpu.memory_space<vmem>>, vector<1x2x16xbf16>,
      %broadcast_in_dim3A_78 = arith.constant 0.000000e+00 : bf16
      %broadcast_in_dim3A_79 = vector.broadcast %broadcast_in_dim3A_78 : bf16 to vector<2x16xbf16>
      %mul3A_80 = arith.constant 2 : i32
      %mul3A_81 = arith.muli %mul3A_80, %scan3A_46 : i32
      %swap3A_82 = arith.constant 0 : i32
      %swap3A_83 = arith.index_cast %swap3A_82 : i32 to index
      %swap3A_84 = arith.index_cast %mul3A_81 : i32 to index
      %swap3A_85 = arith.constant 48 : index
      %swap3A_86 = tpu.vector_load %arg8[%swap3A_83, %swap3A_84, %swap3A_85] {strides = array<i32>} : memref<7x80x128xbf16, #tpu.memory_space<vmem>>, vector<1x2x16xbf16>,
      %swap3A_87 = vector.shape_cast %swap3A_86 : vector<1x2x16xbf16> to vector<2x16xbf16>
      %swap3A_88 = vector.shape_cast %broadcast_in_dim3A_79 : vector<2x16xbf16> to vector<1x2x16xbf16>
      tpu.vector_store %arg8[%swap3A_83, %swap3A_84, %swap3A_85], %swap3A_88 {strides = array<i32>} : memref<7x80x128xbf16, #tpu.memory_space<vmem>>, vector<1x2x16xbf16>,
      %broadcast_in_dim3A_89 = arith.constant 0.000000e+00 : bf16
      %broadcast_in_dim3A_90 = vector.broadcast %broadcast_in_dim3A_89 : bf16 to vector<2x16xbf16>
      %mul3A_91 = arith.constant 2 : i32
      %mul3A_92 = arith.muli %mul3A_91, %scan3A_46 : i32
      %swap3A_93 = arith.constant 0 : i32
      %swap3A_94 = arith.index_cast %swap3A_93 : i32 to index
      %swap3A_95 = arith.index_cast %mul3A_92 : i32 to index
      %swap3A_96 = arith.constant 64 : index
      %swap3A_97 = tpu.vector_load %arg8[%swap3A_94, %swap3A_95, %swap3A_96] {strides = array<i32>} : memref<7x80x128xbf16, #tpu.memory_space<vmem>>, vector<1x2x16xbf16>,
      %swap3A_98 = vector.shape_cast %swap3A_97 : vector<1x2x16xbf16> to vector<2x16xbf16>
      %swap3A_99 = vector.shape_cast %broadcast_in_dim3A_90 : vector<2x16xbf16> to vector<1x2x16xbf16>
      tpu.vector_store %arg8[%swap3A_94, %swap3A_95, %swap3A_96], %swap3A_99 {strides = array<i32>} : memref<7x80x128xbf16, #tpu.memory_space<vmem>>, vector<1x2x16xbf16>,
      %broadcast_in_dim3A_100 = arith.constant 0.000000e+00 : bf16
      %broadcast_in_dim3A_101 = vector.broadcast %broadcast_in_dim3A_100 : bf16 to vector<2x16xbf16>
      %mul3A_102 = arith.constant 2 : i32
      %mul3A_103 = arith.muli %mul3A_102, %scan3A_46 : i32
      %swap3A_104 = arith.constant 0 : i32
      %swap3A_105 = arith.index_cast %swap3A_104 : i32 to index
      %swap3A_106 = arith.index_cast %mul3A_103 : i32 to index
      %swap3A_107 = arith.constant 80 : index
      %swap3A_108 = tpu.vector_load %arg8[%swap3A_105, %swap3A_106, %swap3A_107] {strides = array<i32>} : memref<7x80x128xbf16, #tpu.memory_space<vmem>>, vector<1x2x16xbf16>,
      %swap3A_109 = vector.shape_cast %swap3A_108 : vector<1x2x16xbf16> to vector<2x16xbf16>
      %swap3A_110 = vector.shape_cast %broadcast_in_dim3A_101 : vector<2x16xbf16> to vector<1x2x16xbf16>
      tpu.vector_store %arg8[%swap3A_105, %swap3A_106, %swap3A_107], %swap3A_110 {strides = array<i32>} : memref<7x80x128xbf16, #tpu.memory_space<vmem>>, vector<1x2x16xbf16>,
      %broadcast_in_dim3A_111 = arith.constant 0.000000e+00 : bf16
      %broadcast_in_dim3A_112 = vector.broadcast %broadcast_in_dim3A_111 : bf16 to vector<2x16xbf16>
      %mul3A_113 = arith.constant 2 : i32
      %mul3A_114 = arith.muli %mul3A_113, %scan3A_46 : i32
      %swap3A_115 = arith.constant 0 : i32
      %swap3A_116 = arith.index_cast %swap3A_115 : i32 to index
      %swap3A_117 = arith.index_cast %mul3A_114 : i32 to index
      %swap3A_118 = arith.constant 96 : index
      %swap3A_119 = tpu.vector_load %arg8[%swap3A_116, %swap3A_117, %swap3A_118] {strides = array<i32>} : memref<7x80x128xbf16, #tpu.memory_space<vmem>>, vector<1x2x16xbf16>,
      %swap3A_120 = vector.shape_cast %swap3A_119 : vector<1x2x16xbf16> to vector<2x16xbf16>
      %swap3A_121 = vector.shape_cast %broadcast_in_dim3A_112 : vector<2x16xbf16> to vector<1x2x16xbf16>
      tpu.vector_store %arg8[%swap3A_116, %swap3A_117, %swap3A_118], %swap3A_121 {strides = array<i32>} : memref<7x80x128xbf16, #tpu.memory_space<vmem>>, vector<1x2x16xbf16>,
      %broadcast_in_dim3A_122 = arith.constant 0.000000e+00 : bf16
      %broadcast_in_dim3A_123 = vector.broadcast %broadcast_in_dim3A_122 : bf16 to vector<2x16xbf16>
      %mul3A_124 = arith.constant 2 : i32
      %mul3A_125 = arith.muli %mul3A_124, %scan3A_46 : i32
      %swap3A_126 = arith.constant 0 : i32
      %swap3A_127 = arith.index_cast %swap3A_126 : i32 to index
      %swap3A_128 = arith.index_cast %mul3A_125 : i32 to index
      %swap3A_129 = arith.constant 112 : index
      %swap3A_130 = tpu.vector_load %arg8[%swap3A_127, %swap3A_128, %swap3A_129] {strides = array<i32>} : memref<7x80x128xbf16, #tpu.memory_space<vmem>>, vector<1x2x16xbf16>,
      %swap3A_131 = vector.shape_cast %swap3A_130 : vector<1x2x16xbf16> to vector<2x16xbf16>
      %swap3A_132 = vector.shape_cast %broadcast_in_dim3A_123 : vector<2x16xbf16> to vector<1x2x16xbf16>
      tpu.vector_store %arg8[%swap3A_127, %swap3A_128, %swap3A_129], %swap3A_132 {strides = array<i32>} : memref<7x80x128xbf16, #tpu.memory_space<vmem>>, vector<1x2x16xbf16>,
    }
    %scan3A_7 = arith.constant 40 : i32
    %add3A_8 = arith.constant 0 : i32
    %add3A_9 = arith.addi %mul3A_2, %add3A_8 : i32
    %run_scoped3A = arith.constant 0 : i32
    "tpu.region"() ({
      %run_scoped3A_46 = tpu.sem_alloc : memref<!tpu.dma_semaphore, #tpu.memory_space<semaphore_mem>>
      %dma_start3A = arith.constant 0 : i32
      %dma_start3A_47 = arith.constant 0 : i32
      %dma_start3A_48 = tpu.memref_slice %arg8[%run_scoped3A, %dma_start3A, %dma_start3A_47] : memref<7x80x128xbf16, #tpu.memory_space<vmem>> -> memref<1x80x128xbf16, #tpu.memory_space<vmem>>
      %dma_start3A_49 = tpu.memref_squeeze %dma_start3A_48 : memref<1x80x128xbf16, #tpu.memory_space<vmem>> -> memref<80x128xbf16, #tpu.memory_space<vmem>>
      %dma_start3A_50 = arith.constant 0 : i32
      %dma_start3A_51 = tpu.memref_slice %arg11[%add3A_9, %dma_start3A_50] : memref<10000x128xbf16, #tpu.memory_space<vmem_shared>> -> memref<80x128xbf16, #tpu.memory_space<vmem_shared>>
      %dma_start3A_52 = arith.constant 0 : i32
      %dma_start3A_53 = tpu.memref_slice %arg11[%add3A_9, %dma_start3A_52] : memref<10000x128xbf16, #tpu.memory_space<vmem_shared>> -> memref<80x128xbf16, #tpu.memory_space<vmem_shared>>
      %dma_start3A_54 = arith.constant 0 : i32
      %dma_start3A_55 = arith.constant 0 : i32
      %dma_start3A_56 = tpu.memref_slice %arg8[%run_scoped3A, %dma_start3A_54, %dma_start3A_55] : memref<7x80x128xbf16, #tpu.memory_space<vmem>> -> memref<1x80x128xbf16, #tpu.memory_space<vmem>>
      %dma_start3A_57 = tpu.memref_squeeze %dma_start3A_56 : memref<1x80x128xbf16, #tpu.memory_space<vmem>> -> memref<80x128xbf16, #tpu.memory_space<vmem>>
      tpu.enqueue_dma source(%dma_start3A_57 : memref<80x128xbf16, #tpu.memory_space<vmem>>) target(%dma_start3A_53 : memref<80x128xbf16, #tpu.memory_space<vmem_shared>>) target_semaphore(%run_scoped3A_46 : memref<!tpu.dma_semaphore, #tpu.memory_space<semaphore_mem>>)
      %dma_wait3A = arith.constant 0 : i32
      %dma_wait3A_58 = arith.constant 0 : i32
      %dma_wait3A_59 = tpu.memref_slice %arg8[%run_scoped3A, %dma_wait3A, %dma_wait3A_58] : memref<7x80x128xbf16, #tpu.memory_space<vmem>> -> memref<1x80x128xbf16, #tpu.memory_space<vmem>>
      %dma_wait3A_60 = tpu.memref_squeeze %dma_wait3A_59 : memref<1x80x128xbf16, #tpu.memory_space<vmem>> -> memref<80x128xbf16, #tpu.memory_space<vmem>>
      %dma_wait3A_61 = arith.constant 0 : i32
      %dma_wait3A_62 = tpu.memref_slice %arg11[%add3A_9, %dma_wait3A_61] : memref<10000x128xbf16, #tpu.memory_space<vmem_shared>> -> memref<80x128xbf16, #tpu.memory_space<vmem_shared>>
      %dma_wait3A_63 = arith.constant 0 : i32
      %dma_wait3A_64 = tpu.memref_slice %arg11[%add3A_9, %dma_wait3A_63] : memref<10000x128xbf16, #tpu.memory_space<vmem_shared>> -> memref<80x128xbf16, #tpu.memory_space<vmem_shared>>
      %dma_wait3A_65 = arith.constant 0 : i32
      %dma_wait3A_66 = arith.constant 0 : i32
      %dma_wait3A_67 = tpu.memref_slice %arg8[%run_scoped3A, %dma_wait3A_65, %dma_wait3A_66] : memref<7x80x128xbf16, #tpu.memory_space<vmem>> -> memref<1x80x128xbf16, #tpu.memory_space<vmem>>
      %dma_wait3A_68 = tpu.memref_squeeze %dma_wait3A_67 : memref<1x80x128xbf16, #tpu.memory_space<vmem>> -> memref<80x128xbf16, #tpu.memory_space<vmem>>
      tpu.wait_dma2 semaphore(%run_scoped3A_46 : memref<!tpu.dma_semaphore, #tpu.memory_space<semaphore_mem>>) src(%dma_wait3A_68 : memref<80x128xbf16, #tpu.memory_space<vmem>>) dst(%dma_wait3A_64 : memref<80x128xbf16, #tpu.memory_space<vmem_shared>>)
      tpu.yield
    }) : () -> ()
    %add3A_10 = arith.constant 80 : i32
    %add3A_11 = arith.addi %mul3A_2, %add3A_10 : i32
    %run_scoped3A_12 = arith.constant 0 : i32
    "tpu.region"() ({
      %run_scoped3A_46 = tpu.sem_alloc : memref<!tpu.dma_semaphore, #tpu.memory_space<semaphore_mem>>
      %dma_start3A = arith.constant 0 : i32
      %dma_start3A_47 = arith.constant 0 : i32
      %dma_start3A_48 = tpu.memref_slice %arg8[%run_scoped3A_12, %dma_start3A, %dma_start3A_47] : memref<7x80x128xbf16, #tpu.memory_space<vmem>> -> memref<1x80x128xbf16, #tpu.memory_space<vmem>>
      %dma_start3A_49 = tpu.memref_squeeze %dma_start3A_48 : memref<1x80x128xbf16, #tpu.memory_space<vmem>> -> memref<80x128xbf16, #tpu.memory_space<vmem>>
      %dma_start3A_50 = arith.constant 0 : i32
      %dma_start3A_51 = tpu.memref_slice %arg11[%add3A_11, %dma_start3A_50] : memref<10000x128xbf16, #tpu.memory_space<vmem_shared>> -> memref<80x128xbf16, #tpu.memory_space<vmem_shared>>
      %dma_start3A_52 = arith.constant 0 : i32
      %dma_start3A_53 = tpu.memref_slice %arg11[%add3A_11, %dma_start3A_52] : memref<10000x128xbf16, #tpu.memory_space<vmem_shared>> -> memref<80x128xbf16, #tpu.memory_space<vmem_shared>>
      %dma_start3A_54 = arith.constant 0 : i32
      %dma_start3A_55 = arith.constant 0 : i32
      %dma_start3A_56 = tpu.memref_slice %arg8[%run_scoped3A_12, %dma_start3A_54, %dma_start3A_55] : memref<7x80x128xbf16, #tpu.memory_space<vmem>> -> memref<1x80x128xbf16, #tpu.memory_space<vmem>>
      %dma_start3A_57 = tpu.memref_squeeze %dma_start3A_56 : memref<1x80x128xbf16, #tpu.memory_space<vmem>> -> memref<80x128xbf16, #tpu.memory_space<vmem>>
      tpu.enqueue_dma source(%dma_start3A_57 : memref<80x128xbf16, #tpu.memory_space<vmem>>) target(%dma_start3A_53 : memref<80x128xbf16, #tpu.memory_space<vmem_shared>>) target_semaphore(%run_scoped3A_46 : memref<!tpu.dma_semaphore, #tpu.memory_space<semaphore_mem>>)
      %dma_wait3A = arith.constant 0 : i32
      %dma_wait3A_58 = arith.constant 0 : i32
      %dma_wait3A_59 = tpu.memref_slice %arg8[%run_scoped3A_12, %dma_wait3A, %dma_wait3A_58] : memref<7x80x128xbf16, #tpu.memory_space<vmem>> -> memref<1x80x128xbf16, #tpu.memory_space<vmem>>
      %dma_wait3A_60 = tpu.memref_squeeze %dma_wait3A_59 : memref<1x80x128xbf16, #tpu.memory_space<vmem>> -> memref<80x128xbf16, #tpu.memory_space<vmem>>
      %dma_wait3A_61 = arith.constant 0 : i32
      %dma_wait3A_62 = tpu.memref_slice %arg11[%add3A_11, %dma_wait3A_61] : memref<10000x128xbf16, #tpu.memory_space<vmem_shared>> -> memref<80x128xbf16, #tpu.memory_space<vmem_shared>>
      %dma_wait3A_63 = arith.constant 0 : i32
      %dma_wait3A_64 = tpu.memref_slice %arg11[%add3A_11, %dma_wait3A_63] : memref<10000x128xbf16, #tpu.memory_space<vmem_shared>> -> memref<80x128xbf16, #tpu.memory_space<vmem_shared>>
      %dma_wait3A_65 = arith.constant 0 : i32
      %dma_wait3A_66 = arith.constant 0 : i32
      %dma_wait3A_67 = tpu.memref_slice %arg8[%run_scoped3A_12, %dma_wait3A_65, %dma_wait3A_66] : memref<7x80x128xbf16, #tpu.memory_space<vmem>> -> memref<1x80x128xbf16, #tpu.memory_space<vmem>>
      %dma_wait3A_68 = tpu.memref_squeeze %dma_wait3A_67 : memref<1x80x128xbf16, #tpu.memory_space<vmem>> -> memref<80x128xbf16, #tpu.memory_space<vmem>>
      tpu.wait_dma2 semaphore(%run_scoped3A_46 : memref<!tpu.dma_semaphore, #tpu.memory_space<semaphore_mem>>) src(%dma_wait3A_68 : memref<80x128xbf16, #tpu.memory_space<vmem>>) dst(%dma_wait3A_64 : memref<80x128xbf16, #tpu.memory_space<vmem_shared>>)
      tpu.yield
    }) : () -> ()
    %add3A_13 = arith.constant 160 : i32
    %add3A_14 = arith.addi %mul3A_2, %add3A_13 : i32
    %run_scoped3A_15 = arith.constant 0 : i32
    "tpu.region"() ({
      %run_scoped3A_46 = tpu.sem_alloc : memref<!tpu.dma_semaphore, #tpu.memory_space<semaphore_mem>>
      %dma_start3A = arith.constant 0 : i32
      %dma_start3A_47 = arith.constant 0 : i32
      %dma_start3A_48 = tpu.memref_slice %arg8[%run_scoped3A_15, %dma_start3A, %dma_start3A_47] : memref<7x80x128xbf16, #tpu.memory_space<vmem>> -> memref<1x80x128xbf16, #tpu.memory_space<vmem>>
      %dma_start3A_49 = tpu.memref_squeeze %dma_start3A_48 : memref<1x80x128xbf16, #tpu.memory_space<vmem>> -> memref<80x128xbf16, #tpu.memory_space<vmem>>
      %dma_start3A_50 = arith.constant 0 : i32
      %dma_start3A_51 = tpu.memref_slice %arg11[%add3A_14, %dma_start3A_50] : memref<10000x128xbf16, #tpu.memory_space<vmem_shared>> -> memref<80x128xbf16, #tpu.memory_space<vmem_shared>>
      %dma_start3A_52 = arith.constant 0 : i32
      %dma_start3A_53 = tpu.memref_slice %arg11[%add3A_14, %dma_start3A_52] : memref<10000x128xbf16, #tpu.memory_space<vmem_shared>> -> memref<80x128xbf16, #tpu.memory_space<vmem_shared>>
      %dma_start3A_54 = arith.constant 0 : i32
      %dma_start3A_55 = arith.constant 0 : i32
      %dma_start3A_56 = tpu.memref_slice %arg8[%run_scoped3A_15, %dma_start3A_54, %dma_start3A_55] : memref<7x80x128xbf16, #tpu.memory_space<vmem>> -> memref<1x80x128xbf16, #tpu.memory_space<vmem>>
      %dma_start3A_57 = tpu.memref_squeeze %dma_start3A_56 : memref<1x80x128xbf16, #tpu.memory_space<vmem>> -> memref<80x128xbf16, #tpu.memory_space<vmem>>
      tpu.enqueue_dma source(%dma_start3A_57 : memref<80x128xbf16, #tpu.memory_space<vmem>>) target(%dma_start3A_53 : memref<80x128xbf16, #tpu.memory_space<vmem_shared>>) target_semaphore(%run_scoped3A_46 : memref<!tpu.dma_semaphore, #tpu.memory_space<semaphore_mem>>)
      %dma_wait3A = arith.constant 0 : i32
      %dma_wait3A_58 = arith.constant 0 : i32
      %dma_wait3A_59 = tpu.memref_slice %arg8[%run_scoped3A_15, %dma_wait3A, %dma_wait3A_58] : memref<7x80x128xbf16, #tpu.memory_space<vmem>> -> memref<1x80x128xbf16, #tpu.memory_space<vmem>>
      %dma_wait3A_60 = tpu.memref_squeeze %dma_wait3A_59 : memref<1x80x128xbf16, #tpu.memory_space<vmem>> -> memref<80x128xbf16, #tpu.memory_space<vmem>>
      %dma_wait3A_61 = arith.constant 0 : i32
      %dma_wait3A_62 = tpu.memref_slice %arg11[%add3A_14, %dma_wait3A_61] : memref<10000x128xbf16, #tpu.memory_space<vmem_shared>> -> memref<80x128xbf16, #tpu.memory_space<vmem_shared>>
      %dma_wait3A_63 = arith.constant 0 : i32
      %dma_wait3A_64 = tpu.memref_slice %arg11[%add3A_14, %dma_wait3A_63] : memref<10000x128xbf16, #tpu.memory_space<vmem_shared>> -> memref<80x128xbf16, #tpu.memory_space<vmem_shared>>
      %dma_wait3A_65 = arith.constant 0 : i32
      %dma_wait3A_66 = arith.constant 0 : i32
      %dma_wait3A_67 = tpu.memref_slice %arg8[%run_scoped3A_15, %dma_wait3A_65, %dma_wait3A_66] : memref<7x80x128xbf16, #tpu.memory_space<vmem>> -> memref<1x80x128xbf16, #tpu.memory_space<vmem>>
      %dma_wait3A_68 = tpu.memref_squeeze %dma_wait3A_67 : memref<1x80x128xbf16, #tpu.memory_space<vmem>> -> memref<80x128xbf16, #tpu.memory_space<vmem>>
      tpu.wait_dma2 semaphore(%run_scoped3A_46 : memref<!tpu.dma_semaphore, #tpu.memory_space<semaphore_mem>>) src(%dma_wait3A_68 : memref<80x128xbf16, #tpu.memory_space<vmem>>) dst(%dma_wait3A_64 : memref<80x128xbf16, #tpu.memory_space<vmem_shared>>)
      tpu.yield
    }) : () -> ()
    %add3A_16 = arith.constant 240 : i32
    %add3A_17 = arith.addi %mul3A_2, %add3A_16 : i32
    %run_scoped3A_18 = arith.constant 0 : i32
    "tpu.region"() ({
      %run_scoped3A_46 = tpu.sem_alloc : memref<!tpu.dma_semaphore, #tpu.memory_space<semaphore_mem>>
      %dma_start3A = arith.constant 0 : i32
      %dma_start3A_47 = arith.constant 0 : i32
      %dma_start3A_48 = tpu.memref_slice %arg8[%run_scoped3A_18, %dma_start3A, %dma_start3A_47] : memref<7x80x128xbf16, #tpu.memory_space<vmem>> -> memref<1x80x128xbf16, #tpu.memory_space<vmem>>
      %dma_start3A_49 = tpu.memref_squeeze %dma_start3A_48 : memref<1x80x128xbf16, #tpu.memory_space<vmem>> -> memref<80x128xbf16, #tpu.memory_space<vmem>>
      %dma_start3A_50 = arith.constant 0 : i32
      %dma_start3A_51 = tpu.memref_slice %arg11[%add3A_17, %dma_start3A_50] : memref<10000x128xbf16, #tpu.memory_space<vmem_shared>> -> memref<80x128xbf16, #tpu.memory_space<vmem_shared>>
      %dma_start3A_52 = arith.constant 0 : i32
      %dma_start3A_53 = tpu.memref_slice %arg11[%add3A_17, %dma_start3A_52] : memref<10000x128xbf16, #tpu.memory_space<vmem_shared>> -> memref<80x128xbf16, #tpu.memory_space<vmem_shared>>
      %dma_start3A_54 = arith.constant 0 : i32
      %dma_start3A_55 = arith.constant 0 : i32
      %dma_start3A_56 = tpu.memref_slice %arg8[%run_scoped3A_18, %dma_start3A_54, %dma_start3A_55] : memref<7x80x128xbf16, #tpu.memory_space<vmem>> -> memref<1x80x128xbf16, #tpu.memory_space<vmem>>
      %dma_start3A_57 = tpu.memref_squeeze %dma_start3A_56 : memref<1x80x128xbf16, #tpu.memory_space<vmem>> -> memref<80x128xbf16, #tpu.memory_space<vmem>>
      tpu.enqueue_dma source(%dma_start3A_57 : memref<80x128xbf16, #tpu.memory_space<vmem>>) target(%dma_start3A_53 : memref<80x128xbf16, #tpu.memory_space<vmem_shared>>) target_semaphore(%run_scoped3A_46 : memref<!tpu.dma_semaphore, #tpu.memory_space<semaphore_mem>>)
      %dma_wait3A = arith.constant 0 : i32
      %dma_wait3A_58 = arith.constant 0 : i32
      %dma_wait3A_59 = tpu.memref_slice %arg8[%run_scoped3A_18, %dma_wait3A, %dma_wait3A_58] : memref<7x80x128xbf16, #tpu.memory_space<vmem>> -> memref<1x80x128xbf16, #tpu.memory_space<vmem>>
      %dma_wait3A_60 = tpu.memref_squeeze %dma_wait3A_59 : memref<1x80x128xbf16, #tpu.memory_space<vmem>> -> memref<80x128xbf16, #tpu.memory_space<vmem>>
      %dma_wait3A_61 = arith.constant 0 : i32
      %dma_wait3A_62 = tpu.memref_slice %arg11[%add3A_17, %dma_wait3A_61] : memref<10000x128xbf16, #tpu.memory_space<vmem_shared>> -> memref<80x128xbf16, #tpu.memory_space<vmem_shared>>
      %dma_wait3A_63 = arith.constant 0 : i32
      %dma_wait3A_64 = tpu.memref_slice %arg11[%add3A_17, %dma_wait3A_63] : memref<10000x128xbf16, #tpu.memory_space<vmem_shared>> -> memref<80x128xbf16, #tpu.memory_space<vmem_shared>>
      %dma_wait3A_65 = arith.constant 0 : i32
      %dma_wait3A_66 = arith.constant 0 : i32
      %dma_wait3A_67 = tpu.memref_slice %arg8[%run_scoped3A_18, %dma_wait3A_65, %dma_wait3A_66] : memref<7x80x128xbf16, #tpu.memory_space<vmem>> -> memref<1x80x128xbf16, #tpu.memory_space<vmem>>
      %dma_wait3A_68 = tpu.memref_squeeze %dma_wait3A_67 : memref<1x80x128xbf16, #tpu.memory_space<vmem>> -> memref<80x128xbf16, #tpu.memory_space<vmem>>
      tpu.wait_dma2 semaphore(%run_scoped3A_46 : memref<!tpu.dma_semaphore, #tpu.memory_space<semaphore_mem>>) src(%dma_wait3A_68 : memref<80x128xbf16, #tpu.memory_space<vmem>>) dst(%dma_wait3A_64 : memref<80x128xbf16, #tpu.memory_space<vmem_shared>>)
      tpu.yield
    }) : () -> ()
    %add3A_19 = arith.constant 320 : i32
    %add3A_20 = arith.addi %mul3A_2, %add3A_19 : i32
    %run_scoped3A_21 = arith.constant 0 : i32
    "tpu.region"() ({
      %run_scoped3A_46 = tpu.sem_alloc : memref<!tpu.dma_semaphore, #tpu.memory_space<semaphore_mem>>
      %dma_start3A = arith.constant 0 : i32
      %dma_start3A_47 = arith.constant 0 : i32
      %dma_start3A_48 = tpu.memref_slice %arg8[%run_scoped3A_21, %dma_start3A, %dma_start3A_47] : memref<7x80x128xbf16, #tpu.memory_space<vmem>> -> memref<1x80x128xbf16, #tpu.memory_space<vmem>>
      %dma_start3A_49 = tpu.memref_squeeze %dma_start3A_48 : memref<1x80x128xbf16, #tpu.memory_space<vmem>> -> memref<80x128xbf16, #tpu.memory_space<vmem>>
      %dma_start3A_50 = arith.constant 0 : i32
      %dma_start3A_51 = tpu.memref_slice %arg11[%add3A_20, %dma_start3A_50] : memref<10000x128xbf16, #tpu.memory_space<vmem_shared>> -> memref<80x128xbf16, #tpu.memory_space<vmem_shared>>
      %dma_start3A_52 = arith.constant 0 : i32
      %dma_start3A_53 = tpu.memref_slice %arg11[%add3A_20, %dma_start3A_52] : memref<10000x128xbf16, #tpu.memory_space<vmem_shared>> -> memref<80x128xbf16, #tpu.memory_space<vmem_shared>>
      %dma_start3A_54 = arith.constant 0 : i32
      %dma_start3A_55 = arith.constant 0 : i32
      %dma_start3A_56 = tpu.memref_slice %arg8[%run_scoped3A_21, %dma_start3A_54, %dma_start3A_55] : memref<7x80x128xbf16, #tpu.memory_space<vmem>> -> memref<1x80x128xbf16, #tpu.memory_space<vmem>>
      %dma_start3A_57 = tpu.memref_squeeze %dma_start3A_56 : memref<1x80x128xbf16, #tpu.memory_space<vmem>> -> memref<80x128xbf16, #tpu.memory_space<vmem>>
      tpu.enqueue_dma source(%dma_start3A_57 : memref<80x128xbf16, #tpu.memory_space<vmem>>) target(%dma_start3A_53 : memref<80x128xbf16, #tpu.memory_space<vmem_shared>>) target_semaphore(%run_scoped3A_46 : memref<!tpu.dma_semaphore, #tpu.memory_space<semaphore_mem>>)
      %dma_wait3A = arith.constant 0 : i32
      %dma_wait3A_58 = arith.constant 0 : i32
      %dma_wait3A_59 = tpu.memref_slice %arg8[%run_scoped3A_21, %dma_wait3A, %dma_wait3A_58] : memref<7x80x128xbf16, #tpu.memory_space<vmem>> -> memref<1x80x128xbf16, #tpu.memory_space<vmem>>
      %dma_wait3A_60 = tpu.memref_squeeze %dma_wait3A_59 : memref<1x80x128xbf16, #tpu.memory_space<vmem>> -> memref<80x128xbf16, #tpu.memory_space<vmem>>
      %dma_wait3A_61 = arith.constant 0 : i32
      %dma_wait3A_62 = tpu.memref_slice %arg11[%add3A_20, %dma_wait3A_61] : memref<10000x128xbf16, #tpu.memory_space<vmem_shared>> -> memref<80x128xbf16, #tpu.memory_space<vmem_shared>>
      %dma_wait3A_63 = arith.constant 0 : i32
      %dma_wait3A_64 = tpu.memref_slice %arg11[%add3A_20, %dma_wait3A_63] : memref<10000x128xbf16, #tpu.memory_space<vmem_shared>> -> memref<80x128xbf16, #tpu.memory_space<vmem_shared>>
      %dma_wait3A_65 = arith.constant 0 : i32
      %dma_wait3A_66 = arith.constant 0 : i32
      %dma_wait3A_67 = tpu.memref_slice %arg8[%run_scoped3A_21, %dma_wait3A_65, %dma_wait3A_66] : memref<7x80x128xbf16, #tpu.memory_space<vmem>> -> memref<1x80x128xbf16, #tpu.memory_space<vmem>>
      %dma_wait3A_68 = tpu.memref_squeeze %dma_wait3A_67 : memref<1x80x128xbf16, #tpu.memory_space<vmem>> -> memref<80x128xbf16, #tpu.memory_space<vmem>>
      tpu.wait_dma2 semaphore(%run_scoped3A_46 : memref<!tpu.dma_semaphore, #tpu.memory_space<semaphore_mem>>) src(%dma_wait3A_68 : memref<80x128xbf16, #tpu.memory_space<vmem>>) dst(%dma_wait3A_64 : memref<80x128xbf16, #tpu.memory_space<vmem_shared>>)
      tpu.yield
    }) : () -> ()
    %add3A_22 = arith.constant 400 : i32
    %add3A_23 = arith.addi %mul3A_2, %add3A_22 : i32
    %run_scoped3A_24 = arith.constant 0 : i32
    "tpu.region"() ({
      %run_scoped3A_46 = tpu.sem_alloc : memref<!tpu.dma_semaphore, #tpu.memory_space<semaphore_mem>>
      %dma_start3A = arith.constant 0 : i32
      %dma_start3A_47 = arith.constant 0 : i32
      %dma_start3A_48 = tpu.memref_slice %arg8[%run_scoped3A_24, %dma_start3A, %dma_start3A_47] : memref<7x80x128xbf16, #tpu.memory_space<vmem>> -> memref<1x80x128xbf16, #tpu.memory_space<vmem>>
      %dma_start3A_49 = tpu.memref_squeeze %dma_start3A_48 : memref<1x80x128xbf16, #tpu.memory_space<vmem>> -> memref<80x128xbf16, #tpu.memory_space<vmem>>
      %dma_start3A_50 = arith.constant 0 : i32
      %dma_start3A_51 = tpu.memref_slice %arg11[%add3A_23, %dma_start3A_50] : memref<10000x128xbf16, #tpu.memory_space<vmem_shared>> -> memref<80x128xbf16, #tpu.memory_space<vmem_shared>>
      %dma_start3A_52 = arith.constant 0 : i32
      %dma_start3A_53 = tpu.memref_slice %arg11[%add3A_23, %dma_start3A_52] : memref<10000x128xbf16, #tpu.memory_space<vmem_shared>> -> memref<80x128xbf16, #tpu.memory_space<vmem_shared>>
      %dma_start3A_54 = arith.constant 0 : i32
      %dma_start3A_55 = arith.constant 0 : i32
      %dma_start3A_56 = tpu.memref_slice %arg8[%run_scoped3A_24, %dma_start3A_54, %dma_start3A_55] : memref<7x80x128xbf16, #tpu.memory_space<vmem>> -> memref<1x80x128xbf16, #tpu.memory_space<vmem>>
      %dma_start3A_57 = tpu.memref_squeeze %dma_start3A_56 : memref<1x80x128xbf16, #tpu.memory_space<vmem>> -> memref<80x128xbf16, #tpu.memory_space<vmem>>
      tpu.enqueue_dma source(%dma_start3A_57 : memref<80x128xbf16, #tpu.memory_space<vmem>>) target(%dma_start3A_53 : memref<80x128xbf16, #tpu.memory_space<vmem_shared>>) target_semaphore(%run_scoped3A_46 : memref<!tpu.dma_semaphore, #tpu.memory_space<semaphore_mem>>)
      %dma_wait3A = arith.constant 0 : i32
      %dma_wait3A_58 = arith.constant 0 : i32
      %dma_wait3A_59 = tpu.memref_slice %arg8[%run_scoped3A_24, %dma_wait3A, %dma_wait3A_58] : memref<7x80x128xbf16, #tpu.memory_space<vmem>> -> memref<1x80x128xbf16, #tpu.memory_space<vmem>>
      %dma_wait3A_60 = tpu.memref_squeeze %dma_wait3A_59 : memref<1x80x128xbf16, #tpu.memory_space<vmem>> -> memref<80x128xbf16, #tpu.memory_space<vmem>>
      %dma_wait3A_61 = arith.constant 0 : i32
      %dma_wait3A_62 = tpu.memref_slice %arg11[%add3A_23, %dma_wait3A_61] : memref<10000x128xbf16, #tpu.memory_space<vmem_shared>> -> memref<80x128xbf16, #tpu.memory_space<vmem_shared>>
      %dma_wait3A_63 = arith.constant 0 : i32
      %dma_wait3A_64 = tpu.memref_slice %arg11[%add3A_23, %dma_wait3A_63] : memref<10000x128xbf16, #tpu.memory_space<vmem_shared>> -> memref<80x128xbf16, #tpu.memory_space<vmem_shared>>
      %dma_wait3A_65 = arith.constant 0 : i32
      %dma_wait3A_66 = arith.constant 0 : i32
      %dma_wait3A_67 = tpu.memref_slice %arg8[%run_scoped3A_24, %dma_wait3A_65, %dma_wait3A_66] : memref<7x80x128xbf16, #tpu.memory_space<vmem>> -> memref<1x80x128xbf16, #tpu.memory_space<vmem>>
      %dma_wait3A_68 = tpu.memref_squeeze %dma_wait3A_67 : memref<1x80x128xbf16, #tpu.memory_space<vmem>> -> memref<80x128xbf16, #tpu.memory_space<vmem>>
      tpu.wait_dma2 semaphore(%run_scoped3A_46 : memref<!tpu.dma_semaphore, #tpu.memory_space<semaphore_mem>>) src(%dma_wait3A_68 : memref<80x128xbf16, #tpu.memory_space<vmem>>) dst(%dma_wait3A_64 : memref<80x128xbf16, #tpu.memory_space<vmem_shared>>)
      tpu.yield
    }) : () -> ()
    %add3A_25 = arith.constant 480 : i32
    %add3A_26 = arith.addi %mul3A_2, %add3A_25 : i32
    %run_scoped3A_27 = arith.constant 0 : i32
    "tpu.region"() ({
      %run_scoped3A_46 = tpu.sem_alloc : memref<!tpu.dma_semaphore, #tpu.memory_space<semaphore_mem>>
      %dma_start3A = arith.constant 0 : i32
      %dma_start3A_47 = arith.constant 0 : i32
      %dma_start3A_48 = tpu.memref_slice %arg8[%run_scoped3A_27, %dma_start3A, %dma_start3A_47] : memref<7x80x128xbf16, #tpu.memory_space<vmem>> -> memref<1x80x128xbf16, #tpu.memory_space<vmem>>
      %dma_start3A_49 = tpu.memref_squeeze %dma_start3A_48 : memref<1x80x128xbf16, #tpu.memory_space<vmem>> -> memref<80x128xbf16, #tpu.memory_space<vmem>>
      %dma_start3A_50 = arith.constant 0 : i32
      %dma_start3A_51 = tpu.memref_slice %arg11[%add3A_26, %dma_start3A_50] : memref<10000x128xbf16, #tpu.memory_space<vmem_shared>> -> memref<80x128xbf16, #tpu.memory_space<vmem_shared>>
      %dma_start3A_52 = arith.constant 0 : i32
      %dma_start3A_53 = tpu.memref_slice %arg11[%add3A_26, %dma_start3A_52] : memref<10000x128xbf16, #tpu.memory_space<vmem_shared>> -> memref<80x128xbf16, #tpu.memory_space<vmem_shared>>
      %dma_start3A_54 = arith.constant 0 : i32
      %dma_start3A_55 = arith.constant 0 : i32
      %dma_start3A_56 = tpu.memref_slice %arg8[%run_scoped3A_27, %dma_start3A_54, %dma_start3A_55] : memref<7x80x128xbf16, #tpu.memory_space<vmem>> -> memref<1x80x128xbf16, #tpu.memory_space<vmem>>
      %dma_start3A_57 = tpu.memref_squeeze %dma_start3A_56 : memref<1x80x128xbf16, #tpu.memory_space<vmem>> -> memref<80x128xbf16, #tpu.memory_space<vmem>>
      tpu.enqueue_dma source(%dma_start3A_57 : memref<80x128xbf16, #tpu.memory_space<vmem>>) target(%dma_start3A_53 : memref<80x128xbf16, #tpu.memory_space<vmem_shared>>) target_semaphore(%run_scoped3A_46 : memref<!tpu.dma_semaphore, #tpu.memory_space<semaphore_mem>>)
      %dma_wait3A = arith.constant 0 : i32
      %dma_wait3A_58 = arith.constant 0 : i32
      %dma_wait3A_59 = tpu.memref_slice %arg8[%run_scoped3A_27, %dma_wait3A, %dma_wait3A_58] : memref<7x80x128xbf16, #tpu.memory_space<vmem>> -> memref<1x80x128xbf16, #tpu.memory_space<vmem>>
      %dma_wait3A_60 = tpu.memref_squeeze %dma_wait3A_59 : memref<1x80x128xbf16, #tpu.memory_space<vmem>> -> memref<80x128xbf16, #tpu.memory_space<vmem>>
      %dma_wait3A_61 = arith.constant 0 : i32
      %dma_wait3A_62 = tpu.memref_slice %arg11[%add3A_26, %dma_wait3A_61] : memref<10000x128xbf16, #tpu.memory_space<vmem_shared>> -> memref<80x128xbf16, #tpu.memory_space<vmem_shared>>
      %dma_wait3A_63 = arith.constant 0 : i32
      %dma_wait3A_64 = tpu.memref_slice %arg11[%add3A_26, %dma_wait3A_63] : memref<10000x128xbf16, #tpu.memory_space<vmem_shared>> -> memref<80x128xbf16, #tpu.memory_space<vmem_shared>>
      %dma_wait3A_65 = arith.constant 0 : i32
      %dma_wait3A_66 = arith.constant 0 : i32
      %dma_wait3A_67 = tpu.memref_slice %arg8[%run_scoped3A_27, %dma_wait3A_65, %dma_wait3A_66] : memref<7x80x128xbf16, #tpu.memory_space<vmem>> -> memref<1x80x128xbf16, #tpu.memory_space<vmem>>
      %dma_wait3A_68 = tpu.memref_squeeze %dma_wait3A_67 : memref<1x80x128xbf16, #tpu.memory_space<vmem>> -> memref<80x128xbf16, #tpu.memory_space<vmem>>
      tpu.wait_dma2 semaphore(%run_scoped3A_46 : memref<!tpu.dma_semaphore, #tpu.memory_space<semaphore_mem>>) src(%dma_wait3A_68 : memref<80x128xbf16, #tpu.memory_space<vmem>>) dst(%dma_wait3A_64 : memref<80x128xbf16, #tpu.memory_space<vmem_shared>>)
      tpu.yield
    }) : () -> ()
    %add3A_28 = arith.constant 560 : i32
    %add3A_29 = arith.addi %mul3A_2, %add3A_28 : i32
    %run_scoped3A_30 = arith.constant 0 : i32
    "tpu.region"() ({
      %run_scoped3A_46 = tpu.sem_alloc : memref<!tpu.dma_semaphore, #tpu.memory_space<semaphore_mem>>
      %dma_start3A = arith.constant 0 : i32
      %dma_start3A_47 = arith.constant 0 : i32
      %dma_start3A_48 = tpu.memref_slice %arg8[%run_scoped3A_30, %dma_start3A, %dma_start3A_47] : memref<7x80x128xbf16, #tpu.memory_space<vmem>> -> memref<1x80x128xbf16, #tpu.memory_space<vmem>>
      %dma_start3A_49 = tpu.memref_squeeze %dma_start3A_48 : memref<1x80x128xbf16, #tpu.memory_space<vmem>> -> memref<80x128xbf16, #tpu.memory_space<vmem>>
      %dma_start3A_50 = arith.constant 0 : i32
      %dma_start3A_51 = arith.constant 0 : i32
      %dma_start3A_52 = tpu.memref_slice %dma_start3A_49[%dma_start3A_50, %dma_start3A_51] : memref<80x128xbf16, #tpu.memory_space<vmem>> -> memref<64x128xbf16, #tpu.memory_space<vmem>>
      %dma_start3A_53 = arith.constant 0 : i32
      %dma_start3A_54 = tpu.memref_slice %arg11[%add3A_29, %dma_start3A_53] : memref<10000x128xbf16, #tpu.memory_space<vmem_shared>> -> memref<64x128xbf16, #tpu.memory_space<vmem_shared>>
      %dma_start3A_55 = arith.constant 0 : i32
      %dma_start3A_56 = tpu.memref_slice %arg11[%add3A_29, %dma_start3A_55] : memref<10000x128xbf16, #tpu.memory_space<vmem_shared>> -> memref<64x128xbf16, #tpu.memory_space<vmem_shared>>
      %dma_start3A_57 = arith.constant 0 : i32
      %dma_start3A_58 = arith.constant 0 : i32
      %dma_start3A_59 = tpu.memref_slice %arg8[%run_scoped3A_30, %dma_start3A_57, %dma_start3A_58] : memref<7x80x128xbf16, #tpu.memory_space<vmem>> -> memref<1x80x128xbf16, #tpu.memory_space<vmem>>
      %dma_start3A_60 = tpu.memref_squeeze %dma_start3A_59 : memref<1x80x128xbf16, #tpu.memory_space<vmem>> -> memref<80x128xbf16, #tpu.memory_space<vmem>>
      %dma_start3A_61 = arith.constant 0 : i32
      %dma_start3A_62 = arith.constant 0 : i32
      %dma_start3A_63 = tpu.memref_slice %dma_start3A_60[%dma_start3A_61, %dma_start3A_62] : memref<80x128xbf16, #tpu.memory_space<vmem>> -> memref<64x128xbf16, #tpu.memory_space<vmem>>
      tpu.enqueue_dma source(%dma_start3A_63 : memref<64x128xbf16, #tpu.memory_space<vmem>>) target(%dma_start3A_56 : memref<64x128xbf16, #tpu.memory_space<vmem_shared>>) target_semaphore(%run_scoped3A_46 : memref<!tpu.dma_semaphore, #tpu.memory_space<semaphore_mem>>)
      %dma_wait3A = arith.constant 0 : i32
      %dma_wait3A_64 = arith.constant 0 : i32
      %dma_wait3A_65 = tpu.memref_slice %arg8[%run_scoped3A_30, %dma_wait3A, %dma_wait3A_64] : memref<7x80x128xbf16, #tpu.memory_space<vmem>> -> memref<1x80x128xbf16, #tpu.memory_space<vmem>>
      %dma_wait3A_66 = tpu.memref_squeeze %dma_wait3A_65 : memref<1x80x128xbf16, #tpu.memory_space<vmem>> -> memref<80x128xbf16, #tpu.memory_space<vmem>>
      %dma_wait3A_67 = arith.constant 0 : i32
      %dma_wait3A_68 = arith.constant 0 : i32
      %dma_wait3A_69 = tpu.memref_slice %dma_wait3A_66[%dma_wait3A_67, %dma_wait3A_68] : memref<80x128xbf16, #tpu.memory_space<vmem>> -> memref<64x128xbf16, #tpu.memory_space<vmem>>
      %dma_wait3A_70 = arith.constant 0 : i32
      %dma_wait3A_71 = tpu.memref_slice %arg11[%add3A_29, %dma_wait3A_70] : memref<10000x128xbf16, #tpu.memory_space<vmem_shared>> -> memref<64x128xbf16, #tpu.memory_space<vmem_shared>>
      %dma_wait3A_72 = arith.constant 0 : i32
      %dma_wait3A_73 = tpu.memref_slice %arg11[%add3A_29, %dma_wait3A_72] : memref<10000x128xbf16, #tpu.memory_space<vmem_shared>> -> memref<64x128xbf16, #tpu.memory_space<vmem_shared>>
      %dma_wait3A_74 = arith.constant 0 : i32
      %dma_wait3A_75 = arith.constant 0 : i32
      %dma_wait3A_76 = tpu.memref_slice %arg8[%run_scoped3A_30, %dma_wait3A_74, %dma_wait3A_75] : memref<7x80x128xbf16, #tpu.memory_space<vmem>> -> memref<1x80x128xbf16, #tpu.memory_space<vmem>>
      %dma_wait3A_77 = tpu.memref_squeeze %dma_wait3A_76 : memref<1x80x128xbf16, #tpu.memory_space<vmem>> -> memref<80x128xbf16, #tpu.memory_space<vmem>>
      %dma_wait3A_78 = arith.constant 0 : i32
      %dma_wait3A_79 = arith.constant 0 : i32
      %dma_wait3A_80 = tpu.memref_slice %dma_wait3A_77[%dma_wait3A_78, %dma_wait3A_79] : memref<80x128xbf16, #tpu.memory_space<vmem>> -> memref<64x128xbf16, #tpu.memory_space<vmem>>
      tpu.wait_dma2 semaphore(%run_scoped3A_46 : memref<!tpu.dma_semaphore, #tpu.memory_space<semaphore_mem>>) src(%dma_wait3A_80 : memref<64x128xbf16, #tpu.memory_space<vmem>>) dst(%dma_wait3A_73 : memref<64x128xbf16, #tpu.memory_space<vmem_shared>>)
      tpu.yield
    }) : () -> ()
    %eq3A = arith.constant 15 : i32
    %eq3A_31 = arith.cmpi eq, %arg1, %eq3A : i32
    %convert_element_type3A = arith.extui %eq3A_31 : i1 to i32
    %cond3A = arith.constant 0 : i32
    %cond3A_32 = arith.constant 0 : i32
    %cond3A_33 = arith.cmpi ne, %convert_element_type3A, %cond3A_32 : i32
    scf.if %cond3A_33 {
      "tpu.region"() ({
        %run_scoped3A_46 = tpu.sem_alloc : memref<!tpu.dma_semaphore, #tpu.memory_space<semaphore_mem>>
        %dma_start3A = arith.constant 0 : i32
        %dma_start3A_47 = arith.constant 0 : i32
        %dma_start3A_48 = tpu.memref_slice %arg8[%cond3A, %dma_start3A, %dma_start3A_47] : memref<7x80x128xbf16, #tpu.memory_space<vmem>> -> memref<1x80x128xbf16, #tpu.memory_space<vmem>>
        %dma_start3A_49 = tpu.memref_squeeze %dma_start3A_48 : memref<1x80x128xbf16, #tpu.memory_space<vmem>> -> memref<80x128xbf16, #tpu.memory_space<vmem>>
        %dma_start3A_50 = arith.constant 0 : i32
        %dma_start3A_51 = arith.constant 0 : i32
        %dma_start3A_52 = tpu.memref_slice %dma_start3A_49[%dma_start3A_50, %dma_start3A_51] : memref<80x128xbf16, #tpu.memory_space<vmem>> -> memref<16x128xbf16, #tpu.memory_space<vmem>>
        %dma_start3A_53 = arith.constant 9984 : i32
        %dma_start3A_54 = arith.constant 0 : i32
        %dma_start3A_55 = tpu.memref_slice %arg11[%dma_start3A_53, %dma_start3A_54] : memref<10000x128xbf16, #tpu.memory_space<vmem_shared>> -> memref<16x128xbf16, #tpu.memory_space<vmem_shared>>
        %dma_start3A_56 = arith.constant 9984 : i32
        %dma_start3A_57 = arith.constant 0 : i32
        %dma_start3A_58 = tpu.memref_slice %arg11[%dma_start3A_56, %dma_start3A_57] : memref<10000x128xbf16, #tpu.memory_space<vmem_shared>> -> memref<16x128xbf16, #tpu.memory_space<vmem_shared>>
        %dma_start3A_59 = arith.constant 0 : i32
        %dma_start3A_60 = arith.constant 0 : i32
        %dma_start3A_61 = tpu.memref_slice %arg8[%cond3A, %dma_start3A_59, %dma_start3A_60] : memref<7x80x128xbf16, #tpu.memory_space<vmem>> -> memref<1x80x128xbf16, #tpu.memory_space<vmem>>
        %dma_start3A_62 = tpu.memref_squeeze %dma_start3A_61 : memref<1x80x128xbf16, #tpu.memory_space<vmem>> -> memref<80x128xbf16, #tpu.memory_space<vmem>>
        %dma_start3A_63 = arith.constant 0 : i32
        %dma_start3A_64 = arith.constant 0 : i32
        %dma_start3A_65 = tpu.memref_slice %dma_start3A_62[%dma_start3A_63, %dma_start3A_64] : memref<80x128xbf16, #tpu.memory_space<vmem>> -> memref<16x128xbf16, #tpu.memory_space<vmem>>
        tpu.enqueue_dma source(%dma_start3A_65 : memref<16x128xbf16, #tpu.memory_space<vmem>>) target(%dma_start3A_58 : memref<16x128xbf16, #tpu.memory_space<vmem_shared>>) target_semaphore(%run_scoped3A_46 : memref<!tpu.dma_semaphore, #tpu.memory_space<semaphore_mem>>)
        %dma_wait3A = arith.constant 0 : i32
        %dma_wait3A_66 = arith.constant 0 : i32
        %dma_wait3A_67 = tpu.memref_slice %arg8[%cond3A, %dma_wait3A, %dma_wait3A_66] : memref<7x80x128xbf16, #tpu.memory_space<vmem>> -> memref<1x80x128xbf16, #tpu.memory_space<vmem>>
        %dma_wait3A_68 = tpu.memref_squeeze %dma_wait3A_67 : memref<1x80x128xbf16, #tpu.memory_space<vmem>> -> memref<80x128xbf16, #tpu.memory_space<vmem>>
        %dma_wait3A_69 = arith.constant 0 : i32
        %dma_wait3A_70 = arith.constant 0 : i32
        %dma_wait3A_71 = tpu.memref_slice %dma_wait3A_68[%dma_wait3A_69, %dma_wait3A_70] : memref<80x128xbf16, #tpu.memory_space<vmem>> -> memref<16x128xbf16, #tpu.memory_space<vmem>>
        %dma_wait3A_72 = arith.constant 9984 : i32
        %dma_wait3A_73 = arith.constant 0 : i32
        %dma_wait3A_74 = tpu.memref_slice %arg11[%dma_wait3A_72, %dma_wait3A_73] : memref<10000x128xbf16, #tpu.memory_space<vmem_shared>> -> memref<16x128xbf16, #tpu.memory_space<vmem_shared>>
        %dma_wait3A_75 = arith.constant 9984 : i32
        %dma_wait3A_76 = arith.constant 0 : i32
        %dma_wait3A_77 = tpu.memref_slice %arg11[%dma_wait3A_75, %dma_wait3A_76] : memref<10000x128xbf16, #tpu.memory_space<vmem_shared>> -> memref<16x128xbf16, #tpu.memory_space<vmem_shared>>
        %dma_wait3A_78 = arith.constant 0 : i32
        %dma_wait3A_79 = arith.constant 0 : i32
        %dma_wait3A_80 = tpu.memref_slice %arg8[%cond3A, %dma_wait3A_78, %dma_wait3A_79] : memref<7x80x128xbf16, #tpu.memory_space<vmem>> -> memref<1x80x128xbf16, #tpu.memory_space<vmem>>
        %dma_wait3A_81 = tpu.memref_squeeze %dma_wait3A_80 : memref<1x80x128xbf16, #tpu.memory_space<vmem>> -> memref<80x128xbf16, #tpu.memory_space<vmem>>
        %dma_wait3A_82 = arith.constant 0 : i32
        %dma_wait3A_83 = arith.constant 0 : i32
        %dma_wait3A_84 = tpu.memref_slice %dma_wait3A_81[%dma_wait3A_82, %dma_wait3A_83] : memref<80x128xbf16, #tpu.memory_space<vmem>> -> memref<16x128xbf16, #tpu.memory_space<vmem>>
        tpu.wait_dma2 semaphore(%run_scoped3A_46 : memref<!tpu.dma_semaphore, #tpu.memory_space<semaphore_mem>>) src(%dma_wait3A_84 : memref<16x128xbf16, #tpu.memory_space<vmem>>) dst(%dma_wait3A_77 : memref<16x128xbf16, #tpu.memory_space<vmem_shared>>)
        tpu.yield
      }) : () -> ()
    } else {
    }
    %barrier3A = arith.constant 0 : index
    tpu.barrier barrier_id(%barrier3A)
    %scan3A_34 = arith.constant 0 : i32
    %scan3A_35 = arith.constant 0 : i32
    %scan3A_36 = arith.constant 5 : i32
    %scan3A_37 = arith.addi %scan3A_35, %scan3A_36 : i32
    %scan3A_38 = arith.constant 1 : i32
    scf.for %scan3A_46 = %scan3A_35 to %scan3A_37 step %scan3A_38  : i32 {
      "tpu.region"() ({
        %run_scoped3A_134 = tpu.sem_alloc : memref<!tpu.dma_semaphore, #tpu.memory_space<semaphore_mem>>
        %dma_start3A_135 = arith.constant 0 : i32
        %dma_start3A_136 = arith.constant 0 : i32
        %dma_start3A_137 = tpu.memref_slice %arg3[%add3A, %scan3A_46, %dma_start3A_135, %dma_start3A_136] : memref<32x5x25x80xi32, #tpu.memory_space<hbm>> -> memref<1x1x25x80xi32, #tpu.memory_space<hbm>>
        %dma_start3A_138 = tpu.memref_squeeze %dma_start3A_137 : memref<1x1x25x80xi32, #tpu.memory_space<hbm>> -> memref<25x80xi32, #tpu.memory_space<hbm>>
        %dma_start3A_139 = arith.constant 0 : i32
        %dma_start3A_140 = arith.constant 0 : i32
        %dma_start3A_141 = tpu.memref_slice %arg3[%add3A, %scan3A_46, %dma_start3A_139, %dma_start3A_140] : memref<32x5x25x80xi32, #tpu.memory_space<hbm>> -> memref<1x1x25x80xi32, #tpu.memory_space<hbm>>
        %dma_start3A_142 = tpu.memref_squeeze %dma_start3A_141 : memref<1x1x25x80xi32, #tpu.memory_space<hbm>> -> memref<25x80xi32, #tpu.memory_space<hbm>>
        tpu.enqueue_dma source(%dma_start3A_142 : memref<25x80xi32, #tpu.memory_space<hbm>>) target(%arg6 : memref<25x80xi32, #tpu.memory_space<vmem>>) target_semaphore(%run_scoped3A_134 : memref<!tpu.dma_semaphore, #tpu.memory_space<semaphore_mem>>)
        %dma_wait3A_143 = arith.constant 0 : i32
        %dma_wait3A_144 = arith.constant 0 : i32
        %dma_wait3A_145 = tpu.memref_slice %arg3[%add3A, %scan3A_46, %dma_wait3A_143, %dma_wait3A_144] : memref<32x5x25x80xi32, #tpu.memory_space<hbm>> -> memref<1x1x25x80xi32, #tpu.memory_space<hbm>>
        %dma_wait3A_146 = tpu.memref_squeeze %dma_wait3A_145 : memref<1x1x25x80xi32, #tpu.memory_space<hbm>> -> memref<25x80xi32, #tpu.memory_space<hbm>>
        %dma_wait3A_147 = arith.constant 0 : i32
        %dma_wait3A_148 = arith.constant 0 : i32
        %dma_wait3A_149 = tpu.memref_slice %arg3[%add3A, %scan3A_46, %dma_wait3A_147, %dma_wait3A_148] : memref<32x5x25x80xi32, #tpu.memory_space<hbm>> -> memref<1x1x25x80xi32, #tpu.memory_space<hbm>>
        %dma_wait3A_150 = tpu.memref_squeeze %dma_wait3A_149 : memref<1x1x25x80xi32, #tpu.memory_space<hbm>> -> memref<25x80xi32, #tpu.memory_space<hbm>>
        tpu.wait_dma2 semaphore(%run_scoped3A_134 : memref<!tpu.dma_semaphore, #tpu.memory_space<semaphore_mem>>) src(%dma_wait3A_150 : memref<25x80xi32, #tpu.memory_space<hbm>>) dst(%arg6 : memref<25x80xi32, #tpu.memory_space<vmem>>)
        tpu.yield
      }) : () -> ()
      "tpu.region"() ({
        %run_scoped3A_134 = tpu.sem_alloc : memref<!tpu.dma_semaphore, #tpu.memory_space<semaphore_mem>>
        %dma_start3A_135 = arith.constant 0 : i32
        %dma_start3A_136 = arith.constant 0 : i32
        %dma_start3A_137 = tpu.memref_slice %arg4[%add3A, %scan3A_46, %dma_start3A_135, %dma_start3A_136] : memref<32x5x25x80xi32, #tpu.memory_space<hbm>> -> memref<1x1x25x80xi32, #tpu.memory_space<hbm>>
        %dma_start3A_138 = tpu.memref_squeeze %dma_start3A_137 : memref<1x1x25x80xi32, #tpu.memory_space<hbm>> -> memref<25x80xi32, #tpu.memory_space<hbm>>
        %dma_start3A_139 = arith.constant 0 : i32
        %dma_start3A_140 = arith.constant 0 : i32
        %dma_start3A_141 = tpu.memref_slice %arg4[%add3A, %scan3A_46, %dma_start3A_139, %dma_start3A_140] : memref<32x5x25x80xi32, #tpu.memory_space<hbm>> -> memref<1x1x25x80xi32, #tpu.memory_space<hbm>>
        %dma_start3A_142 = tpu.memref_squeeze %dma_start3A_141 : memref<1x1x25x80xi32, #tpu.memory_space<hbm>> -> memref<25x80xi32, #tpu.memory_space<hbm>>
        tpu.enqueue_dma source(%dma_start3A_142 : memref<25x80xi32, #tpu.memory_space<hbm>>) target(%arg7 : memref<25x80xi32, #tpu.memory_space<vmem>>) target_semaphore(%run_scoped3A_134 : memref<!tpu.dma_semaphore, #tpu.memory_space<semaphore_mem>>)
        %dma_wait3A_143 = arith.constant 0 : i32
        %dma_wait3A_144 = arith.constant 0 : i32
        %dma_wait3A_145 = tpu.memref_slice %arg4[%add3A, %scan3A_46, %dma_wait3A_143, %dma_wait3A_144] : memref<32x5x25x80xi32, #tpu.memory_space<hbm>> -> memref<1x1x25x80xi32, #tpu.memory_space<hbm>>
        %dma_wait3A_146 = tpu.memref_squeeze %dma_wait3A_145 : memref<1x1x25x80xi32, #tpu.memory_space<hbm>> -> memref<25x80xi32, #tpu.memory_space<hbm>>
        %dma_wait3A_147 = arith.constant 0 : i32
        %dma_wait3A_148 = arith.constant 0 : i32
        %dma_wait3A_149 = tpu.memref_slice %arg4[%add3A, %scan3A_46, %dma_wait3A_147, %dma_wait3A_148] : memref<32x5x25x80xi32, #tpu.memory_space<hbm>> -> memref<1x1x25x80xi32, #tpu.memory_space<hbm>>
        %dma_wait3A_150 = tpu.memref_squeeze %dma_wait3A_149 : memref<1x1x25x80xi32, #tpu.memory_space<hbm>> -> memref<25x80xi32, #tpu.memory_space<hbm>>
        tpu.wait_dma2 semaphore(%run_scoped3A_134 : memref<!tpu.dma_semaphore, #tpu.memory_space<semaphore_mem>>) src(%dma_wait3A_150 : memref<25x80xi32, #tpu.memory_space<hbm>>) dst(%arg7 : memref<25x80xi32, #tpu.memory_space<vmem>>)
        tpu.yield
      }) : () -> ()
      %dma_start3A = arith.constant 0 : i32
      %dma_start3A_47 = arith.constant 0 : i32
      %dma_start3A_48 = arith.constant 0 : i32
      %dma_start3A_49 = arith.constant 0 : i32
      %dma_start3A_50 = tpu.memref_slice %arg8[%dma_start3A_47, %dma_start3A_48, %dma_start3A_49] : memref<7x80x128xbf16, #tpu.memory_space<vmem>> -> memref<1x80x128xbf16, #tpu.memory_space<vmem>>
      %dma_start3A_51 = tpu.memref_squeeze %dma_start3A_50 : memref<1x80x128xbf16, #tpu.memory_space<vmem>> -> memref<80x128xbf16, #tpu.memory_space<vmem>>
      %dma_start3A_52 = arith.constant 0 : i32
      %dma_start3A_53 = tpu.memref_slice %arg6[%dma_start3A, %dma_start3A_52] : memref<25x80xi32, #tpu.memory_space<vmem>> -> memref<1x80xi32, #tpu.memory_space<vmem>>
      %dma_start3A_54 = tpu.memref_squeeze %dma_start3A_53 : memref<1x80xi32, #tpu.memory_space<vmem>> -> memref<80xi32, #tpu.memory_space<vmem>>
      %dma_start3A_55 = arith.constant 0 : i32
      %dma_start3A_56 = arith.constant 0 : i32
      %dma_start3A_57 = tpu.memref_slice %arg2[%dma_start3A_55, %dma_start3A_56] : memref<10000x128xbf16, #tpu.memory_space<hbm>> -> memref<10000x128xbf16, #tpu.memory_space<hbm>>
      tpu.enqueue_indirect_dma source(%dma_start3A_57 : memref<10000x128xbf16, #tpu.memory_space<hbm>>) target(%dma_start3A_51 : memref<80x128xbf16, #tpu.memory_space<vmem>>) offsets(%dma_start3A_54 : memref<80xi32, #tpu.memory_space<vmem>>) semaphore(%arg9 : memref<!tpu.dma_semaphore, #tpu.memory_space<semaphore_mem>>)
      %dma_start3A_58 = arith.constant 1 : i32
      %dma_start3A_59 = arith.constant 1 : i32
      %dma_start3A_60 = arith.constant 0 : i32
      %dma_start3A_61 = arith.constant 0 : i32
      %dma_start3A_62 = tpu.memref_slice %arg8[%dma_start3A_59, %dma_start3A_60, %dma_start3A_61] : memref<7x80x128xbf16, #tpu.memory_space<vmem>> -> memref<1x80x128xbf16, #tpu.memory_space<vmem>>
      %dma_start3A_63 = tpu.memref_squeeze %dma_start3A_62 : memref<1x80x128xbf16, #tpu.memory_space<vmem>> -> memref<80x128xbf16, #tpu.memory_space<vmem>>
      %dma_start3A_64 = arith.constant 0 : i32
      %dma_start3A_65 = tpu.memref_slice %arg6[%dma_start3A_58, %dma_start3A_64] : memref<25x80xi32, #tpu.memory_space<vmem>> -> memref<1x80xi32, #tpu.memory_space<vmem>>
      %dma_start3A_66 = tpu.memref_squeeze %dma_start3A_65 : memref<1x80xi32, #tpu.memory_space<vmem>> -> memref<80xi32, #tpu.memory_space<vmem>>
      %dma_start3A_67 = arith.constant 0 : i32
      %dma_start3A_68 = arith.constant 0 : i32
      %dma_start3A_69 = tpu.memref_slice %arg2[%dma_start3A_67, %dma_start3A_68] : memref<10000x128xbf16, #tpu.memory_space<hbm>> -> memref<10000x128xbf16, #tpu.memory_space<hbm>>
      tpu.enqueue_indirect_dma source(%dma_start3A_69 : memref<10000x128xbf16, #tpu.memory_space<hbm>>) target(%dma_start3A_63 : memref<80x128xbf16, #tpu.memory_space<vmem>>) offsets(%dma_start3A_66 : memref<80xi32, #tpu.memory_space<vmem>>) semaphore(%arg9 : memref<!tpu.dma_semaphore, #tpu.memory_space<semaphore_mem>>)
      %dma_start3A_70 = arith.constant 2 : i32
      %dma_start3A_71 = arith.constant 2 : i32
      %dma_start3A_72 = arith.constant 0 : i32
      %dma_start3A_73 = arith.constant 0 : i32
      %dma_start3A_74 = tpu.memref_slice %arg8[%dma_start3A_71, %dma_start3A_72, %dma_start3A_73] : memref<7x80x128xbf16, #tpu.memory_space<vmem>> -> memref<1x80x128xbf16, #tpu.memory_space<vmem>>
      %dma_start3A_75 = tpu.memref_squeeze %dma_start3A_74 : memref<1x80x128xbf16, #tpu.memory_space<vmem>> -> memref<80x128xbf16, #tpu.memory_space<vmem>>
      %dma_start3A_76 = arith.constant 0 : i32
      %dma_start3A_77 = tpu.memref_slice %arg6[%dma_start3A_70, %dma_start3A_76] : memref<25x80xi32, #tpu.memory_space<vmem>> -> memref<1x80xi32, #tpu.memory_space<vmem>>
      %dma_start3A_78 = tpu.memref_squeeze %dma_start3A_77 : memref<1x80xi32, #tpu.memory_space<vmem>> -> memref<80xi32, #tpu.memory_space<vmem>>
      %dma_start3A_79 = arith.constant 0 : i32
      %dma_start3A_80 = arith.constant 0 : i32
      %dma_start3A_81 = tpu.memref_slice %arg2[%dma_start3A_79, %dma_start3A_80] : memref<10000x128xbf16, #tpu.memory_space<hbm>> -> memref<10000x128xbf16, #tpu.memory_space<hbm>>
      tpu.enqueue_indirect_dma source(%dma_start3A_81 : memref<10000x128xbf16, #tpu.memory_space<hbm>>) target(%dma_start3A_75 : memref<80x128xbf16, #tpu.memory_space<vmem>>) offsets(%dma_start3A_78 : memref<80xi32, #tpu.memory_space<vmem>>) semaphore(%arg9 : memref<!tpu.dma_semaphore, #tpu.memory_space<semaphore_mem>>)
      %dma_start3A_82 = arith.constant 3 : i32
      %dma_start3A_83 = arith.constant 3 : i32
      %dma_start3A_84 = arith.constant 0 : i32
      %dma_start3A_85 = arith.constant 0 : i32
      %dma_start3A_86 = tpu.memref_slice %arg8[%dma_start3A_83, %dma_start3A_84, %dma_start3A_85] : memref<7x80x128xbf16, #tpu.memory_space<vmem>> -> memref<1x80x128xbf16, #tpu.memory_space<vmem>>
      %dma_start3A_87 = tpu.memref_squeeze %dma_start3A_86 : memref<1x80x128xbf16, #tpu.memory_space<vmem>> -> memref<80x128xbf16, #tpu.memory_space<vmem>>
      %dma_start3A_88 = arith.constant 0 : i32
      %dma_start3A_89 = tpu.memref_slice %arg6[%dma_start3A_82, %dma_start3A_88] : memref<25x80xi32, #tpu.memory_space<vmem>> -> memref<1x80xi32, #tpu.memory_space<vmem>>
      %dma_start3A_90 = tpu.memref_squeeze %dma_start3A_89 : memref<1x80xi32, #tpu.memory_space<vmem>> -> memref<80xi32, #tpu.memory_space<vmem>>
      %dma_start3A_91 = arith.constant 0 : i32
      %dma_start3A_92 = arith.constant 0 : i32
      %dma_start3A_93 = tpu.memref_slice %arg2[%dma_start3A_91, %dma_start3A_92] : memref<10000x128xbf16, #tpu.memory_space<hbm>> -> memref<10000x128xbf16, #tpu.memory_space<hbm>>
      tpu.enqueue_indirect_dma source(%dma_start3A_93 : memref<10000x128xbf16, #tpu.memory_space<hbm>>) target(%dma_start3A_87 : memref<80x128xbf16, #tpu.memory_space<vmem>>) offsets(%dma_start3A_90 : memref<80xi32, #tpu.memory_space<vmem>>) semaphore(%arg9 : memref<!tpu.dma_semaphore, #tpu.memory_space<semaphore_mem>>)
      %dma_start3A_94 = arith.constant 4 : i32
      %dma_start3A_95 = arith.constant 4 : i32
      %dma_start3A_96 = arith.constant 0 : i32
      %dma_start3A_97 = arith.constant 0 : i32
      %dma_start3A_98 = tpu.memref_slice %arg8[%dma_start3A_95, %dma_start3A_96, %dma_start3A_97] : memref<7x80x128xbf16, #tpu.memory_space<vmem>> -> memref<1x80x128xbf16, #tpu.memory_space<vmem>>
      %dma_start3A_99 = tpu.memref_squeeze %dma_start3A_98 : memref<1x80x128xbf16, #tpu.memory_space<vmem>> -> memref<80x128xbf16, #tpu.memory_space<vmem>>
      %dma_start3A_100 = arith.constant 0 : i32
      %dma_start3A_101 = tpu.memref_slice %arg6[%dma_start3A_94, %dma_start3A_100] : memref<25x80xi32, #tpu.memory_space<vmem>> -> memref<1x80xi32, #tpu.memory_space<vmem>>
      %dma_start3A_102 = tpu.memref_squeeze %dma_start3A_101 : memref<1x80xi32, #tpu.memory_space<vmem>> -> memref<80xi32, #tpu.memory_space<vmem>>
      %dma_start3A_103 = arith.constant 0 : i32
      %dma_start3A_104 = arith.constant 0 : i32
      %dma_start3A_105 = tpu.memref_slice %arg2[%dma_start3A_103, %dma_start3A_104] : memref<10000x128xbf16, #tpu.memory_space<hbm>> -> memref<10000x128xbf16, #tpu.memory_space<hbm>>
      tpu.enqueue_indirect_dma source(%dma_start3A_105 : memref<10000x128xbf16, #tpu.memory_space<hbm>>) target(%dma_start3A_99 : memref<80x128xbf16, #tpu.memory_space<vmem>>) offsets(%dma_start3A_102 : memref<80xi32, #tpu.memory_space<vmem>>) semaphore(%arg9 : memref<!tpu.dma_semaphore, #tpu.memory_space<semaphore_mem>>)
      %scan3A_106 = arith.constant 0 : i32
      %scan3A_107 = arith.constant 25 : i32
      %scan3A_108 = arith.addi %scan3A_106, %scan3A_107 : i32
      %scan3A_109 = arith.constant 1 : i32
      scf.for %scan3A_134 = %scan3A_106 to %scan3A_108 step %scan3A_109  : i32 {
        %rem3A = arith.constant 7 : i32
        %rem3A_135 = arith.remsi %scan3A_134, %rem3A : i32
        %dma_wait3A_136 = arith.constant 0 : i32
        %dma_wait3A_137 = arith.constant 0 : i32
        %dma_wait3A_138 = tpu.memref_slice %arg8[%rem3A_135, %dma_wait3A_136, %dma_wait3A_137] : memref<7x80x128xbf16, #tpu.memory_space<vmem>> -> memref<1x80x128xbf16, #tpu.memory_space<vmem>>
        %dma_wait3A_139 = tpu.memref_squeeze %dma_wait3A_138 : memref<1x80x128xbf16, #tpu.memory_space<vmem>> -> memref<80x128xbf16, #tpu.memory_space<vmem>>
        %dma_wait3A_140 = arith.constant 0 : i32
        %dma_wait3A_141 = tpu.memref_slice %arg6[%scan3A_134, %dma_wait3A_140] : memref<25x80xi32, #tpu.memory_space<vmem>> -> memref<1x80xi32, #tpu.memory_space<vmem>>
        %dma_wait3A_142 = tpu.memref_squeeze %dma_wait3A_141 : memref<1x80xi32, #tpu.memory_space<vmem>> -> memref<80xi32, #tpu.memory_space<vmem>>
        %dma_wait3A_143 = arith.constant 0 : i32
        %dma_wait3A_144 = arith.constant 0 : i32
        %dma_wait3A_145 = tpu.memref_slice %arg2[%dma_wait3A_143, %dma_wait3A_144] : memref<10000x128xbf16, #tpu.memory_space<hbm>> -> memref<10000x128xbf16, #tpu.memory_space<hbm>>
        tpu.wait_indirect_dma semaphore(%arg9 : memref<!tpu.dma_semaphore, #tpu.memory_space<semaphore_mem>>) src(%dma_wait3A_145 : memref<10000x128xbf16, #tpu.memory_space<hbm>>) dst(%dma_wait3A_139 : memref<80x128xbf16, #tpu.memory_space<vmem>>)
        %ge3A = arith.constant 2 : i32
        %ge3A_146 = arith.cmpi sge, %scan3A_134, %ge3A : i32
        %convert_element_type3A_147 = arith.extui %ge3A_146 : i1 to i32
        %cond3A_148 = arith.constant 0 : i32
        %cond3A_149 = arith.cmpi ne, %convert_element_type3A_147, %cond3A_148 : i32
        scf.if %cond3A_149 {
          %dma_wait3A_164 = arith.constant 0 : i32
          %dma_wait3A_165 = arith.constant 0 : i32
          %dma_wait3A_166 = tpu.memref_slice %arg8[%rem3A_135, %dma_wait3A_164, %dma_wait3A_165] : memref<7x80x128xbf16, #tpu.memory_space<vmem>> -> memref<1x80x128xbf16, #tpu.memory_space<vmem>>
          %dma_wait3A_167 = tpu.memref_squeeze %dma_wait3A_166 : memref<1x80x128xbf16, #tpu.memory_space<vmem>> -> memref<80x128xbf16, #tpu.memory_space<vmem>>
          %dma_wait3A_168 = arith.constant 0 : i32
          %dma_wait3A_169 = tpu.memref_slice %arg7[%scan3A_134, %dma_wait3A_168] : memref<25x80xi32, #tpu.memory_space<vmem>> -> memref<1x80xi32, #tpu.memory_space<vmem>>
          %dma_wait3A_170 = tpu.memref_squeeze %dma_wait3A_169 : memref<1x80xi32, #tpu.memory_space<vmem>> -> memref<80xi32, #tpu.memory_space<vmem>>
          %dma_wait3A_171 = arith.constant 0 : i32
          %dma_wait3A_172 = arith.constant 0 : i32
          %dma_wait3A_173 = tpu.memref_slice %arg11[%dma_wait3A_171, %dma_wait3A_172] : memref<10000x128xbf16, #tpu.memory_space<vmem_shared>> -> memref<10000x128xbf16, #tpu.memory_space<vmem_shared>>
          tpu.wait_indirect_dma semaphore(%arg10 : memref<!tpu.dma_semaphore, #tpu.memory_space<semaphore_mem>>) src(%dma_wait3A_167 : memref<80x128xbf16, #tpu.memory_space<vmem>>) dst(%dma_wait3A_173 : memref<10000x128xbf16, #tpu.memory_space<vmem_shared>>)
        } else {
        }
        %lt3A = arith.constant 20 : i32
        %lt3A_150 = arith.cmpi slt, %scan3A_134, %lt3A : i32
        %convert_element_type3A_151 = arith.extui %lt3A_150 : i1 to i32
        %cond3A_152 = arith.constant 0 : i32
        %cond3A_153 = arith.cmpi ne, %convert_element_type3A_151, %cond3A_152 : i32
        scf.if %cond3A_153 {
          %add3A_164 = arith.constant 5 : i32
          %add3A_165 = arith.addi %scan3A_134, %add3A_164 : i32
          %rem3A_166 = arith.constant 25 : i32
          %rem3A_167 = arith.remsi %add3A_165, %rem3A_166 : i32
          %add3A_168 = arith.constant 5 : i32
          %add3A_169 = arith.addi %scan3A_134, %add3A_168 : i32
          %rem3A_170 = arith.constant 7 : i32
          %rem3A_171 = arith.remsi %add3A_169, %rem3A_170 : i32
          %dma_start3A_172 = arith.constant 0 : i32
          %dma_start3A_173 = arith.constant 0 : i32
          %dma_start3A_174 = tpu.memref_slice %arg8[%rem3A_171, %dma_start3A_172, %dma_start3A_173] : memref<7x80x128xbf16, #tpu.memory_space<vmem>> -> memref<1x80x128xbf16, #tpu.memory_space<vmem>>
          %dma_start3A_175 = tpu.memref_squeeze %dma_start3A_174 : memref<1x80x128xbf16, #tpu.memory_space<vmem>> -> memref<80x128xbf16, #tpu.memory_space<vmem>>
          %dma_start3A_176 = arith.constant 0 : i32
          %dma_start3A_177 = tpu.memref_slice %arg6[%rem3A_167, %dma_start3A_176] : memref<25x80xi32, #tpu.memory_space<vmem>> -> memref<1x80xi32, #tpu.memory_space<vmem>>
          %dma_start3A_178 = tpu.memref_squeeze %dma_start3A_177 : memref<1x80xi32, #tpu.memory_space<vmem>> -> memref<80xi32, #tpu.memory_space<vmem>>
          %dma_start3A_179 = arith.constant 0 : i32
          %dma_start3A_180 = arith.constant 0 : i32
          %dma_start3A_181 = tpu.memref_slice %arg2[%dma_start3A_179, %dma_start3A_180] : memref<10000x128xbf16, #tpu.memory_space<hbm>> -> memref<10000x128xbf16, #tpu.memory_space<hbm>>
          tpu.enqueue_indirect_dma source(%dma_start3A_181 : memref<10000x128xbf16, #tpu.memory_space<hbm>>) target(%dma_start3A_175 : memref<80x128xbf16, #tpu.memory_space<vmem>>) offsets(%dma_start3A_178 : memref<80xi32, #tpu.memory_space<vmem>>) semaphore(%arg9 : memref<!tpu.dma_semaphore, #tpu.memory_space<semaphore_mem>>)
        } else {
        }
        %dma_start3A_154 = arith.constant 0 : i32
        %dma_start3A_155 = arith.constant 0 : i32
        %dma_start3A_156 = tpu.memref_slice %arg8[%rem3A_135, %dma_start3A_154, %dma_start3A_155] : memref<7x80x128xbf16, #tpu.memory_space<vmem>> -> memref<1x80x128xbf16, #tpu.memory_space<vmem>>
        %dma_start3A_157 = tpu.memref_squeeze %dma_start3A_156 : memref<1x80x128xbf16, #tpu.memory_space<vmem>> -> memref<80x128xbf16, #tpu.memory_space<vmem>>
        %dma_start3A_158 = arith.constant 0 : i32
        %dma_start3A_159 = tpu.memref_slice %arg7[%scan3A_134, %dma_start3A_158] : memref<25x80xi32, #tpu.memory_space<vmem>> -> memref<1x80xi32, #tpu.memory_space<vmem>>
        %dma_start3A_160 = tpu.memref_squeeze %dma_start3A_159 : memref<1x80xi32, #tpu.memory_space<vmem>> -> memref<80xi32, #tpu.memory_space<vmem>>
        %dma_start3A_161 = arith.constant 0 : i32
        %dma_start3A_162 = arith.constant 0 : i32
        %dma_start3A_163 = tpu.memref_slice %arg11[%dma_start3A_161, %dma_start3A_162] : memref<10000x128xbf16, #tpu.memory_space<vmem_shared>> -> memref<10000x128xbf16, #tpu.memory_space<vmem_shared>>
        tpu.enqueue_indirect_dma source(%dma_start3A_157 : memref<80x128xbf16, #tpu.memory_space<vmem>>) target(%dma_start3A_163 : memref<10000x128xbf16, #tpu.memory_space<vmem_shared>>) offsets(%dma_start3A_160 : memref<80xi32, #tpu.memory_space<vmem>>) semaphore(%arg10 : memref<!tpu.dma_semaphore, #tpu.memory_space<semaphore_mem>>) {add = true}
      }
      %scan3A_110 = arith.constant 25 : i32
      %dma_wait3A = arith.constant 0 : i32
      %dma_wait3A_111 = arith.constant 0 : i32
      %dma_wait3A_112 = arith.constant 0 : i32
      %dma_wait3A_113 = arith.constant 0 : i32
      %dma_wait3A_114 = tpu.memref_slice %arg8[%dma_wait3A, %dma_wait3A_112, %dma_wait3A_113] : memref<7x80x128xbf16, #tpu.memory_space<vmem>> -> memref<1x80x128xbf16, #tpu.memory_space<vmem>>
      %dma_wait3A_115 = tpu.memref_squeeze %dma_wait3A_114 : memref<1x80x128xbf16, #tpu.memory_space<vmem>> -> memref<80x128xbf16, #tpu.memory_space<vmem>>
      %dma_wait3A_116 = arith.constant 0 : i32
      %dma_wait3A_117 = tpu.memref_slice %arg7[%dma_wait3A_111, %dma_wait3A_116] : memref<25x80xi32, #tpu.memory_space<vmem>> -> memref<1x80xi32, #tpu.memory_space<vmem>>
      %dma_wait3A_118 = tpu.memref_squeeze %dma_wait3A_117 : memref<1x80xi32, #tpu.memory_space<vmem>> -> memref<80xi32, #tpu.memory_space<vmem>>
      %dma_wait3A_119 = arith.constant 0 : i32
      %dma_wait3A_120 = arith.constant 0 : i32
      %dma_wait3A_121 = tpu.memref_slice %arg11[%dma_wait3A_119, %dma_wait3A_120] : memref<10000x128xbf16, #tpu.memory_space<vmem_shared>> -> memref<10000x128xbf16, #tpu.memory_space<vmem_shared>>
      tpu.wait_indirect_dma semaphore(%arg10 : memref<!tpu.dma_semaphore, #tpu.memory_space<semaphore_mem>>) src(%dma_wait3A_115 : memref<80x128xbf16, #tpu.memory_space<vmem>>) dst(%dma_wait3A_121 : memref<10000x128xbf16, #tpu.memory_space<vmem_shared>>)
      %dma_wait3A_122 = arith.constant 0 : i32
      %dma_wait3A_123 = arith.constant 0 : i32
      %dma_wait3A_124 = arith.constant 0 : i32
      %dma_wait3A_125 = arith.constant 0 : i32
      %dma_wait3A_126 = tpu.memref_slice %arg8[%dma_wait3A_122, %dma_wait3A_124, %dma_wait3A_125] : memref<7x80x128xbf16, #tpu.memory_space<vmem>> -> memref<1x80x128xbf16, #tpu.memory_space<vmem>>
      %dma_wait3A_127 = tpu.memref_squeeze %dma_wait3A_126 : memref<1x80x128xbf16, #tpu.memory_space<vmem>> -> memref<80x128xbf16, #tpu.memory_space<vmem>>
      %dma_wait3A_128 = arith.constant 0 : i32
      %dma_wait3A_129 = tpu.memref_slice %arg7[%dma_wait3A_123, %dma_wait3A_128] : memref<25x80xi32, #tpu.memory_space<vmem>> -> memref<1x80xi32, #tpu.memory_space<vmem>>
      %dma_wait3A_130 = tpu.memref_squeeze %dma_wait3A_129 : memref<1x80xi32, #tpu.memory_space<vmem>> -> memref<80xi32, #tpu.memory_space<vmem>>
      %dma_wait3A_131 = arith.constant 0 : i32
      %dma_wait3A_132 = arith.constant 0 : i32
      %dma_wait3A_133 = tpu.memref_slice %arg11[%dma_wait3A_131, %dma_wait3A_132] : memref<10000x128xbf16, #tpu.memory_space<vmem_shared>> -> memref<10000x128xbf16, #tpu.memory_space<vmem_shared>>
      tpu.wait_indirect_dma semaphore(%arg10 : memref<!tpu.dma_semaphore, #tpu.memory_space<semaphore_mem>>) src(%dma_wait3A_127 : memref<80x128xbf16, #tpu.memory_space<vmem>>) dst(%dma_wait3A_133 : memref<10000x128xbf16, #tpu.memory_space<vmem_shared>>)
    }
    %scan3A_39 = arith.constant 5 : i32
    %barrier3A_40 = arith.constant 0 : index
    tpu.barrier barrier_id(%barrier3A_40)
    "tpu.region"() ({
      %run_scoped3A_46 = tpu.sem_alloc : memref<!tpu.dma_semaphore, #tpu.memory_space<semaphore_mem>>
      %dma_start3A = arith.constant 0 : i32
      %dma_start3A_47 = tpu.memref_slice %arg5[%arg0, %mul3A_2, %dma_start3A] : memref<2x10000x128xbf16, #tpu.memory_space<hbm>> -> memref<1x624x128xbf16, #tpu.memory_space<hbm>>
      %dma_start3A_48 = tpu.memref_squeeze %dma_start3A_47 : memref<1x624x128xbf16, #tpu.memory_space<hbm>> -> memref<624x128xbf16, #tpu.memory_space<hbm>>
      %dma_start3A_49 = arith.constant 0 : i32
      %dma_start3A_50 = tpu.memref_slice %arg11[%mul3A_2, %dma_start3A_49] : memref<10000x128xbf16, #tpu.memory_space<vmem_shared>> -> memref<624x128xbf16, #tpu.memory_space<vmem_shared>>
      tpu.enqueue_dma source(%dma_start3A_50 : memref<624x128xbf16, #tpu.memory_space<vmem_shared>>) target(%dma_start3A_48 : memref<624x128xbf16, #tpu.memory_space<hbm>>) target_semaphore(%run_scoped3A_46 : memref<!tpu.dma_semaphore, #tpu.memory_space<semaphore_mem>>)
      %dma_wait3A = arith.constant 0 : i32
      %dma_wait3A_51 = tpu.memref_slice %arg5[%arg0, %mul3A_2, %dma_wait3A] : memref<2x10000x128xbf16, #tpu.memory_space<hbm>> -> memref<1x624x128xbf16, #tpu.memory_space<hbm>>
      %dma_wait3A_52 = tpu.memref_squeeze %dma_wait3A_51 : memref<1x624x128xbf16, #tpu.memory_space<hbm>> -> memref<624x128xbf16, #tpu.memory_space<hbm>>
      %dma_wait3A_53 = arith.constant 0 : i32
      %dma_wait3A_54 = tpu.memref_slice %arg11[%mul3A_2, %dma_wait3A_53] : memref<10000x128xbf16, #tpu.memory_space<vmem_shared>> -> memref<624x128xbf16, #tpu.memory_space<vmem_shared>>
      tpu.wait_dma2 semaphore(%run_scoped3A_46 : memref<!tpu.dma_semaphore, #tpu.memory_space<semaphore_mem>>) src(%dma_wait3A_54 : memref<624x128xbf16, #tpu.memory_space<vmem_shared>>) dst(%dma_wait3A_52 : memref<624x128xbf16, #tpu.memory_space<hbm>>)
      tpu.yield
    }) : () -> ()
    %eq3A_41 = arith.constant 15 : i32
    %eq3A_42 = arith.cmpi eq, %arg1, %eq3A_41 : i32
    %convert_element_type3A_43 = arith.extui %eq3A_42 : i1 to i32
    %cond3A_44 = arith.constant 0 : i32
    %cond3A_45 = arith.cmpi ne, %convert_element_type3A_43, %cond3A_44 : i32
    scf.if %cond3A_45 {
      "tpu.region"() ({
        %run_scoped3A_46 = tpu.sem_alloc : memref<!tpu.dma_semaphore, #tpu.memory_space<semaphore_mem>>
        %dma_start3A = arith.constant 9984 : i32
        %dma_start3A_47 = arith.constant 0 : i32
        %dma_start3A_48 = tpu.memref_slice %arg5[%arg0, %dma_start3A, %dma_start3A_47] : memref<2x10000x128xbf16, #tpu.memory_space<hbm>> -> memref<1x16x128xbf16, #tpu.memory_space<hbm>>
        %dma_start3A_49 = tpu.memref_squeeze %dma_start3A_48 : memref<1x16x128xbf16, #tpu.memory_space<hbm>> -> memref<16x128xbf16, #tpu.memory_space<hbm>>
        %dma_start3A_50 = arith.constant 9984 : i32
        %dma_start3A_51 = arith.constant 0 : i32
        %dma_start3A_52 = tpu.memref_slice %arg11[%dma_start3A_50, %dma_start3A_51] : memref<10000x128xbf16, #tpu.memory_space<vmem_shared>> -> memref<16x128xbf16, #tpu.memory_space<vmem_shared>>
        tpu.enqueue_dma source(%dma_start3A_52 : memref<16x128xbf16, #tpu.memory_space<vmem_shared>>) target(%dma_start3A_49 : memref<16x128xbf16, #tpu.memory_space<hbm>>) target_semaphore(%run_scoped3A_46 : memref<!tpu.dma_semaphore, #tpu.memory_space<semaphore_mem>>)
        %dma_wait3A = arith.constant 9984 : i32
        %dma_wait3A_53 = arith.constant 0 : i32
        %dma_wait3A_54 = tpu.memref_slice %arg5[%arg0, %dma_wait3A, %dma_wait3A_53] : memref<2x10000x128xbf16, #tpu.memory_space<hbm>> -> memref<1x16x128xbf16, #tpu.memory_space<hbm>>
        %dma_wait3A_55 = tpu.memref_squeeze %dma_wait3A_54 : memref<1x16x128xbf16, #tpu.memory_space<hbm>> -> memref<16x128xbf16, #tpu.memory_space<hbm>>
        %dma_wait3A_56 = arith.constant 9984 : i32
        %dma_wait3A_57 = arith.constant 0 : i32
        %dma_wait3A_58 = tpu.memref_slice %arg11[%dma_wait3A_56, %dma_wait3A_57] : memref<10000x128xbf16, #tpu.memory_space<vmem_shared>> -> memref<16x128xbf16, #tpu.memory_space<vmem_shared>>
        tpu.wait_dma2 semaphore(%run_scoped3A_46 : memref<!tpu.dma_semaphore, #tpu.memory_space<semaphore_mem>>) src(%dma_wait3A_58 : memref<16x128xbf16, #tpu.memory_space<vmem_shared>>) dst(%dma_wait3A_55 : memref<16x128xbf16, #tpu.memory_space<hbm>>)
        tpu.yield
      }) : () -> ()
    } else {
    }
    return
  }
}

#map = affine_map<(d0, d1) -> (0, 0)>
#map1 = affine_map<(d0, d1) -> (0, 0, 0, 0)>
#map2 = affine_map<(d0, d1) -> (0, 0, 0)>
module attributes {stable_mosaic.version = 14 : i64} {
  func.func @body(%arg0: i32, %arg1: i32, %arg2: memref<10000x144xbf16, #tpu.memory_space<hbm>>, %arg3: memref<32x5x25x80xi32, #tpu.memory_space<hbm>>, %arg4: memref<32x5x25x80xi32, #tpu.memory_space<hbm>>, %arg5: memref<2x10000x128xbf16, #tpu.memory_space<hbm>>, %arg6: memref<2x10000x16xbf16, #tpu.memory_space<hbm>>, %arg7: memref<25x80xi32, #tpu.memory_space<vmem>>, %arg8: memref<25x80xi32, #tpu.memory_space<vmem>>, %arg9: memref<7x80x144xbf16, #tpu.memory_space<vmem>>, %arg10: memref<!tpu.dma_semaphore, #tpu.memory_space<semaphore_mem>>, %arg11: memref<!tpu.dma_semaphore, #tpu.memory_space<semaphore_mem>>, %arg12: memref<10000x144xbf16, #tpu.memory_space<vmem_shared>>) attributes {dimension_semantics = [#tpu.dimension_semantics<core_parallel>, #tpu.dimension_semantics<subcore_parallel>], iteration_bounds = array<i64: 2, 16>, scalar_prefetch = 0 : i64, scratch_operands = 6 : i64, tpu.core_type = #tpu.core_type<sc_vector_subcore>, window_params = [{transform_indices = #map}, {transform_indices = #map1}, {transform_indices = #map1}, {transform_indices = #map2}, {transform_indices = #map2}]} {
    %mul3A = arith.constant 2 : i32
    %mul3A_0 = arith.muli %arg1, %mul3A : i32
    %add3A = arith.addi %mul3A_0, %arg0 : i32
    %mul3A_1 = arith.constant 624 : i32
    %mul3A_2 = arith.muli %arg1, %mul3A_1 : i32
    %scan3A = arith.constant 0 : i32
    %scan3A_3 = arith.constant 0 : i32
    %scan3A_4 = arith.constant 40 : i32
    %scan3A_5 = arith.addi %scan3A_3, %scan3A_4 : i32
    %scan3A_6 = arith.constant 1 : i32
    scf.for %scan3A_46 = %scan3A_3 to %scan3A_5 step %scan3A_6  : i32 {
      %broadcast_in_dim3A = arith.constant 0.000000e+00 : bf16
      %broadcast_in_dim3A_47 = vector.broadcast %broadcast_in_dim3A : bf16 to vector<2x16xbf16>
      %mul3A_48 = arith.constant 2 : i32
      %mul3A_49 = arith.muli %mul3A_48, %scan3A_46 : i32
      %swap3A = arith.constant 0 : i32
      %swap3A_50 = arith.index_cast %swap3A : i32 to index
      %swap3A_51 = arith.index_cast %mul3A_49 : i32 to index
      %swap3A_52 = arith.constant 0 : index
      %swap3A_53 = tpu.vector_load %arg9[%swap3A_50, %swap3A_51, %swap3A_52] {strides = array<i32>} : memref<7x80x144xbf16, #tpu.memory_space<vmem>>, vector<1x2x16xbf16>,
      %swap3A_54 = vector.shape_cast %swap3A_53 : vector<1x2x16xbf16> to vector<2x16xbf16>
      %swap3A_55 = vector.shape_cast %broadcast_in_dim3A_47 : vector<2x16xbf16> to vector<1x2x16xbf16>
      tpu.vector_store %arg9[%swap3A_50, %swap3A_51, %swap3A_52], %swap3A_55 {strides = array<i32>} : memref<7x80x144xbf16, #tpu.memory_space<vmem>>, vector<1x2x16xbf16>,
      %broadcast_in_dim3A_56 = arith.constant 0.000000e+00 : bf16
      %broadcast_in_dim3A_57 = vector.broadcast %broadcast_in_dim3A_56 : bf16 to vector<2x16xbf16>
      %mul3A_58 = arith.constant 2 : i32
      %mul3A_59 = arith.muli %mul3A_58, %scan3A_46 : i32
      %swap3A_60 = arith.constant 0 : i32
      %swap3A_61 = arith.index_cast %swap3A_60 : i32 to index
      %swap3A_62 = arith.index_cast %mul3A_59 : i32 to index
      %swap3A_63 = arith.constant 16 : index
      %swap3A_64 = tpu.vector_load %arg9[%swap3A_61, %swap3A_62, %swap3A_63] {strides = array<i32>} : memref<7x80x144xbf16, #tpu.memory_space<vmem>>, vector<1x2x16xbf16>,
      %swap3A_65 = vector.shape_cast %swap3A_64 : vector<1x2x16xbf16> to vector<2x16xbf16>
      %swap3A_66 = vector.shape_cast %broadcast_in_dim3A_57 : vector<2x16xbf16> to vector<1x2x16xbf16>
      tpu.vector_store %arg9[%swap3A_61, %swap3A_62, %swap3A_63], %swap3A_66 {strides = array<i32>} : memref<7x80x144xbf16, #tpu.memory_space<vmem>>, vector<1x2x16xbf16>,
      %broadcast_in_dim3A_67 = arith.constant 0.000000e+00 : bf16
      %broadcast_in_dim3A_68 = vector.broadcast %broadcast_in_dim3A_67 : bf16 to vector<2x16xbf16>
      %mul3A_69 = arith.constant 2 : i32
      %mul3A_70 = arith.muli %mul3A_69, %scan3A_46 : i32
      %swap3A_71 = arith.constant 0 : i32
      %swap3A_72 = arith.index_cast %swap3A_71 : i32 to index
      %swap3A_73 = arith.index_cast %mul3A_70 : i32 to index
      %swap3A_74 = arith.constant 32 : index
      %swap3A_75 = tpu.vector_load %arg9[%swap3A_72, %swap3A_73, %swap3A_74] {strides = array<i32>} : memref<7x80x144xbf16, #tpu.memory_space<vmem>>, vector<1x2x16xbf16>,
      %swap3A_76 = vector.shape_cast %swap3A_75 : vector<1x2x16xbf16> to vector<2x16xbf16>
      %swap3A_77 = vector.shape_cast %broadcast_in_dim3A_68 : vector<2x16xbf16> to vector<1x2x16xbf16>
      tpu.vector_store %arg9[%swap3A_72, %swap3A_73, %swap3A_74], %swap3A_77 {strides = array<i32>} : memref<7x80x144xbf16, #tpu.memory_space<vmem>>, vector<1x2x16xbf16>,
      %broadcast_in_dim3A_78 = arith.constant 0.000000e+00 : bf16
      %broadcast_in_dim3A_79 = vector.broadcast %broadcast_in_dim3A_78 : bf16 to vector<2x16xbf16>
      %mul3A_80 = arith.constant 2 : i32
      %mul3A_81 = arith.muli %mul3A_80, %scan3A_46 : i32
      %swap3A_82 = arith.constant 0 : i32
      %swap3A_83 = arith.index_cast %swap3A_82 : i32 to index
      %swap3A_84 = arith.index_cast %mul3A_81 : i32 to index
      %swap3A_85 = arith.constant 48 : index
      %swap3A_86 = tpu.vector_load %arg9[%swap3A_83, %swap3A_84, %swap3A_85] {strides = array<i32>} : memref<7x80x144xbf16, #tpu.memory_space<vmem>>, vector<1x2x16xbf16>,
      %swap3A_87 = vector.shape_cast %swap3A_86 : vector<1x2x16xbf16> to vector<2x16xbf16>
      %swap3A_88 = vector.shape_cast %broadcast_in_dim3A_79 : vector<2x16xbf16> to vector<1x2x16xbf16>
      tpu.vector_store %arg9[%swap3A_83, %swap3A_84, %swap3A_85], %swap3A_88 {strides = array<i32>} : memref<7x80x144xbf16, #tpu.memory_space<vmem>>, vector<1x2x16xbf16>,
      %broadcast_in_dim3A_89 = arith.constant 0.000000e+00 : bf16
      %broadcast_in_dim3A_90 = vector.broadcast %broadcast_in_dim3A_89 : bf16 to vector<2x16xbf16>
      %mul3A_91 = arith.constant 2 : i32
      %mul3A_92 = arith.muli %mul3A_91, %scan3A_46 : i32
      %swap3A_93 = arith.constant 0 : i32
      %swap3A_94 = arith.index_cast %swap3A_93 : i32 to index
      %swap3A_95 = arith.index_cast %mul3A_92 : i32 to index
      %swap3A_96 = arith.constant 64 : index
      %swap3A_97 = tpu.vector_load %arg9[%swap3A_94, %swap3A_95, %swap3A_96] {strides = array<i32>} : memref<7x80x144xbf16, #tpu.memory_space<vmem>>, vector<1x2x16xbf16>,
      %swap3A_98 = vector.shape_cast %swap3A_97 : vector<1x2x16xbf16> to vector<2x16xbf16>
      %swap3A_99 = vector.shape_cast %broadcast_in_dim3A_90 : vector<2x16xbf16> to vector<1x2x16xbf16>
      tpu.vector_store %arg9[%swap3A_94, %swap3A_95, %swap3A_96], %swap3A_99 {strides = array<i32>} : memref<7x80x144xbf16, #tpu.memory_space<vmem>>, vector<1x2x16xbf16>,
      %broadcast_in_dim3A_100 = arith.constant 0.000000e+00 : bf16
      %broadcast_in_dim3A_101 = vector.broadcast %broadcast_in_dim3A_100 : bf16 to vector<2x16xbf16>
      %mul3A_102 = arith.constant 2 : i32
      %mul3A_103 = arith.muli %mul3A_102, %scan3A_46 : i32
      %swap3A_104 = arith.constant 0 : i32
      %swap3A_105 = arith.index_cast %swap3A_104 : i32 to index
      %swap3A_106 = arith.index_cast %mul3A_103 : i32 to index
      %swap3A_107 = arith.constant 80 : index
      %swap3A_108 = tpu.vector_load %arg9[%swap3A_105, %swap3A_106, %swap3A_107] {strides = array<i32>} : memref<7x80x144xbf16, #tpu.memory_space<vmem>>, vector<1x2x16xbf16>,
      %swap3A_109 = vector.shape_cast %swap3A_108 : vector<1x2x16xbf16> to vector<2x16xbf16>
      %swap3A_110 = vector.shape_cast %broadcast_in_dim3A_101 : vector<2x16xbf16> to vector<1x2x16xbf16>
      tpu.vector_store %arg9[%swap3A_105, %swap3A_106, %swap3A_107], %swap3A_110 {strides = array<i32>} : memref<7x80x144xbf16, #tpu.memory_space<vmem>>, vector<1x2x16xbf16>,
      %broadcast_in_dim3A_111 = arith.constant 0.000000e+00 : bf16
      %broadcast_in_dim3A_112 = vector.broadcast %broadcast_in_dim3A_111 : bf16 to vector<2x16xbf16>
      %mul3A_113 = arith.constant 2 : i32
      %mul3A_114 = arith.muli %mul3A_113, %scan3A_46 : i32
      %swap3A_115 = arith.constant 0 : i32
      %swap3A_116 = arith.index_cast %swap3A_115 : i32 to index
      %swap3A_117 = arith.index_cast %mul3A_114 : i32 to index
      %swap3A_118 = arith.constant 96 : index
      %swap3A_119 = tpu.vector_load %arg9[%swap3A_116, %swap3A_117, %swap3A_118] {strides = array<i32>} : memref<7x80x144xbf16, #tpu.memory_space<vmem>>, vector<1x2x16xbf16>,
      %swap3A_120 = vector.shape_cast %swap3A_119 : vector<1x2x16xbf16> to vector<2x16xbf16>
      %swap3A_121 = vector.shape_cast %broadcast_in_dim3A_112 : vector<2x16xbf16> to vector<1x2x16xbf16>
      tpu.vector_store %arg9[%swap3A_116, %swap3A_117, %swap3A_118], %swap3A_121 {strides = array<i32>} : memref<7x80x144xbf16, #tpu.memory_space<vmem>>, vector<1x2x16xbf16>,
      %broadcast_in_dim3A_122 = arith.constant 0.000000e+00 : bf16
      %broadcast_in_dim3A_123 = vector.broadcast %broadcast_in_dim3A_122 : bf16 to vector<2x16xbf16>
      %mul3A_124 = arith.constant 2 : i32
      %mul3A_125 = arith.muli %mul3A_124, %scan3A_46 : i32
      %swap3A_126 = arith.constant 0 : i32
      %swap3A_127 = arith.index_cast %swap3A_126 : i32 to index
      %swap3A_128 = arith.index_cast %mul3A_125 : i32 to index
      %swap3A_129 = arith.constant 112 : index
      %swap3A_130 = tpu.vector_load %arg9[%swap3A_127, %swap3A_128, %swap3A_129] {strides = array<i32>} : memref<7x80x144xbf16, #tpu.memory_space<vmem>>, vector<1x2x16xbf16>,
      %swap3A_131 = vector.shape_cast %swap3A_130 : vector<1x2x16xbf16> to vector<2x16xbf16>
      %swap3A_132 = vector.shape_cast %broadcast_in_dim3A_123 : vector<2x16xbf16> to vector<1x2x16xbf16>
      tpu.vector_store %arg9[%swap3A_127, %swap3A_128, %swap3A_129], %swap3A_132 {strides = array<i32>} : memref<7x80x144xbf16, #tpu.memory_space<vmem>>, vector<1x2x16xbf16>,
      %broadcast_in_dim3A_133 = arith.constant 0.000000e+00 : bf16
      %broadcast_in_dim3A_134 = vector.broadcast %broadcast_in_dim3A_133 : bf16 to vector<2x16xbf16>
      %mul3A_135 = arith.constant 2 : i32
      %mul3A_136 = arith.muli %mul3A_135, %scan3A_46 : i32
      %swap3A_137 = arith.constant 0 : i32
      %swap3A_138 = arith.index_cast %swap3A_137 : i32 to index
      %swap3A_139 = arith.index_cast %mul3A_136 : i32 to index
      %swap3A_140 = arith.constant 128 : index
      %swap3A_141 = tpu.vector_load %arg9[%swap3A_138, %swap3A_139, %swap3A_140] {strides = array<i32>} : memref<7x80x144xbf16, #tpu.memory_space<vmem>>, vector<1x2x16xbf16>,
      %swap3A_142 = vector.shape_cast %swap3A_141 : vector<1x2x16xbf16> to vector<2x16xbf16>
      %swap3A_143 = vector.shape_cast %broadcast_in_dim3A_134 : vector<2x16xbf16> to vector<1x2x16xbf16>
      tpu.vector_store %arg9[%swap3A_138, %swap3A_139, %swap3A_140], %swap3A_143 {strides = array<i32>} : memref<7x80x144xbf16, #tpu.memory_space<vmem>>, vector<1x2x16xbf16>,
    }
    %scan3A_7 = arith.constant 40 : i32
    %add3A_8 = arith.constant 0 : i32
    %add3A_9 = arith.addi %mul3A_2, %add3A_8 : i32
    %run_scoped3A = arith.constant 0 : i32
    "tpu.region"() ({
      %run_scoped3A_46 = tpu.sem_alloc : memref<!tpu.dma_semaphore, #tpu.memory_space<semaphore_mem>>
      %dma_start3A = arith.constant 0 : i32
      %dma_start3A_47 = arith.constant 0 : i32
      %dma_start3A_48 = tpu.memref_slice %arg9[%run_scoped3A, %dma_start3A, %dma_start3A_47] : memref<7x80x144xbf16, #tpu.memory_space<vmem>> -> memref<1x80x144xbf16, #tpu.memory_space<vmem>>
      %dma_start3A_49 = tpu.memref_squeeze %dma_start3A_48 : memref<1x80x144xbf16, #tpu.memory_space<vmem>> -> memref<80x144xbf16, #tpu.memory_space<vmem>>
      %dma_start3A_50 = arith.constant 0 : i32
      %dma_start3A_51 = tpu.memref_slice %arg12[%add3A_9, %dma_start3A_50] : memref<10000x144xbf16, #tpu.memory_space<vmem_shared>> -> memref<80x144xbf16, #tpu.memory_space<vmem_shared>>
      %dma_start3A_52 = arith.constant 0 : i32
      %dma_start3A_53 = tpu.memref_slice %arg12[%add3A_9, %dma_start3A_52] : memref<10000x144xbf16, #tpu.memory_space<vmem_shared>> -> memref<80x144xbf16, #tpu.memory_space<vmem_shared>>
      %dma_start3A_54 = arith.constant 0 : i32
      %dma_start3A_55 = arith.constant 0 : i32
      %dma_start3A_56 = tpu.memref_slice %arg9[%run_scoped3A, %dma_start3A_54, %dma_start3A_55] : memref<7x80x144xbf16, #tpu.memory_space<vmem>> -> memref<1x80x144xbf16, #tpu.memory_space<vmem>>
      %dma_start3A_57 = tpu.memref_squeeze %dma_start3A_56 : memref<1x80x144xbf16, #tpu.memory_space<vmem>> -> memref<80x144xbf16, #tpu.memory_space<vmem>>
      tpu.enqueue_dma source(%dma_start3A_57 : memref<80x144xbf16, #tpu.memory_space<vmem>>) target(%dma_start3A_53 : memref<80x144xbf16, #tpu.memory_space<vmem_shared>>) target_semaphore(%run_scoped3A_46 : memref<!tpu.dma_semaphore, #tpu.memory_space<semaphore_mem>>)
      %dma_wait3A = arith.constant 0 : i32
      %dma_wait3A_58 = arith.constant 0 : i32
      %dma_wait3A_59 = tpu.memref_slice %arg9[%run_scoped3A, %dma_wait3A, %dma_wait3A_58] : memref<7x80x144xbf16, #tpu.memory_space<vmem>> -> memref<1x80x144xbf16, #tpu.memory_space<vmem>>
      %dma_wait3A_60 = tpu.memref_squeeze %dma_wait3A_59 : memref<1x80x144xbf16, #tpu.memory_space<vmem>> -> memref<80x144xbf16, #tpu.memory_space<vmem>>
      %dma_wait3A_61 = arith.constant 0 : i32
      %dma_wait3A_62 = tpu.memref_slice %arg12[%add3A_9, %dma_wait3A_61] : memref<10000x144xbf16, #tpu.memory_space<vmem_shared>> -> memref<80x144xbf16, #tpu.memory_space<vmem_shared>>
      %dma_wait3A_63 = arith.constant 0 : i32
      %dma_wait3A_64 = tpu.memref_slice %arg12[%add3A_9, %dma_wait3A_63] : memref<10000x144xbf16, #tpu.memory_space<vmem_shared>> -> memref<80x144xbf16, #tpu.memory_space<vmem_shared>>
      %dma_wait3A_65 = arith.constant 0 : i32
      %dma_wait3A_66 = arith.constant 0 : i32
      %dma_wait3A_67 = tpu.memref_slice %arg9[%run_scoped3A, %dma_wait3A_65, %dma_wait3A_66] : memref<7x80x144xbf16, #tpu.memory_space<vmem>> -> memref<1x80x144xbf16, #tpu.memory_space<vmem>>
      %dma_wait3A_68 = tpu.memref_squeeze %dma_wait3A_67 : memref<1x80x144xbf16, #tpu.memory_space<vmem>> -> memref<80x144xbf16, #tpu.memory_space<vmem>>
      tpu.wait_dma2 semaphore(%run_scoped3A_46 : memref<!tpu.dma_semaphore, #tpu.memory_space<semaphore_mem>>) src(%dma_wait3A_68 : memref<80x144xbf16, #tpu.memory_space<vmem>>) dst(%dma_wait3A_64 : memref<80x144xbf16, #tpu.memory_space<vmem_shared>>)
      tpu.yield
    }) : () -> ()
    %add3A_10 = arith.constant 80 : i32
    %add3A_11 = arith.addi %mul3A_2, %add3A_10 : i32
    %run_scoped3A_12 = arith.constant 0 : i32
    "tpu.region"() ({
      %run_scoped3A_46 = tpu.sem_alloc : memref<!tpu.dma_semaphore, #tpu.memory_space<semaphore_mem>>
      %dma_start3A = arith.constant 0 : i32
      %dma_start3A_47 = arith.constant 0 : i32
      %dma_start3A_48 = tpu.memref_slice %arg9[%run_scoped3A_12, %dma_start3A, %dma_start3A_47] : memref<7x80x144xbf16, #tpu.memory_space<vmem>> -> memref<1x80x144xbf16, #tpu.memory_space<vmem>>
      %dma_start3A_49 = tpu.memref_squeeze %dma_start3A_48 : memref<1x80x144xbf16, #tpu.memory_space<vmem>> -> memref<80x144xbf16, #tpu.memory_space<vmem>>
      %dma_start3A_50 = arith.constant 0 : i32
      %dma_start3A_51 = tpu.memref_slice %arg12[%add3A_11, %dma_start3A_50] : memref<10000x144xbf16, #tpu.memory_space<vmem_shared>> -> memref<80x144xbf16, #tpu.memory_space<vmem_shared>>
      %dma_start3A_52 = arith.constant 0 : i32
      %dma_start3A_53 = tpu.memref_slice %arg12[%add3A_11, %dma_start3A_52] : memref<10000x144xbf16, #tpu.memory_space<vmem_shared>> -> memref<80x144xbf16, #tpu.memory_space<vmem_shared>>
      %dma_start3A_54 = arith.constant 0 : i32
      %dma_start3A_55 = arith.constant 0 : i32
      %dma_start3A_56 = tpu.memref_slice %arg9[%run_scoped3A_12, %dma_start3A_54, %dma_start3A_55] : memref<7x80x144xbf16, #tpu.memory_space<vmem>> -> memref<1x80x144xbf16, #tpu.memory_space<vmem>>
      %dma_start3A_57 = tpu.memref_squeeze %dma_start3A_56 : memref<1x80x144xbf16, #tpu.memory_space<vmem>> -> memref<80x144xbf16, #tpu.memory_space<vmem>>
      tpu.enqueue_dma source(%dma_start3A_57 : memref<80x144xbf16, #tpu.memory_space<vmem>>) target(%dma_start3A_53 : memref<80x144xbf16, #tpu.memory_space<vmem_shared>>) target_semaphore(%run_scoped3A_46 : memref<!tpu.dma_semaphore, #tpu.memory_space<semaphore_mem>>)
      %dma_wait3A = arith.constant 0 : i32
      %dma_wait3A_58 = arith.constant 0 : i32
      %dma_wait3A_59 = tpu.memref_slice %arg9[%run_scoped3A_12, %dma_wait3A, %dma_wait3A_58] : memref<7x80x144xbf16, #tpu.memory_space<vmem>> -> memref<1x80x144xbf16, #tpu.memory_space<vmem>>
      %dma_wait3A_60 = tpu.memref_squeeze %dma_wait3A_59 : memref<1x80x144xbf16, #tpu.memory_space<vmem>> -> memref<80x144xbf16, #tpu.memory_space<vmem>>
      %dma_wait3A_61 = arith.constant 0 : i32
      %dma_wait3A_62 = tpu.memref_slice %arg12[%add3A_11, %dma_wait3A_61] : memref<10000x144xbf16, #tpu.memory_space<vmem_shared>> -> memref<80x144xbf16, #tpu.memory_space<vmem_shared>>
      %dma_wait3A_63 = arith.constant 0 : i32
      %dma_wait3A_64 = tpu.memref_slice %arg12[%add3A_11, %dma_wait3A_63] : memref<10000x144xbf16, #tpu.memory_space<vmem_shared>> -> memref<80x144xbf16, #tpu.memory_space<vmem_shared>>
      %dma_wait3A_65 = arith.constant 0 : i32
      %dma_wait3A_66 = arith.constant 0 : i32
      %dma_wait3A_67 = tpu.memref_slice %arg9[%run_scoped3A_12, %dma_wait3A_65, %dma_wait3A_66] : memref<7x80x144xbf16, #tpu.memory_space<vmem>> -> memref<1x80x144xbf16, #tpu.memory_space<vmem>>
      %dma_wait3A_68 = tpu.memref_squeeze %dma_wait3A_67 : memref<1x80x144xbf16, #tpu.memory_space<vmem>> -> memref<80x144xbf16, #tpu.memory_space<vmem>>
      tpu.wait_dma2 semaphore(%run_scoped3A_46 : memref<!tpu.dma_semaphore, #tpu.memory_space<semaphore_mem>>) src(%dma_wait3A_68 : memref<80x144xbf16, #tpu.memory_space<vmem>>) dst(%dma_wait3A_64 : memref<80x144xbf16, #tpu.memory_space<vmem_shared>>)
      tpu.yield
    }) : () -> ()
    %add3A_13 = arith.constant 160 : i32
    %add3A_14 = arith.addi %mul3A_2, %add3A_13 : i32
    %run_scoped3A_15 = arith.constant 0 : i32
    "tpu.region"() ({
      %run_scoped3A_46 = tpu.sem_alloc : memref<!tpu.dma_semaphore, #tpu.memory_space<semaphore_mem>>
      %dma_start3A = arith.constant 0 : i32
      %dma_start3A_47 = arith.constant 0 : i32
      %dma_start3A_48 = tpu.memref_slice %arg9[%run_scoped3A_15, %dma_start3A, %dma_start3A_47] : memref<7x80x144xbf16, #tpu.memory_space<vmem>> -> memref<1x80x144xbf16, #tpu.memory_space<vmem>>
      %dma_start3A_49 = tpu.memref_squeeze %dma_start3A_48 : memref<1x80x144xbf16, #tpu.memory_space<vmem>> -> memref<80x144xbf16, #tpu.memory_space<vmem>>
      %dma_start3A_50 = arith.constant 0 : i32
      %dma_start3A_51 = tpu.memref_slice %arg12[%add3A_14, %dma_start3A_50] : memref<10000x144xbf16, #tpu.memory_space<vmem_shared>> -> memref<80x144xbf16, #tpu.memory_space<vmem_shared>>
      %dma_start3A_52 = arith.constant 0 : i32
      %dma_start3A_53 = tpu.memref_slice %arg12[%add3A_14, %dma_start3A_52] : memref<10000x144xbf16, #tpu.memory_space<vmem_shared>> -> memref<80x144xbf16, #tpu.memory_space<vmem_shared>>
      %dma_start3A_54 = arith.constant 0 : i32
      %dma_start3A_55 = arith.constant 0 : i32
      %dma_start3A_56 = tpu.memref_slice %arg9[%run_scoped3A_15, %dma_start3A_54, %dma_start3A_55] : memref<7x80x144xbf16, #tpu.memory_space<vmem>> -> memref<1x80x144xbf16, #tpu.memory_space<vmem>>
      %dma_start3A_57 = tpu.memref_squeeze %dma_start3A_56 : memref<1x80x144xbf16, #tpu.memory_space<vmem>> -> memref<80x144xbf16, #tpu.memory_space<vmem>>
      tpu.enqueue_dma source(%dma_start3A_57 : memref<80x144xbf16, #tpu.memory_space<vmem>>) target(%dma_start3A_53 : memref<80x144xbf16, #tpu.memory_space<vmem_shared>>) target_semaphore(%run_scoped3A_46 : memref<!tpu.dma_semaphore, #tpu.memory_space<semaphore_mem>>)
      %dma_wait3A = arith.constant 0 : i32
      %dma_wait3A_58 = arith.constant 0 : i32
      %dma_wait3A_59 = tpu.memref_slice %arg9[%run_scoped3A_15, %dma_wait3A, %dma_wait3A_58] : memref<7x80x144xbf16, #tpu.memory_space<vmem>> -> memref<1x80x144xbf16, #tpu.memory_space<vmem>>
      %dma_wait3A_60 = tpu.memref_squeeze %dma_wait3A_59 : memref<1x80x144xbf16, #tpu.memory_space<vmem>> -> memref<80x144xbf16, #tpu.memory_space<vmem>>
      %dma_wait3A_61 = arith.constant 0 : i32
      %dma_wait3A_62 = tpu.memref_slice %arg12[%add3A_14, %dma_wait3A_61] : memref<10000x144xbf16, #tpu.memory_space<vmem_shared>> -> memref<80x144xbf16, #tpu.memory_space<vmem_shared>>
      %dma_wait3A_63 = arith.constant 0 : i32
      %dma_wait3A_64 = tpu.memref_slice %arg12[%add3A_14, %dma_wait3A_63] : memref<10000x144xbf16, #tpu.memory_space<vmem_shared>> -> memref<80x144xbf16, #tpu.memory_space<vmem_shared>>
      %dma_wait3A_65 = arith.constant 0 : i32
      %dma_wait3A_66 = arith.constant 0 : i32
      %dma_wait3A_67 = tpu.memref_slice %arg9[%run_scoped3A_15, %dma_wait3A_65, %dma_wait3A_66] : memref<7x80x144xbf16, #tpu.memory_space<vmem>> -> memref<1x80x144xbf16, #tpu.memory_space<vmem>>
      %dma_wait3A_68 = tpu.memref_squeeze %dma_wait3A_67 : memref<1x80x144xbf16, #tpu.memory_space<vmem>> -> memref<80x144xbf16, #tpu.memory_space<vmem>>
      tpu.wait_dma2 semaphore(%run_scoped3A_46 : memref<!tpu.dma_semaphore, #tpu.memory_space<semaphore_mem>>) src(%dma_wait3A_68 : memref<80x144xbf16, #tpu.memory_space<vmem>>) dst(%dma_wait3A_64 : memref<80x144xbf16, #tpu.memory_space<vmem_shared>>)
      tpu.yield
    }) : () -> ()
    %add3A_16 = arith.constant 240 : i32
    %add3A_17 = arith.addi %mul3A_2, %add3A_16 : i32
    %run_scoped3A_18 = arith.constant 0 : i32
    "tpu.region"() ({
      %run_scoped3A_46 = tpu.sem_alloc : memref<!tpu.dma_semaphore, #tpu.memory_space<semaphore_mem>>
      %dma_start3A = arith.constant 0 : i32
      %dma_start3A_47 = arith.constant 0 : i32
      %dma_start3A_48 = tpu.memref_slice %arg9[%run_scoped3A_18, %dma_start3A, %dma_start3A_47] : memref<7x80x144xbf16, #tpu.memory_space<vmem>> -> memref<1x80x144xbf16, #tpu.memory_space<vmem>>
      %dma_start3A_49 = tpu.memref_squeeze %dma_start3A_48 : memref<1x80x144xbf16, #tpu.memory_space<vmem>> -> memref<80x144xbf16, #tpu.memory_space<vmem>>
      %dma_start3A_50 = arith.constant 0 : i32
      %dma_start3A_51 = tpu.memref_slice %arg12[%add3A_17, %dma_start3A_50] : memref<10000x144xbf16, #tpu.memory_space<vmem_shared>> -> memref<80x144xbf16, #tpu.memory_space<vmem_shared>>
      %dma_start3A_52 = arith.constant 0 : i32
      %dma_start3A_53 = tpu.memref_slice %arg12[%add3A_17, %dma_start3A_52] : memref<10000x144xbf16, #tpu.memory_space<vmem_shared>> -> memref<80x144xbf16, #tpu.memory_space<vmem_shared>>
      %dma_start3A_54 = arith.constant 0 : i32
      %dma_start3A_55 = arith.constant 0 : i32
      %dma_start3A_56 = tpu.memref_slice %arg9[%run_scoped3A_18, %dma_start3A_54, %dma_start3A_55] : memref<7x80x144xbf16, #tpu.memory_space<vmem>> -> memref<1x80x144xbf16, #tpu.memory_space<vmem>>
      %dma_start3A_57 = tpu.memref_squeeze %dma_start3A_56 : memref<1x80x144xbf16, #tpu.memory_space<vmem>> -> memref<80x144xbf16, #tpu.memory_space<vmem>>
      tpu.enqueue_dma source(%dma_start3A_57 : memref<80x144xbf16, #tpu.memory_space<vmem>>) target(%dma_start3A_53 : memref<80x144xbf16, #tpu.memory_space<vmem_shared>>) target_semaphore(%run_scoped3A_46 : memref<!tpu.dma_semaphore, #tpu.memory_space<semaphore_mem>>)
      %dma_wait3A = arith.constant 0 : i32
      %dma_wait3A_58 = arith.constant 0 : i32
      %dma_wait3A_59 = tpu.memref_slice %arg9[%run_scoped3A_18, %dma_wait3A, %dma_wait3A_58] : memref<7x80x144xbf16, #tpu.memory_space<vmem>> -> memref<1x80x144xbf16, #tpu.memory_space<vmem>>
      %dma_wait3A_60 = tpu.memref_squeeze %dma_wait3A_59 : memref<1x80x144xbf16, #tpu.memory_space<vmem>> -> memref<80x144xbf16, #tpu.memory_space<vmem>>
      %dma_wait3A_61 = arith.constant 0 : i32
      %dma_wait3A_62 = tpu.memref_slice %arg12[%add3A_17, %dma_wait3A_61] : memref<10000x144xbf16, #tpu.memory_space<vmem_shared>> -> memref<80x144xbf16, #tpu.memory_space<vmem_shared>>
      %dma_wait3A_63 = arith.constant 0 : i32
      %dma_wait3A_64 = tpu.memref_slice %arg12[%add3A_17, %dma_wait3A_63] : memref<10000x144xbf16, #tpu.memory_space<vmem_shared>> -> memref<80x144xbf16, #tpu.memory_space<vmem_shared>>
      %dma_wait3A_65 = arith.constant 0 : i32
      %dma_wait3A_66 = arith.constant 0 : i32
      %dma_wait3A_67 = tpu.memref_slice %arg9[%run_scoped3A_18, %dma_wait3A_65, %dma_wait3A_66] : memref<7x80x144xbf16, #tpu.memory_space<vmem>> -> memref<1x80x144xbf16, #tpu.memory_space<vmem>>
      %dma_wait3A_68 = tpu.memref_squeeze %dma_wait3A_67 : memref<1x80x144xbf16, #tpu.memory_space<vmem>> -> memref<80x144xbf16, #tpu.memory_space<vmem>>
      tpu.wait_dma2 semaphore(%run_scoped3A_46 : memref<!tpu.dma_semaphore, #tpu.memory_space<semaphore_mem>>) src(%dma_wait3A_68 : memref<80x144xbf16, #tpu.memory_space<vmem>>) dst(%dma_wait3A_64 : memref<80x144xbf16, #tpu.memory_space<vmem_shared>>)
      tpu.yield
    }) : () -> ()
    %add3A_19 = arith.constant 320 : i32
    %add3A_20 = arith.addi %mul3A_2, %add3A_19 : i32
    %run_scoped3A_21 = arith.constant 0 : i32
    "tpu.region"() ({
      %run_scoped3A_46 = tpu.sem_alloc : memref<!tpu.dma_semaphore, #tpu.memory_space<semaphore_mem>>
      %dma_start3A = arith.constant 0 : i32
      %dma_start3A_47 = arith.constant 0 : i32
      %dma_start3A_48 = tpu.memref_slice %arg9[%run_scoped3A_21, %dma_start3A, %dma_start3A_47] : memref<7x80x144xbf16, #tpu.memory_space<vmem>> -> memref<1x80x144xbf16, #tpu.memory_space<vmem>>
      %dma_start3A_49 = tpu.memref_squeeze %dma_start3A_48 : memref<1x80x144xbf16, #tpu.memory_space<vmem>> -> memref<80x144xbf16, #tpu.memory_space<vmem>>
      %dma_start3A_50 = arith.constant 0 : i32
      %dma_start3A_51 = tpu.memref_slice %arg12[%add3A_20, %dma_start3A_50] : memref<10000x144xbf16, #tpu.memory_space<vmem_shared>> -> memref<80x144xbf16, #tpu.memory_space<vmem_shared>>
      %dma_start3A_52 = arith.constant 0 : i32
      %dma_start3A_53 = tpu.memref_slice %arg12[%add3A_20, %dma_start3A_52] : memref<10000x144xbf16, #tpu.memory_space<vmem_shared>> -> memref<80x144xbf16, #tpu.memory_space<vmem_shared>>
      %dma_start3A_54 = arith.constant 0 : i32
      %dma_start3A_55 = arith.constant 0 : i32
      %dma_start3A_56 = tpu.memref_slice %arg9[%run_scoped3A_21, %dma_start3A_54, %dma_start3A_55] : memref<7x80x144xbf16, #tpu.memory_space<vmem>> -> memref<1x80x144xbf16, #tpu.memory_space<vmem>>
      %dma_start3A_57 = tpu.memref_squeeze %dma_start3A_56 : memref<1x80x144xbf16, #tpu.memory_space<vmem>> -> memref<80x144xbf16, #tpu.memory_space<vmem>>
      tpu.enqueue_dma source(%dma_start3A_57 : memref<80x144xbf16, #tpu.memory_space<vmem>>) target(%dma_start3A_53 : memref<80x144xbf16, #tpu.memory_space<vmem_shared>>) target_semaphore(%run_scoped3A_46 : memref<!tpu.dma_semaphore, #tpu.memory_space<semaphore_mem>>)
      %dma_wait3A = arith.constant 0 : i32
      %dma_wait3A_58 = arith.constant 0 : i32
      %dma_wait3A_59 = tpu.memref_slice %arg9[%run_scoped3A_21, %dma_wait3A, %dma_wait3A_58] : memref<7x80x144xbf16, #tpu.memory_space<vmem>> -> memref<1x80x144xbf16, #tpu.memory_space<vmem>>
      %dma_wait3A_60 = tpu.memref_squeeze %dma_wait3A_59 : memref<1x80x144xbf16, #tpu.memory_space<vmem>> -> memref<80x144xbf16, #tpu.memory_space<vmem>>
      %dma_wait3A_61 = arith.constant 0 : i32
      %dma_wait3A_62 = tpu.memref_slice %arg12[%add3A_20, %dma_wait3A_61] : memref<10000x144xbf16, #tpu.memory_space<vmem_shared>> -> memref<80x144xbf16, #tpu.memory_space<vmem_shared>>
      %dma_wait3A_63 = arith.constant 0 : i32
      %dma_wait3A_64 = tpu.memref_slice %arg12[%add3A_20, %dma_wait3A_63] : memref<10000x144xbf16, #tpu.memory_space<vmem_shared>> -> memref<80x144xbf16, #tpu.memory_space<vmem_shared>>
      %dma_wait3A_65 = arith.constant 0 : i32
      %dma_wait3A_66 = arith.constant 0 : i32
      %dma_wait3A_67 = tpu.memref_slice %arg9[%run_scoped3A_21, %dma_wait3A_65, %dma_wait3A_66] : memref<7x80x144xbf16, #tpu.memory_space<vmem>> -> memref<1x80x144xbf16, #tpu.memory_space<vmem>>
      %dma_wait3A_68 = tpu.memref_squeeze %dma_wait3A_67 : memref<1x80x144xbf16, #tpu.memory_space<vmem>> -> memref<80x144xbf16, #tpu.memory_space<vmem>>
      tpu.wait_dma2 semaphore(%run_scoped3A_46 : memref<!tpu.dma_semaphore, #tpu.memory_space<semaphore_mem>>) src(%dma_wait3A_68 : memref<80x144xbf16, #tpu.memory_space<vmem>>) dst(%dma_wait3A_64 : memref<80x144xbf16, #tpu.memory_space<vmem_shared>>)
      tpu.yield
    }) : () -> ()
    %add3A_22 = arith.constant 400 : i32
    %add3A_23 = arith.addi %mul3A_2, %add3A_22 : i32
    %run_scoped3A_24 = arith.constant 0 : i32
    "tpu.region"() ({
      %run_scoped3A_46 = tpu.sem_alloc : memref<!tpu.dma_semaphore, #tpu.memory_space<semaphore_mem>>
      %dma_start3A = arith.constant 0 : i32
      %dma_start3A_47 = arith.constant 0 : i32
      %dma_start3A_48 = tpu.memref_slice %arg9[%run_scoped3A_24, %dma_start3A, %dma_start3A_47] : memref<7x80x144xbf16, #tpu.memory_space<vmem>> -> memref<1x80x144xbf16, #tpu.memory_space<vmem>>
      %dma_start3A_49 = tpu.memref_squeeze %dma_start3A_48 : memref<1x80x144xbf16, #tpu.memory_space<vmem>> -> memref<80x144xbf16, #tpu.memory_space<vmem>>
      %dma_start3A_50 = arith.constant 0 : i32
      %dma_start3A_51 = tpu.memref_slice %arg12[%add3A_23, %dma_start3A_50] : memref<10000x144xbf16, #tpu.memory_space<vmem_shared>> -> memref<80x144xbf16, #tpu.memory_space<vmem_shared>>
      %dma_start3A_52 = arith.constant 0 : i32
      %dma_start3A_53 = tpu.memref_slice %arg12[%add3A_23, %dma_start3A_52] : memref<10000x144xbf16, #tpu.memory_space<vmem_shared>> -> memref<80x144xbf16, #tpu.memory_space<vmem_shared>>
      %dma_start3A_54 = arith.constant 0 : i32
      %dma_start3A_55 = arith.constant 0 : i32
      %dma_start3A_56 = tpu.memref_slice %arg9[%run_scoped3A_24, %dma_start3A_54, %dma_start3A_55] : memref<7x80x144xbf16, #tpu.memory_space<vmem>> -> memref<1x80x144xbf16, #tpu.memory_space<vmem>>
      %dma_start3A_57 = tpu.memref_squeeze %dma_start3A_56 : memref<1x80x144xbf16, #tpu.memory_space<vmem>> -> memref<80x144xbf16, #tpu.memory_space<vmem>>
      tpu.enqueue_dma source(%dma_start3A_57 : memref<80x144xbf16, #tpu.memory_space<vmem>>) target(%dma_start3A_53 : memref<80x144xbf16, #tpu.memory_space<vmem_shared>>) target_semaphore(%run_scoped3A_46 : memref<!tpu.dma_semaphore, #tpu.memory_space<semaphore_mem>>)
      %dma_wait3A = arith.constant 0 : i32
      %dma_wait3A_58 = arith.constant 0 : i32
      %dma_wait3A_59 = tpu.memref_slice %arg9[%run_scoped3A_24, %dma_wait3A, %dma_wait3A_58] : memref<7x80x144xbf16, #tpu.memory_space<vmem>> -> memref<1x80x144xbf16, #tpu.memory_space<vmem>>
      %dma_wait3A_60 = tpu.memref_squeeze %dma_wait3A_59 : memref<1x80x144xbf16, #tpu.memory_space<vmem>> -> memref<80x144xbf16, #tpu.memory_space<vmem>>
      %dma_wait3A_61 = arith.constant 0 : i32
      %dma_wait3A_62 = tpu.memref_slice %arg12[%add3A_23, %dma_wait3A_61] : memref<10000x144xbf16, #tpu.memory_space<vmem_shared>> -> memref<80x144xbf16, #tpu.memory_space<vmem_shared>>
      %dma_wait3A_63 = arith.constant 0 : i32
      %dma_wait3A_64 = tpu.memref_slice %arg12[%add3A_23, %dma_wait3A_63] : memref<10000x144xbf16, #tpu.memory_space<vmem_shared>> -> memref<80x144xbf16, #tpu.memory_space<vmem_shared>>
      %dma_wait3A_65 = arith.constant 0 : i32
      %dma_wait3A_66 = arith.constant 0 : i32
      %dma_wait3A_67 = tpu.memref_slice %arg9[%run_scoped3A_24, %dma_wait3A_65, %dma_wait3A_66] : memref<7x80x144xbf16, #tpu.memory_space<vmem>> -> memref<1x80x144xbf16, #tpu.memory_space<vmem>>
      %dma_wait3A_68 = tpu.memref_squeeze %dma_wait3A_67 : memref<1x80x144xbf16, #tpu.memory_space<vmem>> -> memref<80x144xbf16, #tpu.memory_space<vmem>>
      tpu.wait_dma2 semaphore(%run_scoped3A_46 : memref<!tpu.dma_semaphore, #tpu.memory_space<semaphore_mem>>) src(%dma_wait3A_68 : memref<80x144xbf16, #tpu.memory_space<vmem>>) dst(%dma_wait3A_64 : memref<80x144xbf16, #tpu.memory_space<vmem_shared>>)
      tpu.yield
    }) : () -> ()
    %add3A_25 = arith.constant 480 : i32
    %add3A_26 = arith.addi %mul3A_2, %add3A_25 : i32
    %run_scoped3A_27 = arith.constant 0 : i32
    "tpu.region"() ({
      %run_scoped3A_46 = tpu.sem_alloc : memref<!tpu.dma_semaphore, #tpu.memory_space<semaphore_mem>>
      %dma_start3A = arith.constant 0 : i32
      %dma_start3A_47 = arith.constant 0 : i32
      %dma_start3A_48 = tpu.memref_slice %arg9[%run_scoped3A_27, %dma_start3A, %dma_start3A_47] : memref<7x80x144xbf16, #tpu.memory_space<vmem>> -> memref<1x80x144xbf16, #tpu.memory_space<vmem>>
      %dma_start3A_49 = tpu.memref_squeeze %dma_start3A_48 : memref<1x80x144xbf16, #tpu.memory_space<vmem>> -> memref<80x144xbf16, #tpu.memory_space<vmem>>
      %dma_start3A_50 = arith.constant 0 : i32
      %dma_start3A_51 = tpu.memref_slice %arg12[%add3A_26, %dma_start3A_50] : memref<10000x144xbf16, #tpu.memory_space<vmem_shared>> -> memref<80x144xbf16, #tpu.memory_space<vmem_shared>>
      %dma_start3A_52 = arith.constant 0 : i32
      %dma_start3A_53 = tpu.memref_slice %arg12[%add3A_26, %dma_start3A_52] : memref<10000x144xbf16, #tpu.memory_space<vmem_shared>> -> memref<80x144xbf16, #tpu.memory_space<vmem_shared>>
      %dma_start3A_54 = arith.constant 0 : i32
      %dma_start3A_55 = arith.constant 0 : i32
      %dma_start3A_56 = tpu.memref_slice %arg9[%run_scoped3A_27, %dma_start3A_54, %dma_start3A_55] : memref<7x80x144xbf16, #tpu.memory_space<vmem>> -> memref<1x80x144xbf16, #tpu.memory_space<vmem>>
      %dma_start3A_57 = tpu.memref_squeeze %dma_start3A_56 : memref<1x80x144xbf16, #tpu.memory_space<vmem>> -> memref<80x144xbf16, #tpu.memory_space<vmem>>
      tpu.enqueue_dma source(%dma_start3A_57 : memref<80x144xbf16, #tpu.memory_space<vmem>>) target(%dma_start3A_53 : memref<80x144xbf16, #tpu.memory_space<vmem_shared>>) target_semaphore(%run_scoped3A_46 : memref<!tpu.dma_semaphore, #tpu.memory_space<semaphore_mem>>)
      %dma_wait3A = arith.constant 0 : i32
      %dma_wait3A_58 = arith.constant 0 : i32
      %dma_wait3A_59 = tpu.memref_slice %arg9[%run_scoped3A_27, %dma_wait3A, %dma_wait3A_58] : memref<7x80x144xbf16, #tpu.memory_space<vmem>> -> memref<1x80x144xbf16, #tpu.memory_space<vmem>>
      %dma_wait3A_60 = tpu.memref_squeeze %dma_wait3A_59 : memref<1x80x144xbf16, #tpu.memory_space<vmem>> -> memref<80x144xbf16, #tpu.memory_space<vmem>>
      %dma_wait3A_61 = arith.constant 0 : i32
      %dma_wait3A_62 = tpu.memref_slice %arg12[%add3A_26, %dma_wait3A_61] : memref<10000x144xbf16, #tpu.memory_space<vmem_shared>> -> memref<80x144xbf16, #tpu.memory_space<vmem_shared>>
      %dma_wait3A_63 = arith.constant 0 : i32
      %dma_wait3A_64 = tpu.memref_slice %arg12[%add3A_26, %dma_wait3A_63] : memref<10000x144xbf16, #tpu.memory_space<vmem_shared>> -> memref<80x144xbf16, #tpu.memory_space<vmem_shared>>
      %dma_wait3A_65 = arith.constant 0 : i32
      %dma_wait3A_66 = arith.constant 0 : i32
      %dma_wait3A_67 = tpu.memref_slice %arg9[%run_scoped3A_27, %dma_wait3A_65, %dma_wait3A_66] : memref<7x80x144xbf16, #tpu.memory_space<vmem>> -> memref<1x80x144xbf16, #tpu.memory_space<vmem>>
      %dma_wait3A_68 = tpu.memref_squeeze %dma_wait3A_67 : memref<1x80x144xbf16, #tpu.memory_space<vmem>> -> memref<80x144xbf16, #tpu.memory_space<vmem>>
      tpu.wait_dma2 semaphore(%run_scoped3A_46 : memref<!tpu.dma_semaphore, #tpu.memory_space<semaphore_mem>>) src(%dma_wait3A_68 : memref<80x144xbf16, #tpu.memory_space<vmem>>) dst(%dma_wait3A_64 : memref<80x144xbf16, #tpu.memory_space<vmem_shared>>)
      tpu.yield
    }) : () -> ()
    %add3A_28 = arith.constant 560 : i32
    %add3A_29 = arith.addi %mul3A_2, %add3A_28 : i32
    %run_scoped3A_30 = arith.constant 0 : i32
    "tpu.region"() ({
      %run_scoped3A_46 = tpu.sem_alloc : memref<!tpu.dma_semaphore, #tpu.memory_space<semaphore_mem>>
      %dma_start3A = arith.constant 0 : i32
      %dma_start3A_47 = arith.constant 0 : i32
      %dma_start3A_48 = tpu.memref_slice %arg9[%run_scoped3A_30, %dma_start3A, %dma_start3A_47] : memref<7x80x144xbf16, #tpu.memory_space<vmem>> -> memref<1x80x144xbf16, #tpu.memory_space<vmem>>
      %dma_start3A_49 = tpu.memref_squeeze %dma_start3A_48 : memref<1x80x144xbf16, #tpu.memory_space<vmem>> -> memref<80x144xbf16, #tpu.memory_space<vmem>>
      %dma_start3A_50 = arith.constant 0 : i32
      %dma_start3A_51 = arith.constant 0 : i32
      %dma_start3A_52 = tpu.memref_slice %dma_start3A_49[%dma_start3A_50, %dma_start3A_51] : memref<80x144xbf16, #tpu.memory_space<vmem>> -> memref<64x144xbf16, #tpu.memory_space<vmem>>
      %dma_start3A_53 = arith.constant 0 : i32
      %dma_start3A_54 = tpu.memref_slice %arg12[%add3A_29, %dma_start3A_53] : memref<10000x144xbf16, #tpu.memory_space<vmem_shared>> -> memref<64x144xbf16, #tpu.memory_space<vmem_shared>>
      %dma_start3A_55 = arith.constant 0 : i32
      %dma_start3A_56 = tpu.memref_slice %arg12[%add3A_29, %dma_start3A_55] : memref<10000x144xbf16, #tpu.memory_space<vmem_shared>> -> memref<64x144xbf16, #tpu.memory_space<vmem_shared>>
      %dma_start3A_57 = arith.constant 0 : i32
      %dma_start3A_58 = arith.constant 0 : i32
      %dma_start3A_59 = tpu.memref_slice %arg9[%run_scoped3A_30, %dma_start3A_57, %dma_start3A_58] : memref<7x80x144xbf16, #tpu.memory_space<vmem>> -> memref<1x80x144xbf16, #tpu.memory_space<vmem>>
      %dma_start3A_60 = tpu.memref_squeeze %dma_start3A_59 : memref<1x80x144xbf16, #tpu.memory_space<vmem>> -> memref<80x144xbf16, #tpu.memory_space<vmem>>
      %dma_start3A_61 = arith.constant 0 : i32
      %dma_start3A_62 = arith.constant 0 : i32
      %dma_start3A_63 = tpu.memref_slice %dma_start3A_60[%dma_start3A_61, %dma_start3A_62] : memref<80x144xbf16, #tpu.memory_space<vmem>> -> memref<64x144xbf16, #tpu.memory_space<vmem>>
      tpu.enqueue_dma source(%dma_start3A_63 : memref<64x144xbf16, #tpu.memory_space<vmem>>) target(%dma_start3A_56 : memref<64x144xbf16, #tpu.memory_space<vmem_shared>>) target_semaphore(%run_scoped3A_46 : memref<!tpu.dma_semaphore, #tpu.memory_space<semaphore_mem>>)
      %dma_wait3A = arith.constant 0 : i32
      %dma_wait3A_64 = arith.constant 0 : i32
      %dma_wait3A_65 = tpu.memref_slice %arg9[%run_scoped3A_30, %dma_wait3A, %dma_wait3A_64] : memref<7x80x144xbf16, #tpu.memory_space<vmem>> -> memref<1x80x144xbf16, #tpu.memory_space<vmem>>
      %dma_wait3A_66 = tpu.memref_squeeze %dma_wait3A_65 : memref<1x80x144xbf16, #tpu.memory_space<vmem>> -> memref<80x144xbf16, #tpu.memory_space<vmem>>
      %dma_wait3A_67 = arith.constant 0 : i32
      %dma_wait3A_68 = arith.constant 0 : i32
      %dma_wait3A_69 = tpu.memref_slice %dma_wait3A_66[%dma_wait3A_67, %dma_wait3A_68] : memref<80x144xbf16, #tpu.memory_space<vmem>> -> memref<64x144xbf16, #tpu.memory_space<vmem>>
      %dma_wait3A_70 = arith.constant 0 : i32
      %dma_wait3A_71 = tpu.memref_slice %arg12[%add3A_29, %dma_wait3A_70] : memref<10000x144xbf16, #tpu.memory_space<vmem_shared>> -> memref<64x144xbf16, #tpu.memory_space<vmem_shared>>
      %dma_wait3A_72 = arith.constant 0 : i32
      %dma_wait3A_73 = tpu.memref_slice %arg12[%add3A_29, %dma_wait3A_72] : memref<10000x144xbf16, #tpu.memory_space<vmem_shared>> -> memref<64x144xbf16, #tpu.memory_space<vmem_shared>>
      %dma_wait3A_74 = arith.constant 0 : i32
      %dma_wait3A_75 = arith.constant 0 : i32
      %dma_wait3A_76 = tpu.memref_slice %arg9[%run_scoped3A_30, %dma_wait3A_74, %dma_wait3A_75] : memref<7x80x144xbf16, #tpu.memory_space<vmem>> -> memref<1x80x144xbf16, #tpu.memory_space<vmem>>
      %dma_wait3A_77 = tpu.memref_squeeze %dma_wait3A_76 : memref<1x80x144xbf16, #tpu.memory_space<vmem>> -> memref<80x144xbf16, #tpu.memory_space<vmem>>
      %dma_wait3A_78 = arith.constant 0 : i32
      %dma_wait3A_79 = arith.constant 0 : i32
      %dma_wait3A_80 = tpu.memref_slice %dma_wait3A_77[%dma_wait3A_78, %dma_wait3A_79] : memref<80x144xbf16, #tpu.memory_space<vmem>> -> memref<64x144xbf16, #tpu.memory_space<vmem>>
      tpu.wait_dma2 semaphore(%run_scoped3A_46 : memref<!tpu.dma_semaphore, #tpu.memory_space<semaphore_mem>>) src(%dma_wait3A_80 : memref<64x144xbf16, #tpu.memory_space<vmem>>) dst(%dma_wait3A_73 : memref<64x144xbf16, #tpu.memory_space<vmem_shared>>)
      tpu.yield
    }) : () -> ()
    %eq3A = arith.constant 15 : i32
    %eq3A_31 = arith.cmpi eq, %arg1, %eq3A : i32
    %convert_element_type3A = arith.extui %eq3A_31 : i1 to i32
    %cond3A = arith.constant 0 : i32
    %cond3A_32 = arith.constant 0 : i32
    %cond3A_33 = arith.cmpi ne, %convert_element_type3A, %cond3A_32 : i32
    scf.if %cond3A_33 {
      "tpu.region"() ({
        %run_scoped3A_46 = tpu.sem_alloc : memref<!tpu.dma_semaphore, #tpu.memory_space<semaphore_mem>>
        %dma_start3A = arith.constant 0 : i32
        %dma_start3A_47 = arith.constant 0 : i32
        %dma_start3A_48 = tpu.memref_slice %arg9[%cond3A, %dma_start3A, %dma_start3A_47] : memref<7x80x144xbf16, #tpu.memory_space<vmem>> -> memref<1x80x144xbf16, #tpu.memory_space<vmem>>
        %dma_start3A_49 = tpu.memref_squeeze %dma_start3A_48 : memref<1x80x144xbf16, #tpu.memory_space<vmem>> -> memref<80x144xbf16, #tpu.memory_space<vmem>>
        %dma_start3A_50 = arith.constant 0 : i32
        %dma_start3A_51 = arith.constant 0 : i32
        %dma_start3A_52 = tpu.memref_slice %dma_start3A_49[%dma_start3A_50, %dma_start3A_51] : memref<80x144xbf16, #tpu.memory_space<vmem>> -> memref<16x144xbf16, #tpu.memory_space<vmem>>
        %dma_start3A_53 = arith.constant 9984 : i32
        %dma_start3A_54 = arith.constant 0 : i32
        %dma_start3A_55 = tpu.memref_slice %arg12[%dma_start3A_53, %dma_start3A_54] : memref<10000x144xbf16, #tpu.memory_space<vmem_shared>> -> memref<16x144xbf16, #tpu.memory_space<vmem_shared>>
        %dma_start3A_56 = arith.constant 9984 : i32
        %dma_start3A_57 = arith.constant 0 : i32
        %dma_start3A_58 = tpu.memref_slice %arg12[%dma_start3A_56, %dma_start3A_57] : memref<10000x144xbf16, #tpu.memory_space<vmem_shared>> -> memref<16x144xbf16, #tpu.memory_space<vmem_shared>>
        %dma_start3A_59 = arith.constant 0 : i32
        %dma_start3A_60 = arith.constant 0 : i32
        %dma_start3A_61 = tpu.memref_slice %arg9[%cond3A, %dma_start3A_59, %dma_start3A_60] : memref<7x80x144xbf16, #tpu.memory_space<vmem>> -> memref<1x80x144xbf16, #tpu.memory_space<vmem>>
        %dma_start3A_62 = tpu.memref_squeeze %dma_start3A_61 : memref<1x80x144xbf16, #tpu.memory_space<vmem>> -> memref<80x144xbf16, #tpu.memory_space<vmem>>
        %dma_start3A_63 = arith.constant 0 : i32
        %dma_start3A_64 = arith.constant 0 : i32
        %dma_start3A_65 = tpu.memref_slice %dma_start3A_62[%dma_start3A_63, %dma_start3A_64] : memref<80x144xbf16, #tpu.memory_space<vmem>> -> memref<16x144xbf16, #tpu.memory_space<vmem>>
        tpu.enqueue_dma source(%dma_start3A_65 : memref<16x144xbf16, #tpu.memory_space<vmem>>) target(%dma_start3A_58 : memref<16x144xbf16, #tpu.memory_space<vmem_shared>>) target_semaphore(%run_scoped3A_46 : memref<!tpu.dma_semaphore, #tpu.memory_space<semaphore_mem>>)
        %dma_wait3A = arith.constant 0 : i32
        %dma_wait3A_66 = arith.constant 0 : i32
        %dma_wait3A_67 = tpu.memref_slice %arg9[%cond3A, %dma_wait3A, %dma_wait3A_66] : memref<7x80x144xbf16, #tpu.memory_space<vmem>> -> memref<1x80x144xbf16, #tpu.memory_space<vmem>>
        %dma_wait3A_68 = tpu.memref_squeeze %dma_wait3A_67 : memref<1x80x144xbf16, #tpu.memory_space<vmem>> -> memref<80x144xbf16, #tpu.memory_space<vmem>>
        %dma_wait3A_69 = arith.constant 0 : i32
        %dma_wait3A_70 = arith.constant 0 : i32
        %dma_wait3A_71 = tpu.memref_slice %dma_wait3A_68[%dma_wait3A_69, %dma_wait3A_70] : memref<80x144xbf16, #tpu.memory_space<vmem>> -> memref<16x144xbf16, #tpu.memory_space<vmem>>
        %dma_wait3A_72 = arith.constant 9984 : i32
        %dma_wait3A_73 = arith.constant 0 : i32
        %dma_wait3A_74 = tpu.memref_slice %arg12[%dma_wait3A_72, %dma_wait3A_73] : memref<10000x144xbf16, #tpu.memory_space<vmem_shared>> -> memref<16x144xbf16, #tpu.memory_space<vmem_shared>>
        %dma_wait3A_75 = arith.constant 9984 : i32
        %dma_wait3A_76 = arith.constant 0 : i32
        %dma_wait3A_77 = tpu.memref_slice %arg12[%dma_wait3A_75, %dma_wait3A_76] : memref<10000x144xbf16, #tpu.memory_space<vmem_shared>> -> memref<16x144xbf16, #tpu.memory_space<vmem_shared>>
        %dma_wait3A_78 = arith.constant 0 : i32
        %dma_wait3A_79 = arith.constant 0 : i32
        %dma_wait3A_80 = tpu.memref_slice %arg9[%cond3A, %dma_wait3A_78, %dma_wait3A_79] : memref<7x80x144xbf16, #tpu.memory_space<vmem>> -> memref<1x80x144xbf16, #tpu.memory_space<vmem>>
        %dma_wait3A_81 = tpu.memref_squeeze %dma_wait3A_80 : memref<1x80x144xbf16, #tpu.memory_space<vmem>> -> memref<80x144xbf16, #tpu.memory_space<vmem>>
        %dma_wait3A_82 = arith.constant 0 : i32
        %dma_wait3A_83 = arith.constant 0 : i32
        %dma_wait3A_84 = tpu.memref_slice %dma_wait3A_81[%dma_wait3A_82, %dma_wait3A_83] : memref<80x144xbf16, #tpu.memory_space<vmem>> -> memref<16x144xbf16, #tpu.memory_space<vmem>>
        tpu.wait_dma2 semaphore(%run_scoped3A_46 : memref<!tpu.dma_semaphore, #tpu.memory_space<semaphore_mem>>) src(%dma_wait3A_84 : memref<16x144xbf16, #tpu.memory_space<vmem>>) dst(%dma_wait3A_77 : memref<16x144xbf16, #tpu.memory_space<vmem_shared>>)
        tpu.yield
      }) : () -> ()
    } else {
    }
    %barrier3A = arith.constant 0 : index
    tpu.barrier barrier_id(%barrier3A)
    %scan3A_34 = arith.constant 0 : i32
    %scan3A_35 = arith.constant 0 : i32
    %scan3A_36 = arith.constant 5 : i32
    %scan3A_37 = arith.addi %scan3A_35, %scan3A_36 : i32
    %scan3A_38 = arith.constant 1 : i32
    scf.for %scan3A_46 = %scan3A_35 to %scan3A_37 step %scan3A_38  : i32 {
      "tpu.region"() ({
        %run_scoped3A_134 = tpu.sem_alloc : memref<!tpu.dma_semaphore, #tpu.memory_space<semaphore_mem>>
        %dma_start3A_135 = arith.constant 0 : i32
        %dma_start3A_136 = arith.constant 0 : i32
        %dma_start3A_137 = tpu.memref_slice %arg3[%add3A, %scan3A_46, %dma_start3A_135, %dma_start3A_136] : memref<32x5x25x80xi32, #tpu.memory_space<hbm>> -> memref<1x1x25x80xi32, #tpu.memory_space<hbm>>
        %dma_start3A_138 = tpu.memref_squeeze %dma_start3A_137 : memref<1x1x25x80xi32, #tpu.memory_space<hbm>> -> memref<25x80xi32, #tpu.memory_space<hbm>>
        %dma_start3A_139 = arith.constant 0 : i32
        %dma_start3A_140 = arith.constant 0 : i32
        %dma_start3A_141 = tpu.memref_slice %arg3[%add3A, %scan3A_46, %dma_start3A_139, %dma_start3A_140] : memref<32x5x25x80xi32, #tpu.memory_space<hbm>> -> memref<1x1x25x80xi32, #tpu.memory_space<hbm>>
        %dma_start3A_142 = tpu.memref_squeeze %dma_start3A_141 : memref<1x1x25x80xi32, #tpu.memory_space<hbm>> -> memref<25x80xi32, #tpu.memory_space<hbm>>
        tpu.enqueue_dma source(%dma_start3A_142 : memref<25x80xi32, #tpu.memory_space<hbm>>) target(%arg7 : memref<25x80xi32, #tpu.memory_space<vmem>>) target_semaphore(%run_scoped3A_134 : memref<!tpu.dma_semaphore, #tpu.memory_space<semaphore_mem>>)
        %dma_wait3A_143 = arith.constant 0 : i32
        %dma_wait3A_144 = arith.constant 0 : i32
        %dma_wait3A_145 = tpu.memref_slice %arg3[%add3A, %scan3A_46, %dma_wait3A_143, %dma_wait3A_144] : memref<32x5x25x80xi32, #tpu.memory_space<hbm>> -> memref<1x1x25x80xi32, #tpu.memory_space<hbm>>
        %dma_wait3A_146 = tpu.memref_squeeze %dma_wait3A_145 : memref<1x1x25x80xi32, #tpu.memory_space<hbm>> -> memref<25x80xi32, #tpu.memory_space<hbm>>
        %dma_wait3A_147 = arith.constant 0 : i32
        %dma_wait3A_148 = arith.constant 0 : i32
        %dma_wait3A_149 = tpu.memref_slice %arg3[%add3A, %scan3A_46, %dma_wait3A_147, %dma_wait3A_148] : memref<32x5x25x80xi32, #tpu.memory_space<hbm>> -> memref<1x1x25x80xi32, #tpu.memory_space<hbm>>
        %dma_wait3A_150 = tpu.memref_squeeze %dma_wait3A_149 : memref<1x1x25x80xi32, #tpu.memory_space<hbm>> -> memref<25x80xi32, #tpu.memory_space<hbm>>
        tpu.wait_dma2 semaphore(%run_scoped3A_134 : memref<!tpu.dma_semaphore, #tpu.memory_space<semaphore_mem>>) src(%dma_wait3A_150 : memref<25x80xi32, #tpu.memory_space<hbm>>) dst(%arg7 : memref<25x80xi32, #tpu.memory_space<vmem>>)
        tpu.yield
      }) : () -> ()
      "tpu.region"() ({
        %run_scoped3A_134 = tpu.sem_alloc : memref<!tpu.dma_semaphore, #tpu.memory_space<semaphore_mem>>
        %dma_start3A_135 = arith.constant 0 : i32
        %dma_start3A_136 = arith.constant 0 : i32
        %dma_start3A_137 = tpu.memref_slice %arg4[%add3A, %scan3A_46, %dma_start3A_135, %dma_start3A_136] : memref<32x5x25x80xi32, #tpu.memory_space<hbm>> -> memref<1x1x25x80xi32, #tpu.memory_space<hbm>>
        %dma_start3A_138 = tpu.memref_squeeze %dma_start3A_137 : memref<1x1x25x80xi32, #tpu.memory_space<hbm>> -> memref<25x80xi32, #tpu.memory_space<hbm>>
        %dma_start3A_139 = arith.constant 0 : i32
        %dma_start3A_140 = arith.constant 0 : i32
        %dma_start3A_141 = tpu.memref_slice %arg4[%add3A, %scan3A_46, %dma_start3A_139, %dma_start3A_140] : memref<32x5x25x80xi32, #tpu.memory_space<hbm>> -> memref<1x1x25x80xi32, #tpu.memory_space<hbm>>
        %dma_start3A_142 = tpu.memref_squeeze %dma_start3A_141 : memref<1x1x25x80xi32, #tpu.memory_space<hbm>> -> memref<25x80xi32, #tpu.memory_space<hbm>>
        tpu.enqueue_dma source(%dma_start3A_142 : memref<25x80xi32, #tpu.memory_space<hbm>>) target(%arg8 : memref<25x80xi32, #tpu.memory_space<vmem>>) target_semaphore(%run_scoped3A_134 : memref<!tpu.dma_semaphore, #tpu.memory_space<semaphore_mem>>)
        %dma_wait3A_143 = arith.constant 0 : i32
        %dma_wait3A_144 = arith.constant 0 : i32
        %dma_wait3A_145 = tpu.memref_slice %arg4[%add3A, %scan3A_46, %dma_wait3A_143, %dma_wait3A_144] : memref<32x5x25x80xi32, #tpu.memory_space<hbm>> -> memref<1x1x25x80xi32, #tpu.memory_space<hbm>>
        %dma_wait3A_146 = tpu.memref_squeeze %dma_wait3A_145 : memref<1x1x25x80xi32, #tpu.memory_space<hbm>> -> memref<25x80xi32, #tpu.memory_space<hbm>>
        %dma_wait3A_147 = arith.constant 0 : i32
        %dma_wait3A_148 = arith.constant 0 : i32
        %dma_wait3A_149 = tpu.memref_slice %arg4[%add3A, %scan3A_46, %dma_wait3A_147, %dma_wait3A_148] : memref<32x5x25x80xi32, #tpu.memory_space<hbm>> -> memref<1x1x25x80xi32, #tpu.memory_space<hbm>>
        %dma_wait3A_150 = tpu.memref_squeeze %dma_wait3A_149 : memref<1x1x25x80xi32, #tpu.memory_space<hbm>> -> memref<25x80xi32, #tpu.memory_space<hbm>>
        tpu.wait_dma2 semaphore(%run_scoped3A_134 : memref<!tpu.dma_semaphore, #tpu.memory_space<semaphore_mem>>) src(%dma_wait3A_150 : memref<25x80xi32, #tpu.memory_space<hbm>>) dst(%arg8 : memref<25x80xi32, #tpu.memory_space<vmem>>)
        tpu.yield
      }) : () -> ()
      %dma_start3A = arith.constant 0 : i32
      %dma_start3A_47 = arith.constant 0 : i32
      %dma_start3A_48 = arith.constant 0 : i32
      %dma_start3A_49 = arith.constant 0 : i32
      %dma_start3A_50 = tpu.memref_slice %arg9[%dma_start3A_47, %dma_start3A_48, %dma_start3A_49] : memref<7x80x144xbf16, #tpu.memory_space<vmem>> -> memref<1x80x144xbf16, #tpu.memory_space<vmem>>
      %dma_start3A_51 = tpu.memref_squeeze %dma_start3A_50 : memref<1x80x144xbf16, #tpu.memory_space<vmem>> -> memref<80x144xbf16, #tpu.memory_space<vmem>>
      %dma_start3A_52 = arith.constant 0 : i32
      %dma_start3A_53 = tpu.memref_slice %arg7[%dma_start3A, %dma_start3A_52] : memref<25x80xi32, #tpu.memory_space<vmem>> -> memref<1x80xi32, #tpu.memory_space<vmem>>
      %dma_start3A_54 = tpu.memref_squeeze %dma_start3A_53 : memref<1x80xi32, #tpu.memory_space<vmem>> -> memref<80xi32, #tpu.memory_space<vmem>>
      %dma_start3A_55 = arith.constant 0 : i32
      %dma_start3A_56 = arith.constant 0 : i32
      %dma_start3A_57 = tpu.memref_slice %arg2[%dma_start3A_55, %dma_start3A_56] : memref<10000x144xbf16, #tpu.memory_space<hbm>> -> memref<10000x144xbf16, #tpu.memory_space<hbm>>
      tpu.enqueue_indirect_dma source(%dma_start3A_57 : memref<10000x144xbf16, #tpu.memory_space<hbm>>) target(%dma_start3A_51 : memref<80x144xbf16, #tpu.memory_space<vmem>>) offsets(%dma_start3A_54 : memref<80xi32, #tpu.memory_space<vmem>>) semaphore(%arg10 : memref<!tpu.dma_semaphore, #tpu.memory_space<semaphore_mem>>)
      %dma_start3A_58 = arith.constant 1 : i32
      %dma_start3A_59 = arith.constant 1 : i32
      %dma_start3A_60 = arith.constant 0 : i32
      %dma_start3A_61 = arith.constant 0 : i32
      %dma_start3A_62 = tpu.memref_slice %arg9[%dma_start3A_59, %dma_start3A_60, %dma_start3A_61] : memref<7x80x144xbf16, #tpu.memory_space<vmem>> -> memref<1x80x144xbf16, #tpu.memory_space<vmem>>
      %dma_start3A_63 = tpu.memref_squeeze %dma_start3A_62 : memref<1x80x144xbf16, #tpu.memory_space<vmem>> -> memref<80x144xbf16, #tpu.memory_space<vmem>>
      %dma_start3A_64 = arith.constant 0 : i32
      %dma_start3A_65 = tpu.memref_slice %arg7[%dma_start3A_58, %dma_start3A_64] : memref<25x80xi32, #tpu.memory_space<vmem>> -> memref<1x80xi32, #tpu.memory_space<vmem>>
      %dma_start3A_66 = tpu.memref_squeeze %dma_start3A_65 : memref<1x80xi32, #tpu.memory_space<vmem>> -> memref<80xi32, #tpu.memory_space<vmem>>
      %dma_start3A_67 = arith.constant 0 : i32
      %dma_start3A_68 = arith.constant 0 : i32
      %dma_start3A_69 = tpu.memref_slice %arg2[%dma_start3A_67, %dma_start3A_68] : memref<10000x144xbf16, #tpu.memory_space<hbm>> -> memref<10000x144xbf16, #tpu.memory_space<hbm>>
      tpu.enqueue_indirect_dma source(%dma_start3A_69 : memref<10000x144xbf16, #tpu.memory_space<hbm>>) target(%dma_start3A_63 : memref<80x144xbf16, #tpu.memory_space<vmem>>) offsets(%dma_start3A_66 : memref<80xi32, #tpu.memory_space<vmem>>) semaphore(%arg10 : memref<!tpu.dma_semaphore, #tpu.memory_space<semaphore_mem>>)
      %dma_start3A_70 = arith.constant 2 : i32
      %dma_start3A_71 = arith.constant 2 : i32
      %dma_start3A_72 = arith.constant 0 : i32
      %dma_start3A_73 = arith.constant 0 : i32
      %dma_start3A_74 = tpu.memref_slice %arg9[%dma_start3A_71, %dma_start3A_72, %dma_start3A_73] : memref<7x80x144xbf16, #tpu.memory_space<vmem>> -> memref<1x80x144xbf16, #tpu.memory_space<vmem>>
      %dma_start3A_75 = tpu.memref_squeeze %dma_start3A_74 : memref<1x80x144xbf16, #tpu.memory_space<vmem>> -> memref<80x144xbf16, #tpu.memory_space<vmem>>
      %dma_start3A_76 = arith.constant 0 : i32
      %dma_start3A_77 = tpu.memref_slice %arg7[%dma_start3A_70, %dma_start3A_76] : memref<25x80xi32, #tpu.memory_space<vmem>> -> memref<1x80xi32, #tpu.memory_space<vmem>>
      %dma_start3A_78 = tpu.memref_squeeze %dma_start3A_77 : memref<1x80xi32, #tpu.memory_space<vmem>> -> memref<80xi32, #tpu.memory_space<vmem>>
      %dma_start3A_79 = arith.constant 0 : i32
      %dma_start3A_80 = arith.constant 0 : i32
      %dma_start3A_81 = tpu.memref_slice %arg2[%dma_start3A_79, %dma_start3A_80] : memref<10000x144xbf16, #tpu.memory_space<hbm>> -> memref<10000x144xbf16, #tpu.memory_space<hbm>>
      tpu.enqueue_indirect_dma source(%dma_start3A_81 : memref<10000x144xbf16, #tpu.memory_space<hbm>>) target(%dma_start3A_75 : memref<80x144xbf16, #tpu.memory_space<vmem>>) offsets(%dma_start3A_78 : memref<80xi32, #tpu.memory_space<vmem>>) semaphore(%arg10 : memref<!tpu.dma_semaphore, #tpu.memory_space<semaphore_mem>>)
      %dma_start3A_82 = arith.constant 3 : i32
      %dma_start3A_83 = arith.constant 3 : i32
      %dma_start3A_84 = arith.constant 0 : i32
      %dma_start3A_85 = arith.constant 0 : i32
      %dma_start3A_86 = tpu.memref_slice %arg9[%dma_start3A_83, %dma_start3A_84, %dma_start3A_85] : memref<7x80x144xbf16, #tpu.memory_space<vmem>> -> memref<1x80x144xbf16, #tpu.memory_space<vmem>>
      %dma_start3A_87 = tpu.memref_squeeze %dma_start3A_86 : memref<1x80x144xbf16, #tpu.memory_space<vmem>> -> memref<80x144xbf16, #tpu.memory_space<vmem>>
      %dma_start3A_88 = arith.constant 0 : i32
      %dma_start3A_89 = tpu.memref_slice %arg7[%dma_start3A_82, %dma_start3A_88] : memref<25x80xi32, #tpu.memory_space<vmem>> -> memref<1x80xi32, #tpu.memory_space<vmem>>
      %dma_start3A_90 = tpu.memref_squeeze %dma_start3A_89 : memref<1x80xi32, #tpu.memory_space<vmem>> -> memref<80xi32, #tpu.memory_space<vmem>>
      %dma_start3A_91 = arith.constant 0 : i32
      %dma_start3A_92 = arith.constant 0 : i32
      %dma_start3A_93 = tpu.memref_slice %arg2[%dma_start3A_91, %dma_start3A_92] : memref<10000x144xbf16, #tpu.memory_space<hbm>> -> memref<10000x144xbf16, #tpu.memory_space<hbm>>
      tpu.enqueue_indirect_dma source(%dma_start3A_93 : memref<10000x144xbf16, #tpu.memory_space<hbm>>) target(%dma_start3A_87 : memref<80x144xbf16, #tpu.memory_space<vmem>>) offsets(%dma_start3A_90 : memref<80xi32, #tpu.memory_space<vmem>>) semaphore(%arg10 : memref<!tpu.dma_semaphore, #tpu.memory_space<semaphore_mem>>)
      %dma_start3A_94 = arith.constant 4 : i32
      %dma_start3A_95 = arith.constant 4 : i32
      %dma_start3A_96 = arith.constant 0 : i32
      %dma_start3A_97 = arith.constant 0 : i32
      %dma_start3A_98 = tpu.memref_slice %arg9[%dma_start3A_95, %dma_start3A_96, %dma_start3A_97] : memref<7x80x144xbf16, #tpu.memory_space<vmem>> -> memref<1x80x144xbf16, #tpu.memory_space<vmem>>
      %dma_start3A_99 = tpu.memref_squeeze %dma_start3A_98 : memref<1x80x144xbf16, #tpu.memory_space<vmem>> -> memref<80x144xbf16, #tpu.memory_space<vmem>>
      %dma_start3A_100 = arith.constant 0 : i32
      %dma_start3A_101 = tpu.memref_slice %arg7[%dma_start3A_94, %dma_start3A_100] : memref<25x80xi32, #tpu.memory_space<vmem>> -> memref<1x80xi32, #tpu.memory_space<vmem>>
      %dma_start3A_102 = tpu.memref_squeeze %dma_start3A_101 : memref<1x80xi32, #tpu.memory_space<vmem>> -> memref<80xi32, #tpu.memory_space<vmem>>
      %dma_start3A_103 = arith.constant 0 : i32
      %dma_start3A_104 = arith.constant 0 : i32
      %dma_start3A_105 = tpu.memref_slice %arg2[%dma_start3A_103, %dma_start3A_104] : memref<10000x144xbf16, #tpu.memory_space<hbm>> -> memref<10000x144xbf16, #tpu.memory_space<hbm>>
      tpu.enqueue_indirect_dma source(%dma_start3A_105 : memref<10000x144xbf16, #tpu.memory_space<hbm>>) target(%dma_start3A_99 : memref<80x144xbf16, #tpu.memory_space<vmem>>) offsets(%dma_start3A_102 : memref<80xi32, #tpu.memory_space<vmem>>) semaphore(%arg10 : memref<!tpu.dma_semaphore, #tpu.memory_space<semaphore_mem>>)
      %scan3A_106 = arith.constant 0 : i32
      %scan3A_107 = arith.constant 25 : i32
      %scan3A_108 = arith.addi %scan3A_106, %scan3A_107 : i32
      %scan3A_109 = arith.constant 1 : i32
      scf.for %scan3A_134 = %scan3A_106 to %scan3A_108 step %scan3A_109  : i32 {
        %rem3A = arith.constant 7 : i32
        %rem3A_135 = arith.remsi %scan3A_134, %rem3A : i32
        %dma_wait3A_136 = arith.constant 0 : i32
        %dma_wait3A_137 = arith.constant 0 : i32
        %dma_wait3A_138 = tpu.memref_slice %arg9[%rem3A_135, %dma_wait3A_136, %dma_wait3A_137] : memref<7x80x144xbf16, #tpu.memory_space<vmem>> -> memref<1x80x144xbf16, #tpu.memory_space<vmem>>
        %dma_wait3A_139 = tpu.memref_squeeze %dma_wait3A_138 : memref<1x80x144xbf16, #tpu.memory_space<vmem>> -> memref<80x144xbf16, #tpu.memory_space<vmem>>
        %dma_wait3A_140 = arith.constant 0 : i32
        %dma_wait3A_141 = tpu.memref_slice %arg7[%scan3A_134, %dma_wait3A_140] : memref<25x80xi32, #tpu.memory_space<vmem>> -> memref<1x80xi32, #tpu.memory_space<vmem>>
        %dma_wait3A_142 = tpu.memref_squeeze %dma_wait3A_141 : memref<1x80xi32, #tpu.memory_space<vmem>> -> memref<80xi32, #tpu.memory_space<vmem>>
        %dma_wait3A_143 = arith.constant 0 : i32
        %dma_wait3A_144 = arith.constant 0 : i32
        %dma_wait3A_145 = tpu.memref_slice %arg2[%dma_wait3A_143, %dma_wait3A_144] : memref<10000x144xbf16, #tpu.memory_space<hbm>> -> memref<10000x144xbf16, #tpu.memory_space<hbm>>
        tpu.wait_indirect_dma semaphore(%arg10 : memref<!tpu.dma_semaphore, #tpu.memory_space<semaphore_mem>>) src(%dma_wait3A_145 : memref<10000x144xbf16, #tpu.memory_space<hbm>>) dst(%dma_wait3A_139 : memref<80x144xbf16, #tpu.memory_space<vmem>>)
        %ge3A = arith.constant 2 : i32
        %ge3A_146 = arith.cmpi sge, %scan3A_134, %ge3A : i32
        %convert_element_type3A_147 = arith.extui %ge3A_146 : i1 to i32
        %cond3A_148 = arith.constant 0 : i32
        %cond3A_149 = arith.cmpi ne, %convert_element_type3A_147, %cond3A_148 : i32
        scf.if %cond3A_149 {
          %dma_wait3A_164 = arith.constant 0 : i32
          %dma_wait3A_165 = arith.constant 0 : i32
          %dma_wait3A_166 = tpu.memref_slice %arg9[%rem3A_135, %dma_wait3A_164, %dma_wait3A_165] : memref<7x80x144xbf16, #tpu.memory_space<vmem>> -> memref<1x80x144xbf16, #tpu.memory_space<vmem>>
          %dma_wait3A_167 = tpu.memref_squeeze %dma_wait3A_166 : memref<1x80x144xbf16, #tpu.memory_space<vmem>> -> memref<80x144xbf16, #tpu.memory_space<vmem>>
          %dma_wait3A_168 = arith.constant 0 : i32
          %dma_wait3A_169 = tpu.memref_slice %arg8[%scan3A_134, %dma_wait3A_168] : memref<25x80xi32, #tpu.memory_space<vmem>> -> memref<1x80xi32, #tpu.memory_space<vmem>>
          %dma_wait3A_170 = tpu.memref_squeeze %dma_wait3A_169 : memref<1x80xi32, #tpu.memory_space<vmem>> -> memref<80xi32, #tpu.memory_space<vmem>>
          %dma_wait3A_171 = arith.constant 0 : i32
          %dma_wait3A_172 = arith.constant 0 : i32
          %dma_wait3A_173 = tpu.memref_slice %arg12[%dma_wait3A_171, %dma_wait3A_172] : memref<10000x144xbf16, #tpu.memory_space<vmem_shared>> -> memref<10000x144xbf16, #tpu.memory_space<vmem_shared>>
          tpu.wait_indirect_dma semaphore(%arg11 : memref<!tpu.dma_semaphore, #tpu.memory_space<semaphore_mem>>) src(%dma_wait3A_167 : memref<80x144xbf16, #tpu.memory_space<vmem>>) dst(%dma_wait3A_173 : memref<10000x144xbf16, #tpu.memory_space<vmem_shared>>)
        } else {
        }
        %lt3A = arith.constant 20 : i32
        %lt3A_150 = arith.cmpi slt, %scan3A_134, %lt3A : i32
        %convert_element_type3A_151 = arith.extui %lt3A_150 : i1 to i32
        %cond3A_152 = arith.constant 0 : i32
        %cond3A_153 = arith.cmpi ne, %convert_element_type3A_151, %cond3A_152 : i32
        scf.if %cond3A_153 {
          %add3A_164 = arith.constant 5 : i32
          %add3A_165 = arith.addi %scan3A_134, %add3A_164 : i32
          %rem3A_166 = arith.constant 25 : i32
          %rem3A_167 = arith.remsi %add3A_165, %rem3A_166 : i32
          %add3A_168 = arith.constant 5 : i32
          %add3A_169 = arith.addi %scan3A_134, %add3A_168 : i32
          %rem3A_170 = arith.constant 7 : i32
          %rem3A_171 = arith.remsi %add3A_169, %rem3A_170 : i32
          %dma_start3A_172 = arith.constant 0 : i32
          %dma_start3A_173 = arith.constant 0 : i32
          %dma_start3A_174 = tpu.memref_slice %arg9[%rem3A_171, %dma_start3A_172, %dma_start3A_173] : memref<7x80x144xbf16, #tpu.memory_space<vmem>> -> memref<1x80x144xbf16, #tpu.memory_space<vmem>>
          %dma_start3A_175 = tpu.memref_squeeze %dma_start3A_174 : memref<1x80x144xbf16, #tpu.memory_space<vmem>> -> memref<80x144xbf16, #tpu.memory_space<vmem>>
          %dma_start3A_176 = arith.constant 0 : i32
          %dma_start3A_177 = tpu.memref_slice %arg7[%rem3A_167, %dma_start3A_176] : memref<25x80xi32, #tpu.memory_space<vmem>> -> memref<1x80xi32, #tpu.memory_space<vmem>>
          %dma_start3A_178 = tpu.memref_squeeze %dma_start3A_177 : memref<1x80xi32, #tpu.memory_space<vmem>> -> memref<80xi32, #tpu.memory_space<vmem>>
          %dma_start3A_179 = arith.constant 0 : i32
          %dma_start3A_180 = arith.constant 0 : i32
          %dma_start3A_181 = tpu.memref_slice %arg2[%dma_start3A_179, %dma_start3A_180] : memref<10000x144xbf16, #tpu.memory_space<hbm>> -> memref<10000x144xbf16, #tpu.memory_space<hbm>>
          tpu.enqueue_indirect_dma source(%dma_start3A_181 : memref<10000x144xbf16, #tpu.memory_space<hbm>>) target(%dma_start3A_175 : memref<80x144xbf16, #tpu.memory_space<vmem>>) offsets(%dma_start3A_178 : memref<80xi32, #tpu.memory_space<vmem>>) semaphore(%arg10 : memref<!tpu.dma_semaphore, #tpu.memory_space<semaphore_mem>>)
        } else {
        }
        %dma_start3A_154 = arith.constant 0 : i32
        %dma_start3A_155 = arith.constant 0 : i32
        %dma_start3A_156 = tpu.memref_slice %arg9[%rem3A_135, %dma_start3A_154, %dma_start3A_155] : memref<7x80x144xbf16, #tpu.memory_space<vmem>> -> memref<1x80x144xbf16, #tpu.memory_space<vmem>>
        %dma_start3A_157 = tpu.memref_squeeze %dma_start3A_156 : memref<1x80x144xbf16, #tpu.memory_space<vmem>> -> memref<80x144xbf16, #tpu.memory_space<vmem>>
        %dma_start3A_158 = arith.constant 0 : i32
        %dma_start3A_159 = tpu.memref_slice %arg8[%scan3A_134, %dma_start3A_158] : memref<25x80xi32, #tpu.memory_space<vmem>> -> memref<1x80xi32, #tpu.memory_space<vmem>>
        %dma_start3A_160 = tpu.memref_squeeze %dma_start3A_159 : memref<1x80xi32, #tpu.memory_space<vmem>> -> memref<80xi32, #tpu.memory_space<vmem>>
        %dma_start3A_161 = arith.constant 0 : i32
        %dma_start3A_162 = arith.constant 0 : i32
        %dma_start3A_163 = tpu.memref_slice %arg12[%dma_start3A_161, %dma_start3A_162] : memref<10000x144xbf16, #tpu.memory_space<vmem_shared>> -> memref<10000x144xbf16, #tpu.memory_space<vmem_shared>>
        tpu.enqueue_indirect_dma source(%dma_start3A_157 : memref<80x144xbf16, #tpu.memory_space<vmem>>) target(%dma_start3A_163 : memref<10000x144xbf16, #tpu.memory_space<vmem_shared>>) offsets(%dma_start3A_160 : memref<80xi32, #tpu.memory_space<vmem>>) semaphore(%arg11 : memref<!tpu.dma_semaphore, #tpu.memory_space<semaphore_mem>>) {add = true}
      }
      %scan3A_110 = arith.constant 25 : i32
      %dma_wait3A = arith.constant 0 : i32
      %dma_wait3A_111 = arith.constant 0 : i32
      %dma_wait3A_112 = arith.constant 0 : i32
      %dma_wait3A_113 = arith.constant 0 : i32
      %dma_wait3A_114 = tpu.memref_slice %arg9[%dma_wait3A, %dma_wait3A_112, %dma_wait3A_113] : memref<7x80x144xbf16, #tpu.memory_space<vmem>> -> memref<1x80x144xbf16, #tpu.memory_space<vmem>>
      %dma_wait3A_115 = tpu.memref_squeeze %dma_wait3A_114 : memref<1x80x144xbf16, #tpu.memory_space<vmem>> -> memref<80x144xbf16, #tpu.memory_space<vmem>>
      %dma_wait3A_116 = arith.constant 0 : i32
      %dma_wait3A_117 = tpu.memref_slice %arg8[%dma_wait3A_111, %dma_wait3A_116] : memref<25x80xi32, #tpu.memory_space<vmem>> -> memref<1x80xi32, #tpu.memory_space<vmem>>
      %dma_wait3A_118 = tpu.memref_squeeze %dma_wait3A_117 : memref<1x80xi32, #tpu.memory_space<vmem>> -> memref<80xi32, #tpu.memory_space<vmem>>
      %dma_wait3A_119 = arith.constant 0 : i32
      %dma_wait3A_120 = arith.constant 0 : i32
      %dma_wait3A_121 = tpu.memref_slice %arg12[%dma_wait3A_119, %dma_wait3A_120] : memref<10000x144xbf16, #tpu.memory_space<vmem_shared>> -> memref<10000x144xbf16, #tpu.memory_space<vmem_shared>>
      tpu.wait_indirect_dma semaphore(%arg11 : memref<!tpu.dma_semaphore, #tpu.memory_space<semaphore_mem>>) src(%dma_wait3A_115 : memref<80x144xbf16, #tpu.memory_space<vmem>>) dst(%dma_wait3A_121 : memref<10000x144xbf16, #tpu.memory_space<vmem_shared>>)
      %dma_wait3A_122 = arith.constant 0 : i32
      %dma_wait3A_123 = arith.constant 0 : i32
      %dma_wait3A_124 = arith.constant 0 : i32
      %dma_wait3A_125 = arith.constant 0 : i32
      %dma_wait3A_126 = tpu.memref_slice %arg9[%dma_wait3A_122, %dma_wait3A_124, %dma_wait3A_125] : memref<7x80x144xbf16, #tpu.memory_space<vmem>> -> memref<1x80x144xbf16, #tpu.memory_space<vmem>>
      %dma_wait3A_127 = tpu.memref_squeeze %dma_wait3A_126 : memref<1x80x144xbf16, #tpu.memory_space<vmem>> -> memref<80x144xbf16, #tpu.memory_space<vmem>>
      %dma_wait3A_128 = arith.constant 0 : i32
      %dma_wait3A_129 = tpu.memref_slice %arg8[%dma_wait3A_123, %dma_wait3A_128] : memref<25x80xi32, #tpu.memory_space<vmem>> -> memref<1x80xi32, #tpu.memory_space<vmem>>
      %dma_wait3A_130 = tpu.memref_squeeze %dma_wait3A_129 : memref<1x80xi32, #tpu.memory_space<vmem>> -> memref<80xi32, #tpu.memory_space<vmem>>
      %dma_wait3A_131 = arith.constant 0 : i32
      %dma_wait3A_132 = arith.constant 0 : i32
      %dma_wait3A_133 = tpu.memref_slice %arg12[%dma_wait3A_131, %dma_wait3A_132] : memref<10000x144xbf16, #tpu.memory_space<vmem_shared>> -> memref<10000x144xbf16, #tpu.memory_space<vmem_shared>>
      tpu.wait_indirect_dma semaphore(%arg11 : memref<!tpu.dma_semaphore, #tpu.memory_space<semaphore_mem>>) src(%dma_wait3A_127 : memref<80x144xbf16, #tpu.memory_space<vmem>>) dst(%dma_wait3A_133 : memref<10000x144xbf16, #tpu.memory_space<vmem_shared>>)
    }
    %scan3A_39 = arith.constant 5 : i32
    %barrier3A_40 = arith.constant 0 : index
    tpu.barrier barrier_id(%barrier3A_40)
    "tpu.region"() ({
      %run_scoped3A_46 = tpu.sem_alloc : memref<!tpu.dma_semaphore, #tpu.memory_space<semaphore_mem>>
      %dma_start3A = arith.constant 0 : i32
      %dma_start3A_47 = tpu.memref_slice %arg5[%arg0, %mul3A_2, %dma_start3A] : memref<2x10000x128xbf16, #tpu.memory_space<hbm>> -> memref<1x624x128xbf16, #tpu.memory_space<hbm>>
      %dma_start3A_48 = tpu.memref_squeeze %dma_start3A_47 : memref<1x624x128xbf16, #tpu.memory_space<hbm>> -> memref<624x128xbf16, #tpu.memory_space<hbm>>
      %dma_start3A_49 = arith.constant 0 : i32
      %dma_start3A_50 = tpu.memref_slice %arg12[%mul3A_2, %dma_start3A_49] : memref<10000x144xbf16, #tpu.memory_space<vmem_shared>> -> memref<624x128xbf16, #tpu.memory_space<vmem_shared>>
      tpu.enqueue_dma source(%dma_start3A_50 : memref<624x128xbf16, #tpu.memory_space<vmem_shared>>) target(%dma_start3A_48 : memref<624x128xbf16, #tpu.memory_space<hbm>>) target_semaphore(%run_scoped3A_46 : memref<!tpu.dma_semaphore, #tpu.memory_space<semaphore_mem>>)
      %dma_wait3A = arith.constant 0 : i32
      %dma_wait3A_51 = tpu.memref_slice %arg5[%arg0, %mul3A_2, %dma_wait3A] : memref<2x10000x128xbf16, #tpu.memory_space<hbm>> -> memref<1x624x128xbf16, #tpu.memory_space<hbm>>
      %dma_wait3A_52 = tpu.memref_squeeze %dma_wait3A_51 : memref<1x624x128xbf16, #tpu.memory_space<hbm>> -> memref<624x128xbf16, #tpu.memory_space<hbm>>
      %dma_wait3A_53 = arith.constant 0 : i32
      %dma_wait3A_54 = tpu.memref_slice %arg12[%mul3A_2, %dma_wait3A_53] : memref<10000x144xbf16, #tpu.memory_space<vmem_shared>> -> memref<624x128xbf16, #tpu.memory_space<vmem_shared>>
      tpu.wait_dma2 semaphore(%run_scoped3A_46 : memref<!tpu.dma_semaphore, #tpu.memory_space<semaphore_mem>>) src(%dma_wait3A_54 : memref<624x128xbf16, #tpu.memory_space<vmem_shared>>) dst(%dma_wait3A_52 : memref<624x128xbf16, #tpu.memory_space<hbm>>)
      tpu.yield
    }) : () -> ()
    "tpu.region"() ({
      %run_scoped3A_46 = tpu.sem_alloc : memref<!tpu.dma_semaphore, #tpu.memory_space<semaphore_mem>>
      %dma_start3A = arith.constant 0 : i32
      %dma_start3A_47 = tpu.memref_slice %arg6[%arg0, %mul3A_2, %dma_start3A] : memref<2x10000x16xbf16, #tpu.memory_space<hbm>> -> memref<1x624x16xbf16, #tpu.memory_space<hbm>>
      %dma_start3A_48 = tpu.memref_squeeze %dma_start3A_47 : memref<1x624x16xbf16, #tpu.memory_space<hbm>> -> memref<624x16xbf16, #tpu.memory_space<hbm>>
      %dma_start3A_49 = arith.constant 128 : i32
      %dma_start3A_50 = tpu.memref_slice %arg12[%mul3A_2, %dma_start3A_49] : memref<10000x144xbf16, #tpu.memory_space<vmem_shared>> -> memref<624x16xbf16, #tpu.memory_space<vmem_shared>>
      tpu.enqueue_dma source(%dma_start3A_50 : memref<624x16xbf16, #tpu.memory_space<vmem_shared>>) target(%dma_start3A_48 : memref<624x16xbf16, #tpu.memory_space<hbm>>) target_semaphore(%run_scoped3A_46 : memref<!tpu.dma_semaphore, #tpu.memory_space<semaphore_mem>>)
      %dma_wait3A = arith.constant 0 : i32
      %dma_wait3A_51 = tpu.memref_slice %arg6[%arg0, %mul3A_2, %dma_wait3A] : memref<2x10000x16xbf16, #tpu.memory_space<hbm>> -> memref<1x624x16xbf16, #tpu.memory_space<hbm>>
      %dma_wait3A_52 = tpu.memref_squeeze %dma_wait3A_51 : memref<1x624x16xbf16, #tpu.memory_space<hbm>> -> memref<624x16xbf16, #tpu.memory_space<hbm>>
      %dma_wait3A_53 = arith.constant 128 : i32
      %dma_wait3A_54 = tpu.memref_slice %arg12[%mul3A_2, %dma_wait3A_53] : memref<10000x144xbf16, #tpu.memory_space<vmem_shared>> -> memref<624x16xbf16, #tpu.memory_space<vmem_shared>>
      tpu.wait_dma2 semaphore(%run_scoped3A_46 : memref<!tpu.dma_semaphore, #tpu.memory_space<semaphore_mem>>) src(%dma_wait3A_54 : memref<624x16xbf16, #tpu.memory_space<vmem_shared>>) dst(%dma_wait3A_52 : memref<624x16xbf16, #tpu.memory_space<hbm>>)
      tpu.yield
    }) : () -> ()
    %eq3A_41 = arith.constant 15 : i32
    %eq3A_42 = arith.cmpi eq, %arg1, %eq3A_41 : i32
    %convert_element_type3A_43 = arith.extui %eq3A_42 : i1 to i32
    %cond3A_44 = arith.constant 0 : i32
    %cond3A_45 = arith.cmpi ne, %convert_element_type3A_43, %cond3A_44 : i32
    scf.if %cond3A_45 {
      "tpu.region"() ({
        %run_scoped3A_46 = tpu.sem_alloc : memref<!tpu.dma_semaphore, #tpu.memory_space<semaphore_mem>>
        %dma_start3A = arith.constant 9984 : i32
        %dma_start3A_47 = arith.constant 0 : i32
        %dma_start3A_48 = tpu.memref_slice %arg5[%arg0, %dma_start3A, %dma_start3A_47] : memref<2x10000x128xbf16, #tpu.memory_space<hbm>> -> memref<1x16x128xbf16, #tpu.memory_space<hbm>>
        %dma_start3A_49 = tpu.memref_squeeze %dma_start3A_48 : memref<1x16x128xbf16, #tpu.memory_space<hbm>> -> memref<16x128xbf16, #tpu.memory_space<hbm>>
        %dma_start3A_50 = arith.constant 9984 : i32
        %dma_start3A_51 = arith.constant 0 : i32
        %dma_start3A_52 = tpu.memref_slice %arg12[%dma_start3A_50, %dma_start3A_51] : memref<10000x144xbf16, #tpu.memory_space<vmem_shared>> -> memref<16x128xbf16, #tpu.memory_space<vmem_shared>>
        tpu.enqueue_dma source(%dma_start3A_52 : memref<16x128xbf16, #tpu.memory_space<vmem_shared>>) target(%dma_start3A_49 : memref<16x128xbf16, #tpu.memory_space<hbm>>) target_semaphore(%run_scoped3A_46 : memref<!tpu.dma_semaphore, #tpu.memory_space<semaphore_mem>>)
        %dma_wait3A = arith.constant 9984 : i32
        %dma_wait3A_53 = arith.constant 0 : i32
        %dma_wait3A_54 = tpu.memref_slice %arg5[%arg0, %dma_wait3A, %dma_wait3A_53] : memref<2x10000x128xbf16, #tpu.memory_space<hbm>> -> memref<1x16x128xbf16, #tpu.memory_space<hbm>>
        %dma_wait3A_55 = tpu.memref_squeeze %dma_wait3A_54 : memref<1x16x128xbf16, #tpu.memory_space<hbm>> -> memref<16x128xbf16, #tpu.memory_space<hbm>>
        %dma_wait3A_56 = arith.constant 9984 : i32
        %dma_wait3A_57 = arith.constant 0 : i32
        %dma_wait3A_58 = tpu.memref_slice %arg12[%dma_wait3A_56, %dma_wait3A_57] : memref<10000x144xbf16, #tpu.memory_space<vmem_shared>> -> memref<16x128xbf16, #tpu.memory_space<vmem_shared>>
        tpu.wait_dma2 semaphore(%run_scoped3A_46 : memref<!tpu.dma_semaphore, #tpu.memory_space<semaphore_mem>>) src(%dma_wait3A_58 : memref<16x128xbf16, #tpu.memory_space<vmem_shared>>) dst(%dma_wait3A_55 : memref<16x128xbf16, #tpu.memory_space<hbm>>)
        tpu.yield
      }) : () -> ()
      "tpu.region"() ({
        %run_scoped3A_46 = tpu.sem_alloc : memref<!tpu.dma_semaphore, #tpu.memory_space<semaphore_mem>>
        %dma_start3A = arith.constant 9984 : i32
        %dma_start3A_47 = arith.constant 0 : i32
        %dma_start3A_48 = tpu.memref_slice %arg6[%arg0, %dma_start3A, %dma_start3A_47] : memref<2x10000x16xbf16, #tpu.memory_space<hbm>> -> memref<1x16x16xbf16, #tpu.memory_space<hbm>>
        %dma_start3A_49 = tpu.memref_squeeze %dma_start3A_48 : memref<1x16x16xbf16, #tpu.memory_space<hbm>> -> memref<16x16xbf16, #tpu.memory_space<hbm>>
        %dma_start3A_50 = arith.constant 9984 : i32
        %dma_start3A_51 = arith.constant 128 : i32
        %dma_start3A_52 = tpu.memref_slice %arg12[%dma_start3A_50, %dma_start3A_51] : memref<10000x144xbf16, #tpu.memory_space<vmem_shared>> -> memref<16x16xbf16, #tpu.memory_space<vmem_shared>>
        tpu.enqueue_dma source(%dma_start3A_52 : memref<16x16xbf16, #tpu.memory_space<vmem_shared>>) target(%dma_start3A_49 : memref<16x16xbf16, #tpu.memory_space<hbm>>) target_semaphore(%run_scoped3A_46 : memref<!tpu.dma_semaphore, #tpu.memory_space<semaphore_mem>>)
        %dma_wait3A = arith.constant 9984 : i32
        %dma_wait3A_53 = arith.constant 0 : i32
        %dma_wait3A_54 = tpu.memref_slice %arg6[%arg0, %dma_wait3A, %dma_wait3A_53] : memref<2x10000x16xbf16, #tpu.memory_space<hbm>> -> memref<1x16x16xbf16, #tpu.memory_space<hbm>>
        %dma_wait3A_55 = tpu.memref_squeeze %dma_wait3A_54 : memref<1x16x16xbf16, #tpu.memory_space<hbm>> -> memref<16x16xbf16, #tpu.memory_space<hbm>>
        %dma_wait3A_56 = arith.constant 9984 : i32
        %dma_wait3A_57 = arith.constant 128 : i32
        %dma_wait3A_58 = tpu.memref_slice %arg12[%dma_wait3A_56, %dma_wait3A_57] : memref<10000x144xbf16, #tpu.memory_space<vmem_shared>> -> memref<16x16xbf16, #tpu.memory_space<vmem_shared>>
        tpu.wait_dma2 semaphore(%run_scoped3A_46 : memref<!tpu.dma_semaphore, #tpu.memory_space<semaphore_mem>>) src(%dma_wait3A_58 : memref<16x16xbf16, #tpu.memory_space<vmem_shared>>) dst(%dma_wait3A_55 : memref<16x16xbf16, #tpu.memory_space<hbm>>)
        tpu.yield
      }) : () -> ()
    } else {
    }
    return
  }
}

#map = affine_map<(d0, d1) -> (0, 0)>
#map1 = affine_map<(d0, d1) -> (0, 0, 0, 0)>
#map2 = affine_map<(d0, d1) -> (0, 0, 0)>
module attributes {stable_mosaic.version = 14 : i64} {
  func.func @body(%arg0: i32, %arg1: i32, %arg2: memref<10000x48xbf16, #tpu.memory_space<hbm>>, %arg3: memref<32x5x25x80xi32, #tpu.memory_space<hbm>>, %arg4: memref<32x5x25x80xi32, #tpu.memory_space<hbm>>, %arg5: memref<2x10000x48xbf16, #tpu.memory_space<hbm>>, %arg6: memref<25x80xi32, #tpu.memory_space<vmem>>, %arg7: memref<25x80xi32, #tpu.memory_space<vmem>>, %arg8: memref<8x80x48xbf16, #tpu.memory_space<vmem>>, %arg9: memref<!tpu.dma_semaphore, #tpu.memory_space<semaphore_mem>>, %arg10: memref<!tpu.dma_semaphore, #tpu.memory_space<semaphore_mem>>, %arg11: memref<10000x48xbf16, #tpu.memory_space<vmem_shared>>) attributes {dimension_semantics = [#tpu.dimension_semantics<core_parallel>, #tpu.dimension_semantics<subcore_parallel>], iteration_bounds = array<i64: 2, 16>, scalar_prefetch = 0 : i64, scratch_operands = 6 : i64, tpu.core_type = #tpu.core_type<sc_vector_subcore>, window_params = [{transform_indices = #map}, {transform_indices = #map1}, {transform_indices = #map1}, {transform_indices = #map2}]} {
    %mul3A = arith.constant 2 : i32
    %mul3A_0 = arith.muli %arg1, %mul3A : i32
    %add3A = arith.addi %mul3A_0, %arg0 : i32
    %mul3A_1 = arith.constant 624 : i32
    %mul3A_2 = arith.muli %arg1, %mul3A_1 : i32
    %scan3A = arith.constant 0 : i32
    %scan3A_3 = arith.constant 0 : i32
    %scan3A_4 = arith.constant 40 : i32
    %scan3A_5 = arith.addi %scan3A_3, %scan3A_4 : i32
    %scan3A_6 = arith.constant 1 : i32
    scf.for %scan3A_46 = %scan3A_3 to %scan3A_5 step %scan3A_6  : i32 {
      %broadcast_in_dim3A = arith.constant 0.000000e+00 : bf16
      %broadcast_in_dim3A_47 = vector.broadcast %broadcast_in_dim3A : bf16 to vector<2x16xbf16>
      %mul3A_48 = arith.constant 2 : i32
      %mul3A_49 = arith.muli %mul3A_48, %scan3A_46 : i32
      %swap3A = arith.constant 0 : i32
      %swap3A_50 = arith.index_cast %swap3A : i32 to index
      %swap3A_51 = arith.index_cast %mul3A_49 : i32 to index
      %swap3A_52 = arith.constant 0 : index
      %swap3A_53 = tpu.vector_load %arg8[%swap3A_50, %swap3A_51, %swap3A_52] {strides = array<i32>} : memref<8x80x48xbf16, #tpu.memory_space<vmem>>, vector<1x2x16xbf16>,
      %swap3A_54 = vector.shape_cast %swap3A_53 : vector<1x2x16xbf16> to vector<2x16xbf16>
      %swap3A_55 = vector.shape_cast %broadcast_in_dim3A_47 : vector<2x16xbf16> to vector<1x2x16xbf16>
      tpu.vector_store %arg8[%swap3A_50, %swap3A_51, %swap3A_52], %swap3A_55 {strides = array<i32>} : memref<8x80x48xbf16, #tpu.memory_space<vmem>>, vector<1x2x16xbf16>,
      %broadcast_in_dim3A_56 = arith.constant 0.000000e+00 : bf16
      %broadcast_in_dim3A_57 = vector.broadcast %broadcast_in_dim3A_56 : bf16 to vector<2x16xbf16>
      %mul3A_58 = arith.constant 2 : i32
      %mul3A_59 = arith.muli %mul3A_58, %scan3A_46 : i32
      %swap3A_60 = arith.constant 0 : i32
      %swap3A_61 = arith.index_cast %swap3A_60 : i32 to index
      %swap3A_62 = arith.index_cast %mul3A_59 : i32 to index
      %swap3A_63 = arith.constant 16 : index
      %swap3A_64 = tpu.vector_load %arg8[%swap3A_61, %swap3A_62, %swap3A_63] {strides = array<i32>} : memref<8x80x48xbf16, #tpu.memory_space<vmem>>, vector<1x2x16xbf16>,
      %swap3A_65 = vector.shape_cast %swap3A_64 : vector<1x2x16xbf16> to vector<2x16xbf16>
      %swap3A_66 = vector.shape_cast %broadcast_in_dim3A_57 : vector<2x16xbf16> to vector<1x2x16xbf16>
      tpu.vector_store %arg8[%swap3A_61, %swap3A_62, %swap3A_63], %swap3A_66 {strides = array<i32>} : memref<8x80x48xbf16, #tpu.memory_space<vmem>>, vector<1x2x16xbf16>,
      %broadcast_in_dim3A_67 = arith.constant 0.000000e+00 : bf16
      %broadcast_in_dim3A_68 = vector.broadcast %broadcast_in_dim3A_67 : bf16 to vector<2x16xbf16>
      %mul3A_69 = arith.constant 2 : i32
      %mul3A_70 = arith.muli %mul3A_69, %scan3A_46 : i32
      %swap3A_71 = arith.constant 0 : i32
      %swap3A_72 = arith.index_cast %swap3A_71 : i32 to index
      %swap3A_73 = arith.index_cast %mul3A_70 : i32 to index
      %swap3A_74 = arith.constant 32 : index
      %swap3A_75 = tpu.vector_load %arg8[%swap3A_72, %swap3A_73, %swap3A_74] {strides = array<i32>} : memref<8x80x48xbf16, #tpu.memory_space<vmem>>, vector<1x2x16xbf16>,
      %swap3A_76 = vector.shape_cast %swap3A_75 : vector<1x2x16xbf16> to vector<2x16xbf16>
      %swap3A_77 = vector.shape_cast %broadcast_in_dim3A_68 : vector<2x16xbf16> to vector<1x2x16xbf16>
      tpu.vector_store %arg8[%swap3A_72, %swap3A_73, %swap3A_74], %swap3A_77 {strides = array<i32>} : memref<8x80x48xbf16, #tpu.memory_space<vmem>>, vector<1x2x16xbf16>,
    }
    %scan3A_7 = arith.constant 40 : i32
    %add3A_8 = arith.constant 0 : i32
    %add3A_9 = arith.addi %mul3A_2, %add3A_8 : i32
    %run_scoped3A = arith.constant 0 : i32
    "tpu.region"() ({
      %run_scoped3A_46 = tpu.sem_alloc : memref<!tpu.dma_semaphore, #tpu.memory_space<semaphore_mem>>
      %dma_start3A = arith.constant 0 : i32
      %dma_start3A_47 = arith.constant 0 : i32
      %dma_start3A_48 = tpu.memref_slice %arg8[%run_scoped3A, %dma_start3A, %dma_start3A_47] : memref<8x80x48xbf16, #tpu.memory_space<vmem>> -> memref<1x80x48xbf16, #tpu.memory_space<vmem>>
      %dma_start3A_49 = tpu.memref_squeeze %dma_start3A_48 : memref<1x80x48xbf16, #tpu.memory_space<vmem>> -> memref<80x48xbf16, #tpu.memory_space<vmem>>
      %dma_start3A_50 = arith.constant 0 : i32
      %dma_start3A_51 = tpu.memref_slice %arg11[%add3A_9, %dma_start3A_50] : memref<10000x48xbf16, #tpu.memory_space<vmem_shared>> -> memref<80x48xbf16, #tpu.memory_space<vmem_shared>>
      %dma_start3A_52 = arith.constant 0 : i32
      %dma_start3A_53 = tpu.memref_slice %arg11[%add3A_9, %dma_start3A_52] : memref<10000x48xbf16, #tpu.memory_space<vmem_shared>> -> memref<80x48xbf16, #tpu.memory_space<vmem_shared>>
      %dma_start3A_54 = arith.constant 0 : i32
      %dma_start3A_55 = arith.constant 0 : i32
      %dma_start3A_56 = tpu.memref_slice %arg8[%run_scoped3A, %dma_start3A_54, %dma_start3A_55] : memref<8x80x48xbf16, #tpu.memory_space<vmem>> -> memref<1x80x48xbf16, #tpu.memory_space<vmem>>
      %dma_start3A_57 = tpu.memref_squeeze %dma_start3A_56 : memref<1x80x48xbf16, #tpu.memory_space<vmem>> -> memref<80x48xbf16, #tpu.memory_space<vmem>>
      tpu.enqueue_dma source(%dma_start3A_57 : memref<80x48xbf16, #tpu.memory_space<vmem>>) target(%dma_start3A_53 : memref<80x48xbf16, #tpu.memory_space<vmem_shared>>) target_semaphore(%run_scoped3A_46 : memref<!tpu.dma_semaphore, #tpu.memory_space<semaphore_mem>>)
      %dma_wait3A = arith.constant 0 : i32
      %dma_wait3A_58 = arith.constant 0 : i32
      %dma_wait3A_59 = tpu.memref_slice %arg8[%run_scoped3A, %dma_wait3A, %dma_wait3A_58] : memref<8x80x48xbf16, #tpu.memory_space<vmem>> -> memref<1x80x48xbf16, #tpu.memory_space<vmem>>
      %dma_wait3A_60 = tpu.memref_squeeze %dma_wait3A_59 : memref<1x80x48xbf16, #tpu.memory_space<vmem>> -> memref<80x48xbf16, #tpu.memory_space<vmem>>
      %dma_wait3A_61 = arith.constant 0 : i32
      %dma_wait3A_62 = tpu.memref_slice %arg11[%add3A_9, %dma_wait3A_61] : memref<10000x48xbf16, #tpu.memory_space<vmem_shared>> -> memref<80x48xbf16, #tpu.memory_space<vmem_shared>>
      %dma_wait3A_63 = arith.constant 0 : i32
      %dma_wait3A_64 = tpu.memref_slice %arg11[%add3A_9, %dma_wait3A_63] : memref<10000x48xbf16, #tpu.memory_space<vmem_shared>> -> memref<80x48xbf16, #tpu.memory_space<vmem_shared>>
      %dma_wait3A_65 = arith.constant 0 : i32
      %dma_wait3A_66 = arith.constant 0 : i32
      %dma_wait3A_67 = tpu.memref_slice %arg8[%run_scoped3A, %dma_wait3A_65, %dma_wait3A_66] : memref<8x80x48xbf16, #tpu.memory_space<vmem>> -> memref<1x80x48xbf16, #tpu.memory_space<vmem>>
      %dma_wait3A_68 = tpu.memref_squeeze %dma_wait3A_67 : memref<1x80x48xbf16, #tpu.memory_space<vmem>> -> memref<80x48xbf16, #tpu.memory_space<vmem>>
      tpu.wait_dma2 semaphore(%run_scoped3A_46 : memref<!tpu.dma_semaphore, #tpu.memory_space<semaphore_mem>>) src(%dma_wait3A_68 : memref<80x48xbf16, #tpu.memory_space<vmem>>) dst(%dma_wait3A_64 : memref<80x48xbf16, #tpu.memory_space<vmem_shared>>)
      tpu.yield
    }) : () -> ()
    %add3A_10 = arith.constant 80 : i32
    %add3A_11 = arith.addi %mul3A_2, %add3A_10 : i32
    %run_scoped3A_12 = arith.constant 0 : i32
    "tpu.region"() ({
      %run_scoped3A_46 = tpu.sem_alloc : memref<!tpu.dma_semaphore, #tpu.memory_space<semaphore_mem>>
      %dma_start3A = arith.constant 0 : i32
      %dma_start3A_47 = arith.constant 0 : i32
      %dma_start3A_48 = tpu.memref_slice %arg8[%run_scoped3A_12, %dma_start3A, %dma_start3A_47] : memref<8x80x48xbf16, #tpu.memory_space<vmem>> -> memref<1x80x48xbf16, #tpu.memory_space<vmem>>
      %dma_start3A_49 = tpu.memref_squeeze %dma_start3A_48 : memref<1x80x48xbf16, #tpu.memory_space<vmem>> -> memref<80x48xbf16, #tpu.memory_space<vmem>>
      %dma_start3A_50 = arith.constant 0 : i32
      %dma_start3A_51 = tpu.memref_slice %arg11[%add3A_11, %dma_start3A_50] : memref<10000x48xbf16, #tpu.memory_space<vmem_shared>> -> memref<80x48xbf16, #tpu.memory_space<vmem_shared>>
      %dma_start3A_52 = arith.constant 0 : i32
      %dma_start3A_53 = tpu.memref_slice %arg11[%add3A_11, %dma_start3A_52] : memref<10000x48xbf16, #tpu.memory_space<vmem_shared>> -> memref<80x48xbf16, #tpu.memory_space<vmem_shared>>
      %dma_start3A_54 = arith.constant 0 : i32
      %dma_start3A_55 = arith.constant 0 : i32
      %dma_start3A_56 = tpu.memref_slice %arg8[%run_scoped3A_12, %dma_start3A_54, %dma_start3A_55] : memref<8x80x48xbf16, #tpu.memory_space<vmem>> -> memref<1x80x48xbf16, #tpu.memory_space<vmem>>
      %dma_start3A_57 = tpu.memref_squeeze %dma_start3A_56 : memref<1x80x48xbf16, #tpu.memory_space<vmem>> -> memref<80x48xbf16, #tpu.memory_space<vmem>>
      tpu.enqueue_dma source(%dma_start3A_57 : memref<80x48xbf16, #tpu.memory_space<vmem>>) target(%dma_start3A_53 : memref<80x48xbf16, #tpu.memory_space<vmem_shared>>) target_semaphore(%run_scoped3A_46 : memref<!tpu.dma_semaphore, #tpu.memory_space<semaphore_mem>>)
      %dma_wait3A = arith.constant 0 : i32
      %dma_wait3A_58 = arith.constant 0 : i32
      %dma_wait3A_59 = tpu.memref_slice %arg8[%run_scoped3A_12, %dma_wait3A, %dma_wait3A_58] : memref<8x80x48xbf16, #tpu.memory_space<vmem>> -> memref<1x80x48xbf16, #tpu.memory_space<vmem>>
      %dma_wait3A_60 = tpu.memref_squeeze %dma_wait3A_59 : memref<1x80x48xbf16, #tpu.memory_space<vmem>> -> memref<80x48xbf16, #tpu.memory_space<vmem>>
      %dma_wait3A_61 = arith.constant 0 : i32
      %dma_wait3A_62 = tpu.memref_slice %arg11[%add3A_11, %dma_wait3A_61] : memref<10000x48xbf16, #tpu.memory_space<vmem_shared>> -> memref<80x48xbf16, #tpu.memory_space<vmem_shared>>
      %dma_wait3A_63 = arith.constant 0 : i32
      %dma_wait3A_64 = tpu.memref_slice %arg11[%add3A_11, %dma_wait3A_63] : memref<10000x48xbf16, #tpu.memory_space<vmem_shared>> -> memref<80x48xbf16, #tpu.memory_space<vmem_shared>>
      %dma_wait3A_65 = arith.constant 0 : i32
      %dma_wait3A_66 = arith.constant 0 : i32
      %dma_wait3A_67 = tpu.memref_slice %arg8[%run_scoped3A_12, %dma_wait3A_65, %dma_wait3A_66] : memref<8x80x48xbf16, #tpu.memory_space<vmem>> -> memref<1x80x48xbf16, #tpu.memory_space<vmem>>
      %dma_wait3A_68 = tpu.memref_squeeze %dma_wait3A_67 : memref<1x80x48xbf16, #tpu.memory_space<vmem>> -> memref<80x48xbf16, #tpu.memory_space<vmem>>
      tpu.wait_dma2 semaphore(%run_scoped3A_46 : memref<!tpu.dma_semaphore, #tpu.memory_space<semaphore_mem>>) src(%dma_wait3A_68 : memref<80x48xbf16, #tpu.memory_space<vmem>>) dst(%dma_wait3A_64 : memref<80x48xbf16, #tpu.memory_space<vmem_shared>>)
      tpu.yield
    }) : () -> ()
    %add3A_13 = arith.constant 160 : i32
    %add3A_14 = arith.addi %mul3A_2, %add3A_13 : i32
    %run_scoped3A_15 = arith.constant 0 : i32
    "tpu.region"() ({
      %run_scoped3A_46 = tpu.sem_alloc : memref<!tpu.dma_semaphore, #tpu.memory_space<semaphore_mem>>
      %dma_start3A = arith.constant 0 : i32
      %dma_start3A_47 = arith.constant 0 : i32
      %dma_start3A_48 = tpu.memref_slice %arg8[%run_scoped3A_15, %dma_start3A, %dma_start3A_47] : memref<8x80x48xbf16, #tpu.memory_space<vmem>> -> memref<1x80x48xbf16, #tpu.memory_space<vmem>>
      %dma_start3A_49 = tpu.memref_squeeze %dma_start3A_48 : memref<1x80x48xbf16, #tpu.memory_space<vmem>> -> memref<80x48xbf16, #tpu.memory_space<vmem>>
      %dma_start3A_50 = arith.constant 0 : i32
      %dma_start3A_51 = tpu.memref_slice %arg11[%add3A_14, %dma_start3A_50] : memref<10000x48xbf16, #tpu.memory_space<vmem_shared>> -> memref<80x48xbf16, #tpu.memory_space<vmem_shared>>
      %dma_start3A_52 = arith.constant 0 : i32
      %dma_start3A_53 = tpu.memref_slice %arg11[%add3A_14, %dma_start3A_52] : memref<10000x48xbf16, #tpu.memory_space<vmem_shared>> -> memref<80x48xbf16, #tpu.memory_space<vmem_shared>>
      %dma_start3A_54 = arith.constant 0 : i32
      %dma_start3A_55 = arith.constant 0 : i32
      %dma_start3A_56 = tpu.memref_slice %arg8[%run_scoped3A_15, %dma_start3A_54, %dma_start3A_55] : memref<8x80x48xbf16, #tpu.memory_space<vmem>> -> memref<1x80x48xbf16, #tpu.memory_space<vmem>>
      %dma_start3A_57 = tpu.memref_squeeze %dma_start3A_56 : memref<1x80x48xbf16, #tpu.memory_space<vmem>> -> memref<80x48xbf16, #tpu.memory_space<vmem>>
      tpu.enqueue_dma source(%dma_start3A_57 : memref<80x48xbf16, #tpu.memory_space<vmem>>) target(%dma_start3A_53 : memref<80x48xbf16, #tpu.memory_space<vmem_shared>>) target_semaphore(%run_scoped3A_46 : memref<!tpu.dma_semaphore, #tpu.memory_space<semaphore_mem>>)
      %dma_wait3A = arith.constant 0 : i32
      %dma_wait3A_58 = arith.constant 0 : i32
      %dma_wait3A_59 = tpu.memref_slice %arg8[%run_scoped3A_15, %dma_wait3A, %dma_wait3A_58] : memref<8x80x48xbf16, #tpu.memory_space<vmem>> -> memref<1x80x48xbf16, #tpu.memory_space<vmem>>
      %dma_wait3A_60 = tpu.memref_squeeze %dma_wait3A_59 : memref<1x80x48xbf16, #tpu.memory_space<vmem>> -> memref<80x48xbf16, #tpu.memory_space<vmem>>
      %dma_wait3A_61 = arith.constant 0 : i32
      %dma_wait3A_62 = tpu.memref_slice %arg11[%add3A_14, %dma_wait3A_61] : memref<10000x48xbf16, #tpu.memory_space<vmem_shared>> -> memref<80x48xbf16, #tpu.memory_space<vmem_shared>>
      %dma_wait3A_63 = arith.constant 0 : i32
      %dma_wait3A_64 = tpu.memref_slice %arg11[%add3A_14, %dma_wait3A_63] : memref<10000x48xbf16, #tpu.memory_space<vmem_shared>> -> memref<80x48xbf16, #tpu.memory_space<vmem_shared>>
      %dma_wait3A_65 = arith.constant 0 : i32
      %dma_wait3A_66 = arith.constant 0 : i32
      %dma_wait3A_67 = tpu.memref_slice %arg8[%run_scoped3A_15, %dma_wait3A_65, %dma_wait3A_66] : memref<8x80x48xbf16, #tpu.memory_space<vmem>> -> memref<1x80x48xbf16, #tpu.memory_space<vmem>>
      %dma_wait3A_68 = tpu.memref_squeeze %dma_wait3A_67 : memref<1x80x48xbf16, #tpu.memory_space<vmem>> -> memref<80x48xbf16, #tpu.memory_space<vmem>>
      tpu.wait_dma2 semaphore(%run_scoped3A_46 : memref<!tpu.dma_semaphore, #tpu.memory_space<semaphore_mem>>) src(%dma_wait3A_68 : memref<80x48xbf16, #tpu.memory_space<vmem>>) dst(%dma_wait3A_64 : memref<80x48xbf16, #tpu.memory_space<vmem_shared>>)
      tpu.yield
    }) : () -> ()
    %add3A_16 = arith.constant 240 : i32
    %add3A_17 = arith.addi %mul3A_2, %add3A_16 : i32
    %run_scoped3A_18 = arith.constant 0 : i32
    "tpu.region"() ({
      %run_scoped3A_46 = tpu.sem_alloc : memref<!tpu.dma_semaphore, #tpu.memory_space<semaphore_mem>>
      %dma_start3A = arith.constant 0 : i32
      %dma_start3A_47 = arith.constant 0 : i32
      %dma_start3A_48 = tpu.memref_slice %arg8[%run_scoped3A_18, %dma_start3A, %dma_start3A_47] : memref<8x80x48xbf16, #tpu.memory_space<vmem>> -> memref<1x80x48xbf16, #tpu.memory_space<vmem>>
      %dma_start3A_49 = tpu.memref_squeeze %dma_start3A_48 : memref<1x80x48xbf16, #tpu.memory_space<vmem>> -> memref<80x48xbf16, #tpu.memory_space<vmem>>
      %dma_start3A_50 = arith.constant 0 : i32
      %dma_start3A_51 = tpu.memref_slice %arg11[%add3A_17, %dma_start3A_50] : memref<10000x48xbf16, #tpu.memory_space<vmem_shared>> -> memref<80x48xbf16, #tpu.memory_space<vmem_shared>>
      %dma_start3A_52 = arith.constant 0 : i32
      %dma_start3A_53 = tpu.memref_slice %arg11[%add3A_17, %dma_start3A_52] : memref<10000x48xbf16, #tpu.memory_space<vmem_shared>> -> memref<80x48xbf16, #tpu.memory_space<vmem_shared>>
      %dma_start3A_54 = arith.constant 0 : i32
      %dma_start3A_55 = arith.constant 0 : i32
      %dma_start3A_56 = tpu.memref_slice %arg8[%run_scoped3A_18, %dma_start3A_54, %dma_start3A_55] : memref<8x80x48xbf16, #tpu.memory_space<vmem>> -> memref<1x80x48xbf16, #tpu.memory_space<vmem>>
      %dma_start3A_57 = tpu.memref_squeeze %dma_start3A_56 : memref<1x80x48xbf16, #tpu.memory_space<vmem>> -> memref<80x48xbf16, #tpu.memory_space<vmem>>
      tpu.enqueue_dma source(%dma_start3A_57 : memref<80x48xbf16, #tpu.memory_space<vmem>>) target(%dma_start3A_53 : memref<80x48xbf16, #tpu.memory_space<vmem_shared>>) target_semaphore(%run_scoped3A_46 : memref<!tpu.dma_semaphore, #tpu.memory_space<semaphore_mem>>)
      %dma_wait3A = arith.constant 0 : i32
      %dma_wait3A_58 = arith.constant 0 : i32
      %dma_wait3A_59 = tpu.memref_slice %arg8[%run_scoped3A_18, %dma_wait3A, %dma_wait3A_58] : memref<8x80x48xbf16, #tpu.memory_space<vmem>> -> memref<1x80x48xbf16, #tpu.memory_space<vmem>>
      %dma_wait3A_60 = tpu.memref_squeeze %dma_wait3A_59 : memref<1x80x48xbf16, #tpu.memory_space<vmem>> -> memref<80x48xbf16, #tpu.memory_space<vmem>>
      %dma_wait3A_61 = arith.constant 0 : i32
      %dma_wait3A_62 = tpu.memref_slice %arg11[%add3A_17, %dma_wait3A_61] : memref<10000x48xbf16, #tpu.memory_space<vmem_shared>> -> memref<80x48xbf16, #tpu.memory_space<vmem_shared>>
      %dma_wait3A_63 = arith.constant 0 : i32
      %dma_wait3A_64 = tpu.memref_slice %arg11[%add3A_17, %dma_wait3A_63] : memref<10000x48xbf16, #tpu.memory_space<vmem_shared>> -> memref<80x48xbf16, #tpu.memory_space<vmem_shared>>
      %dma_wait3A_65 = arith.constant 0 : i32
      %dma_wait3A_66 = arith.constant 0 : i32
      %dma_wait3A_67 = tpu.memref_slice %arg8[%run_scoped3A_18, %dma_wait3A_65, %dma_wait3A_66] : memref<8x80x48xbf16, #tpu.memory_space<vmem>> -> memref<1x80x48xbf16, #tpu.memory_space<vmem>>
      %dma_wait3A_68 = tpu.memref_squeeze %dma_wait3A_67 : memref<1x80x48xbf16, #tpu.memory_space<vmem>> -> memref<80x48xbf16, #tpu.memory_space<vmem>>
      tpu.wait_dma2 semaphore(%run_scoped3A_46 : memref<!tpu.dma_semaphore, #tpu.memory_space<semaphore_mem>>) src(%dma_wait3A_68 : memref<80x48xbf16, #tpu.memory_space<vmem>>) dst(%dma_wait3A_64 : memref<80x48xbf16, #tpu.memory_space<vmem_shared>>)
      tpu.yield
    }) : () -> ()
    %add3A_19 = arith.constant 320 : i32
    %add3A_20 = arith.addi %mul3A_2, %add3A_19 : i32
    %run_scoped3A_21 = arith.constant 0 : i32
    "tpu.region"() ({
      %run_scoped3A_46 = tpu.sem_alloc : memref<!tpu.dma_semaphore, #tpu.memory_space<semaphore_mem>>
      %dma_start3A = arith.constant 0 : i32
      %dma_start3A_47 = arith.constant 0 : i32
      %dma_start3A_48 = tpu.memref_slice %arg8[%run_scoped3A_21, %dma_start3A, %dma_start3A_47] : memref<8x80x48xbf16, #tpu.memory_space<vmem>> -> memref<1x80x48xbf16, #tpu.memory_space<vmem>>
      %dma_start3A_49 = tpu.memref_squeeze %dma_start3A_48 : memref<1x80x48xbf16, #tpu.memory_space<vmem>> -> memref<80x48xbf16, #tpu.memory_space<vmem>>
      %dma_start3A_50 = arith.constant 0 : i32
      %dma_start3A_51 = tpu.memref_slice %arg11[%add3A_20, %dma_start3A_50] : memref<10000x48xbf16, #tpu.memory_space<vmem_shared>> -> memref<80x48xbf16, #tpu.memory_space<vmem_shared>>
      %dma_start3A_52 = arith.constant 0 : i32
      %dma_start3A_53 = tpu.memref_slice %arg11[%add3A_20, %dma_start3A_52] : memref<10000x48xbf16, #tpu.memory_space<vmem_shared>> -> memref<80x48xbf16, #tpu.memory_space<vmem_shared>>
      %dma_start3A_54 = arith.constant 0 : i32
      %dma_start3A_55 = arith.constant 0 : i32
      %dma_start3A_56 = tpu.memref_slice %arg8[%run_scoped3A_21, %dma_start3A_54, %dma_start3A_55] : memref<8x80x48xbf16, #tpu.memory_space<vmem>> -> memref<1x80x48xbf16, #tpu.memory_space<vmem>>
      %dma_start3A_57 = tpu.memref_squeeze %dma_start3A_56 : memref<1x80x48xbf16, #tpu.memory_space<vmem>> -> memref<80x48xbf16, #tpu.memory_space<vmem>>
      tpu.enqueue_dma source(%dma_start3A_57 : memref<80x48xbf16, #tpu.memory_space<vmem>>) target(%dma_start3A_53 : memref<80x48xbf16, #tpu.memory_space<vmem_shared>>) target_semaphore(%run_scoped3A_46 : memref<!tpu.dma_semaphore, #tpu.memory_space<semaphore_mem>>)
      %dma_wait3A = arith.constant 0 : i32
      %dma_wait3A_58 = arith.constant 0 : i32
      %dma_wait3A_59 = tpu.memref_slice %arg8[%run_scoped3A_21, %dma_wait3A, %dma_wait3A_58] : memref<8x80x48xbf16, #tpu.memory_space<vmem>> -> memref<1x80x48xbf16, #tpu.memory_space<vmem>>
      %dma_wait3A_60 = tpu.memref_squeeze %dma_wait3A_59 : memref<1x80x48xbf16, #tpu.memory_space<vmem>> -> memref<80x48xbf16, #tpu.memory_space<vmem>>
      %dma_wait3A_61 = arith.constant 0 : i32
      %dma_wait3A_62 = tpu.memref_slice %arg11[%add3A_20, %dma_wait3A_61] : memref<10000x48xbf16, #tpu.memory_space<vmem_shared>> -> memref<80x48xbf16, #tpu.memory_space<vmem_shared>>
      %dma_wait3A_63 = arith.constant 0 : i32
      %dma_wait3A_64 = tpu.memref_slice %arg11[%add3A_20, %dma_wait3A_63] : memref<10000x48xbf16, #tpu.memory_space<vmem_shared>> -> memref<80x48xbf16, #tpu.memory_space<vmem_shared>>
      %dma_wait3A_65 = arith.constant 0 : i32
      %dma_wait3A_66 = arith.constant 0 : i32
      %dma_wait3A_67 = tpu.memref_slice %arg8[%run_scoped3A_21, %dma_wait3A_65, %dma_wait3A_66] : memref<8x80x48xbf16, #tpu.memory_space<vmem>> -> memref<1x80x48xbf16, #tpu.memory_space<vmem>>
      %dma_wait3A_68 = tpu.memref_squeeze %dma_wait3A_67 : memref<1x80x48xbf16, #tpu.memory_space<vmem>> -> memref<80x48xbf16, #tpu.memory_space<vmem>>
      tpu.wait_dma2 semaphore(%run_scoped3A_46 : memref<!tpu.dma_semaphore, #tpu.memory_space<semaphore_mem>>) src(%dma_wait3A_68 : memref<80x48xbf16, #tpu.memory_space<vmem>>) dst(%dma_wait3A_64 : memref<80x48xbf16, #tpu.memory_space<vmem_shared>>)
      tpu.yield
    }) : () -> ()
    %add3A_22 = arith.constant 400 : i32
    %add3A_23 = arith.addi %mul3A_2, %add3A_22 : i32
    %run_scoped3A_24 = arith.constant 0 : i32
    "tpu.region"() ({
      %run_scoped3A_46 = tpu.sem_alloc : memref<!tpu.dma_semaphore, #tpu.memory_space<semaphore_mem>>
      %dma_start3A = arith.constant 0 : i32
      %dma_start3A_47 = arith.constant 0 : i32
      %dma_start3A_48 = tpu.memref_slice %arg8[%run_scoped3A_24, %dma_start3A, %dma_start3A_47] : memref<8x80x48xbf16, #tpu.memory_space<vmem>> -> memref<1x80x48xbf16, #tpu.memory_space<vmem>>
      %dma_start3A_49 = tpu.memref_squeeze %dma_start3A_48 : memref<1x80x48xbf16, #tpu.memory_space<vmem>> -> memref<80x48xbf16, #tpu.memory_space<vmem>>
      %dma_start3A_50 = arith.constant 0 : i32
      %dma_start3A_51 = tpu.memref_slice %arg11[%add3A_23, %dma_start3A_50] : memref<10000x48xbf16, #tpu.memory_space<vmem_shared>> -> memref<80x48xbf16, #tpu.memory_space<vmem_shared>>
      %dma_start3A_52 = arith.constant 0 : i32
      %dma_start3A_53 = tpu.memref_slice %arg11[%add3A_23, %dma_start3A_52] : memref<10000x48xbf16, #tpu.memory_space<vmem_shared>> -> memref<80x48xbf16, #tpu.memory_space<vmem_shared>>
      %dma_start3A_54 = arith.constant 0 : i32
      %dma_start3A_55 = arith.constant 0 : i32
      %dma_start3A_56 = tpu.memref_slice %arg8[%run_scoped3A_24, %dma_start3A_54, %dma_start3A_55] : memref<8x80x48xbf16, #tpu.memory_space<vmem>> -> memref<1x80x48xbf16, #tpu.memory_space<vmem>>
      %dma_start3A_57 = tpu.memref_squeeze %dma_start3A_56 : memref<1x80x48xbf16, #tpu.memory_space<vmem>> -> memref<80x48xbf16, #tpu.memory_space<vmem>>
      tpu.enqueue_dma source(%dma_start3A_57 : memref<80x48xbf16, #tpu.memory_space<vmem>>) target(%dma_start3A_53 : memref<80x48xbf16, #tpu.memory_space<vmem_shared>>) target_semaphore(%run_scoped3A_46 : memref<!tpu.dma_semaphore, #tpu.memory_space<semaphore_mem>>)
      %dma_wait3A = arith.constant 0 : i32
      %dma_wait3A_58 = arith.constant 0 : i32
      %dma_wait3A_59 = tpu.memref_slice %arg8[%run_scoped3A_24, %dma_wait3A, %dma_wait3A_58] : memref<8x80x48xbf16, #tpu.memory_space<vmem>> -> memref<1x80x48xbf16, #tpu.memory_space<vmem>>
      %dma_wait3A_60 = tpu.memref_squeeze %dma_wait3A_59 : memref<1x80x48xbf16, #tpu.memory_space<vmem>> -> memref<80x48xbf16, #tpu.memory_space<vmem>>
      %dma_wait3A_61 = arith.constant 0 : i32
      %dma_wait3A_62 = tpu.memref_slice %arg11[%add3A_23, %dma_wait3A_61] : memref<10000x48xbf16, #tpu.memory_space<vmem_shared>> -> memref<80x48xbf16, #tpu.memory_space<vmem_shared>>
      %dma_wait3A_63 = arith.constant 0 : i32
      %dma_wait3A_64 = tpu.memref_slice %arg11[%add3A_23, %dma_wait3A_63] : memref<10000x48xbf16, #tpu.memory_space<vmem_shared>> -> memref<80x48xbf16, #tpu.memory_space<vmem_shared>>
      %dma_wait3A_65 = arith.constant 0 : i32
      %dma_wait3A_66 = arith.constant 0 : i32
      %dma_wait3A_67 = tpu.memref_slice %arg8[%run_scoped3A_24, %dma_wait3A_65, %dma_wait3A_66] : memref<8x80x48xbf16, #tpu.memory_space<vmem>> -> memref<1x80x48xbf16, #tpu.memory_space<vmem>>
      %dma_wait3A_68 = tpu.memref_squeeze %dma_wait3A_67 : memref<1x80x48xbf16, #tpu.memory_space<vmem>> -> memref<80x48xbf16, #tpu.memory_space<vmem>>
      tpu.wait_dma2 semaphore(%run_scoped3A_46 : memref<!tpu.dma_semaphore, #tpu.memory_space<semaphore_mem>>) src(%dma_wait3A_68 : memref<80x48xbf16, #tpu.memory_space<vmem>>) dst(%dma_wait3A_64 : memref<80x48xbf16, #tpu.memory_space<vmem_shared>>)
      tpu.yield
    }) : () -> ()
    %add3A_25 = arith.constant 480 : i32
    %add3A_26 = arith.addi %mul3A_2, %add3A_25 : i32
    %run_scoped3A_27 = arith.constant 0 : i32
    "tpu.region"() ({
      %run_scoped3A_46 = tpu.sem_alloc : memref<!tpu.dma_semaphore, #tpu.memory_space<semaphore_mem>>
      %dma_start3A = arith.constant 0 : i32
      %dma_start3A_47 = arith.constant 0 : i32
      %dma_start3A_48 = tpu.memref_slice %arg8[%run_scoped3A_27, %dma_start3A, %dma_start3A_47] : memref<8x80x48xbf16, #tpu.memory_space<vmem>> -> memref<1x80x48xbf16, #tpu.memory_space<vmem>>
      %dma_start3A_49 = tpu.memref_squeeze %dma_start3A_48 : memref<1x80x48xbf16, #tpu.memory_space<vmem>> -> memref<80x48xbf16, #tpu.memory_space<vmem>>
      %dma_start3A_50 = arith.constant 0 : i32
      %dma_start3A_51 = tpu.memref_slice %arg11[%add3A_26, %dma_start3A_50] : memref<10000x48xbf16, #tpu.memory_space<vmem_shared>> -> memref<80x48xbf16, #tpu.memory_space<vmem_shared>>
      %dma_start3A_52 = arith.constant 0 : i32
      %dma_start3A_53 = tpu.memref_slice %arg11[%add3A_26, %dma_start3A_52] : memref<10000x48xbf16, #tpu.memory_space<vmem_shared>> -> memref<80x48xbf16, #tpu.memory_space<vmem_shared>>
      %dma_start3A_54 = arith.constant 0 : i32
      %dma_start3A_55 = arith.constant 0 : i32
      %dma_start3A_56 = tpu.memref_slice %arg8[%run_scoped3A_27, %dma_start3A_54, %dma_start3A_55] : memref<8x80x48xbf16, #tpu.memory_space<vmem>> -> memref<1x80x48xbf16, #tpu.memory_space<vmem>>
      %dma_start3A_57 = tpu.memref_squeeze %dma_start3A_56 : memref<1x80x48xbf16, #tpu.memory_space<vmem>> -> memref<80x48xbf16, #tpu.memory_space<vmem>>
      tpu.enqueue_dma source(%dma_start3A_57 : memref<80x48xbf16, #tpu.memory_space<vmem>>) target(%dma_start3A_53 : memref<80x48xbf16, #tpu.memory_space<vmem_shared>>) target_semaphore(%run_scoped3A_46 : memref<!tpu.dma_semaphore, #tpu.memory_space<semaphore_mem>>)
      %dma_wait3A = arith.constant 0 : i32
      %dma_wait3A_58 = arith.constant 0 : i32
      %dma_wait3A_59 = tpu.memref_slice %arg8[%run_scoped3A_27, %dma_wait3A, %dma_wait3A_58] : memref<8x80x48xbf16, #tpu.memory_space<vmem>> -> memref<1x80x48xbf16, #tpu.memory_space<vmem>>
      %dma_wait3A_60 = tpu.memref_squeeze %dma_wait3A_59 : memref<1x80x48xbf16, #tpu.memory_space<vmem>> -> memref<80x48xbf16, #tpu.memory_space<vmem>>
      %dma_wait3A_61 = arith.constant 0 : i32
      %dma_wait3A_62 = tpu.memref_slice %arg11[%add3A_26, %dma_wait3A_61] : memref<10000x48xbf16, #tpu.memory_space<vmem_shared>> -> memref<80x48xbf16, #tpu.memory_space<vmem_shared>>
      %dma_wait3A_63 = arith.constant 0 : i32
      %dma_wait3A_64 = tpu.memref_slice %arg11[%add3A_26, %dma_wait3A_63] : memref<10000x48xbf16, #tpu.memory_space<vmem_shared>> -> memref<80x48xbf16, #tpu.memory_space<vmem_shared>>
      %dma_wait3A_65 = arith.constant 0 : i32
      %dma_wait3A_66 = arith.constant 0 : i32
      %dma_wait3A_67 = tpu.memref_slice %arg8[%run_scoped3A_27, %dma_wait3A_65, %dma_wait3A_66] : memref<8x80x48xbf16, #tpu.memory_space<vmem>> -> memref<1x80x48xbf16, #tpu.memory_space<vmem>>
      %dma_wait3A_68 = tpu.memref_squeeze %dma_wait3A_67 : memref<1x80x48xbf16, #tpu.memory_space<vmem>> -> memref<80x48xbf16, #tpu.memory_space<vmem>>
      tpu.wait_dma2 semaphore(%run_scoped3A_46 : memref<!tpu.dma_semaphore, #tpu.memory_space<semaphore_mem>>) src(%dma_wait3A_68 : memref<80x48xbf16, #tpu.memory_space<vmem>>) dst(%dma_wait3A_64 : memref<80x48xbf16, #tpu.memory_space<vmem_shared>>)
      tpu.yield
    }) : () -> ()
    %add3A_28 = arith.constant 560 : i32
    %add3A_29 = arith.addi %mul3A_2, %add3A_28 : i32
    %run_scoped3A_30 = arith.constant 0 : i32
    "tpu.region"() ({
      %run_scoped3A_46 = tpu.sem_alloc : memref<!tpu.dma_semaphore, #tpu.memory_space<semaphore_mem>>
      %dma_start3A = arith.constant 0 : i32
      %dma_start3A_47 = arith.constant 0 : i32
      %dma_start3A_48 = tpu.memref_slice %arg8[%run_scoped3A_30, %dma_start3A, %dma_start3A_47] : memref<8x80x48xbf16, #tpu.memory_space<vmem>> -> memref<1x80x48xbf16, #tpu.memory_space<vmem>>
      %dma_start3A_49 = tpu.memref_squeeze %dma_start3A_48 : memref<1x80x48xbf16, #tpu.memory_space<vmem>> -> memref<80x48xbf16, #tpu.memory_space<vmem>>
      %dma_start3A_50 = arith.constant 0 : i32
      %dma_start3A_51 = arith.constant 0 : i32
      %dma_start3A_52 = tpu.memref_slice %dma_start3A_49[%dma_start3A_50, %dma_start3A_51] : memref<80x48xbf16, #tpu.memory_space<vmem>> -> memref<64x48xbf16, #tpu.memory_space<vmem>>
      %dma_start3A_53 = arith.constant 0 : i32
      %dma_start3A_54 = tpu.memref_slice %arg11[%add3A_29, %dma_start3A_53] : memref<10000x48xbf16, #tpu.memory_space<vmem_shared>> -> memref<64x48xbf16, #tpu.memory_space<vmem_shared>>
      %dma_start3A_55 = arith.constant 0 : i32
      %dma_start3A_56 = tpu.memref_slice %arg11[%add3A_29, %dma_start3A_55] : memref<10000x48xbf16, #tpu.memory_space<vmem_shared>> -> memref<64x48xbf16, #tpu.memory_space<vmem_shared>>
      %dma_start3A_57 = arith.constant 0 : i32
      %dma_start3A_58 = arith.constant 0 : i32
      %dma_start3A_59 = tpu.memref_slice %arg8[%run_scoped3A_30, %dma_start3A_57, %dma_start3A_58] : memref<8x80x48xbf16, #tpu.memory_space<vmem>> -> memref<1x80x48xbf16, #tpu.memory_space<vmem>>
      %dma_start3A_60 = tpu.memref_squeeze %dma_start3A_59 : memref<1x80x48xbf16, #tpu.memory_space<vmem>> -> memref<80x48xbf16, #tpu.memory_space<vmem>>
      %dma_start3A_61 = arith.constant 0 : i32
      %dma_start3A_62 = arith.constant 0 : i32
      %dma_start3A_63 = tpu.memref_slice %dma_start3A_60[%dma_start3A_61, %dma_start3A_62] : memref<80x48xbf16, #tpu.memory_space<vmem>> -> memref<64x48xbf16, #tpu.memory_space<vmem>>
      tpu.enqueue_dma source(%dma_start3A_63 : memref<64x48xbf16, #tpu.memory_space<vmem>>) target(%dma_start3A_56 : memref<64x48xbf16, #tpu.memory_space<vmem_shared>>) target_semaphore(%run_scoped3A_46 : memref<!tpu.dma_semaphore, #tpu.memory_space<semaphore_mem>>)
      %dma_wait3A = arith.constant 0 : i32
      %dma_wait3A_64 = arith.constant 0 : i32
      %dma_wait3A_65 = tpu.memref_slice %arg8[%run_scoped3A_30, %dma_wait3A, %dma_wait3A_64] : memref<8x80x48xbf16, #tpu.memory_space<vmem>> -> memref<1x80x48xbf16, #tpu.memory_space<vmem>>
      %dma_wait3A_66 = tpu.memref_squeeze %dma_wait3A_65 : memref<1x80x48xbf16, #tpu.memory_space<vmem>> -> memref<80x48xbf16, #tpu.memory_space<vmem>>
      %dma_wait3A_67 = arith.constant 0 : i32
      %dma_wait3A_68 = arith.constant 0 : i32
      %dma_wait3A_69 = tpu.memref_slice %dma_wait3A_66[%dma_wait3A_67, %dma_wait3A_68] : memref<80x48xbf16, #tpu.memory_space<vmem>> -> memref<64x48xbf16, #tpu.memory_space<vmem>>
      %dma_wait3A_70 = arith.constant 0 : i32
      %dma_wait3A_71 = tpu.memref_slice %arg11[%add3A_29, %dma_wait3A_70] : memref<10000x48xbf16, #tpu.memory_space<vmem_shared>> -> memref<64x48xbf16, #tpu.memory_space<vmem_shared>>
      %dma_wait3A_72 = arith.constant 0 : i32
      %dma_wait3A_73 = tpu.memref_slice %arg11[%add3A_29, %dma_wait3A_72] : memref<10000x48xbf16, #tpu.memory_space<vmem_shared>> -> memref<64x48xbf16, #tpu.memory_space<vmem_shared>>
      %dma_wait3A_74 = arith.constant 0 : i32
      %dma_wait3A_75 = arith.constant 0 : i32
      %dma_wait3A_76 = tpu.memref_slice %arg8[%run_scoped3A_30, %dma_wait3A_74, %dma_wait3A_75] : memref<8x80x48xbf16, #tpu.memory_space<vmem>> -> memref<1x80x48xbf16, #tpu.memory_space<vmem>>
      %dma_wait3A_77 = tpu.memref_squeeze %dma_wait3A_76 : memref<1x80x48xbf16, #tpu.memory_space<vmem>> -> memref<80x48xbf16, #tpu.memory_space<vmem>>
      %dma_wait3A_78 = arith.constant 0 : i32
      %dma_wait3A_79 = arith.constant 0 : i32
      %dma_wait3A_80 = tpu.memref_slice %dma_wait3A_77[%dma_wait3A_78, %dma_wait3A_79] : memref<80x48xbf16, #tpu.memory_space<vmem>> -> memref<64x48xbf16, #tpu.memory_space<vmem>>
      tpu.wait_dma2 semaphore(%run_scoped3A_46 : memref<!tpu.dma_semaphore, #tpu.memory_space<semaphore_mem>>) src(%dma_wait3A_80 : memref<64x48xbf16, #tpu.memory_space<vmem>>) dst(%dma_wait3A_73 : memref<64x48xbf16, #tpu.memory_space<vmem_shared>>)
      tpu.yield
    }) : () -> ()
    %eq3A = arith.constant 15 : i32
    %eq3A_31 = arith.cmpi eq, %arg1, %eq3A : i32
    %convert_element_type3A = arith.extui %eq3A_31 : i1 to i32
    %cond3A = arith.constant 0 : i32
    %cond3A_32 = arith.constant 0 : i32
    %cond3A_33 = arith.cmpi ne, %convert_element_type3A, %cond3A_32 : i32
    scf.if %cond3A_33 {
      "tpu.region"() ({
        %run_scoped3A_46 = tpu.sem_alloc : memref<!tpu.dma_semaphore, #tpu.memory_space<semaphore_mem>>
        %dma_start3A = arith.constant 0 : i32
        %dma_start3A_47 = arith.constant 0 : i32
        %dma_start3A_48 = tpu.memref_slice %arg8[%cond3A, %dma_start3A, %dma_start3A_47] : memref<8x80x48xbf16, #tpu.memory_space<vmem>> -> memref<1x80x48xbf16, #tpu.memory_space<vmem>>
        %dma_start3A_49 = tpu.memref_squeeze %dma_start3A_48 : memref<1x80x48xbf16, #tpu.memory_space<vmem>> -> memref<80x48xbf16, #tpu.memory_space<vmem>>
        %dma_start3A_50 = arith.constant 0 : i32
        %dma_start3A_51 = arith.constant 0 : i32
        %dma_start3A_52 = tpu.memref_slice %dma_start3A_49[%dma_start3A_50, %dma_start3A_51] : memref<80x48xbf16, #tpu.memory_space<vmem>> -> memref<16x48xbf16, #tpu.memory_space<vmem>>
        %dma_start3A_53 = arith.constant 9984 : i32
        %dma_start3A_54 = arith.constant 0 : i32
        %dma_start3A_55 = tpu.memref_slice %arg11[%dma_start3A_53, %dma_start3A_54] : memref<10000x48xbf16, #tpu.memory_space<vmem_shared>> -> memref<16x48xbf16, #tpu.memory_space<vmem_shared>>
        %dma_start3A_56 = arith.constant 9984 : i32
        %dma_start3A_57 = arith.constant 0 : i32
        %dma_start3A_58 = tpu.memref_slice %arg11[%dma_start3A_56, %dma_start3A_57] : memref<10000x48xbf16, #tpu.memory_space<vmem_shared>> -> memref<16x48xbf16, #tpu.memory_space<vmem_shared>>
        %dma_start3A_59 = arith.constant 0 : i32
        %dma_start3A_60 = arith.constant 0 : i32
        %dma_start3A_61 = tpu.memref_slice %arg8[%cond3A, %dma_start3A_59, %dma_start3A_60] : memref<8x80x48xbf16, #tpu.memory_space<vmem>> -> memref<1x80x48xbf16, #tpu.memory_space<vmem>>
        %dma_start3A_62 = tpu.memref_squeeze %dma_start3A_61 : memref<1x80x48xbf16, #tpu.memory_space<vmem>> -> memref<80x48xbf16, #tpu.memory_space<vmem>>
        %dma_start3A_63 = arith.constant 0 : i32
        %dma_start3A_64 = arith.constant 0 : i32
        %dma_start3A_65 = tpu.memref_slice %dma_start3A_62[%dma_start3A_63, %dma_start3A_64] : memref<80x48xbf16, #tpu.memory_space<vmem>> -> memref<16x48xbf16, #tpu.memory_space<vmem>>
        tpu.enqueue_dma source(%dma_start3A_65 : memref<16x48xbf16, #tpu.memory_space<vmem>>) target(%dma_start3A_58 : memref<16x48xbf16, #tpu.memory_space<vmem_shared>>) target_semaphore(%run_scoped3A_46 : memref<!tpu.dma_semaphore, #tpu.memory_space<semaphore_mem>>)
        %dma_wait3A = arith.constant 0 : i32
        %dma_wait3A_66 = arith.constant 0 : i32
        %dma_wait3A_67 = tpu.memref_slice %arg8[%cond3A, %dma_wait3A, %dma_wait3A_66] : memref<8x80x48xbf16, #tpu.memory_space<vmem>> -> memref<1x80x48xbf16, #tpu.memory_space<vmem>>
        %dma_wait3A_68 = tpu.memref_squeeze %dma_wait3A_67 : memref<1x80x48xbf16, #tpu.memory_space<vmem>> -> memref<80x48xbf16, #tpu.memory_space<vmem>>
        %dma_wait3A_69 = arith.constant 0 : i32
        %dma_wait3A_70 = arith.constant 0 : i32
        %dma_wait3A_71 = tpu.memref_slice %dma_wait3A_68[%dma_wait3A_69, %dma_wait3A_70] : memref<80x48xbf16, #tpu.memory_space<vmem>> -> memref<16x48xbf16, #tpu.memory_space<vmem>>
        %dma_wait3A_72 = arith.constant 9984 : i32
        %dma_wait3A_73 = arith.constant 0 : i32
        %dma_wait3A_74 = tpu.memref_slice %arg11[%dma_wait3A_72, %dma_wait3A_73] : memref<10000x48xbf16, #tpu.memory_space<vmem_shared>> -> memref<16x48xbf16, #tpu.memory_space<vmem_shared>>
        %dma_wait3A_75 = arith.constant 9984 : i32
        %dma_wait3A_76 = arith.constant 0 : i32
        %dma_wait3A_77 = tpu.memref_slice %arg11[%dma_wait3A_75, %dma_wait3A_76] : memref<10000x48xbf16, #tpu.memory_space<vmem_shared>> -> memref<16x48xbf16, #tpu.memory_space<vmem_shared>>
        %dma_wait3A_78 = arith.constant 0 : i32
        %dma_wait3A_79 = arith.constant 0 : i32
        %dma_wait3A_80 = tpu.memref_slice %arg8[%cond3A, %dma_wait3A_78, %dma_wait3A_79] : memref<8x80x48xbf16, #tpu.memory_space<vmem>> -> memref<1x80x48xbf16, #tpu.memory_space<vmem>>
        %dma_wait3A_81 = tpu.memref_squeeze %dma_wait3A_80 : memref<1x80x48xbf16, #tpu.memory_space<vmem>> -> memref<80x48xbf16, #tpu.memory_space<vmem>>
        %dma_wait3A_82 = arith.constant 0 : i32
        %dma_wait3A_83 = arith.constant 0 : i32
        %dma_wait3A_84 = tpu.memref_slice %dma_wait3A_81[%dma_wait3A_82, %dma_wait3A_83] : memref<80x48xbf16, #tpu.memory_space<vmem>> -> memref<16x48xbf16, #tpu.memory_space<vmem>>
        tpu.wait_dma2 semaphore(%run_scoped3A_46 : memref<!tpu.dma_semaphore, #tpu.memory_space<semaphore_mem>>) src(%dma_wait3A_84 : memref<16x48xbf16, #tpu.memory_space<vmem>>) dst(%dma_wait3A_77 : memref<16x48xbf16, #tpu.memory_space<vmem_shared>>)
        tpu.yield
      }) : () -> ()
    } else {
    }
    %barrier3A = arith.constant 0 : index
    tpu.barrier barrier_id(%barrier3A)
    %scan3A_34 = arith.constant 0 : i32
    %scan3A_35 = arith.constant 0 : i32
    %scan3A_36 = arith.constant 5 : i32
    %scan3A_37 = arith.addi %scan3A_35, %scan3A_36 : i32
    %scan3A_38 = arith.constant 1 : i32
    scf.for %scan3A_46 = %scan3A_35 to %scan3A_37 step %scan3A_38  : i32 {
      "tpu.region"() ({
        %run_scoped3A_146 = tpu.sem_alloc : memref<!tpu.dma_semaphore, #tpu.memory_space<semaphore_mem>>
        %dma_start3A_147 = arith.constant 0 : i32
        %dma_start3A_148 = arith.constant 0 : i32
        %dma_start3A_149 = tpu.memref_slice %arg3[%add3A, %scan3A_46, %dma_start3A_147, %dma_start3A_148] : memref<32x5x25x80xi32, #tpu.memory_space<hbm>> -> memref<1x1x25x80xi32, #tpu.memory_space<hbm>>
        %dma_start3A_150 = tpu.memref_squeeze %dma_start3A_149 : memref<1x1x25x80xi32, #tpu.memory_space<hbm>> -> memref<25x80xi32, #tpu.memory_space<hbm>>
        %dma_start3A_151 = arith.constant 0 : i32
        %dma_start3A_152 = arith.constant 0 : i32
        %dma_start3A_153 = tpu.memref_slice %arg3[%add3A, %scan3A_46, %dma_start3A_151, %dma_start3A_152] : memref<32x5x25x80xi32, #tpu.memory_space<hbm>> -> memref<1x1x25x80xi32, #tpu.memory_space<hbm>>
        %dma_start3A_154 = tpu.memref_squeeze %dma_start3A_153 : memref<1x1x25x80xi32, #tpu.memory_space<hbm>> -> memref<25x80xi32, #tpu.memory_space<hbm>>
        tpu.enqueue_dma source(%dma_start3A_154 : memref<25x80xi32, #tpu.memory_space<hbm>>) target(%arg6 : memref<25x80xi32, #tpu.memory_space<vmem>>) target_semaphore(%run_scoped3A_146 : memref<!tpu.dma_semaphore, #tpu.memory_space<semaphore_mem>>)
        %dma_wait3A_155 = arith.constant 0 : i32
        %dma_wait3A_156 = arith.constant 0 : i32
        %dma_wait3A_157 = tpu.memref_slice %arg3[%add3A, %scan3A_46, %dma_wait3A_155, %dma_wait3A_156] : memref<32x5x25x80xi32, #tpu.memory_space<hbm>> -> memref<1x1x25x80xi32, #tpu.memory_space<hbm>>
        %dma_wait3A_158 = tpu.memref_squeeze %dma_wait3A_157 : memref<1x1x25x80xi32, #tpu.memory_space<hbm>> -> memref<25x80xi32, #tpu.memory_space<hbm>>
        %dma_wait3A_159 = arith.constant 0 : i32
        %dma_wait3A_160 = arith.constant 0 : i32
        %dma_wait3A_161 = tpu.memref_slice %arg3[%add3A, %scan3A_46, %dma_wait3A_159, %dma_wait3A_160] : memref<32x5x25x80xi32, #tpu.memory_space<hbm>> -> memref<1x1x25x80xi32, #tpu.memory_space<hbm>>
        %dma_wait3A_162 = tpu.memref_squeeze %dma_wait3A_161 : memref<1x1x25x80xi32, #tpu.memory_space<hbm>> -> memref<25x80xi32, #tpu.memory_space<hbm>>
        tpu.wait_dma2 semaphore(%run_scoped3A_146 : memref<!tpu.dma_semaphore, #tpu.memory_space<semaphore_mem>>) src(%dma_wait3A_162 : memref<25x80xi32, #tpu.memory_space<hbm>>) dst(%arg6 : memref<25x80xi32, #tpu.memory_space<vmem>>)
        tpu.yield
      }) : () -> ()
      "tpu.region"() ({
        %run_scoped3A_146 = tpu.sem_alloc : memref<!tpu.dma_semaphore, #tpu.memory_space<semaphore_mem>>
        %dma_start3A_147 = arith.constant 0 : i32
        %dma_start3A_148 = arith.constant 0 : i32
        %dma_start3A_149 = tpu.memref_slice %arg4[%add3A, %scan3A_46, %dma_start3A_147, %dma_start3A_148] : memref<32x5x25x80xi32, #tpu.memory_space<hbm>> -> memref<1x1x25x80xi32, #tpu.memory_space<hbm>>
        %dma_start3A_150 = tpu.memref_squeeze %dma_start3A_149 : memref<1x1x25x80xi32, #tpu.memory_space<hbm>> -> memref<25x80xi32, #tpu.memory_space<hbm>>
        %dma_start3A_151 = arith.constant 0 : i32
        %dma_start3A_152 = arith.constant 0 : i32
        %dma_start3A_153 = tpu.memref_slice %arg4[%add3A, %scan3A_46, %dma_start3A_151, %dma_start3A_152] : memref<32x5x25x80xi32, #tpu.memory_space<hbm>> -> memref<1x1x25x80xi32, #tpu.memory_space<hbm>>
        %dma_start3A_154 = tpu.memref_squeeze %dma_start3A_153 : memref<1x1x25x80xi32, #tpu.memory_space<hbm>> -> memref<25x80xi32, #tpu.memory_space<hbm>>
        tpu.enqueue_dma source(%dma_start3A_154 : memref<25x80xi32, #tpu.memory_space<hbm>>) target(%arg7 : memref<25x80xi32, #tpu.memory_space<vmem>>) target_semaphore(%run_scoped3A_146 : memref<!tpu.dma_semaphore, #tpu.memory_space<semaphore_mem>>)
        %dma_wait3A_155 = arith.constant 0 : i32
        %dma_wait3A_156 = arith.constant 0 : i32
        %dma_wait3A_157 = tpu.memref_slice %arg4[%add3A, %scan3A_46, %dma_wait3A_155, %dma_wait3A_156] : memref<32x5x25x80xi32, #tpu.memory_space<hbm>> -> memref<1x1x25x80xi32, #tpu.memory_space<hbm>>
        %dma_wait3A_158 = tpu.memref_squeeze %dma_wait3A_157 : memref<1x1x25x80xi32, #tpu.memory_space<hbm>> -> memref<25x80xi32, #tpu.memory_space<hbm>>
        %dma_wait3A_159 = arith.constant 0 : i32
        %dma_wait3A_160 = arith.constant 0 : i32
        %dma_wait3A_161 = tpu.memref_slice %arg4[%add3A, %scan3A_46, %dma_wait3A_159, %dma_wait3A_160] : memref<32x5x25x80xi32, #tpu.memory_space<hbm>> -> memref<1x1x25x80xi32, #tpu.memory_space<hbm>>
        %dma_wait3A_162 = tpu.memref_squeeze %dma_wait3A_161 : memref<1x1x25x80xi32, #tpu.memory_space<hbm>> -> memref<25x80xi32, #tpu.memory_space<hbm>>
        tpu.wait_dma2 semaphore(%run_scoped3A_146 : memref<!tpu.dma_semaphore, #tpu.memory_space<semaphore_mem>>) src(%dma_wait3A_162 : memref<25x80xi32, #tpu.memory_space<hbm>>) dst(%arg7 : memref<25x80xi32, #tpu.memory_space<vmem>>)
        tpu.yield
      }) : () -> ()
      %dma_start3A = arith.constant 0 : i32
      %dma_start3A_47 = arith.constant 0 : i32
      %dma_start3A_48 = arith.constant 0 : i32
      %dma_start3A_49 = arith.constant 0 : i32
      %dma_start3A_50 = tpu.memref_slice %arg8[%dma_start3A_47, %dma_start3A_48, %dma_start3A_49] : memref<8x80x48xbf16, #tpu.memory_space<vmem>> -> memref<1x80x48xbf16, #tpu.memory_space<vmem>>
      %dma_start3A_51 = tpu.memref_squeeze %dma_start3A_50 : memref<1x80x48xbf16, #tpu.memory_space<vmem>> -> memref<80x48xbf16, #tpu.memory_space<vmem>>
      %dma_start3A_52 = arith.constant 0 : i32
      %dma_start3A_53 = tpu.memref_slice %arg6[%dma_start3A, %dma_start3A_52] : memref<25x80xi32, #tpu.memory_space<vmem>> -> memref<1x80xi32, #tpu.memory_space<vmem>>
      %dma_start3A_54 = tpu.memref_squeeze %dma_start3A_53 : memref<1x80xi32, #tpu.memory_space<vmem>> -> memref<80xi32, #tpu.memory_space<vmem>>
      %dma_start3A_55 = arith.constant 0 : i32
      %dma_start3A_56 = arith.constant 0 : i32
      %dma_start3A_57 = tpu.memref_slice %arg2[%dma_start3A_55, %dma_start3A_56] : memref<10000x48xbf16, #tpu.memory_space<hbm>> -> memref<10000x48xbf16, #tpu.memory_space<hbm>>
      tpu.enqueue_indirect_dma source(%dma_start3A_57 : memref<10000x48xbf16, #tpu.memory_space<hbm>>) target(%dma_start3A_51 : memref<80x48xbf16, #tpu.memory_space<vmem>>) offsets(%dma_start3A_54 : memref<80xi32, #tpu.memory_space<vmem>>) semaphore(%arg9 : memref<!tpu.dma_semaphore, #tpu.memory_space<semaphore_mem>>)
      %dma_start3A_58 = arith.constant 1 : i32
      %dma_start3A_59 = arith.constant 1 : i32
      %dma_start3A_60 = arith.constant 0 : i32
      %dma_start3A_61 = arith.constant 0 : i32
      %dma_start3A_62 = tpu.memref_slice %arg8[%dma_start3A_59, %dma_start3A_60, %dma_start3A_61] : memref<8x80x48xbf16, #tpu.memory_space<vmem>> -> memref<1x80x48xbf16, #tpu.memory_space<vmem>>
      %dma_start3A_63 = tpu.memref_squeeze %dma_start3A_62 : memref<1x80x48xbf16, #tpu.memory_space<vmem>> -> memref<80x48xbf16, #tpu.memory_space<vmem>>
      %dma_start3A_64 = arith.constant 0 : i32
      %dma_start3A_65 = tpu.memref_slice %arg6[%dma_start3A_58, %dma_start3A_64] : memref<25x80xi32, #tpu.memory_space<vmem>> -> memref<1x80xi32, #tpu.memory_space<vmem>>
      %dma_start3A_66 = tpu.memref_squeeze %dma_start3A_65 : memref<1x80xi32, #tpu.memory_space<vmem>> -> memref<80xi32, #tpu.memory_space<vmem>>
      %dma_start3A_67 = arith.constant 0 : i32
      %dma_start3A_68 = arith.constant 0 : i32
      %dma_start3A_69 = tpu.memref_slice %arg2[%dma_start3A_67, %dma_start3A_68] : memref<10000x48xbf16, #tpu.memory_space<hbm>> -> memref<10000x48xbf16, #tpu.memory_space<hbm>>
      tpu.enqueue_indirect_dma source(%dma_start3A_69 : memref<10000x48xbf16, #tpu.memory_space<hbm>>) target(%dma_start3A_63 : memref<80x48xbf16, #tpu.memory_space<vmem>>) offsets(%dma_start3A_66 : memref<80xi32, #tpu.memory_space<vmem>>) semaphore(%arg9 : memref<!tpu.dma_semaphore, #tpu.memory_space<semaphore_mem>>)
      %dma_start3A_70 = arith.constant 2 : i32
      %dma_start3A_71 = arith.constant 2 : i32
      %dma_start3A_72 = arith.constant 0 : i32
      %dma_start3A_73 = arith.constant 0 : i32
      %dma_start3A_74 = tpu.memref_slice %arg8[%dma_start3A_71, %dma_start3A_72, %dma_start3A_73] : memref<8x80x48xbf16, #tpu.memory_space<vmem>> -> memref<1x80x48xbf16, #tpu.memory_space<vmem>>
      %dma_start3A_75 = tpu.memref_squeeze %dma_start3A_74 : memref<1x80x48xbf16, #tpu.memory_space<vmem>> -> memref<80x48xbf16, #tpu.memory_space<vmem>>
      %dma_start3A_76 = arith.constant 0 : i32
      %dma_start3A_77 = tpu.memref_slice %arg6[%dma_start3A_70, %dma_start3A_76] : memref<25x80xi32, #tpu.memory_space<vmem>> -> memref<1x80xi32, #tpu.memory_space<vmem>>
      %dma_start3A_78 = tpu.memref_squeeze %dma_start3A_77 : memref<1x80xi32, #tpu.memory_space<vmem>> -> memref<80xi32, #tpu.memory_space<vmem>>
      %dma_start3A_79 = arith.constant 0 : i32
      %dma_start3A_80 = arith.constant 0 : i32
      %dma_start3A_81 = tpu.memref_slice %arg2[%dma_start3A_79, %dma_start3A_80] : memref<10000x48xbf16, #tpu.memory_space<hbm>> -> memref<10000x48xbf16, #tpu.memory_space<hbm>>
      tpu.enqueue_indirect_dma source(%dma_start3A_81 : memref<10000x48xbf16, #tpu.memory_space<hbm>>) target(%dma_start3A_75 : memref<80x48xbf16, #tpu.memory_space<vmem>>) offsets(%dma_start3A_78 : memref<80xi32, #tpu.memory_space<vmem>>) semaphore(%arg9 : memref<!tpu.dma_semaphore, #tpu.memory_space<semaphore_mem>>)
      %dma_start3A_82 = arith.constant 3 : i32
      %dma_start3A_83 = arith.constant 3 : i32
      %dma_start3A_84 = arith.constant 0 : i32
      %dma_start3A_85 = arith.constant 0 : i32
      %dma_start3A_86 = tpu.memref_slice %arg8[%dma_start3A_83, %dma_start3A_84, %dma_start3A_85] : memref<8x80x48xbf16, #tpu.memory_space<vmem>> -> memref<1x80x48xbf16, #tpu.memory_space<vmem>>
      %dma_start3A_87 = tpu.memref_squeeze %dma_start3A_86 : memref<1x80x48xbf16, #tpu.memory_space<vmem>> -> memref<80x48xbf16, #tpu.memory_space<vmem>>
      %dma_start3A_88 = arith.constant 0 : i32
      %dma_start3A_89 = tpu.memref_slice %arg6[%dma_start3A_82, %dma_start3A_88] : memref<25x80xi32, #tpu.memory_space<vmem>> -> memref<1x80xi32, #tpu.memory_space<vmem>>
      %dma_start3A_90 = tpu.memref_squeeze %dma_start3A_89 : memref<1x80xi32, #tpu.memory_space<vmem>> -> memref<80xi32, #tpu.memory_space<vmem>>
      %dma_start3A_91 = arith.constant 0 : i32
      %dma_start3A_92 = arith.constant 0 : i32
      %dma_start3A_93 = tpu.memref_slice %arg2[%dma_start3A_91, %dma_start3A_92] : memref<10000x48xbf16, #tpu.memory_space<hbm>> -> memref<10000x48xbf16, #tpu.memory_space<hbm>>
      tpu.enqueue_indirect_dma source(%dma_start3A_93 : memref<10000x48xbf16, #tpu.memory_space<hbm>>) target(%dma_start3A_87 : memref<80x48xbf16, #tpu.memory_space<vmem>>) offsets(%dma_start3A_90 : memref<80xi32, #tpu.memory_space<vmem>>) semaphore(%arg9 : memref<!tpu.dma_semaphore, #tpu.memory_space<semaphore_mem>>)
      %dma_start3A_94 = arith.constant 4 : i32
      %dma_start3A_95 = arith.constant 4 : i32
      %dma_start3A_96 = arith.constant 0 : i32
      %dma_start3A_97 = arith.constant 0 : i32
      %dma_start3A_98 = tpu.memref_slice %arg8[%dma_start3A_95, %dma_start3A_96, %dma_start3A_97] : memref<8x80x48xbf16, #tpu.memory_space<vmem>> -> memref<1x80x48xbf16, #tpu.memory_space<vmem>>
      %dma_start3A_99 = tpu.memref_squeeze %dma_start3A_98 : memref<1x80x48xbf16, #tpu.memory_space<vmem>> -> memref<80x48xbf16, #tpu.memory_space<vmem>>
      %dma_start3A_100 = arith.constant 0 : i32
      %dma_start3A_101 = tpu.memref_slice %arg6[%dma_start3A_94, %dma_start3A_100] : memref<25x80xi32, #tpu.memory_space<vmem>> -> memref<1x80xi32, #tpu.memory_space<vmem>>
      %dma_start3A_102 = tpu.memref_squeeze %dma_start3A_101 : memref<1x80xi32, #tpu.memory_space<vmem>> -> memref<80xi32, #tpu.memory_space<vmem>>
      %dma_start3A_103 = arith.constant 0 : i32
      %dma_start3A_104 = arith.constant 0 : i32
      %dma_start3A_105 = tpu.memref_slice %arg2[%dma_start3A_103, %dma_start3A_104] : memref<10000x48xbf16, #tpu.memory_space<hbm>> -> memref<10000x48xbf16, #tpu.memory_space<hbm>>
      tpu.enqueue_indirect_dma source(%dma_start3A_105 : memref<10000x48xbf16, #tpu.memory_space<hbm>>) target(%dma_start3A_99 : memref<80x48xbf16, #tpu.memory_space<vmem>>) offsets(%dma_start3A_102 : memref<80xi32, #tpu.memory_space<vmem>>) semaphore(%arg9 : memref<!tpu.dma_semaphore, #tpu.memory_space<semaphore_mem>>)
      %dma_start3A_106 = arith.constant 5 : i32
      %dma_start3A_107 = arith.constant 5 : i32
      %dma_start3A_108 = arith.constant 0 : i32
      %dma_start3A_109 = arith.constant 0 : i32
      %dma_start3A_110 = tpu.memref_slice %arg8[%dma_start3A_107, %dma_start3A_108, %dma_start3A_109] : memref<8x80x48xbf16, #tpu.memory_space<vmem>> -> memref<1x80x48xbf16, #tpu.memory_space<vmem>>
      %dma_start3A_111 = tpu.memref_squeeze %dma_start3A_110 : memref<1x80x48xbf16, #tpu.memory_space<vmem>> -> memref<80x48xbf16, #tpu.memory_space<vmem>>
      %dma_start3A_112 = arith.constant 0 : i32
      %dma_start3A_113 = tpu.memref_slice %arg6[%dma_start3A_106, %dma_start3A_112] : memref<25x80xi32, #tpu.memory_space<vmem>> -> memref<1x80xi32, #tpu.memory_space<vmem>>
      %dma_start3A_114 = tpu.memref_squeeze %dma_start3A_113 : memref<1x80xi32, #tpu.memory_space<vmem>> -> memref<80xi32, #tpu.memory_space<vmem>>
      %dma_start3A_115 = arith.constant 0 : i32
      %dma_start3A_116 = arith.constant 0 : i32
      %dma_start3A_117 = tpu.memref_slice %arg2[%dma_start3A_115, %dma_start3A_116] : memref<10000x48xbf16, #tpu.memory_space<hbm>> -> memref<10000x48xbf16, #tpu.memory_space<hbm>>
      tpu.enqueue_indirect_dma source(%dma_start3A_117 : memref<10000x48xbf16, #tpu.memory_space<hbm>>) target(%dma_start3A_111 : memref<80x48xbf16, #tpu.memory_space<vmem>>) offsets(%dma_start3A_114 : memref<80xi32, #tpu.memory_space<vmem>>) semaphore(%arg9 : memref<!tpu.dma_semaphore, #tpu.memory_space<semaphore_mem>>)
      %scan3A_118 = arith.constant 0 : i32
      %scan3A_119 = arith.constant 25 : i32
      %scan3A_120 = arith.addi %scan3A_118, %scan3A_119 : i32
      %scan3A_121 = arith.constant 1 : i32
      scf.for %scan3A_146 = %scan3A_118 to %scan3A_120 step %scan3A_121  : i32 {
        %rem3A = arith.constant 8 : i32
        %rem3A_147 = arith.remsi %scan3A_146, %rem3A : i32
        %dma_wait3A_148 = arith.constant 0 : i32
        %dma_wait3A_149 = arith.constant 0 : i32
        %dma_wait3A_150 = tpu.memref_slice %arg8[%rem3A_147, %dma_wait3A_148, %dma_wait3A_149] : memref<8x80x48xbf16, #tpu.memory_space<vmem>> -> memref<1x80x48xbf16, #tpu.memory_space<vmem>>
        %dma_wait3A_151 = tpu.memref_squeeze %dma_wait3A_150 : memref<1x80x48xbf16, #tpu.memory_space<vmem>> -> memref<80x48xbf16, #tpu.memory_space<vmem>>
        %dma_wait3A_152 = arith.constant 0 : i32
        %dma_wait3A_153 = tpu.memref_slice %arg6[%scan3A_146, %dma_wait3A_152] : memref<25x80xi32, #tpu.memory_space<vmem>> -> memref<1x80xi32, #tpu.memory_space<vmem>>
        %dma_wait3A_154 = tpu.memref_squeeze %dma_wait3A_153 : memref<1x80xi32, #tpu.memory_space<vmem>> -> memref<80xi32, #tpu.memory_space<vmem>>
        %dma_wait3A_155 = arith.constant 0 : i32
        %dma_wait3A_156 = arith.constant 0 : i32
        %dma_wait3A_157 = tpu.memref_slice %arg2[%dma_wait3A_155, %dma_wait3A_156] : memref<10000x48xbf16, #tpu.memory_space<hbm>> -> memref<10000x48xbf16, #tpu.memory_space<hbm>>
        tpu.wait_indirect_dma semaphore(%arg9 : memref<!tpu.dma_semaphore, #tpu.memory_space<semaphore_mem>>) src(%dma_wait3A_157 : memref<10000x48xbf16, #tpu.memory_space<hbm>>) dst(%dma_wait3A_151 : memref<80x48xbf16, #tpu.memory_space<vmem>>)
        %ge3A = arith.constant 2 : i32
        %ge3A_158 = arith.cmpi sge, %scan3A_146, %ge3A : i32
        %convert_element_type3A_159 = arith.extui %ge3A_158 : i1 to i32
        %cond3A_160 = arith.constant 0 : i32
        %cond3A_161 = arith.cmpi ne, %convert_element_type3A_159, %cond3A_160 : i32
        scf.if %cond3A_161 {
          %dma_wait3A_176 = arith.constant 0 : i32
          %dma_wait3A_177 = arith.constant 0 : i32
          %dma_wait3A_178 = tpu.memref_slice %arg8[%rem3A_147, %dma_wait3A_176, %dma_wait3A_177] : memref<8x80x48xbf16, #tpu.memory_space<vmem>> -> memref<1x80x48xbf16, #tpu.memory_space<vmem>>
          %dma_wait3A_179 = tpu.memref_squeeze %dma_wait3A_178 : memref<1x80x48xbf16, #tpu.memory_space<vmem>> -> memref<80x48xbf16, #tpu.memory_space<vmem>>
          %dma_wait3A_180 = arith.constant 0 : i32
          %dma_wait3A_181 = tpu.memref_slice %arg7[%scan3A_146, %dma_wait3A_180] : memref<25x80xi32, #tpu.memory_space<vmem>> -> memref<1x80xi32, #tpu.memory_space<vmem>>
          %dma_wait3A_182 = tpu.memref_squeeze %dma_wait3A_181 : memref<1x80xi32, #tpu.memory_space<vmem>> -> memref<80xi32, #tpu.memory_space<vmem>>
          %dma_wait3A_183 = arith.constant 0 : i32
          %dma_wait3A_184 = arith.constant 0 : i32
          %dma_wait3A_185 = tpu.memref_slice %arg11[%dma_wait3A_183, %dma_wait3A_184] : memref<10000x48xbf16, #tpu.memory_space<vmem_shared>> -> memref<10000x48xbf16, #tpu.memory_space<vmem_shared>>
          tpu.wait_indirect_dma semaphore(%arg10 : memref<!tpu.dma_semaphore, #tpu.memory_space<semaphore_mem>>) src(%dma_wait3A_179 : memref<80x48xbf16, #tpu.memory_space<vmem>>) dst(%dma_wait3A_185 : memref<10000x48xbf16, #tpu.memory_space<vmem_shared>>)
        } else {
        }
        %lt3A = arith.constant 19 : i32
        %lt3A_162 = arith.cmpi slt, %scan3A_146, %lt3A : i32
        %convert_element_type3A_163 = arith.extui %lt3A_162 : i1 to i32
        %cond3A_164 = arith.constant 0 : i32
        %cond3A_165 = arith.cmpi ne, %convert_element_type3A_163, %cond3A_164 : i32
        scf.if %cond3A_165 {
          %add3A_176 = arith.constant 6 : i32
          %add3A_177 = arith.addi %scan3A_146, %add3A_176 : i32
          %rem3A_178 = arith.constant 25 : i32
          %rem3A_179 = arith.remsi %add3A_177, %rem3A_178 : i32
          %add3A_180 = arith.constant 6 : i32
          %add3A_181 = arith.addi %scan3A_146, %add3A_180 : i32
          %rem3A_182 = arith.constant 8 : i32
          %rem3A_183 = arith.remsi %add3A_181, %rem3A_182 : i32
          %dma_start3A_184 = arith.constant 0 : i32
          %dma_start3A_185 = arith.constant 0 : i32
          %dma_start3A_186 = tpu.memref_slice %arg8[%rem3A_183, %dma_start3A_184, %dma_start3A_185] : memref<8x80x48xbf16, #tpu.memory_space<vmem>> -> memref<1x80x48xbf16, #tpu.memory_space<vmem>>
          %dma_start3A_187 = tpu.memref_squeeze %dma_start3A_186 : memref<1x80x48xbf16, #tpu.memory_space<vmem>> -> memref<80x48xbf16, #tpu.memory_space<vmem>>
          %dma_start3A_188 = arith.constant 0 : i32
          %dma_start3A_189 = tpu.memref_slice %arg6[%rem3A_179, %dma_start3A_188] : memref<25x80xi32, #tpu.memory_space<vmem>> -> memref<1x80xi32, #tpu.memory_space<vmem>>
          %dma_start3A_190 = tpu.memref_squeeze %dma_start3A_189 : memref<1x80xi32, #tpu.memory_space<vmem>> -> memref<80xi32, #tpu.memory_space<vmem>>
          %dma_start3A_191 = arith.constant 0 : i32
          %dma_start3A_192 = arith.constant 0 : i32
          %dma_start3A_193 = tpu.memref_slice %arg2[%dma_start3A_191, %dma_start3A_192] : memref<10000x48xbf16, #tpu.memory_space<hbm>> -> memref<10000x48xbf16, #tpu.memory_space<hbm>>
          tpu.enqueue_indirect_dma source(%dma_start3A_193 : memref<10000x48xbf16, #tpu.memory_space<hbm>>) target(%dma_start3A_187 : memref<80x48xbf16, #tpu.memory_space<vmem>>) offsets(%dma_start3A_190 : memref<80xi32, #tpu.memory_space<vmem>>) semaphore(%arg9 : memref<!tpu.dma_semaphore, #tpu.memory_space<semaphore_mem>>)
        } else {
        }
        %dma_start3A_166 = arith.constant 0 : i32
        %dma_start3A_167 = arith.constant 0 : i32
        %dma_start3A_168 = tpu.memref_slice %arg8[%rem3A_147, %dma_start3A_166, %dma_start3A_167] : memref<8x80x48xbf16, #tpu.memory_space<vmem>> -> memref<1x80x48xbf16, #tpu.memory_space<vmem>>
        %dma_start3A_169 = tpu.memref_squeeze %dma_start3A_168 : memref<1x80x48xbf16, #tpu.memory_space<vmem>> -> memref<80x48xbf16, #tpu.memory_space<vmem>>
        %dma_start3A_170 = arith.constant 0 : i32
        %dma_start3A_171 = tpu.memref_slice %arg7[%scan3A_146, %dma_start3A_170] : memref<25x80xi32, #tpu.memory_space<vmem>> -> memref<1x80xi32, #tpu.memory_space<vmem>>
        %dma_start3A_172 = tpu.memref_squeeze %dma_start3A_171 : memref<1x80xi32, #tpu.memory_space<vmem>> -> memref<80xi32, #tpu.memory_space<vmem>>
        %dma_start3A_173 = arith.constant 0 : i32
        %dma_start3A_174 = arith.constant 0 : i32
        %dma_start3A_175 = tpu.memref_slice %arg11[%dma_start3A_173, %dma_start3A_174] : memref<10000x48xbf16, #tpu.memory_space<vmem_shared>> -> memref<10000x48xbf16, #tpu.memory_space<vmem_shared>>
        tpu.enqueue_indirect_dma source(%dma_start3A_169 : memref<80x48xbf16, #tpu.memory_space<vmem>>) target(%dma_start3A_175 : memref<10000x48xbf16, #tpu.memory_space<vmem_shared>>) offsets(%dma_start3A_172 : memref<80xi32, #tpu.memory_space<vmem>>) semaphore(%arg10 : memref<!tpu.dma_semaphore, #tpu.memory_space<semaphore_mem>>) {add = true}
      }
      %scan3A_122 = arith.constant 25 : i32
      %dma_wait3A = arith.constant 0 : i32
      %dma_wait3A_123 = arith.constant 0 : i32
      %dma_wait3A_124 = arith.constant 0 : i32
      %dma_wait3A_125 = arith.constant 0 : i32
      %dma_wait3A_126 = tpu.memref_slice %arg8[%dma_wait3A, %dma_wait3A_124, %dma_wait3A_125] : memref<8x80x48xbf16, #tpu.memory_space<vmem>> -> memref<1x80x48xbf16, #tpu.memory_space<vmem>>
      %dma_wait3A_127 = tpu.memref_squeeze %dma_wait3A_126 : memref<1x80x48xbf16, #tpu.memory_space<vmem>> -> memref<80x48xbf16, #tpu.memory_space<vmem>>
      %dma_wait3A_128 = arith.constant 0 : i32
      %dma_wait3A_129 = tpu.memref_slice %arg7[%dma_wait3A_123, %dma_wait3A_128] : memref<25x80xi32, #tpu.memory_space<vmem>> -> memref<1x80xi32, #tpu.memory_space<vmem>>
      %dma_wait3A_130 = tpu.memref_squeeze %dma_wait3A_129 : memref<1x80xi32, #tpu.memory_space<vmem>> -> memref<80xi32, #tpu.memory_space<vmem>>
      %dma_wait3A_131 = arith.constant 0 : i32
      %dma_wait3A_132 = arith.constant 0 : i32
      %dma_wait3A_133 = tpu.memref_slice %arg11[%dma_wait3A_131, %dma_wait3A_132] : memref<10000x48xbf16, #tpu.memory_space<vmem_shared>> -> memref<10000x48xbf16, #tpu.memory_space<vmem_shared>>
      tpu.wait_indirect_dma semaphore(%arg10 : memref<!tpu.dma_semaphore, #tpu.memory_space<semaphore_mem>>) src(%dma_wait3A_127 : memref<80x48xbf16, #tpu.memory_space<vmem>>) dst(%dma_wait3A_133 : memref<10000x48xbf16, #tpu.memory_space<vmem_shared>>)
      %dma_wait3A_134 = arith.constant 0 : i32
      %dma_wait3A_135 = arith.constant 0 : i32
      %dma_wait3A_136 = arith.constant 0 : i32
      %dma_wait3A_137 = arith.constant 0 : i32
      %dma_wait3A_138 = tpu.memref_slice %arg8[%dma_wait3A_134, %dma_wait3A_136, %dma_wait3A_137] : memref<8x80x48xbf16, #tpu.memory_space<vmem>> -> memref<1x80x48xbf16, #tpu.memory_space<vmem>>
      %dma_wait3A_139 = tpu.memref_squeeze %dma_wait3A_138 : memref<1x80x48xbf16, #tpu.memory_space<vmem>> -> memref<80x48xbf16, #tpu.memory_space<vmem>>
      %dma_wait3A_140 = arith.constant 0 : i32
      %dma_wait3A_141 = tpu.memref_slice %arg7[%dma_wait3A_135, %dma_wait3A_140] : memref<25x80xi32, #tpu.memory_space<vmem>> -> memref<1x80xi32, #tpu.memory_space<vmem>>
      %dma_wait3A_142 = tpu.memref_squeeze %dma_wait3A_141 : memref<1x80xi32, #tpu.memory_space<vmem>> -> memref<80xi32, #tpu.memory_space<vmem>>
      %dma_wait3A_143 = arith.constant 0 : i32
      %dma_wait3A_144 = arith.constant 0 : i32
      %dma_wait3A_145 = tpu.memref_slice %arg11[%dma_wait3A_143, %dma_wait3A_144] : memref<10000x48xbf16, #tpu.memory_space<vmem_shared>> -> memref<10000x48xbf16, #tpu.memory_space<vmem_shared>>
      tpu.wait_indirect_dma semaphore(%arg10 : memref<!tpu.dma_semaphore, #tpu.memory_space<semaphore_mem>>) src(%dma_wait3A_139 : memref<80x48xbf16, #tpu.memory_space<vmem>>) dst(%dma_wait3A_145 : memref<10000x48xbf16, #tpu.memory_space<vmem_shared>>)
    }
    %scan3A_39 = arith.constant 5 : i32
    %barrier3A_40 = arith.constant 0 : index
    tpu.barrier barrier_id(%barrier3A_40)
    "tpu.region"() ({
      %run_scoped3A_46 = tpu.sem_alloc : memref<!tpu.dma_semaphore, #tpu.memory_space<semaphore_mem>>
      %dma_start3A = arith.constant 0 : i32
      %dma_start3A_47 = tpu.memref_slice %arg5[%arg0, %mul3A_2, %dma_start3A] : memref<2x10000x48xbf16, #tpu.memory_space<hbm>> -> memref<1x624x48xbf16, #tpu.memory_space<hbm>>
      %dma_start3A_48 = tpu.memref_squeeze %dma_start3A_47 : memref<1x624x48xbf16, #tpu.memory_space<hbm>> -> memref<624x48xbf16, #tpu.memory_space<hbm>>
      %dma_start3A_49 = arith.constant 0 : i32
      %dma_start3A_50 = tpu.memref_slice %arg11[%mul3A_2, %dma_start3A_49] : memref<10000x48xbf16, #tpu.memory_space<vmem_shared>> -> memref<624x48xbf16, #tpu.memory_space<vmem_shared>>
      tpu.enqueue_dma source(%dma_start3A_50 : memref<624x48xbf16, #tpu.memory_space<vmem_shared>>) target(%dma_start3A_48 : memref<624x48xbf16, #tpu.memory_space<hbm>>) target_semaphore(%run_scoped3A_46 : memref<!tpu.dma_semaphore, #tpu.memory_space<semaphore_mem>>)
      %dma_wait3A = arith.constant 0 : i32
      %dma_wait3A_51 = tpu.memref_slice %arg5[%arg0, %mul3A_2, %dma_wait3A] : memref<2x10000x48xbf16, #tpu.memory_space<hbm>> -> memref<1x624x48xbf16, #tpu.memory_space<hbm>>
      %dma_wait3A_52 = tpu.memref_squeeze %dma_wait3A_51 : memref<1x624x48xbf16, #tpu.memory_space<hbm>> -> memref<624x48xbf16, #tpu.memory_space<hbm>>
      %dma_wait3A_53 = arith.constant 0 : i32
      %dma_wait3A_54 = tpu.memref_slice %arg11[%mul3A_2, %dma_wait3A_53] : memref<10000x48xbf16, #tpu.memory_space<vmem_shared>> -> memref<624x48xbf16, #tpu.memory_space<vmem_shared>>
      tpu.wait_dma2 semaphore(%run_scoped3A_46 : memref<!tpu.dma_semaphore, #tpu.memory_space<semaphore_mem>>) src(%dma_wait3A_54 : memref<624x48xbf16, #tpu.memory_space<vmem_shared>>) dst(%dma_wait3A_52 : memref<624x48xbf16, #tpu.memory_space<hbm>>)
      tpu.yield
    }) : () -> ()
    %eq3A_41 = arith.constant 15 : i32
    %eq3A_42 = arith.cmpi eq, %arg1, %eq3A_41 : i32
    %convert_element_type3A_43 = arith.extui %eq3A_42 : i1 to i32
    %cond3A_44 = arith.constant 0 : i32
    %cond3A_45 = arith.cmpi ne, %convert_element_type3A_43, %cond3A_44 : i32
    scf.if %cond3A_45 {
      "tpu.region"() ({
        %run_scoped3A_46 = tpu.sem_alloc : memref<!tpu.dma_semaphore, #tpu.memory_space<semaphore_mem>>
        %dma_start3A = arith.constant 9984 : i32
        %dma_start3A_47 = arith.constant 0 : i32
        %dma_start3A_48 = tpu.memref_slice %arg5[%arg0, %dma_start3A, %dma_start3A_47] : memref<2x10000x48xbf16, #tpu.memory_space<hbm>> -> memref<1x16x48xbf16, #tpu.memory_space<hbm>>
        %dma_start3A_49 = tpu.memref_squeeze %dma_start3A_48 : memref<1x16x48xbf16, #tpu.memory_space<hbm>> -> memref<16x48xbf16, #tpu.memory_space<hbm>>
        %dma_start3A_50 = arith.constant 9984 : i32
        %dma_start3A_51 = arith.constant 0 : i32
        %dma_start3A_52 = tpu.memref_slice %arg11[%dma_start3A_50, %dma_start3A_51] : memref<10000x48xbf16, #tpu.memory_space<vmem_shared>> -> memref<16x48xbf16, #tpu.memory_space<vmem_shared>>
        tpu.enqueue_dma source(%dma_start3A_52 : memref<16x48xbf16, #tpu.memory_space<vmem_shared>>) target(%dma_start3A_49 : memref<16x48xbf16, #tpu.memory_space<hbm>>) target_semaphore(%run_scoped3A_46 : memref<!tpu.dma_semaphore, #tpu.memory_space<semaphore_mem>>)
        %dma_wait3A = arith.constant 9984 : i32
        %dma_wait3A_53 = arith.constant 0 : i32
        %dma_wait3A_54 = tpu.memref_slice %arg5[%arg0, %dma_wait3A, %dma_wait3A_53] : memref<2x10000x48xbf16, #tpu.memory_space<hbm>> -> memref<1x16x48xbf16, #tpu.memory_space<hbm>>
        %dma_wait3A_55 = tpu.memref_squeeze %dma_wait3A_54 : memref<1x16x48xbf16, #tpu.memory_space<hbm>> -> memref<16x48xbf16, #tpu.memory_space<hbm>>
        %dma_wait3A_56 = arith.constant 9984 : i32
        %dma_wait3A_57 = arith.constant 0 : i32
        %dma_wait3A_58 = tpu.memref_slice %arg11[%dma_wait3A_56, %dma_wait3A_57] : memref<10000x48xbf16, #tpu.memory_space<vmem_shared>> -> memref<16x48xbf16, #tpu.memory_space<vmem_shared>>
        tpu.wait_dma2 semaphore(%run_scoped3A_46 : memref<!tpu.dma_semaphore, #tpu.memory_space<semaphore_mem>>) src(%dma_wait3A_58 : memref<16x48xbf16, #tpu.memory_space<vmem_shared>>) dst(%dma_wait3A_55 : memref<16x48xbf16, #tpu.memory_space<hbm>>)
        tpu.yield
      }) : () -> ()
    } else {
    }
    return
  }
}

module attributes {stable_mosaic.version = 14 : i64} {
  func.func @_tc1_body(%arg0: i32, %arg1: memref<1000x128xf32, #tpu.memory_space<vmem>>, %arg2: memref<2x1000x128xbf16, #tpu.memory_space<vmem>>, %arg3: memref<2x1000x16xbf16, #tpu.memory_space<vmem>>, %arg4: memref<128x128xf32, #tpu.memory_space<vmem>>, %arg5: memref<128x128xf32, #tpu.memory_space<vmem>>, %arg6: memref<1x128xf32, #tpu.memory_space<vmem>>, %arg7: memref<1000x128xbf16, #tpu.memory_space<vmem>>, %arg8: memref<1000x16xf32, #tpu.memory_space<vmem>>) attributes {dimension_semantics = [#tpu.dimension_semantics<arbitrary>], iteration_bounds = array<i64: 10>, scalar_prefetch = 0 : i64, scratch_operands = 0 : i64, tpu.core_type = #tpu.core_type<tc>, window_params = [{transform_indices = @transform_0, window_bounds = array<i64: 1000, 128>}, {transform_indices = @transform_1, window_bounds = array<i64: 2, 1000, 128>}, {transform_indices = @transform_2, window_bounds = array<i64: 2, 1000, 16>}, {pipeline_mode = #tpu.pipeline_mode<synchronous>, transform_indices = @transform_3, window_bounds = array<i64: 128, 128>}, {pipeline_mode = #tpu.pipeline_mode<synchronous>, transform_indices = @transform_4, window_bounds = array<i64: 128, 128>}, {pipeline_mode = #tpu.pipeline_mode<synchronous>, transform_indices = @transform_5, window_bounds = array<i64: 1, 128>}, {transform_indices = @transform_6, window_bounds = array<i64: 1000, 128>}, {transform_indices = @transform_7, window_bounds = array<i64: 1000, 16>}]} {
    %get3A = arith.constant 0 : index
    %get3A_0 = arith.constant 0 : index
    %get3A_1 = arith.constant 0 : index
    %get3A_2 = vector.load %arg3[%get3A, %get3A_0, %get3A_1] : memref<2x1000x16xbf16, #tpu.memory_space<vmem>>, vector<1x1000x1xbf16>
    %get3A_3 = vector.shape_cast %get3A_2 : vector<1x1000x1xbf16> to vector<1000x1xbf16>
    %convert_element_type3A = arith.extf %get3A_3 : vector<1000x1xbf16> to vector<1000x1xf32>
    %get3A_4 = arith.constant 1 : index
    %get3A_5 = arith.constant 0 : index
    %get3A_6 = arith.constant 0 : index
    %get3A_7 = vector.load %arg3[%get3A_4, %get3A_5, %get3A_6] : memref<2x1000x16xbf16, #tpu.memory_space<vmem>>, vector<1x1000x1xbf16>
    %get3A_8 = vector.shape_cast %get3A_7 : vector<1x1000x1xbf16> to vector<1000x1xbf16>
    %convert_element_type3A_9 = arith.extf %get3A_8 : vector<1000x1xbf16> to vector<1000x1xf32>
    %add3A = arith.addf %convert_element_type3A, %convert_element_type3A_9 : vector<1000x1xf32>
    %max3A = arith.constant 1.000000e+00 : f32
    %max3A_10 = vector.broadcast %max3A : f32 to vector<1000x1xf32>
    %max3A_11 = arith.maximumf %add3A, %max3A_10 : vector<1000x1xf32>
    %div3A = arith.constant 1.000000e+00 : f32
    %div3A_12 = vector.broadcast %div3A : f32 to vector<1000x1xf32>
    %div3A_13 = arith.divf %div3A_12, %max3A_11 : vector<1000x1xf32>
    %get3A_14 = arith.constant 0 : index
    %get3A_15 = arith.constant 0 : index
    %get3A_16 = arith.constant 0 : index
    %get3A_17 = vector.load %arg2[%get3A_14, %get3A_15, %get3A_16] : memref<2x1000x128xbf16, #tpu.memory_space<vmem>>, vector<1x1000x128xbf16>
    %get3A_18 = vector.shape_cast %get3A_17 : vector<1x1000x128xbf16> to vector<1000x128xbf16>
    %convert_element_type3A_19 = arith.extf %get3A_18 : vector<1000x128xbf16> to vector<1000x128xf32>
    %get3A_20 = arith.constant 1 : index
    %get3A_21 = arith.constant 0 : index
    %get3A_22 = arith.constant 0 : index
    %get3A_23 = vector.load %arg2[%get3A_20, %get3A_21, %get3A_22] : memref<2x1000x128xbf16, #tpu.memory_space<vmem>>, vector<1x1000x128xbf16>
    %get3A_24 = vector.shape_cast %get3A_23 : vector<1x1000x128xbf16> to vector<1000x128xbf16>
    %convert_element_type3A_25 = arith.extf %get3A_24 : vector<1000x128xbf16> to vector<1000x128xf32>
    %add3A_26 = arith.addf %convert_element_type3A_19, %convert_element_type3A_25 : vector<1000x128xf32>
    %mul3A = vector.broadcast %div3A_13 : vector<1000x1xf32> to vector<1000x128xf32>
    %mul3A_27 = arith.mulf %add3A_26, %mul3A : vector<1000x128xf32>
    %get3A_28 = arith.constant 0 : index
    %get3A_29 = arith.constant 0 : index
    %get3A_30 = vector.load %arg1[%get3A_28, %get3A_29] : memref<1000x128xf32, #tpu.memory_space<vmem>>, vector<1000x128xf32>
    %get3A_31 = arith.constant 0 : index
    %get3A_32 = arith.constant 0 : index
    %get3A_33 = vector.load %arg4[%get3A_31, %get3A_32] : memref<128x128xf32, #tpu.memory_space<vmem>>, vector<128x128xf32>
    %dot_general3A = arith.constant dense<0.000000e+00> : vector<1000x128xf32>
    %dot_general3A_34 = tpu.matmul %get3A_30, %get3A_33, %dot_general3A {dimension_numbers = #tpu.dot_dimension_numbers<[1], [0], [0], [1], [0, 0, 1, 1], [], []>, transpose_lhs_hint = false} : vector<1000x128xf32>, vector<128x128xf32>, vector<1000x128xf32> -> vector<1000x128xf32>
    %get3A_35 = arith.constant 0 : index
    %get3A_36 = arith.constant 0 : index
    %get3A_37 = vector.load %arg5[%get3A_35, %get3A_36] : memref<128x128xf32, #tpu.memory_space<vmem>>, vector<128x128xf32>
    %dot_general3A_38 = arith.constant dense<0.000000e+00> : vector<1000x128xf32>
    %dot_general3A_39 = tpu.matmul %mul3A_27, %get3A_37, %dot_general3A_38 {dimension_numbers = #tpu.dot_dimension_numbers<[1], [0], [0], [1], [0, 0, 1, 1], [], []>, transpose_lhs_hint = false} : vector<1000x128xf32>, vector<128x128xf32>, vector<1000x128xf32> -> vector<1000x128xf32>
    %add3A_40 = arith.addf %dot_general3A_34, %dot_general3A_39 : vector<1000x128xf32>
    %get3A_41 = arith.constant 0 : index
    %get3A_42 = arith.constant 0 : index
    %get3A_43 = vector.load %arg6[%get3A_41, %get3A_42] : memref<1x128xf32, #tpu.memory_space<vmem>>, vector<1x128xf32>
    %add3A_44 = vector.broadcast %get3A_43 : vector<1x128xf32> to vector<1000x128xf32>
    %add3A_45 = arith.addf %add3A_40, %add3A_44 : vector<1000x128xf32>
    %max3A_46 = arith.constant 0.000000e+00 : f32
    %max3A_47 = vector.broadcast %max3A_46 : f32 to vector<1000x128xf32>
    %max3A_48 = arith.maximumf %add3A_45, %max3A_47 : vector<1000x128xf32>
    %convert_element_type3A_49 = arith.truncf %max3A_48 : vector<1000x128xf32> to vector<1000x128xbf16>
    %swap3A = arith.constant 0 : index
    %swap3A_50 = arith.constant 0 : index
    %swap3A_51 = vector.load %arg7[%swap3A, %swap3A_50] : memref<1000x128xbf16, #tpu.memory_space<vmem>>, vector<1000x128xbf16>
    tpu.vector_store %arg7[%swap3A, %swap3A_50], %convert_element_type3A_49 {strides = array<i32>} : memref<1000x128xbf16, #tpu.memory_space<vmem>>, vector<1000x128xbf16>,
    %broadcast_in_dim3A = vector.shape_cast %div3A_13 : vector<1000x1xf32> to vector<1000x1xf32>
    %broadcast_in_dim3A_52 = vector.broadcast %broadcast_in_dim3A : vector<1000x1xf32> to vector<1000x16xf32>
    %swap3A_53 = arith.constant 0 : index
    %swap3A_54 = arith.constant 0 : index
    %swap3A_55 = vector.load %arg8[%swap3A_53, %swap3A_54] : memref<1000x16xf32, #tpu.memory_space<vmem>>, vector<1000x16xf32>
    tpu.vector_store %arg8[%swap3A_53, %swap3A_54], %broadcast_in_dim3A_52 {strides = array<i32>} : memref<1000x16xf32, #tpu.memory_space<vmem>>, vector<1000x16xf32>,
    return
  }
  func.func @transform_0(%arg0: i32) -> (i32, i32) {
    %c0_i32 = arith.constant 0 : i32
    %c0_i32_0 = arith.constant 0 : i32
    return %arg0, %c0_i32 : i32, i32
  }
  func.func @transform_1(%arg0: i32) -> (i32, i32, i32) {
    %c0_i32 = arith.constant 0 : i32
    %c0_i32_0 = arith.constant 0 : i32
    %c0_i32_1 = arith.constant 0 : i32
    return %c0_i32, %arg0, %c0_i32_0 : i32, i32, i32
  }
  func.func @transform_2(%arg0: i32) -> (i32, i32, i32) {
    %c0_i32 = arith.constant 0 : i32
    %c0_i32_0 = arith.constant 0 : i32
    %c0_i32_1 = arith.constant 0 : i32
    return %c0_i32, %arg0, %c0_i32_0 : i32, i32, i32
  }
  func.func @transform_3(%arg0: i32) -> (i32, i32) {
    %c0_i32 = arith.constant 0 : i32
    %c0_i32_0 = arith.constant 0 : i32
    %c0_i32_1 = arith.constant 0 : i32
    return %c0_i32, %c0_i32_0 : i32, i32
  }
  func.func @transform_4(%arg0: i32) -> (i32, i32) {
    %c0_i32 = arith.constant 0 : i32
    %c0_i32_0 = arith.constant 0 : i32
    %c0_i32_1 = arith.constant 0 : i32
    return %c0_i32, %c0_i32_0 : i32, i32
  }
  func.func @transform_5(%arg0: i32) -> (i32, i32) {
    %c0_i32 = arith.constant 0 : i32
    %c0_i32_0 = arith.constant 0 : i32
    %c0_i32_1 = arith.constant 0 : i32
    return %c0_i32, %c0_i32_0 : i32, i32
  }
  func.func @transform_6(%arg0: i32) -> (i32, i32) {
    %c0_i32 = arith.constant 0 : i32
    %c0_i32_0 = arith.constant 0 : i32
    return %arg0, %c0_i32 : i32, i32
  }
  func.func @transform_7(%arg0: i32) -> (i32, i32) {
    %c0_i32 = arith.constant 0 : i32
    %c0_i32_0 = arith.constant 0 : i32
    return %arg0, %c0_i32 : i32, i32
  }
}

module attributes {stable_mosaic.version = 14 : i64} {
  func.func @_tc2_body(%arg0: i32, %arg1: memref<1000x128xbf16, #tpu.memory_space<vmem>>, %arg2: memref<2x1000x128xbf16, #tpu.memory_space<vmem>>, %arg3: memref<1000x16xf32, #tpu.memory_space<vmem>>, %arg4: memref<128x128xf32, #tpu.memory_space<vmem>>, %arg5: memref<128x128xf32, #tpu.memory_space<vmem>>, %arg6: memref<1x128xf32, #tpu.memory_space<vmem>>, %arg7: memref<128x48xf32, #tpu.memory_space<vmem>>, %arg8: memref<128x48xf32, #tpu.memory_space<vmem>>, %arg9: memref<1x48xf32, #tpu.memory_space<vmem>>, %arg10: memref<1000x48xbf16, #tpu.memory_space<vmem>>, %arg11: memref<1000x48xf32, #tpu.memory_space<vmem>>) attributes {dimension_semantics = [#tpu.dimension_semantics<arbitrary>], iteration_bounds = array<i64: 10>, scalar_prefetch = 0 : i64, scratch_operands = 0 : i64, tpu.core_type = #tpu.core_type<tc>, window_params = [{transform_indices = @transform_0, window_bounds = array<i64: 1000, 128>}, {transform_indices = @transform_1, window_bounds = array<i64: 2, 1000, 128>}, {transform_indices = @transform_2, window_bounds = array<i64: 1000, 16>}, {pipeline_mode = #tpu.pipeline_mode<synchronous>, transform_indices = @transform_3, window_bounds = array<i64: 128, 128>}, {pipeline_mode = #tpu.pipeline_mode<synchronous>, transform_indices = @transform_4, window_bounds = array<i64: 128, 128>}, {pipeline_mode = #tpu.pipeline_mode<synchronous>, transform_indices = @transform_5, window_bounds = array<i64: 1, 128>}, {pipeline_mode = #tpu.pipeline_mode<synchronous>, transform_indices = @transform_6, window_bounds = array<i64: 128, 48>}, {pipeline_mode = #tpu.pipeline_mode<synchronous>, transform_indices = @transform_7, window_bounds = array<i64: 128, 48>}, {pipeline_mode = #tpu.pipeline_mode<synchronous>, transform_indices = @transform_8, window_bounds = array<i64: 1, 48>}, {transform_indices = @transform_9, window_bounds = array<i64: 1000, 48>}, {transform_indices = @transform_10, window_bounds = array<i64: 1000, 48>}]} {
    %get3A = arith.constant 0 : index
    %get3A_0 = arith.constant 0 : index
    %get3A_1 = vector.load %arg3[%get3A, %get3A_0] : memref<1000x16xf32, #tpu.memory_space<vmem>>, vector<1000x1xf32>
    %get3A_2 = arith.constant 0 : index
    %get3A_3 = arith.constant 0 : index
    %get3A_4 = arith.constant 0 : index
    %get3A_5 = vector.load %arg2[%get3A_2, %get3A_3, %get3A_4] : memref<2x1000x128xbf16, #tpu.memory_space<vmem>>, vector<1x1000x128xbf16>
    %get3A_6 = vector.shape_cast %get3A_5 : vector<1x1000x128xbf16> to vector<1000x128xbf16>
    %convert_element_type3A = arith.extf %get3A_6 : vector<1000x128xbf16> to vector<1000x128xf32>
    %get3A_7 = arith.constant 1 : index
    %get3A_8 = arith.constant 0 : index
    %get3A_9 = arith.constant 0 : index
    %get3A_10 = vector.load %arg2[%get3A_7, %get3A_8, %get3A_9] : memref<2x1000x128xbf16, #tpu.memory_space<vmem>>, vector<1x1000x128xbf16>
    %get3A_11 = vector.shape_cast %get3A_10 : vector<1x1000x128xbf16> to vector<1000x128xbf16>
    %convert_element_type3A_12 = arith.extf %get3A_11 : vector<1000x128xbf16> to vector<1000x128xf32>
    %add3A = arith.addf %convert_element_type3A, %convert_element_type3A_12 : vector<1000x128xf32>
    %mul3A = vector.broadcast %get3A_1 : vector<1000x1xf32> to vector<1000x128xf32>
    %mul3A_13 = arith.mulf %add3A, %mul3A : vector<1000x128xf32>
    %get3A_14 = arith.constant 0 : index
    %get3A_15 = arith.constant 0 : index
    %get3A_16 = vector.load %arg1[%get3A_14, %get3A_15] : memref<1000x128xbf16, #tpu.memory_space<vmem>>, vector<1000x128xbf16>
    %get3A_17 = arith.constant 0 : index
    %get3A_18 = arith.constant 0 : index
    %get3A_19 = vector.load %arg4[%get3A_17, %get3A_18] : memref<128x128xf32, #tpu.memory_space<vmem>>, vector<128x128xf32>
    %dot_general3A = arith.constant dense<0.000000e+00> : vector<1000x128xf32>
    %dot_general3A_20 = tpu.matmul %get3A_16, %get3A_19, %dot_general3A {dimension_numbers = #tpu.dot_dimension_numbers<[1], [0], [0], [1], [0, 0, 1, 1], [], []>, transpose_lhs_hint = false} : vector<1000x128xbf16>, vector<128x128xf32>, vector<1000x128xf32> -> vector<1000x128xf32>
    %get3A_21 = arith.constant 0 : index
    %get3A_22 = arith.constant 0 : index
    %get3A_23 = vector.load %arg5[%get3A_21, %get3A_22] : memref<128x128xf32, #tpu.memory_space<vmem>>, vector<128x128xf32>
    %dot_general3A_24 = arith.constant dense<0.000000e+00> : vector<1000x128xf32>
    %dot_general3A_25 = tpu.matmul %mul3A_13, %get3A_23, %dot_general3A_24 {dimension_numbers = #tpu.dot_dimension_numbers<[1], [0], [0], [1], [0, 0, 1, 1], [], []>, transpose_lhs_hint = false} : vector<1000x128xf32>, vector<128x128xf32>, vector<1000x128xf32> -> vector<1000x128xf32>
    %add3A_26 = arith.addf %dot_general3A_20, %dot_general3A_25 : vector<1000x128xf32>
    %get3A_27 = arith.constant 0 : index
    %get3A_28 = arith.constant 0 : index
    %get3A_29 = vector.load %arg6[%get3A_27, %get3A_28] : memref<1x128xf32, #tpu.memory_space<vmem>>, vector<1x128xf32>
    %add3A_30 = vector.broadcast %get3A_29 : vector<1x128xf32> to vector<1000x128xf32>
    %add3A_31 = arith.addf %add3A_26, %add3A_30 : vector<1000x128xf32>
    %max3A = arith.constant 0.000000e+00 : f32
    %max3A_32 = vector.broadcast %max3A : f32 to vector<1000x128xf32>
    %max3A_33 = arith.maximumf %add3A_31, %max3A_32 : vector<1000x128xf32>
    %get3A_34 = arith.constant 0 : index
    %get3A_35 = arith.constant 0 : index
    %get3A_36 = vector.load %arg8[%get3A_34, %get3A_35] : memref<128x48xf32, #tpu.memory_space<vmem>>, vector<128x48xf32>
    %dot_general3A_37 = arith.constant dense<0.000000e+00> : vector<1000x48xf32>
    %dot_general3A_38 = tpu.matmul %max3A_33, %get3A_36, %dot_general3A_37 {dimension_numbers = #tpu.dot_dimension_numbers<[1], [0], [0], [1], [0, 0, 1, 1], [], []>, transpose_lhs_hint = false} : vector<1000x128xf32>, vector<128x48xf32>, vector<1000x48xf32> -> vector<1000x48xf32>
    %convert_element_type3A_39 = arith.truncf %dot_general3A_38 : vector<1000x48xf32> to vector<1000x48xbf16>
    %swap3A = arith.constant 0 : index
    %swap3A_40 = arith.constant 0 : index
    %swap3A_41 = vector.load %arg10[%swap3A, %swap3A_40] : memref<1000x48xbf16, #tpu.memory_space<vmem>>, vector<1000x48xbf16>
    tpu.vector_store %arg10[%swap3A, %swap3A_40], %convert_element_type3A_39 {strides = array<i32>} : memref<1000x48xbf16, #tpu.memory_space<vmem>>, vector<1000x48xbf16>,
    %get3A_42 = arith.constant 0 : index
    %get3A_43 = arith.constant 0 : index
    %get3A_44 = vector.load %arg7[%get3A_42, %get3A_43] : memref<128x48xf32, #tpu.memory_space<vmem>>, vector<128x48xf32>
    %dot_general3A_45 = arith.constant dense<0.000000e+00> : vector<1000x48xf32>
    %dot_general3A_46 = tpu.matmul %max3A_33, %get3A_44, %dot_general3A_45 {dimension_numbers = #tpu.dot_dimension_numbers<[1], [0], [0], [1], [0, 0, 1, 1], [], []>, transpose_lhs_hint = false} : vector<1000x128xf32>, vector<128x48xf32>, vector<1000x48xf32> -> vector<1000x48xf32>
    %get3A_47 = arith.constant 0 : index
    %get3A_48 = arith.constant 0 : index
    %get3A_49 = vector.load %arg9[%get3A_47, %get3A_48] : memref<1x48xf32, #tpu.memory_space<vmem>>, vector<1x48xf32>
    %add3A_50 = vector.broadcast %get3A_49 : vector<1x48xf32> to vector<1000x48xf32>
    %add3A_51 = arith.addf %dot_general3A_46, %add3A_50 : vector<1000x48xf32>
    %swap3A_52 = arith.constant 0 : index
    %swap3A_53 = arith.constant 0 : index
    %swap3A_54 = vector.load %arg11[%swap3A_52, %swap3A_53] : memref<1000x48xf32, #tpu.memory_space<vmem>>, vector<1000x48xf32>
    tpu.vector_store %arg11[%swap3A_52, %swap3A_53], %add3A_51 {strides = array<i32>} : memref<1000x48xf32, #tpu.memory_space<vmem>>, vector<1000x48xf32>,
    return
  }
  func.func @transform_0(%arg0: i32) -> (i32, i32) {
    %c0_i32 = arith.constant 0 : i32
    %c0_i32_0 = arith.constant 0 : i32
    return %arg0, %c0_i32 : i32, i32
  }
  func.func @transform_1(%arg0: i32) -> (i32, i32, i32) {
    %c0_i32 = arith.constant 0 : i32
    %c0_i32_0 = arith.constant 0 : i32
    %c0_i32_1 = arith.constant 0 : i32
    return %c0_i32, %arg0, %c0_i32_0 : i32, i32, i32
  }
  func.func @transform_2(%arg0: i32) -> (i32, i32) {
    %c0_i32 = arith.constant 0 : i32
    %c0_i32_0 = arith.constant 0 : i32
    return %arg0, %c0_i32 : i32, i32
  }
  func.func @transform_3(%arg0: i32) -> (i32, i32) {
    %c0_i32 = arith.constant 0 : i32
    %c0_i32_0 = arith.constant 0 : i32
    %c0_i32_1 = arith.constant 0 : i32
    return %c0_i32, %c0_i32_0 : i32, i32
  }
  func.func @transform_4(%arg0: i32) -> (i32, i32) {
    %c0_i32 = arith.constant 0 : i32
    %c0_i32_0 = arith.constant 0 : i32
    %c0_i32_1 = arith.constant 0 : i32
    return %c0_i32, %c0_i32_0 : i32, i32
  }
  func.func @transform_5(%arg0: i32) -> (i32, i32) {
    %c0_i32 = arith.constant 0 : i32
    %c0_i32_0 = arith.constant 0 : i32
    %c0_i32_1 = arith.constant 0 : i32
    return %c0_i32, %c0_i32_0 : i32, i32
  }
  func.func @transform_6(%arg0: i32) -> (i32, i32) {
    %c0_i32 = arith.constant 0 : i32
    %c0_i32_0 = arith.constant 0 : i32
    %c0_i32_1 = arith.constant 0 : i32
    return %c0_i32, %c0_i32_0 : i32, i32
  }
  func.func @transform_7(%arg0: i32) -> (i32, i32) {
    %c0_i32 = arith.constant 0 : i32
    %c0_i32_0 = arith.constant 0 : i32
    %c0_i32_1 = arith.constant 0 : i32
    return %c0_i32, %c0_i32_0 : i32, i32
  }
  func.func @transform_8(%arg0: i32) -> (i32, i32) {
    %c0_i32 = arith.constant 0 : i32
    %c0_i32_0 = arith.constant 0 : i32
    %c0_i32_1 = arith.constant 0 : i32
    return %c0_i32, %c0_i32_0 : i32, i32
  }
  func.func @transform_9(%arg0: i32) -> (i32, i32) {
    %c0_i32 = arith.constant 0 : i32
    %c0_i32_0 = arith.constant 0 : i32
    return %arg0, %c0_i32 : i32, i32
  }
  func.func @transform_10(%arg0: i32) -> (i32, i32) {
    %c0_i32 = arith.constant 0 : i32
    %c0_i32_0 = arith.constant 0 : i32
    return %arg0, %c0_i32 : i32, i32
  }
}

module attributes {stable_mosaic.version = 14 : i64} {
  func.func @_tc3_body(%arg0: i32, %arg1: memref<1000x48xf32, #tpu.memory_space<vmem>>, %arg2: memref<2x1000x48xbf16, #tpu.memory_space<vmem>>, %arg3: memref<1000x16xf32, #tpu.memory_space<vmem>>, %arg4: memref<1000x47xf32, #tpu.memory_space<vmem>>) attributes {dimension_semantics = [#tpu.dimension_semantics<arbitrary>], iteration_bounds = array<i64: 10>, scalar_prefetch = 0 : i64, scratch_operands = 0 : i64, tpu.core_type = #tpu.core_type<tc>, window_params = [{transform_indices = @transform_0, window_bounds = array<i64: 1000, 48>}, {transform_indices = @transform_1, window_bounds = array<i64: 2, 1000, 48>}, {transform_indices = @transform_2, window_bounds = array<i64: 1000, 16>}, {transform_indices = @transform_3, window_bounds = array<i64: 1000, 47>}]} {
    %get3A = arith.constant 0 : index
    %get3A_0 = arith.constant 0 : index
    %get3A_1 = vector.load %arg3[%get3A, %get3A_0] : memref<1000x16xf32, #tpu.memory_space<vmem>>, vector<1000x1xf32>
    %get3A_2 = arith.constant 0 : index
    %get3A_3 = arith.constant 0 : index
    %get3A_4 = vector.load %arg1[%get3A_2, %get3A_3] : memref<1000x48xf32, #tpu.memory_space<vmem>>, vector<1000x48xf32>
    %get3A_5 = arith.constant 0 : index
    %get3A_6 = arith.constant 0 : index
    %get3A_7 = arith.constant 0 : index
    %get3A_8 = vector.load %arg2[%get3A_5, %get3A_6, %get3A_7] : memref<2x1000x48xbf16, #tpu.memory_space<vmem>>, vector<1x1000x48xbf16>
    %get3A_9 = vector.shape_cast %get3A_8 : vector<1x1000x48xbf16> to vector<1000x48xbf16>
    %convert_element_type3A = arith.extf %get3A_9 : vector<1000x48xbf16> to vector<1000x48xf32>
    %get3A_10 = arith.constant 1 : index
    %get3A_11 = arith.constant 0 : index
    %get3A_12 = arith.constant 0 : index
    %get3A_13 = vector.load %arg2[%get3A_10, %get3A_11, %get3A_12] : memref<2x1000x48xbf16, #tpu.memory_space<vmem>>, vector<1x1000x48xbf16>
    %get3A_14 = vector.shape_cast %get3A_13 : vector<1x1000x48xbf16> to vector<1000x48xbf16>
    %convert_element_type3A_15 = arith.extf %get3A_14 : vector<1000x48xbf16> to vector<1000x48xf32>
    %add3A = arith.addf %convert_element_type3A, %convert_element_type3A_15 : vector<1000x48xf32>
    %mul3A = vector.broadcast %get3A_1 : vector<1000x1xf32> to vector<1000x48xf32>
    %mul3A_16 = arith.mulf %add3A, %mul3A : vector<1000x48xf32>
    %add3A_17 = arith.addf %get3A_4, %mul3A_16 : vector<1000x48xf32>
    %slice3A = vector.extract_strided_slice %add3A_17 {offsets = [0, 0], sizes = [1000, 47], strides = [1, 1]} : vector<1000x48xf32> to vector<1000x47xf32>
    %swap3A = arith.constant 0 : index
    %swap3A_18 = arith.constant 0 : index
    %swap3A_19 = vector.load %arg4[%swap3A, %swap3A_18] : memref<1000x47xf32, #tpu.memory_space<vmem>>, vector<1000x47xf32>
    tpu.vector_store %arg4[%swap3A, %swap3A_18], %slice3A {strides = array<i32>} : memref<1000x47xf32, #tpu.memory_space<vmem>>, vector<1000x47xf32>,
    return
  }
  func.func @transform_0(%arg0: i32) -> (i32, i32) {
    %c0_i32 = arith.constant 0 : i32
    %c0_i32_0 = arith.constant 0 : i32
    return %arg0, %c0_i32 : i32, i32
  }
  func.func @transform_1(%arg0: i32) -> (i32, i32, i32) {
    %c0_i32 = arith.constant 0 : i32
    %c0_i32_0 = arith.constant 0 : i32
    %c0_i32_1 = arith.constant 0 : i32
    return %c0_i32, %arg0, %c0_i32_0 : i32, i32, i32
  }
  func.func @transform_2(%arg0: i32) -> (i32, i32) {
    %c0_i32 = arith.constant 0 : i32
    %c0_i32_0 = arith.constant 0 : i32
    return %arg0, %c0_i32 : i32, i32
  }
  func.func @transform_3(%arg0: i32) -> (i32, i32) {
    %c0_i32 = arith.constant 0 : i32
    %c0_i32_0 = arith.constant 0 : i32
    return %arg0, %c0_i32 : i32, i32
  }
}

</mosaic_0001>

<sc_bundles>
// kernel: kernel.11.cloned.1.call-start
scs
__scs_entry_jumppad:
0x0: {  	(pc) =	sbr.rel $0x88, $3  }
0x1: {  	(tag) =	ssettag $0x0;
	lr =	simm.s32 $0x1  }
0x2: {  	[smem:$0x3F96] =	sst lr;
	_ =	strace $0xD0000000  }
0x3: {  	_ = 	snop  }
0x4: {  	_ = 	snop  }
0x5: {  	_ = 	snop  }
0x6: {  	_ = 	snop  }
0x7: {  	_ = 	snop  }
__scs_overlays_trampoline_lowered:
0x8: {  	[smem:$0x3FA5] =	sst s0  }
0x9: {  	[smem:$0x3FA6] =	sst s1  }
0xa: {  	[smem:$0x3FA7] =	sst s2  }
0xb: {  	[smem:$0x3FA8] =	sst s3  }
0xc: {  	[smem:$0x3FA9] =	sst s4  }
0xd: {  	[smem:$0x3FAA] =	sst s5  }
0xe: {  	[smem:$0x3FAB] =	sst s6  }
0xf: {  	[smem:$0x3FAC] =	sst s7  }
0x10: {  	[smem:$0x3FAD] =	sst s8  }
0x11: {  	[smem:$0x3FAE] =	sst s9;
	s0 =	simm.s32 @!p0 $0x0  }
0x12: {  	s1 =	sld [smem:$0x3F94];
	s0 =	simm.s32 @p0 $0x1  }
0x13: {  	[smem:$0x3FAF] =	sst s0;
	s0 =	simm.s32 @!p1 $0x0  }
0x14: {  	s2 =	sld [smem:$0x3F93];
	s0 =	simm.s32 @p1 $0x1  }
0x15: {  	[smem:$0x3FB0] =	sst s0;
	s0 =	simm.s32 @!p2 $0x0  }
0x16: {  	s3 =	sld [smem:$0x3FDB];
	s0 =	simm.s32 @p2 $0x1  }
0x17: {  	s4 =	simm.s32 $0x1BF5;
	[smem:$0x3FB2] =	sst s0  }
0x18: {  	s0 =	sld [smem:$0x3F95];
	_ =	swait.ge [sflag:s4], $0x0  }
0x19: {  	s7 =	sld [smem:$0x3F96]  }
0x1a: {  	s8 =	sadd.s32 $0xFFFFE003, lr  }
0x1b: {  	s9 =	sadd.s32 $0xFFFFFEF7, lr;
	s5 =	simm.s32 $0xFFFFFFFF;
	p2 =	slt.u32 s8, $0xFFFFF086  }
0x1c: {  	p1 =	slt.u32 s9, $0xF7A;
	s5 =	simm.s32 @!p2 $0x0  }
0x1d: {  	s5 =	simm.s32 @p1 $0x1;
	p0 =	seq.s32 s7, s2  }
0x1e: {  	s7 =	smul.u32 @!p0 $0xF7A, s2;
	p2 =	seq.s32 @!p0 s5, $0x0  }
0x1f: {  	s9 =	smul.u32 $0xF7A, s1;
	s8 =	simm.s32 @!p0 $0x1BF5;
	p2 =	por !p2, p0  }
0x20: {  	[sflag:s8] =	ssyncset.s32 @!p0 $0xFFFFF086;
	s6 =	sadd.s32 @!p0 s3, s7;
	s7 =	simm.s32 @!p0 $0x108  }
0x21: {  	s3 =	sadd.s32 s3, s9;
	s6 =	sadd.s32 @!p0 $0x88, s6;
	s7 =	simm.s32 @p2 $0x1082  }
0x22: {  	[simem:s7], [sflag:s8] =	dma.local @!p0 [hbm:s6], $0xF7A  }
0x23: {  	s9 =	sor.u32 $0xD0000000, s2;
	s6 =	simm.s32 $0x108;
	_ =	swait.ge @!p0 [sflag:s8], $0x0  }
0x24: {  	s3 =	sadd.s32 $0x88, s3;
	s6 =	simm.s32 @!p1 $0x1082;
	[sflag:s4] =	ssyncset.s32 $0xFFFFF086  }
0x25: {  	[simem:s6], [sflag:s4] =	dma.local [hbm:s3], $0xF7A  }
0x26: {  	[smem:$0x3F96] =	sst s1;
	(tag) =	ssettag s2;
	_ =	strace s9  }
0x27: {  	s1 =	sld [smem:$0x3FA6]  }
0x28: {  	s2 =	sld [smem:$0x3FA7]  }
0x29: {  	s4 =	sld [smem:$0x3FA9]  }
0x2a: {  	p0 =	seq.s32 s5, $0x0;
	s5 =	sld [smem:$0x3FAA]  }
0x2b: {  	s6 =	sld [smem:$0x3FAB]  }
0x2c: {  	s7 =	sld [smem:$0x3FAC]  }
0x2d: {  	s3 =	simm.s32 $0x108;
	s8 =	sld [smem:$0x3FAD]  }
0x2e: {  	s3 =	simm.s32 @!p0 $0x1082;
	s9 =	sld [smem:$0x3FAE]  }
0x2f: {  	lr =	sadd.s32 s0, s3;
	s0 =	sld [smem:$0x3FA5]  }
0x30: {  	s3 =	sld [smem:$0x3FA8]  }
0x31: {  	[smem:$0x3FB1] =	sst s10  }
0x32: {  	s10 =	sld [smem:$0x3FAF];
	_ =	sdelay $0x3  }
0x33: {  	p0 =	seq.s32 s10, $0x1;
	s10 =	sld [smem:$0x3FB1];
	_ =	sdelay $0x3  }
0x34: {  	[smem:$0x3FB1] =	sst s10  }
0x35: {  	s10 =	sld [smem:$0x3FB0];
	_ =	sdelay $0x3  }
0x36: {  	p1 =	seq.s32 s10, $0x1;
	s10 =	sld [smem:$0x3FB1];
	_ =	sdelay $0x3  }
0x37: {  	[smem:$0x3FB1] =	sst s10  }
0x38: {  	s10 =	sld [smem:$0x3FB2]  }
0x39: {  	_ = 	snop;
	(pc) =	sbr.ind lr, $3  }
0x3a: {  	_ = 	snop  }
0x3b: {  	_ = 	snop  }
0x3c: {  	p2 =	seq.s32 s10, $0x1;
	s10 =	sld [smem:$0x3FB1]  }
0x3d: {  	_ =	shalt  }
0x3e: {  	_ =	shalt  }
0x3f: {  	_ =	shalt  }
0x40: {  	_ =	shalt  }
0x41: {  	_ =	shalt  }
0x42: {  	_ =	shalt  }
0x43: {  	_ =	shalt  }
0x44: {  	_ =	shalt  }
0x45: {  	_ =	shalt  }
0x46: {  	_ =	shalt  }
0x47: {  	_ =	shalt  }
0x48: {  	_ =	shalt  }
0x49: {  	_ =	shalt  }
0x4a: {  	_ =	shalt  }
0x4b: {  	_ =	shalt  }
0x4c: {  	_ =	shalt  }
0x4d: {  	_ =	shalt  }
0x4e: {  	_ =	shalt  }
0x4f: {  	_ =	shalt  }
0x50: {  	_ =	shalt  }
0x51: {  	_ =	shalt  }
0x52: {  	_ =	shalt  }
0x53: {  	_ =	shalt  }
0x54: {  	_ =	shalt  }
0x55: {  	_ =	shalt  }
0x56: {  	_ =	shalt  }
0x57: {  	_ =	shalt  }
0x58: {  	_ =	shalt  }
0x59: {  	_ =	shalt  }
0x5a: {  	_ =	shalt  }
0x5b: {  	_ =	shalt  }
0x5c: {  	_ =	shalt  }
0x5d: {  	_ =	shalt  }
0x5e: {  	_ =	shalt  }
0x5f: {  	_ =	shalt  }
0x60: {  	_ =	shalt  }
0x61: {  	_ =	shalt  }
0x62: {  	_ =	shalt  }
0x63: {  	_ =	shalt  }
0x64: {  	_ =	shalt  }
0x65: {  	_ =	shalt  }
0x66: {  	_ =	shalt  }
0x67: {  	_ =	shalt  }
0x68: {  	_ =	shalt  }
0x69: {  	_ =	shalt  }
0x6a: {  	_ =	shalt  }
0x6b: {  	_ =	shalt  }
0x6c: {  	_ =	shalt  }
0x6d: {  	_ =	shalt  }
0x6e: {  	_ =	shalt  }
0x6f: {  	_ =	shalt  }
0x70: {  	_ =	shalt  }
0x71: {  	_ =	shalt  }
0x72: {  	_ =	shalt  }
0x73: {  	_ =	shalt  }
0x74: {  	_ =	shalt  }
0x75: {  	_ =	shalt  }
0x76: {  	_ =	shalt  }
0x77: {  	_ =	shalt  }
0x78: {  	_ =	shalt  }
0x79: {  	_ =	shalt  }
0x7a: {  	_ =	shalt  }
0x7b: {  	_ =	shalt  }
0x7c: {  	_ =	shalt  }
0x7d: {  	_ =	shalt  }
0x7e: {  	_ =	shalt  }
0x7f: {  	_ =	shalt  }
0x80: {  	_ =	shalt  }
0x81: {  	_ =	shalt  }
0x82: {  	_ =	shalt  }
0x83: {  	_ =	shalt  }
0x84: {  	_ =	shalt  }
0x85: {  	_ =	shalt  }
0x86: {  	_ =	shalt  }
0x87: {  	_ =	shalt  }
.Lfunc_end0:
.L_simem_size_0:
called_computation.1_lowered:
.L_overlay_start_0:
0x88: {  	s2 =	sld [smem:$0x3FD9]  }
0x89: {  	s3 =	sld [smem:$0x3FFE];
	_ =	sdelay $0x1  }
0x8a: {  	s1 =	srdreg.scid  }
0x8b: {  	s0 =	sand.u32 $0x1, s1  }
0x8c: {  	s16 =	sshll.u32 s0, $0xA;
	s2 =	sadd.s32 s3, s2  }
0x8d: {  	s2 =	sadd.s32 s2, s16  }
0x8e: {  	[smem:$0x3FBD] =	sst s2  }
0x8f: {  	_ = 	snop  }
0x90: {  	(tm) =	ssettm $0x1  }
0x91: {  	s17 =	sld [smem:$0x3FFB];
	_ =	sdelay $0x3  }
0x92: {  	_ =	strace s17  }
0x93: {  	s2 =	sld [smem:$0x3FFC];
	_ =	sdelay $0x3  }
0x94: {  	_ =	strace s2  }
0x95: {  	s2 =	sld [smem:$0x3FFD];
	_ =	sdelay $0x3  }
0x96: {  	_ =	strace s2  }
0x97: {  	_ =	strace $0x8FFFFFFF  }
0x98: {  	s18 =	sld [smem:$0x3FDB];
	_ =	sdelay $0x1  }
0x99: {  	s19 =	simm.s32 $_scs_section_size  }
0x9a: {  	s4 =	simm.s32 $_size__tile_overlayer_lowered;
	s5 =	simm.s32 $_tile_overlayer_lowered  }
0x9b: {  	s22 =	simm.s32 $0x1BFF;
	s21 =	sshll.u32 s5, $0x1;
	s2 =	sadd.s32 s19, s18  }
0x9c: {  	s6 =	simm.s32 $0x0;
	s20 =	sshll.u32 s4, $0x1;
	s4 =	sadd.s32 s21, s2  }
0x9d: {  	[timem:s6], [sflag:s22] =	dma.local [hbm:s4], s20  }
0x9e: {  	_ =	swait.ge [sflag:s22], s20  }
0x9f: {  	s3 =	ssub.s32 $0x0, s20;
	[sflag:s22] =	ssyncset.done $0x0  }
0xa0: {  	[sflag:s22] =	ssyncadd.s32 s3;
	_ =	sdelay $0x1  }
0xa1: {  	s23 =	simm.s32 $0x1B8B  }
0xa2: {  	_ =	swait.ge [sflag:s23], $0x1  }
0xa3: {  	[sflag:s23] =	ssyncset.done $0x0  }
0xa4: {  	s25 =	simm.s32 $0x1B8E;
	s24 =	sld [smem:$0x3FFE];
	[sflag:s23] =	ssyncadd.s32 $0xFFFFFFFF  }
0xa5: {  	s26 =	simm.s32 $execute0_lowered;
	[smem:$0x3FD2] =	sst s25  }
0xa6: {  	s4 =	sshll.u32 s26, $0x1;
	_ =	strace $0x80000049;
	[dreg:$0x1] =	wrdreg $0xFFFFFFFF  }
0xa7: {  	s28 =	simm.s32 $_size_execute0_lowered;
	s2 =	sadd.s32 s2, s4;
	[dreg:$0x0] =	wrdreg $0x0  }
0xa8: {  	s4 =	sshll.u32 s28, $0x1;
	[dreg:$0x2] =	wrdreg s2  }
0xa9: {  	[dreg:$0x3] =	wrdreg s4  }
0xaa: {  	[dreg:$0x4] =	wrdreg $0xC0  }
0xab: {  	_ =	task [dreg:s6], $0x5FFFF  }
0xac: {  	[dreg:$0x1] =	wrdreg $0xFFFFFFFF  }
0xad: {  	[dreg:$0x0] =	wrdreg $0x60  }
0xae: {  	[dreg:$0x2] =	wrdreg s24  }
0xaf: {  	[dreg:$0x3] =	wrdreg $0x9BA00  }
0xb0: {  	[dreg:$0x4] =	wrdreg $0x9  }
0xb1: {  	_ =	task.clear_ibuf [dreg:s6], $0x5FFFF;
	_ =	strace $0x90000049  }
0xb2: {  	s29 =	simm.s32 $0x9;
	_ =	strace $0x8000004B  }
0xb3: {  	_ =	swait.ge [sflag:s29], $0x1  }
0xb4: {  	[sflag:s29] =	ssyncadd.s32 $0xFFFFFFFF  }
0xb5: {  	_ =	strace $0x9000004B  }
0xb6: {  	_ =	sfence  }
0xb7: {  	s30 =	sld [smem:$0x0];
	_ =	sdelay $0x2  }
0xb8: {  	s31 =	sshll.u32 s1, $0xD;
	s1 =	sshrl.u32 s1, $0x2  }
0xb9: {  	s3 =	sand.u32 $0x4000, s31;
	s1 =	sadd.s32 s1, s30  }
0xba: {  	s0 =	sor.u32 s3, s0;
	s1 =	sshll.u32 s1, $0x11  }
0xbb: {  	s0 =	sor.u32 s1, s0  }
0xbc: {  	s0 =	sadd.s32 $0x8F2B, s0  }
0xbd: {  	[sflag:s0] =	ssyncadd.remote.s32 $0x1  }
0xbe: {  	_ =	sfence.sel $0xFFFF  }
0xbf: {  	[dreg:$0x0] =	wrdreg $0xFFFFFFFF;
	(pc) =	sbr.abs _section_cstart, $3  }
0xc0: {  	[dreg:$0x1] =	wrdreg $0xFFFFFFFF  }
0xc1: {  	_ =	task.clear_ibuf [dreg:s6], $0x2FFFF;
	_ =	strace $0x9FFFFFFF  }
0xc2: {  	(tm) =	ssettm $0x7FFFFFFF  }
0xc3: {  	_ =	shalt  }
tec
execute0_lowered:
.L_overlay_start_1:
0x0: {  	(tag) =	ssettag $0x1  }
0x1: {  	s0 =	rddreg [dreg:$0x0]  }
0x2: {  	s1 =	rddreg [dreg:$0x1];
	s3 =	simm.s32 $0x0  }
0x3: {  	s2 =	srdreg.scid;
	s12 =	stileid.u32;
	s28 =	simm.s32 $0x4BA0  }
0x4: {  	s29 =	simm.s32 $0x140;
	s30 =	simm.s32 $0x5FA0;
	s31 =	simm.s32 $0x1  }
0x5: {  	[smem:$0x7FF] =	sst s3;
	s2 =	sand.u32 $0x1, s2;
	s8 =	smul.u32 $0x13800, s12  }
0x6: {  	s4 =	sadd.s32 $0x2A00, s0;
	s5 =	sadd.s32 $0x22800, s0;
	s10 =	smul.u32 $0x27000, s12  }
0x7: {  	s6 =	sadd.s32 $0x18A00, s0;
	s0 =	sadd.s32 $0x2C600, s0;
	s20 =	sshll.u32 s12, $0x1  }
0x8: {  	s15 =	sadd.s32 $0x9C000, s1;
	p0 =	sne.s32 s12, $0xF;
	_ =	strace $0x8000004A  }
0x9: {  	s7 =	ssub.s32 $0x2, s2;
	s16 =	sor.u32 s2, s20;
	s10 =	sshrl.u32 s10, $0x2  }
0xa: {  	s2 =	smul.u32 $0x138800, s2;
	s20 =	simm.s32 $0xFA0;
	s10 =	sadd.s32 s10, s1  }
0xb: {  	s9 =	sshrl.u32 s7, $0x1;
	s11 =	sshrl.u32 s8, $0x1;
	s21 =	sadd.s32 $0x1400, s10  }
0xc: {  	s16 =	smul.u32 $0x2710, s16;
	s22 =	sadd.s32 $0x2800, s10;
	[dreg:$0x3] =	wrdreg s21  }
0xd: {  	s9 =	ssub.s32 s7, s9;
	s23 =	sadd.s32 $0x3C00, s10;
	[dreg:$0x4] =	wrdreg s22  }
0xe: {  	s7 =	sadd.s32 s11, s1;
	s24 =	sadd.s32 $0x5000, s10;
	[dreg:$0x5] =	wrdreg s23  }
0xf: {  	s8 =	sadd.s32 s8, s2;
	s25 =	sadd.s32 $0x6400, s10;
	[dreg:$0x6] =	wrdreg s24  }
0x10: {  	s2 =	sshrl.u32 s2, $0x4;
	s26 =	sadd.s32 $0x7800, s10;
	[dreg:$0x7] =	wrdreg s25  }
0x11: {  	s10 =	sadd.s32 $0x8C00, s10;
	s8 =	sshrl.u32 s8, $0x4;
	[dreg:$0x8] =	wrdreg s26  }
0x12: {  	s19 =	smax.u32 s9, $0x1;
	[dreg:$0x9] =	wrdreg s10;
	s17 =	sadd.s32 s0, s8  }
0x13: {  	s0 =	sadd.s32 s0, s2;
	s21 =	simm.s32 $0x3;
	s22 =	simm.s32 $0x50  }
0x14: {  	s23 =	simm.s32 $0x23A0;
	s24 =	simm.s32 $0xA0;
	s25 =	simm.s32 $0x37A0  }
0x15: {  	v0 =	vimm.bf16 $0.0e+00;
	s26 =	simm.s32 $0xF0;
	s18 =	sadd.s32 $0x13800, s0;
	s0 =	simm.s32 $0x2  }
.LBB2_1:
0x16: {  	s2 =	simm.s32 $0x0;
	s8 =	simm.s32 $0x200  }
.LBB2_2:
0x17: {  	p1 =	sne.s32 s8, $0x4E00;
	[tilespmem:s2+$0x1018] =	vst.msk $0xff, v0  }
0x18: {  	[tilespmem:s2+$0xFA0] =	vst.msk $0xff, v0  }
0x19: {  	[tilespmem:s2+$0xFE0] =	vst.msk $0xff, v0  }
0x1a: {  	[tilespmem:s2+$0xFA8] =	vst.msk $0xff, v0  }
0x1b: {  	[tilespmem:s2+$0xFE8] =	vst.msk $0xff, v0  }
0x1c: {  	[tilespmem:s2+$0xFB0] =	vst.msk $0xff, v0  }
0x1d: {  	[tilespmem:s2+$0xFF0] =	vst.msk $0xff, v0  }
0x1e: {  	[tilespmem:s2+$0xFB8] =	vst.msk $0xff, v0  }
0x1f: {  	[tilespmem:s2+$0xFF8] =	vst.msk $0xff, v0  }
0x20: {  	[tilespmem:s2+$0xFC0] =	vst.msk $0xff, v0  }
0x21: {  	[tilespmem:s2+$0x1000] =	vst.msk $0xff, v0  }
.Ltmp0:
0x22: {  	[tilespmem:s2+$0xFC8] =	vst.msk $0xff, v0;
	(pc) =	sbr.rel @p1 .LBB2_2-.Ltmp0, $4  }
0x23: {  	[tilespmem:s2+$0x1008] =	vst.msk $0xff, v0  }
0x24: {  	[tilespmem:s2+$0xFD0] =	vst.msk $0xff, v0  }
0x25: {  	[tilespmem:s2+$0x1010] =	vst.msk $0xff, v0  }
0x26: {  	[tilespmem:s2+$0xFD8] =	vst.msk $0xff, v0;
	s2 =	sshra.s32 s8, $0x2;
	s8 =	sadd.s32 $0x200, s8  }
0x27: {  	[tilespmem:s2+$0x1018] =	vst.msk $0xff, v0  }
0x28: {  	[tilespmem:s2+$0xFA0] =	vst.msk $0xff, v0  }
0x29: {  	[tilespmem:s2+$0xFE0] =	vst.msk $0xff, v0  }
0x2a: {  	[tilespmem:s2+$0xFA8] =	vst.msk $0xff, v0  }
0x2b: {  	[tilespmem:s2+$0xFE8] =	vst.msk $0xff, v0  }
0x2c: {  	[tilespmem:s2+$0xFB0] =	vst.msk $0xff, v0  }
0x2d: {  	[tilespmem:s2+$0xFF0] =	vst.msk $0xff, v0  }
0x2e: {  	[tilespmem:s2+$0xFB8] =	vst.msk $0xff, v0  }
0x2f: {  	[tilespmem:s2+$0xFF8] =	vst.msk $0xff, v0  }
0x30: {  	[tilespmem:s2+$0xFC0] =	vst.msk $0xff, v0  }
0x31: {  	[tilespmem:s2+$0x1000] =	vst.msk $0xff, v0  }
0x32: {  	[tilespmem:s2+$0xFC8] =	vst.msk $0xff, v0  }
0x33: {  	[tilespmem:s2+$0x1008] =	vst.msk $0xff, v0  }
0x34: {  	[tilespmem:s2+$0xFD0] =	vst.msk $0xff, v0  }
0x35: {  	[tilespmem:s2+$0x1010] =	vst.msk $0xff, v0  }
0x36: {  	[tilespmem:s2+$0xFD8] =	vst.msk $0xff, v0  }
0x37: {  	[spmem:s7] =	stream.linear.scatter [tilespmem:s20], [sflag:$0x3], $0x1400, $0x38;
	[tilespmem:$0x137E0] =	vst v63  }
0x38: {  	_ =	swait.ge [sflag:s21], $0x1400  }
0x39: {  	[sflag:s21] =	ssyncset.done $0x0  }
0x3a: {  	s8 =	rddreg [dreg:$0x3];
	[sflag:s21] =	ssyncadd.s32 $0xFFFFEC00  }
0x3b: {  	[spmem:s8] =	stream.linear.scatter [tilespmem:s20], [sflag:$0x3], $0x1400, $0x38;
	[tilespmem:$0x137E0] =	vst v63  }
0x3c: {  	_ =	swait.ge [sflag:s21], $0x1400  }
0x3d: {  	[sflag:s21] =	ssyncset.done $0x0  }
0x3e: {  	s9 =	rddreg [dreg:$0x4];
	[sflag:s21] =	ssyncadd.s32 $0xFFFFEC00  }
0x3f: {  	[spmem:s9] =	stream.linear.scatter [tilespmem:s20], [sflag:$0x3], $0x1400, $0x38;
	[tilespmem:$0x137E0] =	vst v63  }
0x40: {  	_ =	swait.ge [sflag:s21], $0x1400  }
0x41: {  	[sflag:s21] =	ssyncset.done $0x0  }
0x42: {  	s10 =	rddreg [dreg:$0x5];
	[sflag:s21] =	ssyncadd.s32 $0xFFFFEC00  }
0x43: {  	[spmem:s10] =	stream.linear.scatter [tilespmem:s20], [sflag:$0x3], $0x1400, $0x38;
	[tilespmem:$0x137E0] =	vst v63  }
0x44: {  	_ =	swait.ge [sflag:s21], $0x1400  }
0x45: {  	[sflag:s21] =	ssyncset.done $0x0  }
0x46: {  	s11 =	rddreg [dreg:$0x6];
	[sflag:s21] =	ssyncadd.s32 $0xFFFFEC00  }
0x47: {  	[spmem:s11] =	stream.linear.scatter [tilespmem:s20], [sflag:$0x3], $0x1400, $0x38;
	[tilespmem:$0x137E0] =	vst v63  }
0x48: {  	_ =	swait.ge [sflag:s21], $0x1400  }
0x49: {  	[sflag:s21] =	ssyncset.done $0x0  }
0x4a: {  	s12 =	rddreg [dreg:$0x7];
	[sflag:s21] =	ssyncadd.s32 $0xFFFFEC00  }
0x4b: {  	[spmem:s12] =	stream.linear.scatter [tilespmem:s20], [sflag:$0x3], $0x1400, $0x38;
	[tilespmem:$0x137E0] =	vst v63  }
0x4c: {  	_ =	swait.ge [sflag:s21], $0x1400  }
0x4d: {  	[sflag:s21] =	ssyncset.done $0x0  }
0x4e: {  	s13 =	rddreg [dreg:$0x8];
	[sflag:s21] =	ssyncadd.s32 $0xFFFFEC00  }
0x4f: {  	[spmem:s13] =	stream.linear.scatter [tilespmem:s20], [sflag:$0x3], $0x1400, $0x38;
	[tilespmem:$0x137E0] =	vst v63  }
0x50: {  	_ =	swait.ge [sflag:s21], $0x1400  }
0x51: {  	[sflag:s21] =	ssyncset.done $0x0  }
0x52: {  	s14 =	rddreg [dreg:$0x9];
	[sflag:s21] =	ssyncadd.s32 $0xFFFFEC00  }
0x53: {  	[spmem:s14] =	stream.linear.scatter [tilespmem:s20], [sflag:$0x3], $0x1000, $0x38;
	[tilespmem:$0x137E0] =	vst v63  }
0x54: {  	_ =	swait.ge [sflag:s21], $0x1000  }
0x55: {  	[sflag:s21] =	ssyncset.done $0x0  }
0x56: {  	s2 =	simm.s32 @!p0 $0xFA0;
	[sflag:s21] =	ssyncadd.s32 $0xFFFFF000  }
0x57: {  	[spmem:s15] =	stream.linear.scatter @!p0 [tilespmem:s2], [sflag:$0x3], $0x400, $0x38;
	[tilespmem:$0x137E0] =	vst v63  }
0x58: {  	s2 =	simm.s32 @!p0 $0x3  }
0x59: {  	_ =	swait.ge @!p0 [sflag:s2], $0x400  }
0x5a: {  	[sflag:s2] =	ssyncset.done @!p0 $0x0  }
0x5b: {  	[sflag:s2] =	ssyncadd.s32 @!p0 $0xFFFFFC00  }
0x5c: {  	s8 =	simm.s32 $0x0;
	s2 =	simm.s32 $0x0;
	[bflag:$0x0] =	sbarrier.arrive $0xFFFF  }
.LBB2_4:
0x5d: {  	s9 =	smul.u32 $0x7D0, s8;
	_ =	sdelay $0x1  }
0x5e: {  	s9 =	sadd.s32 s16, s9  }
0x5f: {  	s9 =	sshrl.u32 s9, $0x3  }
0x60: {  	s10 =	sadd.s32 s5, s9  }
0x61: {  	[tilespmem:s2], [sflag:$0x3] =	stream.linear.gather [hbm4b:s10+s2], $0x7D0, $0x38;
	[tilespmem:$0x137E0] =	vst v63  }
0x62: {  	_ =	swait.ge [sflag:s21], $0x7D0  }
0x63: {  	[sflag:s21] =	ssyncset.done $0x0  }
0x64: {  	s14 =	sadd.s32 s6, s9;
	s9 =	simm.s32 $0x7D0;
	[sflag:s21] =	ssyncadd.s32 $0xFFFFF830  }
0x65: {  	[tilespmem:s9], [sflag:$0x3] =	stream.linear.gather [hbm4b:s14+s2], $0x7D0, $0x38;
	[tilespmem:$0x137E0] =	vst v63  }
0x66: {  	_ =	swait.ge [sflag:s21], $0x7D0  }
0x67: {  	[sflag:s21] =	ssyncset.done $0x0  }
0x68: {  	[sflag:s21] =	ssyncadd.s32 $0xFFFFF830  }
0x69: {  	[tilespmem:s20], [sflag:$0x1] =	stream.indirect.gather [hbm4b:s4+s22], $0x40, s2, s22, $0xb8;
	[tilespmem:$0x137E0] =	vst v63  }
0x6a: {  	_ = 	snop  }
0x6b: {  	[tilespmem:s23], [sflag:$0x1] =	stream.indirect.gather [hbm4b:s4+s22], $0x40, s22, s22, $0xb8;
	[tilespmem:$0x137E0] =	vst v63  }
0x6c: {  	_ = 	snop  }
0x6d: {  	[tilespmem:s25], [sflag:$0x1] =	stream.indirect.gather [hbm4b:s4+s22], $0x40, s24, s22, $0xb8;
	[tilespmem:$0x137E0] =	vst v63  }
0x6e: {  	_ = 	snop  }
0x6f: {  	[tilespmem:s28], [sflag:$0x1] =	stream.indirect.gather [hbm4b:s4+s22], $0x40, s26, s22, $0xb8;
	[tilespmem:$0x137E0] =	vst v63  }
0x70: {  	s11 =	simm.s32 $0x0;
	s10 =	simm.s32 $0x190  }
0x71: {  	[tilespmem:s30], [sflag:$0x1] =	stream.indirect.gather [hbm4b:s4+s22], $0x40, s29, s22, $0xb8;
	[tilespmem:$0x137E0] =	vst v63  }
.LBB2_5:
0x72: {  	_ =	swait.ge [sflag:s31], $0x1400  }
0x73: {  	p1 =	slt.u32 s11, $0x2;
	[sflag:s31] =	ssyncset.done $0x0  }
0x74: {  	s12 =	simm.s32 @!p1 $0x2;
	[sflag:s31] =	ssyncadd.s32 $0xFFFFEC00  }
0x75: {  	p2 =	sgt.u32 @!p1 s11, $0x13;
	_ =	swait.ge @!p1 [sflag:s12], $0x1400  }
0x76: {  	p2 =	por p1, !p2;
	[sflag:s12] =	ssyncset.done @!p1 $0x0  }
0x77: {  	[sflag:s12] =	ssyncadd.s32 @!p1 $0xFFFFEC00;
	s12 =	sadd.s32 @p2 $0x5, s11  }
0x78: {  	s13 =	smul.u32 @p2 $0x25, s12;
	_ =	sdelay $0x1  }
0x79: {  	s13 =	sshrl.u32 @p2 s13, $0x8  }
0x7a: {  	s14 =	ssub.s32 @p2 s12, s13  }
0x7b: {  	s14 =	sand.u32 @p2 $0xFE, s14  }
0x7c: {  	s14 =	sshrl.u32 @p2 s14, $0x1  }
0x7d: {  	s13 =	sadd.s32 @p2 s13, s14  }
0x7e: {  	s13 =	sand.u32 @p2 $0xFC, s13  }
0x7f: {  	s13 =	sshrl.u32 @p2 s13, $0x2  }
0x80: {  	s13 =	smul.u32 @p2 $0x7, s13;
	_ =	sdelay $0x1  }
0x81: {  	s12 =	ssub.s32 @p2 s12, s13  }
0x82: {  	s12 =	sand.u32 @p2 $0xFF, s12  }
0x83: {  	s12 =	smul.u32 @p2 $0x5000, s12;
	_ =	sdelay $0x1  }
0x84: {  	s12 =	sshrl.u32 @p2 s12, $0x2  }
0x85: {  	s13 =	smul.u32 $0x25, s11;
	s12 =	sadd.s32 @p2 $0xFA0, s12  }
0x86: {  	[tilespmem:s12], [sflag:$0x1] =	stream.indirect.gather @p2 [hbm4b:s4+s22], $0x40, s10, s22, $0xb8;
	[tilespmem:$0x137E0] =	vst v63  }
0x87: {  	s12 =	sshrl.u32 s13, $0x8  }
0x88: {  	s14 =	ssub.s32 s11, s12  }
0x89: {  	s13 =	sand.u32 $0xFE, s14  }
0x8a: {  	s13 =	sshrl.u32 s13, $0x1  }
0x8b: {  	s12 =	sadd.s32 s12, s13  }
0x8c: {  	s12 =	sand.u32 $0xFC, s12  }
0x8d: {  	s12 =	sshrl.u32 s12, $0x2  }
0x8e: {  	s12 =	smul.u32 $0x7, s12;
	_ =	sdelay $0x1  }
0x8f: {  	s12 =	ssub.s32 s11, s12  }
0x90: {  	s11 =	sadd.s32 $0x1, s11;
	s12 =	sand.u32 $0xFF, s12  }
0x91: {  	p1 =	sne.s32 s11, $0x19;
	s12 =	smul.u32 $0x5000, s12  }
.Ltmp1:
0x92: {  	_ = 	snop;
	(pc) =	sbr.rel @p1 .LBB2_5-.Ltmp1, $4  }
0x93: {  	s12 =	sshrl.u32 s12, $0x2  }
0x94: {  	s12 =	sadd.s32 $0xFA0, s12  }
0x95: {  	[spmem:s1] =	stream.indirect.scatter.add.bf16 [tilespmem:s12], [sflag:$0x2], $0x40, s9, s22, $0xb8;
	[tilespmem:$0x137E0] =	vst v63  }
0x96: {  	s10 =	sadd.s32 $0x50, s10;
	s9 =	sadd.s32 $0x50, s9  }
0x97: {  	s8 =	sadd.s32 $0x1, s8  }
0x98: {  	_ =	swait.ge [sflag:s0], $0x1400;
	p1 =	sne.s32 s8, $0x5  }
.Ltmp2:
0x99: {  	[sflag:s0] =	ssyncset.done $0x0;
	(pc) =	sbr.rel @p1 .LBB2_4-.Ltmp2, $4  }
0x9a: {  	[sflag:s0] =	ssyncadd.s32 $0xFFFFEC00  }
0x9b: {  	_ =	swait.ge [sflag:s0], $0x1400  }
0x9c: {  	[sflag:s0] =	ssyncset.done $0x0  }
0x9d: {  	[sflag:s0] =	ssyncadd.s32 $0xFFFFEC00  }
0x9e: {  	s2 =	stileid.u32  }
0x9f: {  	s2 =	sshll.u32 s2, $0x6  }
0xa0: {  	[bflag:$0x0] =	sbarrier.arrive $0xFFFF;
	s8 =	sshrl.u32 s7, $0x3;
	s2 =	sor.u32 $0x1C03, s2  }
0xa1: {  	[hbm:s17], [sflag:s2] =	dma.local [spmem:s8], $0x1380  }
0xa2: {  	_ =	swait.ge [sflag:s21], $0x1380  }
0xa3: {  	s3 =	sadd.s32 $0x1, s3;
	[sflag:s21] =	ssyncset.done $0x0  }
0xa4: {  	p1 =	sne.s32 s3, s19;
	s8 =	sshrl.u32 @!p0 s15, $0x3;
	[sflag:s21] =	ssyncadd.s32 $0xFFFFEC80  }
0xa5: {  	[hbm:s18], [sflag:s2] =	dma.local @!p0 [spmem:s8], $0x80  }
.Ltmp3:
0xa6: {  	_ = 	snop;
	(pc) =	sbr.rel @p1 .LBB2_1-.Ltmp3, $4  }
0xa7: {  	s2 =	simm.s32 @!p0 $0x3  }
0xa8: {  	_ =	swait.ge @!p0 [sflag:s2], $0x80  }
0xa9: {  	[sflag:s2] =	ssyncset.done @!p0 $0x0  }
0xaa: {  	[sflag:s2] =	ssyncadd.s32 @!p0 $0xFFFFFF80  }
0xab: {  	_ =	sfence.sel $0x180000  }
0xac: {  	[bflag:$0x0] =	sbarrier.arrive $0xFFFF  }
0xad: {  	_ =	strace $0x9000004A  }
0xae: {  	s0 =	stileid.u32;
	[bflag:$0x2] =	sbarrier.arrive $0xFFFF  }
0xaf: {  	p0 =	sne.s32 s0, $0x0;
	s0 =	rddreg [dreg:$0x2]  }
0xb0: {  	s0 =	sadd.s32 @!p0 $0x100000, s0  }
0xb1: {  	[sflag:s0] =	ssyncadd.tile.s32 @!p0 $0x1;
	_ =	shalt  }
.Lfunc_end2:
_tile_overlayer_lowered:
.L_overlay_start_2:
0xb2: {  	(tag) =	ssettag $0x2  }
0xb3: {  	s0 =	rddreg [dreg:$0x0];
	s2 =	stileid.u32  }
0xb4: {  	s1 =	rddreg [dreg:$0x1];
	p0 =	sne.s32 s2, $0x0  }
0xb5: {  	s3 =	rddreg [dreg:$0x2];
	[bflag:$0x3] =	sbarrier.arrive $0xFFFF;
	s2 =	simm.s32 @!p0 $0x1C03  }
0xb6: {  	[timem:s3], [sflag:s2] =	dma.local @!p0 [hbm:s0], s1  }
0xb7: {  	s0 =	simm.s32 @!p0 $0x3  }
0xb8: {  	_ =	swait.ge @!p0 [sflag:s0], s1  }
0xb9: {  	s1 =	ssub.s32 @!p0 $0x0, s1;
	[sflag:s0] =	ssyncset.done @!p0 $0x0  }
0xba: {  	[sflag:s0] =	ssyncadd.s32 @!p0 s1  }
0xbb: {  	[bflag:$0x3] =	sbarrier.arrive $0xFFFF  }
0xbc: {  	_ =	shalt  }

// kernel: kernel.14.cloned.1.call-start
scs
__scs_entry_jumppad:
0x0: {  	(pc) =	sbr.rel $0x88, $3  }
0x1: {  	(tag) =	ssettag $0x0;
	lr =	simm.s32 $0x1  }
0x2: {  	[smem:$0x3F96] =	sst lr;
	_ =	strace $0xD0000000  }
0x3: {  	_ = 	snop  }
0x4: {  	_ = 	snop  }
0x5: {  	_ = 	snop  }
0x6: {  	_ = 	snop  }
0x7: {  	_ = 	snop  }
__scs_overlays_trampoline_lowered:
0x8: {  	[smem:$0x3FA5] =	sst s0  }
0x9: {  	[smem:$0x3FA6] =	sst s1  }
0xa: {  	[smem:$0x3FA7] =	sst s2  }
0xb: {  	[smem:$0x3FA8] =	sst s3  }
0xc: {  	[smem:$0x3FA9] =	sst s4  }
0xd: {  	[smem:$0x3FAA] =	sst s5  }
0xe: {  	[smem:$0x3FAB] =	sst s6  }
0xf: {  	[smem:$0x3FAC] =	sst s7  }
0x10: {  	[smem:$0x3FAD] =	sst s8  }
0x11: {  	[smem:$0x3FAE] =	sst s9;
	s0 =	simm.s32 @!p0 $0x0  }
0x12: {  	s1 =	sld [smem:$0x3F94];
	s0 =	simm.s32 @p0 $0x1  }
0x13: {  	[smem:$0x3FAF] =	sst s0;
	s0 =	simm.s32 @!p1 $0x0  }
0x14: {  	s2 =	sld [smem:$0x3F93];
	s0 =	simm.s32 @p1 $0x1  }
0x15: {  	[smem:$0x3FB0] =	sst s0;
	s0 =	simm.s32 @!p2 $0x0  }
0x16: {  	s3 =	sld [smem:$0x3FDB];
	s0 =	simm.s32 @p2 $0x1  }
0x17: {  	s4 =	simm.s32 $0x1BF5;
	[smem:$0x3FB2] =	sst s0  }
0x18: {  	s0 =	sld [smem:$0x3F95];
	_ =	swait.ge [sflag:s4], $0x0  }
0x19: {  	s7 =	sld [smem:$0x3F96]  }
0x1a: {  	s8 =	sadd.s32 $0xFFFFE003, lr  }
0x1b: {  	s9 =	sadd.s32 $0xFFFFFEF7, lr;
	s5 =	simm.s32 $0xFFFFFFFF;
	p2 =	slt.u32 s8, $0xFFFFF086  }
0x1c: {  	p1 =	slt.u32 s9, $0xF7A;
	s5 =	simm.s32 @!p2 $0x0  }
0x1d: {  	s5 =	simm.s32 @p1 $0x1;
	p0 =	seq.s32 s7, s2  }
0x1e: {  	s7 =	smul.u32 @!p0 $0xF7A, s2;
	p2 =	seq.s32 @!p0 s5, $0x0  }
0x1f: {  	s9 =	smul.u32 $0xF7A, s1;
	s8 =	simm.s32 @!p0 $0x1BF5;
	p2 =	por !p2, p0  }
0x20: {  	[sflag:s8] =	ssyncset.s32 @!p0 $0xFFFFF086;
	s6 =	sadd.s32 @!p0 s3, s7;
	s7 =	simm.s32 @!p0 $0x108  }
0x21: {  	s3 =	sadd.s32 s3, s9;
	s6 =	sadd.s32 @!p0 $0x88, s6;
	s7 =	simm.s32 @p2 $0x1082  }
0x22: {  	[simem:s7], [sflag:s8] =	dma.local @!p0 [hbm:s6], $0xF7A  }
0x23: {  	s9 =	sor.u32 $0xD0000000, s2;
	s6 =	simm.s32 $0x108;
	_ =	swait.ge @!p0 [sflag:s8], $0x0  }
0x24: {  	s3 =	sadd.s32 $0x88, s3;
	s6 =	simm.s32 @!p1 $0x1082;
	[sflag:s4] =	ssyncset.s32 $0xFFFFF086  }
0x25: {  	[simem:s6], [sflag:s4] =	dma.local [hbm:s3], $0xF7A  }
0x26: {  	[smem:$0x3F96] =	sst s1;
	(tag) =	ssettag s2;
	_ =	strace s9  }
0x27: {  	s1 =	sld [smem:$0x3FA6]  }
0x28: {  	s2 =	sld [smem:$0x3FA7]  }
0x29: {  	s4 =	sld [smem:$0x3FA9]  }
0x2a: {  	p0 =	seq.s32 s5, $0x0;
	s5 =	sld [smem:$0x3FAA]  }
0x2b: {  	s6 =	sld [smem:$0x3FAB]  }
0x2c: {  	s7 =	sld [smem:$0x3FAC]  }
0x2d: {  	s3 =	simm.s32 $0x108;
	s8 =	sld [smem:$0x3FAD]  }
0x2e: {  	s3 =	simm.s32 @!p0 $0x1082;
	s9 =	sld [smem:$0x3FAE]  }
0x2f: {  	lr =	sadd.s32 s0, s3;
	s0 =	sld [smem:$0x3FA5]  }
0x30: {  	s3 =	sld [smem:$0x3FA8]  }
0x31: {  	[smem:$0x3FB1] =	sst s10  }
0x32: {  	s10 =	sld [smem:$0x3FAF];
	_ =	sdelay $0x3  }
0x33: {  	p0 =	seq.s32 s10, $0x1;
	s10 =	sld [smem:$0x3FB1];
	_ =	sdelay $0x3  }
0x34: {  	[smem:$0x3FB1] =	sst s10  }
0x35: {  	s10 =	sld [smem:$0x3FB0];
	_ =	sdelay $0x3  }
0x36: {  	p1 =	seq.s32 s10, $0x1;
	s10 =	sld [smem:$0x3FB1];
	_ =	sdelay $0x3  }
0x37: {  	[smem:$0x3FB1] =	sst s10  }
0x38: {  	s10 =	sld [smem:$0x3FB2]  }
0x39: {  	_ = 	snop;
	(pc) =	sbr.ind lr, $3  }
0x3a: {  	_ = 	snop  }
0x3b: {  	_ = 	snop  }
0x3c: {  	p2 =	seq.s32 s10, $0x1;
	s10 =	sld [smem:$0x3FB1]  }
0x3d: {  	_ =	shalt  }
0x3e: {  	_ =	shalt  }
0x3f: {  	_ =	shalt  }
0x40: {  	_ =	shalt  }
0x41: {  	_ =	shalt  }
0x42: {  	_ =	shalt  }
0x43: {  	_ =	shalt  }
0x44: {  	_ =	shalt  }
0x45: {  	_ =	shalt  }
0x46: {  	_ =	shalt  }
0x47: {  	_ =	shalt  }
0x48: {  	_ =	shalt  }
0x49: {  	_ =	shalt  }
0x4a: {  	_ =	shalt  }
0x4b: {  	_ =	shalt  }
0x4c: {  	_ =	shalt  }
0x4d: {  	_ =	shalt  }
0x4e: {  	_ =	shalt  }
0x4f: {  	_ =	shalt  }
0x50: {  	_ =	shalt  }
0x51: {  	_ =	shalt  }
0x52: {  	_ =	shalt  }
0x53: {  	_ =	shalt  }
0x54: {  	_ =	shalt  }
0x55: {  	_ =	shalt  }
0x56: {  	_ =	shalt  }
0x57: {  	_ =	shalt  }
0x58: {  	_ =	shalt  }
0x59: {  	_ =	shalt  }
0x5a: {  	_ =	shalt  }
0x5b: {  	_ =	shalt  }
0x5c: {  	_ =	shalt  }
0x5d: {  	_ =	shalt  }
0x5e: {  	_ =	shalt  }
0x5f: {  	_ =	shalt  }
0x60: {  	_ =	shalt  }
0x61: {  	_ =	shalt  }
0x62: {  	_ =	shalt  }
0x63: {  	_ =	shalt  }
0x64: {  	_ =	shalt  }
0x65: {  	_ =	shalt  }
0x66: {  	_ =	shalt  }
0x67: {  	_ =	shalt  }
0x68: {  	_ =	shalt  }
0x69: {  	_ =	shalt  }
0x6a: {  	_ =	shalt  }
0x6b: {  	_ =	shalt  }
0x6c: {  	_ =	shalt  }
0x6d: {  	_ =	shalt  }
0x6e: {  	_ =	shalt  }
0x6f: {  	_ =	shalt  }
0x70: {  	_ =	shalt  }
0x71: {  	_ =	shalt  }
0x72: {  	_ =	shalt  }
0x73: {  	_ =	shalt  }
0x74: {  	_ =	shalt  }
0x75: {  	_ =	shalt  }
0x76: {  	_ =	shalt  }
0x77: {  	_ =	shalt  }
0x78: {  	_ =	shalt  }
0x79: {  	_ =	shalt  }
0x7a: {  	_ =	shalt  }
0x7b: {  	_ =	shalt  }
0x7c: {  	_ =	shalt  }
0x7d: {  	_ =	shalt  }
0x7e: {  	_ =	shalt  }
0x7f: {  	_ =	shalt  }
0x80: {  	_ =	shalt  }
0x81: {  	_ =	shalt  }
0x82: {  	_ =	shalt  }
0x83: {  	_ =	shalt  }
0x84: {  	_ =	shalt  }
0x85: {  	_ =	shalt  }
0x86: {  	_ =	shalt  }
0x87: {  	_ =	shalt  }
.Lfunc_end0:
.L_simem_size_0:
called_computation.2_lowered:
.L_overlay_start_0:
0x88: {  	s2 =	sld [smem:$0x3FD9]  }
0x89: {  	s3 =	sld [smem:$0x3FFE];
	_ =	sdelay $0x1  }
0x8a: {  	s1 =	srdreg.scid  }
0x8b: {  	s0 =	sand.u32 $0x1, s1  }
0x8c: {  	s17 =	sshll.u32 s0, $0xA;
	s2 =	sadd.s32 s3, s2  }
0x8d: {  	s2 =	sadd.s32 s2, s17  }
0x8e: {  	[smem:$0x3FBD] =	sst s2  }
0x8f: {  	_ = 	snop  }
0x90: {  	s2 =	sld [smem:$0x3FD0];
	(tm) =	ssettm $0x1  }
0x91: {  	s18 =	sld [smem:$0x3FFB];
	_ =	sdelay $0x3  }
0x92: {  	_ =	strace s18  }
0x93: {  	s3 =	sld [smem:$0x3FFC];
	_ =	sdelay $0x3  }
0x94: {  	_ =	strace s3  }
0x95: {  	s3 =	sld [smem:$0x3FFD];
	_ =	sdelay $0x3  }
0x96: {  	_ =	strace s3  }
0x97: {  	_ =	strace $0x8FFFFFFF  }
0x98: {  	s19 =	sld [smem:$0x3FDB];
	_ =	sdelay $0x1  }
0x99: {  	s4 =	simm.s32 $_scs_section_size  }
0x9a: {  	s5 =	simm.s32 $_size__tile_overlayer_lowered;
	s6 =	simm.s32 $_tile_overlayer_lowered  }
0x9b: {  	s22 =	simm.s32 $0x1BFF;
	s21 =	sshll.u32 s6, $0x1;
	s3 =	sadd.s32 s4, s19  }
0x9c: {  	s7 =	simm.s32 $0x0;
	s20 =	sshll.u32 s5, $0x1;
	s5 =	sadd.s32 s21, s3  }
0x9d: {  	[timem:s7], [sflag:s22] =	dma.local [hbm:s5], s20  }
0x9e: {  	_ =	swait.ge [sflag:s22], s20  }
0x9f: {  	s4 =	ssub.s32 $0x0, s20;
	[sflag:s22] =	ssyncset.done $0x0  }
0xa0: {  	[sflag:s22] =	ssyncadd.s32 s4;
	_ =	sdelay $0x1  }
0xa1: {  	s23 =	simm.s32 $0x1B8B  }
0xa2: {  	_ =	swait.ge [sflag:s23], $0x1  }
0xa3: {  	[sflag:s23] =	ssyncset.done $0x0  }
0xa4: {  	s25 =	simm.s32 $0x1B8E;
	s24 =	sld [smem:$0x3FFE];
	[sflag:s23] =	ssyncadd.s32 $0xFFFFFFFF  }
0xa5: {  	s26 =	simm.s32 $execute0_lowered;
	[smem:$0x3FD2] =	sst s25  }
0xa6: {  	s5 =	sshll.u32 s26, $0x1;
	_ =	strace $0x8000004C;
	[dreg:$0x1] =	wrdreg $0xFFFFFFFF  }
0xa7: {  	s28 =	simm.s32 $_size_execute0_lowered;
	s3 =	sadd.s32 s3, s5;
	[dreg:$0x0] =	wrdreg $0x0  }
0xa8: {  	s5 =	sshll.u32 s28, $0x1;
	[dreg:$0x2] =	wrdreg s3  }
0xa9: {  	[dreg:$0x3] =	wrdreg s5  }
0xaa: {  	[dreg:$0x4] =	wrdreg $0xC0  }
0xab: {  	_ =	task [dreg:s7], $0x5FFFF  }
0xac: {  	[dreg:$0x1] =	wrdreg $0xFFFFFFFF  }
0xad: {  	[dreg:$0x0] =	wrdreg $0x60  }
0xae: {  	[dreg:$0x2] =	wrdreg s24  }
0xaf: {  	[dreg:$0x3] =	wrdreg s2  }
0xb0: {  	[dreg:$0x4] =	wrdreg $0x4BA00  }
0xb1: {  	[dreg:$0x5] =	wrdreg $0x9  }
0xb2: {  	_ =	task.clear_ibuf [dreg:s7], $0x6FFFF;
	_ =	strace $0x9000004C  }
0xb3: {  	s29 =	simm.s32 $0x9;
	_ =	strace $0x8000004E  }
0xb4: {  	_ =	swait.ge [sflag:s29], $0x1  }
0xb5: {  	[sflag:s29] =	ssyncadd.s32 $0xFFFFFFFF  }
0xb6: {  	_ =	strace $0x9000004E  }
0xb7: {  	_ =	sfence  }
0xb8: {  	s30 =	sld [smem:$0x0];
	_ =	sdelay $0x2  }
0xb9: {  	s31 =	sshll.u32 s1, $0xD;
	s1 =	sshrl.u32 s1, $0x2  }
0xba: {  	s3 =	sand.u32 $0x4000, s31;
	s1 =	sadd.s32 s1, s30  }
0xbb: {  	s0 =	sor.u32 s3, s0;
	s1 =	sshll.u32 s1, $0x11  }
0xbc: {  	s0 =	sor.u32 s1, s0  }
0xbd: {  	s0 =	sadd.s32 $0x8F2B, s0  }
0xbe: {  	[sflag:s0] =	ssyncadd.remote.s32 $0x1  }
0xbf: {  	_ =	sfence.sel $0xFFFF  }
0xc0: {  	[dreg:$0x0] =	wrdreg $0xFFFFFFFF;
	(pc) =	sbr.abs _section_cstart, $3  }
0xc1: {  	[dreg:$0x1] =	wrdreg $0xFFFFFFFF  }
0xc2: {  	_ =	task.clear_ibuf [dreg:s7], $0x2FFFF;
	_ =	strace $0x9FFFFFFF  }
0xc3: {  	(tm) =	ssettm $0x7FFFFFFF  }
tec
execute0_lowered:
.L_overlay_start_1:
0x0: {  	(tag) =	ssettag $0x1  }
0x1: {  	s0 =	rddreg [dreg:$0x0]  }
0x2: {  	s2 =	rddreg [dreg:$0x1]  }
0x3: {  	s1 =	rddreg [dreg:$0x2];
	s3 =	simm.s32 $0x0;
	s4 =	srdreg.scid  }
0x4: {  	s12 =	stileid.u32;
	s29 =	simm.s32 $0x2620;
	s30 =	simm.s32 $0x140  }
0x5: {  	s31 =	simm.s32 $0x2DA0;
	s13 =	simm.s32 $0x820;
	s14 =	simm.s32 $0x2  }
0x6: {  	[smem:$0x7FF] =	sst s3;
	s7 =	sand.u32 $0x1, s4;
	s9 =	smul.u32 $0x7500, s12  }
0x7: {  	s4 =	sadd.s32 $0x2A00, s0;
	s11 =	smul.u32 $0xEA00, s12;
	s5 =	sadd.s32 $0x22800, s0  }
0x8: {  	s6 =	sadd.s32 $0x18A00, s0;
	s19 =	sshll.u32 s12, $0x1;
	s18 =	sadd.s32 $0x3A800, s1  }
0x9: {  	p0 =	sne.s32 s12, $0xF;
	s12 =	simm.s32 $0x4420;
	s8 =	ssub.s32 $0x2, s7  }
0xa: {  	_ =	strace $0x8000004D;
	[dreg:$0xc] =	wrdreg s18;
	s10 =	sshrl.u32 s8, $0x1  }
0xb: {  	s20 =	sshrl.u32 s9, $0x1;
	s11 =	sshrl.u32 s11, $0x2;
	s15 =	ssub.s32 s8, s10  }
0xc: {  	s8 =	sor.u32 s7, s19;
	s17 =	sadd.s32 s20, s1;
	s21 =	sadd.s32 s11, s1  }
0xd: {  	s7 =	smul.u32 $0x75300, s7;
	s11 =	sadd.s32 $0x780, s21;
	[dreg:$0x4] =	wrdreg s17  }
0xe: {  	s20 =	simm.s32 $0xFA0;
	s22 =	sadd.s32 $0xF00, s21;
	[dreg:$0x5] =	wrdreg s11  }
0xf: {  	s19 =	simm.s32 $0x0;
	s23 =	sadd.s32 $0x1680, s21;
	[dreg:$0x6] =	wrdreg s22  }
0x10: {  	s24 =	sadd.s32 $0x1E00, s21;
	s25 =	sadd.s32 $0x2580, s21;
	[dreg:$0x7] =	wrdreg s23  }
0x11: {  	s26 =	sadd.s32 $0x2D00, s21;
	s10 =	sadd.s32 $0x3480, s21;
	[dreg:$0x8] =	wrdreg s24  }
0x12: {  	s16 =	smul.u32 $0x2710, s8;
	s0 =	smax.u32 s15, $0x1;
	[dreg:$0x9] =	wrdreg s25  }
0x13: {  	s21 =	simm.s32 $0x3;
	s8 =	simm.s32 $0x1;
	[dreg:$0xa] =	wrdreg s26  }
0x14: {  	[dreg:$0xb] =	wrdreg s10;
	s9 =	sadd.s32 s9, s7;
	s7 =	sshrl.u32 s7, $0x4  }
0x15: {  	[dreg:$0xf] =	wrdreg s0;
	s22 =	simm.s32 $0x7D0;
	s23 =	simm.s32 $0x50  }
0x16: {  	s24 =	simm.s32 $0x1720;
	s0 =	simm.s32 $0x190;
	s9 =	sshrl.u32 s9, $0x4  }
0x17: {  	s10 =	simm.s32 $0x3CA0;
	s28 =	sadd.s32 s2, s9;
	s2 =	sadd.s32 s2, s7  }
0x18: {  	s11 =	simm.s32 $0x230;
	[dreg:$0xd] =	wrdreg s28;
	s2 =	sadd.s32 $0x7500, s2  }
0x19: {  	v0 =	vimm.bf16 $0.0e+00;
	s9 =	simm.s32 $0x1E0;
	[dreg:$0xe] =	wrdreg s2;
	s2 =	simm.s32 $0x3520  }
.LBB2_1:
0x1a: {  	s7 =	simm.s32 $0x0  }
0x1b: {  	[tilespmem:s7+$0xFC8] =	vst.msk $0xff, v0  }
0x1c: {  	[tilespmem:s7+$0xFA0] =	vst.msk $0xff, v0  }
0x1d: {  	[tilespmem:s7+$0xFB8] =	vst.msk $0xff, v0  }
0x1e: {  	[tilespmem:s7+$0xFA8] =	vst.msk $0xff, v0  }
0x1f: {  	s15 =	simm.s32 $0xC0;
	[tilespmem:s7+$0xFC0] =	vst.msk $0xff, v0  }
.LBB2_2:
0x20: {  	p1 =	sne.s32 s15, $0x1D40;
	[tilespmem:s7+$0xFB0] =	vst.msk $0xff, v0;
	s7 =	sshra.s32 s15, $0x2;
	s15 =	sadd.s32 $0xC0, s15  }
.Ltmp0:
0x21: {  	[tilespmem:s7+$0xFC8] =	vst.msk $0xff, v0;
	(pc) =	sbr.rel @p1 .LBB2_2-.Ltmp0, $4  }
0x22: {  	[tilespmem:s7+$0xFA0] =	vst.msk $0xff, v0  }
0x23: {  	[tilespmem:s7+$0xFB8] =	vst.msk $0xff, v0  }
0x24: {  	[tilespmem:s7+$0xFA8] =	vst.msk $0xff, v0  }
0x25: {  	[tilespmem:s7+$0xFC0] =	vst.msk $0xff, v0  }
0x26: {  	[dreg:$0x10] =	wrdreg s19;
	[tilespmem:s7+$0xFB0] =	vst.msk $0xff, v0  }
0x27: {  	[spmem:s17] =	stream.linear.scatter [tilespmem:s20], [sflag:$0x3], $0x780, $0x38;
	[tilespmem:$0x8638] =	vst v63  }
0x28: {  	_ =	swait.ge [sflag:s21], $0x780  }
0x29: {  	[sflag:s21] =	ssyncset.done $0x0  }
0x2a: {  	s28 =	rddreg [dreg:$0x5];
	[sflag:s21] =	ssyncadd.s32 $0xFFFFF880  }
0x2b: {  	[spmem:s28] =	stream.linear.scatter [tilespmem:s20], [sflag:$0x3], $0x780, $0x38;
	[tilespmem:$0x8638] =	vst v63  }
0x2c: {  	_ =	swait.ge [sflag:s21], $0x780  }
0x2d: {  	[sflag:s21] =	ssyncset.done $0x0  }
0x2e: {  	s15 =	rddreg [dreg:$0x6];
	[sflag:s21] =	ssyncadd.s32 $0xFFFFF880  }
0x2f: {  	[spmem:s15] =	stream.linear.scatter [tilespmem:s20], [sflag:$0x3], $0x780, $0x38;
	[tilespmem:$0x8638] =	vst v63  }
0x30: {  	_ =	swait.ge [sflag:s21], $0x780  }
0x31: {  	[sflag:s21] =	ssyncset.done $0x0  }
0x32: {  	s17 =	rddreg [dreg:$0x7];
	[sflag:s21] =	ssyncadd.s32 $0xFFFFF880  }
0x33: {  	[spmem:s17] =	stream.linear.scatter [tilespmem:s20], [sflag:$0x3], $0x780, $0x38;
	[tilespmem:$0x8638] =	vst v63  }
0x34: {  	_ =	swait.ge [sflag:s21], $0x780  }
0x35: {  	[sflag:s21] =	ssyncset.done $0x0  }
0x36: {  	s19 =	rddreg [dreg:$0x8];
	[sflag:s21] =	ssyncadd.s32 $0xFFFFF880  }
0x37: {  	[spmem:s19] =	stream.linear.scatter [tilespmem:s20], [sflag:$0x3], $0x780, $0x38;
	[tilespmem:$0x8638] =	vst v63  }
0x38: {  	_ =	swait.ge [sflag:s21], $0x780  }
0x39: {  	[sflag:s21] =	ssyncset.done $0x0  }
0x3a: {  	s25 =	rddreg [dreg:$0x9];
	[sflag:s21] =	ssyncadd.s32 $0xFFFFF880  }
0x3b: {  	[spmem:s25] =	stream.linear.scatter [tilespmem:s20], [sflag:$0x3], $0x780, $0x38;
	[tilespmem:$0x8638] =	vst v63  }
0x3c: {  	_ =	swait.ge [sflag:s21], $0x780  }
0x3d: {  	[sflag:s21] =	ssyncset.done $0x0  }
0x3e: {  	s26 =	rddreg [dreg:$0xa];
	[sflag:s21] =	ssyncadd.s32 $0xFFFFF880  }
0x3f: {  	[spmem:s26] =	stream.linear.scatter [tilespmem:s20], [sflag:$0x3], $0x780, $0x38;
	[tilespmem:$0x8638] =	vst v63  }
0x40: {  	_ =	swait.ge [sflag:s21], $0x780  }
0x41: {  	[sflag:s21] =	ssyncset.done $0x0  }
0x42: {  	s28 =	rddreg [dreg:$0xb];
	[sflag:s21] =	ssyncadd.s32 $0xFFFFF880  }
0x43: {  	[spmem:s28] =	stream.linear.scatter [tilespmem:s20], [sflag:$0x3], $0x600, $0x38;
	[tilespmem:$0x8638] =	vst v63  }
0x44: {  	_ =	swait.ge [sflag:s21], $0x600  }
0x45: {  	[sflag:s21] =	ssyncset.done $0x0  }
0x46: {  	s7 =	simm.s32 @!p0 $0xFA0;
	[sflag:s21] =	ssyncadd.s32 $0xFFFFFA00  }
0x47: {  	[spmem:s18] =	stream.linear.scatter @!p0 [tilespmem:s7], [sflag:$0x3], $0x180, $0x38;
	[tilespmem:$0x8638] =	vst v63  }
0x48: {  	s7 =	simm.s32 @!p0 $0x3  }
0x49: {  	_ =	swait.ge @!p0 [sflag:s7], $0x180  }
0x4a: {  	[sflag:s7] =	ssyncset.done @!p0 $0x0  }
0x4b: {  	[sflag:s7] =	ssyncadd.s32 @!p0 $0xFFFFFE80  }
0x4c: {  	s18 =	simm.s32 $0x0;
	[bflag:$0x0] =	sbarrier.arrive $0xFFFF  }
.LBB2_4:
0x4d: {  	s7 =	smul.u32 $0x7D0, s18;
	_ =	sdelay $0x1  }
0x4e: {  	s7 =	sadd.s32 s16, s7  }
0x4f: {  	s7 =	sshrl.u32 s7, $0x3  }
0x50: {  	s15 =	sadd.s32 s5, s7  }
0x51: {  	[tilespmem:s3], [sflag:$0x3] =	stream.linear.gather [hbm4b:s15+s3], $0x7D0, $0x38;
	[tilespmem:$0x8638] =	vst v63  }
0x52: {  	_ =	swait.ge [sflag:s21], $0x7D0  }
0x53: {  	[sflag:s21] =	ssyncset.done $0x0  }
0x54: {  	s7 =	sadd.s32 s6, s7;
	[sflag:s21] =	ssyncadd.s32 $0xFFFFF830  }
0x55: {  	[tilespmem:s22], [sflag:$0x3] =	stream.linear.gather [hbm4b:s7+s3], $0x7D0, $0x38;
	[tilespmem:$0x8638] =	vst v63  }
0x56: {  	_ =	swait.ge [sflag:s21], $0x7D0  }
0x57: {  	[sflag:s21] =	ssyncset.done $0x0  }
0x58: {  	[sflag:s21] =	ssyncadd.s32 $0xFFFFF830  }
0x59: {  	[tilespmem:s20], [sflag:$0x1] =	stream.indirect.gather [hbm4b:s4+s23], $0x18, s3, s23, $0xb8;
	[tilespmem:$0x8638] =	vst v63  }
0x5a: {  	_ = 	snop  }
0x5b: {  	[tilespmem:s24], [sflag:$0x1] =	stream.indirect.gather [hbm4b:s4+s23], $0x18, s23, s23, $0xb8;
	[tilespmem:$0x8638] =	vst v63  }
0x5c: {  	s19 =	simm.s32 $0xA0;
	s25 =	simm.s32 $0x1EA0  }
0x5d: {  	[tilespmem:s25], [sflag:$0x1] =	stream.indirect.gather [hbm4b:s4+s23], $0x18, s19, s23, $0xb8;
	[tilespmem:$0x8638] =	vst v63  }
0x5e: {  	s26 =	simm.s32 $0xF0  }
0x5f: {  	[tilespmem:s29], [sflag:$0x1] =	stream.indirect.gather [hbm4b:s4+s23], $0x18, s26, s23, $0xb8;
	[tilespmem:$0x8638] =	vst v63  }
0x60: {  	_ = 	snop  }
0x61: {  	[tilespmem:s31], [sflag:$0x1] =	stream.indirect.gather [hbm4b:s4+s23], $0x18, s30, s23, $0xb8;
	[tilespmem:$0x8638] =	vst v63  }
0x62: {  	_ = 	snop  }
0x63: {  	[tilespmem:s2], [sflag:$0x1] =	stream.indirect.gather [hbm4b:s4+s23], $0x18, s0, s23, $0xb8;
	[tilespmem:$0x8638] =	vst v63  }
0x64: {  	_ =	swait.ge [sflag:s8], $0x780  }
0x65: {  	[sflag:s8] =	ssyncset.done $0x0  }
0x66: {  	[sflag:s8] =	ssyncadd.s32 $0xFFFFF880  }
0x67: {  	[tilespmem:s10], [sflag:$0x1] =	stream.indirect.gather [hbm4b:s4+s23], $0x18, s9, s23, $0xb8;
	[tilespmem:$0x8638] =	vst v63  }
0x68: {  	_ = 	snop  }
0x69: {  	[spmem:s1] =	stream.indirect.scatter.add.bf16 [tilespmem:s20], [sflag:$0x2], $0x18, s22, s23, $0xb8;
	[tilespmem:$0x8638] =	vst v63  }
0x6a: {  	_ =	swait.ge [sflag:s8], $0x780  }
0x6b: {  	[sflag:s8] =	ssyncset.done $0x0  }
0x6c: {  	s28 =	simm.s32 $0x2;
	[sflag:s8] =	ssyncadd.s32 $0xFFFFF880  }
0x6d: {  	[tilespmem:s12], [sflag:$0x1] =	stream.indirect.gather [hbm4b:s4+s23], $0x18, s11, s23, $0xb8;
	[tilespmem:$0x8638] =	vst v63  }
0x6e: {  	p1 =	por $0x0, $0x0;
	s15 =	sand.u32 $0x7, s28;
	s7 =	simm.s32 $0x8  }
0x6f: {  	[spmem:s1] =	stream.indirect.scatter.add.bf16 [tilespmem:s24], [sflag:$0x2], $0x18, s13, s23, $0xb8;
	[tilespmem:$0x8638] =	vst v63  }
0x70: {  	s15 =	smul.u32 $0x1E00, s15;
	s7 =	sand.u32 @!p1 $0x7, s7;
	_ =	swait.ge [sflag:s8], $0x780  }
0x71: {  	s7 =	smul.u32 @!p1 $0x1E00, s7;
	[sflag:s8] =	ssyncset.done $0x0  }
0x72: {  	s17 =	simm.s32 $0x280;
	[sflag:s8] =	ssyncadd.s32 $0xFFFFF880  }
0x73: {  	s15 =	sshrl.u32 s15, $0x2;
	s7 =	sshrl.u32 @!p1 s7, $0x2;
	_ =	swait.ge [sflag:s14], $0x780  }
0x74: {  	s7 =	sadd.s32 @!p1 $0xFA0, s7;
	s19 =	simm.s32 @!p1 $0x50;
	[sflag:s14] =	ssyncset.done $0x0  }
0x75: {  	s25 =	sadd.s32 $0xFA0, s15;
	s15 =	simm.s32 $0x8C0;
	[sflag:s14] =	ssyncadd.s32 $0xFFFFF880  }
0x76: {  	[tilespmem:s7], [sflag:$0x1] =	stream.indirect.gather @!p1 [hbm4b:s4+s19], $0x18, s17, s19, $0xb8;
	[tilespmem:$0x8638] =	vst v63  }
0x77: {  	s19 =	simm.s32 $0x870;
	s7 =	simm.s32 $0x9;
	s17 =	simm.s32 $0x2D0  }
.LBB2_5:
0x78: {  	[spmem:s1] =	stream.indirect.scatter.add.bf16 [tilespmem:s25], [sflag:$0x2], $0x18, s19, s23, $0xb8;
	[tilespmem:$0x8638] =	vst v63  }
0x79: {  	s25 =	smov.u32 s7;
	s19 =	smov.u32 s15  }
0x7a: {  	s7 =	sadd.s32 $0x1, s7;
	s26 =	sadd.s32 $0xFFFFFFFA, s25;
	_ =	swait.ge [sflag:s8], $0x780  }
0x7b: {  	s28 =	sand.u32 $0x7, s26;
	[sflag:s8] =	ssyncset.done $0x0;
	p1 =	sgt.u32 s26, $0x12  }
0x7c: {  	s26 =	smul.u32 $0x1E00, s28;
	[sflag:s8] =	ssyncadd.s32 $0xFFFFF880;
	s25 =	sand.u32 @!p1 $0x7, s25  }
0x7d: {  	p2 =	sne.s32 s7, $0x1F;
	_ =	swait.ge [sflag:s14], $0x780;
	s25 =	smul.u32 @!p1 $0x1E00, s25  }
.Ltmp1:
0x7e: {  	s26 =	sshrl.u32 s26, $0x2;
	[sflag:s14] =	ssyncset.done $0x0;
	(pc) =	sbr.rel @p2 .LBB2_5-.Ltmp1, $4  }
0x7f: {  	[sflag:s14] =	ssyncadd.s32 $0xFFFFF880;
	s25 =	sshrl.u32 @!p1 s25, $0x2  }
0x80: {  	s28 =	simm.s32 @!p1 $0x50;
	s25 =	sadd.s32 @!p1 $0xFA0, s25  }
0x81: {  	[tilespmem:s25], [sflag:$0x1] =	stream.indirect.gather @!p1 [hbm4b:s4+s28], $0x18, s17, s28, $0xb8;
	[tilespmem:$0x8638] =	vst v63  }
0x82: {  	s15 =	sadd.s32 $0x50, s15;
	s25 =	sadd.s32 $0xFA0, s26;
	s17 =	sadd.s32 $0x50, s17  }
0x83: {  	[spmem:s1] =	stream.indirect.scatter.add.bf16 [tilespmem:s25], [sflag:$0x2], $0x18, s19, s23, $0xb8;
	[tilespmem:$0x8638] =	vst v63  }
0x84: {  	s18 =	sadd.s32 $0x1, s18  }
0x85: {  	_ =	swait.ge [sflag:s14], $0x780;
	p1 =	sne.s32 s18, $0x5  }
.Ltmp2:
0x86: {  	[sflag:s14] =	ssyncset.done $0x0;
	(pc) =	sbr.rel @p1 .LBB2_4-.Ltmp2, $4  }
0x87: {  	[sflag:s14] =	ssyncadd.s32 $0xFFFFF880  }
0x88: {  	_ =	swait.ge [sflag:s14], $0x780  }
0x89: {  	[sflag:s14] =	ssyncset.done $0x0  }
0x8a: {  	[sflag:s14] =	ssyncadd.s32 $0xFFFFF880  }
0x8b: {  	s7 =	stileid.u32;
	[bflag:$0x0] =	sbarrier.arrive $0xFFFF  }
0x8c: {  	s7 =	sshll.u32 s7, $0x6;
	s17 =	rddreg [dreg:$0x4]  }
0x8d: {  	s18 =	rddreg [dreg:$0xd];
	s7 =	sor.u32 $0x1C03, s7;
	s15 =	sshrl.u32 s17, $0x3  }
0x8e: {  	[hbm:s18], [sflag:s7] =	dma.local [spmem:s15], $0x750  }
0x8f: {  	_ =	swait.ge [sflag:s21], $0x750  }
0x90: {  	[sflag:s21] =	ssyncset.done $0x0;
	s18 =	rddreg [dreg:$0xc]  }
0x91: {  	s19 =	rddreg [dreg:$0xe];
	[sflag:s21] =	ssyncadd.s32 $0xFFFFF8B0;
	s15 =	sshrl.u32 @!p0 s18, $0x3  }
0x92: {  	[hbm:s19], [sflag:s7] =	dma.local @!p0 [spmem:s15], $0x30  }
0x93: {  	s7 =	simm.s32 @!p0 $0x3  }
0x94: {  	_ =	swait.ge @!p0 [sflag:s7], $0x30  }
0x95: {  	s26 =	rddreg [dreg:$0x10]  }
0x96: {  	s28 =	rddreg [dreg:$0xf];
	s19 =	sadd.s32 $0x1, s26  }
0x97: {  	p1 =	sne.s32 s19, s28  }
.Ltmp3:
0x98: {  	_ = 	snop;
	(pc) =	sbr.rel @p1 .LBB2_1-.Ltmp3, $3  }
0x99: {  	_ =	sdelay $0x1  }
0x9a: {  	[sflag:s7] =	ssyncset.done @!p0 $0x0  }
0x9b: {  	[sflag:s7] =	ssyncadd.s32 @!p0 $0xFFFFFFD0  }
0x9c: {  	_ =	sfence.sel $0x180000  }
0x9d: {  	[bflag:$0x0] =	sbarrier.arrive $0xFFFF  }
0x9e: {  	_ =	strace $0x9000004D  }
0x9f: {  	s0 =	stileid.u32;
	[bflag:$0x2] =	sbarrier.arrive $0xFFFF  }
0xa0: {  	p0 =	sne.s32 s0, $0x0;
	s0 =	rddreg [dreg:$0x3]  }
0xa1: {  	s0 =	sadd.s32 @!p0 $0x100000, s0  }
0xa2: {  	[sflag:s0] =	ssyncadd.tile.s32 @!p0 $0x1;
	_ =	shalt  }
.Lfunc_end2:
_tile_overlayer_lowered:
.L_overlay_start_2:
0xa3: {  	(tag) =	ssettag $0x2  }
0xa4: {  	s0 =	rddreg [dreg:$0x0];
	s2 =	stileid.u32  }
0xa5: {  	s1 =	rddreg [dreg:$0x1];
	p0 =	sne.s32 s2, $0x0  }
0xa6: {  	s3 =	rddreg [dreg:$0x2];
	[bflag:$0x3] =	sbarrier.arrive $0xFFFF;
	s2 =	simm.s32 @!p0 $0x1C03  }
0xa7: {  	[timem:s3], [sflag:s2] =	dma.local @!p0 [hbm:s0], s1  }
0xa8: {  	s0 =	simm.s32 @!p0 $0x3  }
0xa9: {  	_ =	swait.ge @!p0 [sflag:s0], s1  }
0xaa: {  	s1 =	ssub.s32 @!p0 $0x0, s1;
	[sflag:s0] =	ssyncset.done @!p0 $0x0  }
0xab: {  	[sflag:s0] =	ssyncadd.s32 @!p0 s1  }
0xac: {  	[bflag:$0x3] =	sbarrier.arrive $0xFFFF  }
0xad: {  	_ =	shalt  }

// kernel: kernel.8.cloned.1.call-start
scs
__scs_entry_jumppad:
0x0: {  	(pc) =	sbr.rel $0x88, $3  }
0x1: {  	(tag) =	ssettag $0x0;
	lr =	simm.s32 $0x1  }
0x2: {  	[smem:$0x3F96] =	sst lr;
	_ =	strace $0xD0000000  }
0x3: {  	_ = 	snop  }
0x4: {  	_ = 	snop  }
0x5: {  	_ = 	snop  }
0x6: {  	_ = 	snop  }
0x7: {  	_ = 	snop  }
__scs_overlays_trampoline_lowered:
0x8: {  	[smem:$0x3FA5] =	sst s0  }
0x9: {  	[smem:$0x3FA6] =	sst s1  }
0xa: {  	[smem:$0x3FA7] =	sst s2  }
0xb: {  	[smem:$0x3FA8] =	sst s3  }
0xc: {  	[smem:$0x3FA9] =	sst s4  }
0xd: {  	[smem:$0x3FAA] =	sst s5  }
0xe: {  	[smem:$0x3FAB] =	sst s6  }
0xf: {  	[smem:$0x3FAC] =	sst s7  }
0x10: {  	[smem:$0x3FAD] =	sst s8  }
0x11: {  	[smem:$0x3FAE] =	sst s9;
	s0 =	simm.s32 @!p0 $0x0  }
0x12: {  	s1 =	sld [smem:$0x3F94];
	s0 =	simm.s32 @p0 $0x1  }
0x13: {  	[smem:$0x3FAF] =	sst s0;
	s0 =	simm.s32 @!p1 $0x0  }
0x14: {  	s2 =	sld [smem:$0x3F93];
	s0 =	simm.s32 @p1 $0x1  }
0x15: {  	[smem:$0x3FB0] =	sst s0;
	s0 =	simm.s32 @!p2 $0x0  }
0x16: {  	s3 =	sld [smem:$0x3FDB];
	s0 =	simm.s32 @p2 $0x1  }
0x17: {  	s4 =	simm.s32 $0x1BF5;
	[smem:$0x3FB2] =	sst s0  }
0x18: {  	s0 =	sld [smem:$0x3F95];
	_ =	swait.ge [sflag:s4], $0x0  }
0x19: {  	s7 =	sld [smem:$0x3F96]  }
0x1a: {  	s8 =	sadd.s32 $0xFFFFE003, lr  }
0x1b: {  	s9 =	sadd.s32 $0xFFFFFEF7, lr;
	s5 =	simm.s32 $0xFFFFFFFF;
	p2 =	slt.u32 s8, $0xFFFFF086  }
0x1c: {  	p1 =	slt.u32 s9, $0xF7A;
	s5 =	simm.s32 @!p2 $0x0  }
0x1d: {  	s5 =	simm.s32 @p1 $0x1;
	p0 =	seq.s32 s7, s2  }
0x1e: {  	s7 =	smul.u32 @!p0 $0xF7A, s2;
	p2 =	seq.s32 @!p0 s5, $0x0  }
0x1f: {  	s9 =	smul.u32 $0xF7A, s1;
	s8 =	simm.s32 @!p0 $0x1BF5;
	p2 =	por !p2, p0  }
0x20: {  	[sflag:s8] =	ssyncset.s32 @!p0 $0xFFFFF086;
	s6 =	sadd.s32 @!p0 s3, s7;
	s7 =	simm.s32 @!p0 $0x108  }
0x21: {  	s3 =	sadd.s32 s3, s9;
	s6 =	sadd.s32 @!p0 $0x88, s6;
	s7 =	simm.s32 @p2 $0x1082  }
0x22: {  	[simem:s7], [sflag:s8] =	dma.local @!p0 [hbm:s6], $0xF7A  }
0x23: {  	s9 =	sor.u32 $0xD0000000, s2;
	s6 =	simm.s32 $0x108;
	_ =	swait.ge @!p0 [sflag:s8], $0x0  }
0x24: {  	s3 =	sadd.s32 $0x88, s3;
	s6 =	simm.s32 @!p1 $0x1082;
	[sflag:s4] =	ssyncset.s32 $0xFFFFF086  }
0x25: {  	[simem:s6], [sflag:s4] =	dma.local [hbm:s3], $0xF7A  }
0x26: {  	[smem:$0x3F96] =	sst s1;
	(tag) =	ssettag s2;
	_ =	strace s9  }
0x27: {  	s1 =	sld [smem:$0x3FA6]  }
0x28: {  	s2 =	sld [smem:$0x3FA7]  }
0x29: {  	s4 =	sld [smem:$0x3FA9]  }
0x2a: {  	p0 =	seq.s32 s5, $0x0;
	s5 =	sld [smem:$0x3FAA]  }
0x2b: {  	s6 =	sld [smem:$0x3FAB]  }
0x2c: {  	s7 =	sld [smem:$0x3FAC]  }
0x2d: {  	s3 =	simm.s32 $0x108;
	s8 =	sld [smem:$0x3FAD]  }
0x2e: {  	s3 =	simm.s32 @!p0 $0x1082;
	s9 =	sld [smem:$0x3FAE]  }
0x2f: {  	lr =	sadd.s32 s0, s3;
	s0 =	sld [smem:$0x3FA5]  }
0x30: {  	s3 =	sld [smem:$0x3FA8]  }
0x31: {  	[smem:$0x3FB1] =	sst s10  }
0x32: {  	s10 =	sld [smem:$0x3FAF];
	_ =	sdelay $0x3  }
0x33: {  	p0 =	seq.s32 s10, $0x1;
	s10 =	sld [smem:$0x3FB1];
	_ =	sdelay $0x3  }
0x34: {  	[smem:$0x3FB1] =	sst s10  }
0x35: {  	s10 =	sld [smem:$0x3FB0];
	_ =	sdelay $0x3  }
0x36: {  	p1 =	seq.s32 s10, $0x1;
	s10 =	sld [smem:$0x3FB1];
	_ =	sdelay $0x3  }
0x37: {  	[smem:$0x3FB1] =	sst s10  }
0x38: {  	s10 =	sld [smem:$0x3FB2]  }
0x39: {  	_ = 	snop;
	(pc) =	sbr.ind lr, $3  }
0x3a: {  	_ = 	snop  }
0x3b: {  	_ = 	snop  }
0x3c: {  	p2 =	seq.s32 s10, $0x1;
	s10 =	sld [smem:$0x3FB1]  }
0x3d: {  	_ =	shalt  }
0x3e: {  	_ =	shalt  }
0x3f: {  	_ =	shalt  }
0x40: {  	_ =	shalt  }
0x41: {  	_ =	shalt  }
0x42: {  	_ =	shalt  }
0x43: {  	_ =	shalt  }
0x44: {  	_ =	shalt  }
0x45: {  	_ =	shalt  }
0x46: {  	_ =	shalt  }
0x47: {  	_ =	shalt  }
0x48: {  	_ =	shalt  }
0x49: {  	_ =	shalt  }
0x4a: {  	_ =	shalt  }
0x4b: {  	_ =	shalt  }
0x4c: {  	_ =	shalt  }
0x4d: {  	_ =	shalt  }
0x4e: {  	_ =	shalt  }
0x4f: {  	_ =	shalt  }
0x50: {  	_ =	shalt  }
0x51: {  	_ =	shalt  }
0x52: {  	_ =	shalt  }
0x53: {  	_ =	shalt  }
0x54: {  	_ =	shalt  }
0x55: {  	_ =	shalt  }
0x56: {  	_ =	shalt  }
0x57: {  	_ =	shalt  }
0x58: {  	_ =	shalt  }
0x59: {  	_ =	shalt  }
0x5a: {  	_ =	shalt  }
0x5b: {  	_ =	shalt  }
0x5c: {  	_ =	shalt  }
0x5d: {  	_ =	shalt  }
0x5e: {  	_ =	shalt  }
0x5f: {  	_ =	shalt  }
0x60: {  	_ =	shalt  }
0x61: {  	_ =	shalt  }
0x62: {  	_ =	shalt  }
0x63: {  	_ =	shalt  }
0x64: {  	_ =	shalt  }
0x65: {  	_ =	shalt  }
0x66: {  	_ =	shalt  }
0x67: {  	_ =	shalt  }
0x68: {  	_ =	shalt  }
0x69: {  	_ =	shalt  }
0x6a: {  	_ =	shalt  }
0x6b: {  	_ =	shalt  }
0x6c: {  	_ =	shalt  }
0x6d: {  	_ =	shalt  }
0x6e: {  	_ =	shalt  }
0x6f: {  	_ =	shalt  }
0x70: {  	_ =	shalt  }
0x71: {  	_ =	shalt  }
0x72: {  	_ =	shalt  }
0x73: {  	_ =	shalt  }
0x74: {  	_ =	shalt  }
0x75: {  	_ =	shalt  }
0x76: {  	_ =	shalt  }
0x77: {  	_ =	shalt  }
0x78: {  	_ =	shalt  }
0x79: {  	_ =	shalt  }
0x7a: {  	_ =	shalt  }
0x7b: {  	_ =	shalt  }
0x7c: {  	_ =	shalt  }
0x7d: {  	_ =	shalt  }
0x7e: {  	_ =	shalt  }
0x7f: {  	_ =	shalt  }
0x80: {  	_ =	shalt  }
0x81: {  	_ =	shalt  }
0x82: {  	_ =	shalt  }
0x83: {  	_ =	shalt  }
0x84: {  	_ =	shalt  }
0x85: {  	_ =	shalt  }
0x86: {  	_ =	shalt  }
0x87: {  	_ =	shalt  }
.Lfunc_end0:
.L_simem_size_0:
called_computation_lowered:
.L_overlay_start_0:
0x88: {  	s2 =	sld [smem:$0x3FD9]  }
0x89: {  	s3 =	sld [smem:$0x3FFE];
	_ =	sdelay $0x1  }
0x8a: {  	s1 =	srdreg.scid  }
0x8b: {  	s0 =	sand.u32 $0x1, s1  }
0x8c: {  	s17 =	sshll.u32 s0, $0xA;
	s2 =	sadd.s32 s3, s2  }
0x8d: {  	s2 =	sadd.s32 s2, s17  }
0x8e: {  	[smem:$0x3FBD] =	sst s2  }
0x8f: {  	_ = 	snop  }
0x90: {  	s2 =	sld [smem:$0x3FD0];
	(tm) =	ssettm $0x1  }
0x91: {  	s18 =	sld [smem:$0x3FFB];
	_ =	sdelay $0x3  }
0x92: {  	_ =	strace s18  }
0x93: {  	s3 =	sld [smem:$0x3FFC];
	_ =	sdelay $0x3  }
0x94: {  	_ =	strace s3  }
0x95: {  	s3 =	sld [smem:$0x3FFD];
	_ =	sdelay $0x3  }
0x96: {  	_ =	strace s3  }
0x97: {  	_ =	strace $0x8FFFFFFF  }
0x98: {  	s19 =	sld [smem:$0x3FDB];
	_ =	sdelay $0x1  }
0x99: {  	s4 =	simm.s32 $_scs_section_size  }
0x9a: {  	s5 =	simm.s32 $_size__tile_overlayer_lowered;
	s6 =	simm.s32 $_tile_overlayer_lowered  }
0x9b: {  	s22 =	simm.s32 $0x1BFF;
	s21 =	sshll.u32 s6, $0x1;
	s3 =	sadd.s32 s4, s19  }
0x9c: {  	s7 =	simm.s32 $0x0;
	s20 =	sshll.u32 s5, $0x1;
	s5 =	sadd.s32 s21, s3  }
0x9d: {  	[timem:s7], [sflag:s22] =	dma.local [hbm:s5], s20  }
0x9e: {  	_ =	swait.ge [sflag:s22], s20  }
0x9f: {  	s4 =	ssub.s32 $0x0, s20;
	[sflag:s22] =	ssyncset.done $0x0  }
0xa0: {  	[sflag:s22] =	ssyncadd.s32 s4;
	_ =	sdelay $0x1  }
0xa1: {  	s23 =	simm.s32 $0x1B8B  }
0xa2: {  	_ =	swait.ge [sflag:s23], $0x1  }
0xa3: {  	[sflag:s23] =	ssyncset.done $0x0  }
0xa4: {  	s25 =	simm.s32 $0x1B8E;
	s24 =	sld [smem:$0x3FFE];
	[sflag:s23] =	ssyncadd.s32 $0xFFFFFFFF  }
0xa5: {  	s26 =	simm.s32 $execute0_lowered;
	[smem:$0x3FD2] =	sst s25  }
0xa6: {  	s5 =	sshll.u32 s26, $0x1;
	_ =	strace $0x80000046;
	[dreg:$0x1] =	wrdreg $0xFFFFFFFF  }
0xa7: {  	s28 =	simm.s32 $_size_execute0_lowered;
	s3 =	sadd.s32 s3, s5;
	[dreg:$0x0] =	wrdreg $0x0  }
0xa8: {  	s5 =	sshll.u32 s28, $0x1;
	[dreg:$0x2] =	wrdreg s3  }
0xa9: {  	[dreg:$0x3] =	wrdreg s5  }
0xaa: {  	[dreg:$0x4] =	wrdreg $0xC0  }
0xab: {  	_ =	task [dreg:s7], $0x5FFFF  }
0xac: {  	[dreg:$0x1] =	wrdreg $0xFFFFFFFF  }
0xad: {  	[dreg:$0x0] =	wrdreg $0x60  }
0xae: {  	[dreg:$0x2] =	wrdreg s24  }
0xaf: {  	[dreg:$0x3] =	wrdreg s2  }
0xb0: {  	[dreg:$0x4] =	wrdreg $0xAD200  }
0xb1: {  	[dreg:$0x5] =	wrdreg $0x9  }
0xb2: {  	_ =	task.clear_ibuf [dreg:s7], $0x6FFFF;
	_ =	strace $0x90000046  }
0xb3: {  	s29 =	simm.s32 $0x9;
	_ =	strace $0x80000048  }
0xb4: {  	_ =	swait.ge [sflag:s29], $0x1  }
0xb5: {  	[sflag:s29] =	ssyncadd.s32 $0xFFFFFFFF  }
0xb6: {  	_ =	strace $0x90000048  }
0xb7: {  	_ =	sfence  }
0xb8: {  	s30 =	sld [smem:$0x0];
	_ =	sdelay $0x2  }
0xb9: {  	s31 =	sshll.u32 s1, $0xD;
	s1 =	sshrl.u32 s1, $0x2  }
0xba: {  	s3 =	sand.u32 $0x4000, s31;
	s1 =	sadd.s32 s1, s30  }
0xbb: {  	s0 =	sor.u32 s3, s0;
	s1 =	sshll.u32 s1, $0x11  }
0xbc: {  	s0 =	sor.u32 s1, s0  }
0xbd: {  	s0 =	sadd.s32 $0x8F2B, s0  }
0xbe: {  	[sflag:s0] =	ssyncadd.remote.s32 $0x1  }
0xbf: {  	_ =	sfence.sel $0xFFFF  }
0xc0: {  	[dreg:$0x0] =	wrdreg $0xFFFFFFFF;
	(pc) =	sbr.abs _section_cstart, $3  }
0xc1: {  	[dreg:$0x1] =	wrdreg $0xFFFFFFFF  }
0xc2: {  	_ =	task.clear_ibuf [dreg:s7], $0x2FFFF;
	_ =	strace $0x9FFFFFFF  }
0xc3: {  	(tm) =	ssettm $0x7FFFFFFF  }
tec
execute0_lowered:
.L_overlay_start_1:
0x0: {  	(tag) =	ssettag $0x1  }
0x1: {  	s0 =	rddreg [dreg:$0x0]  }
0x2: {  	s2 =	rddreg [dreg:$0x1]  }
0x3: {  	s1 =	rddreg [dreg:$0x2];
	s3 =	simm.s32 $0x0;
	s4 =	srdreg.scid  }
0x4: {  	s14 =	stileid.u32;
	s28 =	simm.s32 $0x2620;
	s29 =	simm.s32 $0xA0  }
0x5: {  	s30 =	simm.s32 $0x3CA0;
	s31 =	simm.s32 $0xF0;
	[smem:$0x7FF] =	sst s3  }
0x6: {  	s8 =	sand.u32 $0x1, s4;
	s4 =	sadd.s32 $0x2A00, s0;
	s9 =	smul.u32 $0x2BE00, s14  }
0x7: {  	s5 =	sadd.s32 $0x22800, s0;
	s6 =	sadd.s32 $0x18A00, s0;
	s7 =	ssub.s32 $0x2, s8  }
0x8: {  	s0 =	sadd.s32 $0x2C600, s0;
	s10 =	sshrl.u32 s7, $0x1;
	s24 =	sshrl.u32 s9, $0x2  }
0x9: {  	s26 =	smul.u32 $0x13800, s14;
	s10 =	ssub.s32 s7, s10;
	s7 =	sadd.s32 s24, s1  }
0xa: {  	s25 =	sshll.u32 s14, $0x1;
	s19 =	smul.u32 $0x2700, s14;
	s12 =	sadd.s32 $0x1680, s7  }
0xb: {  	_ =	strace $0x80000047;
	s13 =	sadd.s32 $0x2D00, s7;
	[dreg:$0x4] =	wrdreg s12  }
0xc: {  	p0 =	sne.s32 s14, $0xF;
	s16 =	sadd.s32 $0x4380, s7;
	[dreg:$0x5] =	wrdreg s13  }
0xd: {  	s11 =	smul.u32 $0x138800, s8;
	s17 =	sadd.s32 $0x5A00, s7;
	[dreg:$0x6] =	wrdreg s16  }
0xe: {  	s9 =	sor.u32 s8, s25;
	s18 =	sadd.s32 $0x7080, s7;
	[dreg:$0x7] =	wrdreg s17  }
0xf: {  	s8 =	smul.u32 $0x27100, s8;
	s15 =	sadd.s32 $0x8700, s7;
	[dreg:$0x8] =	wrdreg s18  }
0x10: {  	s23 =	sshrl.u32 s11, $0x4;
	s20 =	sadd.s32 $0x9D80, s7;
	[dreg:$0x9] =	wrdreg s15  }
0x11: {  	s24 =	sadd.s32 $0x40, s7;
	[dreg:$0xa] =	wrdreg s20;
	s12 =	sadd.s32 s26, s11  }
0x12: {  	s15 =	sadd.s32 $0xAF800, s1;
	s13 =	sadd.s32 s19, s8;
	s16 =	smul.u32 $0x2710, s9  }
0x13: {  	s8 =	sshrl.u32 s8, $0x4;
	s26 =	smax.u32 s10, $0x1;
	s24 =	sshrl.u32 s24, $0x3  }
0x14: {  	s10 =	simm.s32 $0x2;
	s11 =	simm.s32 $0x9;
	s12 =	sshrl.u32 s12, $0x4  }
0x15: {  	s22 =	sshrl.u32 s13, $0x4;
	[dreg:$0xf] =	wrdreg s26;
	s26 =	simm.s32 $0x50  }
0x16: {  	s21 =	sadd.s32 s0, s12;
	s9 =	sadd.s32 s2, s22;
	s0 =	sadd.s32 s0, s23  }
0x17: {  	s2 =	sadd.s32 s2, s8;
	s22 =	simm.s32 $0xFA0;
	[dreg:$0xb] =	wrdreg s21  }
0x18: {  	s23 =	simm.s32 $0x3;
	s8 =	simm.s32 $0x69A0;
	[dreg:$0xc] =	wrdreg s9  }
0x19: {  	s0 =	sadd.s32 $0x13800, s0;
	s25 =	sadd.s32 $0x2700, s2;
	s2 =	simm.s32 $0x140  }
0x1a: {  	s9 =	simm.s32 $0x1;
	[dreg:$0xd] =	wrdreg s0;
	s0 =	sadd.s32 $0xAF840, s1  }
0x1b: {  	v0 =	vimm.bf16 $0.0e+00;
	[dreg:$0xe] =	wrdreg s25;
	s25 =	sshrl.u32 @!p0 s0, $0x3;
	s0 =	simm.s32 $0x5320  }
.LBB2_1:
0x1c: {  	s12 =	simm.s32 $0x0;
	s13 =	simm.s32 $0x240  }
.LBB2_2:
0x1d: {  	p1 =	sne.s32 s13, $0x57C0;
	[tilespmem:s12+$0x1028] =	vst.msk $0xff, v0  }
0x1e: {  	[tilespmem:s12+$0xFA0] =	vst.msk $0xff, v0  }
0x1f: {  	[tilespmem:s12+$0xFE8] =	vst.msk $0xff, v0  }
0x20: {  	[tilespmem:s12+$0xFA8] =	vst.msk $0xff, v0  }
0x21: {  	[tilespmem:s12+$0xFF0] =	vst.msk $0xff, v0  }
0x22: {  	[tilespmem:s12+$0xFB0] =	vst.msk $0xff, v0  }
0x23: {  	[tilespmem:s12+$0xFF8] =	vst.msk $0xff, v0  }
0x24: {  	[tilespmem:s12+$0xFB8] =	vst.msk $0xff, v0  }
0x25: {  	[tilespmem:s12+$0x1000] =	vst.msk $0xff, v0  }
0x26: {  	[tilespmem:s12+$0xFC0] =	vst.msk $0xff, v0  }
0x27: {  	[tilespmem:s12+$0x1008] =	vst.msk $0xff, v0  }
0x28: {  	[tilespmem:s12+$0xFC8] =	vst.msk $0xff, v0  }
0x29: {  	[tilespmem:s12+$0x1010] =	vst.msk $0xff, v0  }
.Ltmp0:
0x2a: {  	[tilespmem:s12+$0xFD0] =	vst.msk $0xff, v0;
	(pc) =	sbr.rel @p1 .LBB2_2-.Ltmp0, $4  }
0x2b: {  	[tilespmem:s12+$0x1018] =	vst.msk $0xff, v0  }
0x2c: {  	[tilespmem:s12+$0xFD8] =	vst.msk $0xff, v0  }
0x2d: {  	[tilespmem:s12+$0x1020] =	vst.msk $0xff, v0  }
0x2e: {  	[tilespmem:s12+$0xFE0] =	vst.msk $0xff, v0;
	s12 =	sshra.s32 s13, $0x2;
	s13 =	sadd.s32 $0x240, s13  }
0x2f: {  	[tilespmem:s12+$0x1028] =	vst.msk $0xff, v0  }
0x30: {  	[tilespmem:s12+$0xFA0] =	vst.msk $0xff, v0  }
0x31: {  	[tilespmem:s12+$0xFE8] =	vst.msk $0xff, v0  }
0x32: {  	[tilespmem:s12+$0xFA8] =	vst.msk $0xff, v0  }
0x33: {  	[tilespmem:s12+$0xFF0] =	vst.msk $0xff, v0  }
0x34: {  	[tilespmem:s12+$0xFB0] =	vst.msk $0xff, v0  }
0x35: {  	[tilespmem:s12+$0xFF8] =	vst.msk $0xff, v0  }
0x36: {  	[tilespmem:s12+$0xFB8] =	vst.msk $0xff, v0  }
0x37: {  	[tilespmem:s12+$0x1000] =	vst.msk $0xff, v0  }
0x38: {  	[tilespmem:s12+$0xFC0] =	vst.msk $0xff, v0  }
0x39: {  	[tilespmem:s12+$0x1008] =	vst.msk $0xff, v0  }
0x3a: {  	[tilespmem:s12+$0xFC8] =	vst.msk $0xff, v0  }
0x3b: {  	[tilespmem:s12+$0x1010] =	vst.msk $0xff, v0  }
0x3c: {  	[tilespmem:s12+$0xFD0] =	vst.msk $0xff, v0  }
0x3d: {  	[tilespmem:s12+$0x1018] =	vst.msk $0xff, v0  }
0x3e: {  	[tilespmem:s12+$0xFD8] =	vst.msk $0xff, v0  }
0x3f: {  	[tilespmem:s12+$0x1020] =	vst.msk $0xff, v0  }
0x40: {  	[tilespmem:s12+$0xFE0] =	vst.msk $0xff, v0  }
0x41: {  	[spmem:s7] =	stream.linear.scatter [tilespmem:s22], [sflag:$0x3], $0x1680, $0x38;
	[tilespmem:$0x15CE8] =	vst v63  }
0x42: {  	_ =	swait.ge [sflag:s23], $0x1680  }
0x43: {  	[sflag:s23] =	ssyncset.done $0x0  }
0x44: {  	s13 =	rddreg [dreg:$0x4];
	[sflag:s23] =	ssyncadd.s32 $0xFFFFE980  }
0x45: {  	[spmem:s13] =	stream.linear.scatter [tilespmem:s22], [sflag:$0x3], $0x1680, $0x38;
	[tilespmem:$0x15CE8] =	vst v63  }
0x46: {  	_ =	swait.ge [sflag:s23], $0x1680  }
0x47: {  	[sflag:s23] =	ssyncset.done $0x0  }
0x48: {  	s14 =	rddreg [dreg:$0x5];
	[sflag:s23] =	ssyncadd.s32 $0xFFFFE980  }
0x49: {  	[spmem:s14] =	stream.linear.scatter [tilespmem:s22], [sflag:$0x3], $0x1680, $0x38;
	[tilespmem:$0x15CE8] =	vst v63  }
0x4a: {  	_ =	swait.ge [sflag:s23], $0x1680  }
0x4b: {  	[sflag:s23] =	ssyncset.done $0x0  }
0x4c: {  	s17 =	rddreg [dreg:$0x6];
	[sflag:s23] =	ssyncadd.s32 $0xFFFFE980  }
0x4d: {  	[spmem:s17] =	stream.linear.scatter [tilespmem:s22], [sflag:$0x3], $0x1680, $0x38;
	[tilespmem:$0x15CE8] =	vst v63  }
0x4e: {  	_ =	swait.ge [sflag:s23], $0x1680  }
0x4f: {  	[sflag:s23] =	ssyncset.done $0x0  }
0x50: {  	s18 =	rddreg [dreg:$0x7];
	[sflag:s23] =	ssyncadd.s32 $0xFFFFE980  }
0x51: {  	[spmem:s18] =	stream.linear.scatter [tilespmem:s22], [sflag:$0x3], $0x1680, $0x38;
	[tilespmem:$0x15CE8] =	vst v63  }
0x52: {  	_ =	swait.ge [sflag:s23], $0x1680  }
0x53: {  	[sflag:s23] =	ssyncset.done $0x0  }
0x54: {  	s19 =	rddreg [dreg:$0x8];
	[sflag:s23] =	ssyncadd.s32 $0xFFFFE980  }
0x55: {  	[spmem:s19] =	stream.linear.scatter [tilespmem:s22], [sflag:$0x3], $0x1680, $0x38;
	[tilespmem:$0x15CE8] =	vst v63  }
0x56: {  	_ =	swait.ge [sflag:s23], $0x1680  }
0x57: {  	[sflag:s23] =	ssyncset.done $0x0  }
0x58: {  	s20 =	rddreg [dreg:$0x9];
	[sflag:s23] =	ssyncadd.s32 $0xFFFFE980  }
0x59: {  	[spmem:s20] =	stream.linear.scatter [tilespmem:s22], [sflag:$0x3], $0x1680, $0x38;
	[tilespmem:$0x15CE8] =	vst v63  }
0x5a: {  	_ =	swait.ge [sflag:s23], $0x1680  }
0x5b: {  	[sflag:s23] =	ssyncset.done $0x0  }
0x5c: {  	s21 =	rddreg [dreg:$0xa];
	[sflag:s23] =	ssyncadd.s32 $0xFFFFE980  }
0x5d: {  	[spmem:s21] =	stream.linear.scatter [tilespmem:s22], [sflag:$0x3], $0x1200, $0x38;
	[tilespmem:$0x15CE8] =	vst v63  }
0x5e: {  	_ =	swait.ge [sflag:s23], $0x1200  }
0x5f: {  	[sflag:s23] =	ssyncset.done $0x0  }
0x60: {  	s12 =	simm.s32 @!p0 $0xFA0;
	[sflag:s23] =	ssyncadd.s32 $0xFFFFEE00  }
0x61: {  	[spmem:s15] =	stream.linear.scatter @!p0 [tilespmem:s12], [sflag:$0x3], $0x480, $0x38;
	[tilespmem:$0x15CE8] =	vst v63  }
0x62: {  	s12 =	simm.s32 @!p0 $0x3  }
0x63: {  	_ =	swait.ge @!p0 [sflag:s12], $0x480  }
0x64: {  	[sflag:s12] =	ssyncset.done @!p0 $0x0  }
0x65: {  	[sflag:s12] =	ssyncadd.s32 @!p0 $0xFFFFFB80  }
0x66: {  	s13 =	simm.s32 $0x0;
	s12 =	simm.s32 $0x0;
	[bflag:$0x0] =	sbarrier.arrive $0xFFFF  }
.LBB2_4:
0x67: {  	s14 =	smul.u32 $0x7D0, s13;
	_ =	sdelay $0x1  }
0x68: {  	s14 =	sadd.s32 s16, s14  }
0x69: {  	s14 =	sshrl.u32 s14, $0x3  }
0x6a: {  	s17 =	sadd.s32 s5, s14  }
0x6b: {  	[tilespmem:s12], [sflag:$0x3] =	stream.linear.gather [hbm4b:s17+s12], $0x7D0, $0x38;
	[tilespmem:$0x15CE8] =	vst v63  }
0x6c: {  	_ =	swait.ge [sflag:s23], $0x7D0  }
0x6d: {  	[sflag:s23] =	ssyncset.done $0x0  }
0x6e: {  	s21 =	sadd.s32 s6, s14;
	s14 =	simm.s32 $0x7D0;
	[sflag:s23] =	ssyncadd.s32 $0xFFFFF830  }
0x6f: {  	[tilespmem:s14], [sflag:$0x3] =	stream.linear.gather [hbm4b:s21+s12], $0x7D0, $0x38;
	[tilespmem:$0x15CE8] =	vst v63  }
0x70: {  	_ =	swait.ge [sflag:s23], $0x7D0  }
0x71: {  	[sflag:s23] =	ssyncset.done $0x0  }
0x72: {  	[sflag:s23] =	ssyncadd.s32 $0xFFFFF830  }
0x73: {  	[tilespmem:s22], [sflag:$0x1] =	stream.indirect.gather [hbm4b:s4+s26], $0x48, s12, s26, $0xb8;
	[tilespmem:$0x15CE8] =	vst v63  }
0x74: {  	_ = 	snop  }
0x75: {  	[tilespmem:s28], [sflag:$0x1] =	stream.indirect.gather [hbm4b:s4+s26], $0x48, s26, s26, $0xb8;
	[tilespmem:$0x15CE8] =	vst v63  }
0x76: {  	_ = 	snop  }
0x77: {  	[tilespmem:s30], [sflag:$0x1] =	stream.indirect.gather [hbm4b:s4+s26], $0x48, s29, s26, $0xb8;
	[tilespmem:$0x15CE8] =	vst v63  }
0x78: {  	_ = 	snop  }
0x79: {  	[tilespmem:s0], [sflag:$0x1] =	stream.indirect.gather [hbm4b:s4+s26], $0x48, s31, s26, $0xb8;
	[tilespmem:$0x15CE8] =	vst v63  }
0x7a: {  	s18 =	simm.s32 $0x0;
	s17 =	simm.s32 $0x190  }
0x7b: {  	[tilespmem:s8], [sflag:$0x1] =	stream.indirect.gather [hbm4b:s4+s26], $0x48, s2, s26, $0xb8;
	[tilespmem:$0x15CE8] =	vst v63  }
.LBB2_5:
0x7c: {  	_ =	swait.ge [sflag:s9], $0x1680  }
0x7d: {  	p1 =	slt.u32 s18, $0x2;
	[sflag:s9] =	ssyncset.done $0x0  }
0x7e: {  	s19 =	simm.s32 @!p1 $0x2;
	[sflag:s9] =	ssyncadd.s32 $0xFFFFE980  }
0x7f: {  	p2 =	sgt.u32 @!p1 s18, $0x13;
	_ =	swait.ge @!p1 [sflag:s19], $0x1680  }
0x80: {  	p2 =	por p1, !p2;
	[sflag:s19] =	ssyncset.done @!p1 $0x0  }
0x81: {  	[sflag:s19] =	ssyncadd.s32 @!p1 $0xFFFFE980;
	s19 =	sadd.s32 @p2 $0x5, s18  }
0x82: {  	s20 =	smul.u32 @p2 $0x25, s19;
	_ =	sdelay $0x1  }
0x83: {  	s20 =	sshrl.u32 @p2 s20, $0x8  }
0x84: {  	s21 =	ssub.s32 @p2 s19, s20  }
0x85: {  	s21 =	sand.u32 @p2 $0xFE, s21  }
0x86: {  	s21 =	sshrl.u32 @p2 s21, $0x1  }
0x87: {  	s20 =	sadd.s32 @p2 s20, s21  }
0x88: {  	s20 =	sand.u32 @p2 $0xFC, s20  }
0x89: {  	s20 =	sshrl.u32 @p2 s20, $0x2  }
0x8a: {  	s20 =	smul.u32 @p2 $0x7, s20;
	_ =	sdelay $0x1  }
0x8b: {  	s19 =	ssub.s32 @p2 s19, s20  }
0x8c: {  	s19 =	sand.u32 @p2 $0xFF, s19  }
0x8d: {  	s19 =	smul.u32 @p2 $0x5A00, s19;
	_ =	sdelay $0x1  }
0x8e: {  	s19 =	sshrl.u32 @p2 s19, $0x2  }
0x8f: {  	s20 =	smul.u32 $0x25, s18;
	s19 =	sadd.s32 @p2 $0xFA0, s19  }
0x90: {  	[tilespmem:s19], [sflag:$0x1] =	stream.indirect.gather @p2 [hbm4b:s4+s26], $0x48, s17, s26, $0xb8;
	[tilespmem:$0x15CE8] =	vst v63  }
0x91: {  	s19 =	sshrl.u32 s20, $0x8  }
0x92: {  	s21 =	ssub.s32 s18, s19  }
0x93: {  	s20 =	sand.u32 $0xFE, s21  }
0x94: {  	s20 =	sshrl.u32 s20, $0x1  }
0x95: {  	s19 =	sadd.s32 s19, s20  }
0x96: {  	s19 =	sand.u32 $0xFC, s19  }
0x97: {  	s19 =	sshrl.u32 s19, $0x2  }
0x98: {  	s19 =	smul.u32 $0x7, s19;
	_ =	sdelay $0x1  }
0x99: {  	s19 =	ssub.s32 s18, s19  }
0x9a: {  	s18 =	sadd.s32 $0x1, s18;
	s19 =	sand.u32 $0xFF, s19  }
0x9b: {  	p1 =	sne.s32 s18, $0x19;
	s19 =	smul.u32 $0x5A00, s19  }
.Ltmp1:
0x9c: {  	_ = 	snop;
	(pc) =	sbr.rel @p1 .LBB2_5-.Ltmp1, $4  }
0x9d: {  	s19 =	sshrl.u32 s19, $0x2  }
0x9e: {  	s19 =	sadd.s32 $0xFA0, s19  }
0x9f: {  	[spmem:s1] =	stream.indirect.scatter.add.bf16 [tilespmem:s19], [sflag:$0x2], $0x48, s14, s26, $0xb8;
	[tilespmem:$0x15CE8] =	vst v63  }
0xa0: {  	s17 =	sadd.s32 $0x50, s17;
	s14 =	sadd.s32 $0x50, s14  }
0xa1: {  	s13 =	sadd.s32 $0x1, s13  }
0xa2: {  	_ =	swait.ge [sflag:s10], $0x1680;
	p1 =	sne.s32 s13, $0x5  }
.Ltmp2:
0xa3: {  	[sflag:s10] =	ssyncset.done $0x0;
	(pc) =	sbr.rel @p1 .LBB2_4-.Ltmp2, $4  }
0xa4: {  	[sflag:s10] =	ssyncadd.s32 $0xFFFFE980  }
0xa5: {  	_ =	swait.ge [sflag:s10], $0x1680  }
0xa6: {  	[sflag:s10] =	ssyncset.done $0x0  }
0xa7: {  	[sflag:s10] =	ssyncadd.s32 $0xFFFFE980  }
0xa8: {  	s12 =	stileid.u32  }
0xa9: {  	[bflag:$0x0] =	sbarrier.arrive $0xFFFF;
	s13 =	sshrl.u32 s7, $0x3;
	s12 =	sshll.u32 s12, $0x6  }
0xaa: {  	s17 =	simm.s32 $0x8;
	s14 =	rddreg [dreg:$0xb];
	s12 =	sor.u32 $0x1C03, s12  }
0xab: {  	[hbm:s14@s17], [sflag:s12] =	dma.strided [spmem:s13@s11], $0x1380, s9, $0x8   }
0xac: {  	_ =	swait.ge [sflag:s23], $0x1380  }
0xad: {  	[sflag:s23] =	ssyncset.done $0x0  }
0xae: {  	s20 =	rddreg [dreg:$0xc];
	[sflag:s23] =	ssyncadd.s32 $0xFFFFEC80  }
0xaf: {  	[hbm:s20@s9], [sflag:s12] =	dma.strided [spmem:s24@s11], $0x270, s9, $0x1   }
0xb0: {  	s18 =	simm.s32 @!p0 $0x9;
	_ =	swait.ge [sflag:s23], $0x270  }
0xb1: {  	s13 =	sshrl.u32 @!p0 s15, $0x3;
	s14 =	simm.s32 @!p0 $0x1;
	[sflag:s23] =	ssyncset.done $0x0  }
0xb2: {  	s17 =	simm.s32 @!p0 $0x8;
	s19 =	rddreg [dreg:$0xd];
	[sflag:s23] =	ssyncadd.s32 $0xFFFFFD90  }
0xb3: {  	[hbm:s19@s17], [sflag:s12] =	dma.strided @!p0 [spmem:s13@s18], $0x80, s14, $0x8   }
0xb4: {  	s13 =	simm.s32 @!p0 $0x3  }
0xb5: {  	_ =	swait.ge @!p0 [sflag:s13], $0x80  }
0xb6: {  	[sflag:s13] =	ssyncset.done @!p0 $0x0  }
0xb7: {  	s17 =	rddreg [dreg:$0xe];
	[sflag:s13] =	ssyncadd.s32 @!p0 $0xFFFFFF80  }
0xb8: {  	[hbm:s17@s14], [sflag:s12] =	dma.strided @!p0 [spmem:s25@s18], $0x10, s14, $0x1   }
0xb9: {  	_ =	swait.ge @!p0 [sflag:s13], $0x10  }
0xba: {  	s3 =	sadd.s32 $0x1, s3;
	s21 =	rddreg [dreg:$0xf]  }
0xbb: {  	p1 =	sne.s32 s3, s21  }
.Ltmp3:
0xbc: {  	_ = 	snop;
	(pc) =	sbr.rel @p1 .LBB2_1-.Ltmp3, $3  }
0xbd: {  	_ =	sdelay $0x1  }
0xbe: {  	[sflag:s13] =	ssyncset.done @!p0 $0x0  }
0xbf: {  	[sflag:s13] =	ssyncadd.s32 @!p0 $0xFFFFFFF0  }
0xc0: {  	_ =	sfence.sel $0x180000  }
0xc1: {  	[bflag:$0x0] =	sbarrier.arrive $0xFFFF  }
0xc2: {  	_ =	strace $0x90000047  }
0xc3: {  	s0 =	stileid.u32;
	[bflag:$0x2] =	sbarrier.arrive $0xFFFF  }
0xc4: {  	p0 =	sne.s32 s0, $0x0;
	s0 =	rddreg [dreg:$0x3]  }
0xc5: {  	s0 =	sadd.s32 @!p0 $0x100000, s0  }
0xc6: {  	[sflag:s0] =	ssyncadd.tile.s32 @!p0 $0x1;
	_ =	shalt  }
.Lfunc_end2:
_tile_overlayer_lowered:
.L_overlay_start_2:
0xc7: {  	(tag) =	ssettag $0x2  }
0xc8: {  	s0 =	rddreg [dreg:$0x0];
	s2 =	stileid.u32  }
0xc9: {  	s1 =	rddreg [dreg:$0x1];
	p0 =	sne.s32 s2, $0x0  }
0xca: {  	s3 =	rddreg [dreg:$0x2];
	[bflag:$0x3] =	sbarrier.arrive $0xFFFF;
	s2 =	simm.s32 @!p0 $0x1C03  }
0xcb: {  	[timem:s3], [sflag:s2] =	dma.local @!p0 [hbm:s0], s1  }
0xcc: {  	s0 =	simm.s32 @!p0 $0x3  }
0xcd: {  	_ =	swait.ge @!p0 [sflag:s0], s1  }
0xce: {  	s1 =	ssub.s32 @!p0 $0x0, s1;
	[sflag:s0] =	ssyncset.done @!p0 $0x0  }
0xcf: {  	[sflag:s0] =	ssyncadd.s32 @!p0 s1  }
0xd0: {  	[bflag:$0x3] =	sbarrier.arrive $0xFFFF  }
0xd1: {  	_ =	shalt  }

</sc_bundles>
